<compile_context>
chip_gen: v7x
topology: tpu7x:2x2x1
jax: 0.10.2.dev20260603
libtpu: 0.0.44.dev20260713+nightly
codegen_flags: <defaults>
</compile_context>

<pallas_src>
import functools

import jax
import jax.numpy as jnp
from jax import lax
from jax.experimental import pallas as pl
from jax.experimental.pallas import tpu as pltpu
from jax.experimental.pallas import tpu_sc as plsc

N = 10000
E = 320000
D = 128
DE = 16
H = 64

NC = 2
NS = 16
NW = NC * NS
EPW = E // NW
CK = 128
EPP = 10240
RPW = EPP // CK
E_PAD = NW * EPP
NPT = N // NS
NZF = NPT // CK
NZT = NPT - NZF * CK

_mesh = plsc.VectorSubcoreMesh(
    core_axis_name="c", subcore_axis_name="s", num_cores=NC, num_subcores=NS)


def _worker():
    return lax.axis_index("s") * NC + lax.axis_index("c")


def _sc_scores_body(src_hbm, tgt_hbm, as_hbm, at_hbm,
                    out_hbm, src2_v, tgt2_v, as_v, at_v, sc_v):
    w = _worker()
    pltpu.sync_copy(src_hbm.at[pl.ds(w * RPW, RPW)], src2_v)
    pltpu.sync_copy(tgt_hbm.at[pl.ds(w * RPW, RPW)], tgt2_v)
    pltpu.sync_copy(as_hbm, as_v)
    pltpu.sync_copy(at_hbm, at_v)

    neg = jnp.zeros((16,), jnp.float32) - 3.0e38
    NFR = EPW // CK
    NB = CK // 16

    def _score(j, cc):
        vs = plsc.load_gather(as_v, [src2_v[j, pl.ds(cc * 16, 16)]])
        vt = plsc.load_gather(at_v, [tgt2_v[j, pl.ds(cc * 16, 16)]])
        x = vs + vt
        return jnp.where(x >= 0, x, 0.2 * x)

    @pl.loop(0, NFR)
    def _(r):
        for cc in range(NB):
            sc_v[pl.ds(r * CK + cc * 16, 16)] = _score(r, cc)

    sc_v[pl.ds(NFR * CK, 16)] = _score(NFR, 0)
    for t in range((EPP - EPW) // 16):
        sc_v[pl.ds(EPW + t * 16, 16)] = neg

    pltpu.sync_copy(sc_v, out_hbm.at[pl.ds(w * EPP, EPP)])


_sc_scores = functools.partial(
    pl.kernel,
    out_type=jax.ShapeDtypeStruct((E_PAD,), jnp.float32),
    mesh=_mesh,
    compiler_params=pltpu.CompilerParams(
        needs_layout_passes=False, use_tc_tiling_on_sc=False),
    scratch_types=[
        pltpu.VMEM((RPW, CK), jnp.int32),
        pltpu.VMEM((RPW, CK), jnp.int32),
        pltpu.VMEM((N,), jnp.float32),
        pltpu.VMEM((N,), jnp.float32),
        pltpu.VMEM((EPP,), jnp.float32),
    ],
)(_sc_scores_body)


def _tc_softmax(scores):
    x2 = scores.reshape(E_PAD // 128, 128)

    def body(x_ref, o_ref):
        x = x_ref[...]
        m = jnp.max(x)
        e = jnp.exp(x - m)
        o_ref[...] = e / jnp.sum(e)

    return pl.pallas_call(
        body,
        out_shape=jax.ShapeDtypeStruct(x2.shape, jnp.float32),
    )(x2).reshape(E_PAD)


def _sc_scatter_body(src_hbm, tgt_hbm, wt_hbm, wh_hbm,
                     out_hbm, src2_v, tgt2_v, sc_v,
                     rows0, rows1, acc_sh, g0, g1):
    c = lax.axis_index("c")
    s = lax.axis_index("s")
    w = s * NC + c
    pltpu.sync_copy(src_hbm.at[pl.ds(w * RPW, RPW)], src2_v)
    pltpu.sync_copy(tgt_hbm.at[pl.ds(w * RPW, RPW)], tgt2_v)
    pltpu.sync_copy(wt_hbm.at[pl.ds(w * EPP, EPP)], sc_v)

    z16 = jnp.zeros((16,), jnp.float32)

    @pl.loop(0, CK)
    def _(r):
        for col in range(H // 16):
            rows0[r, pl.ds(col * 16, 16)] = z16

    @pl.loop(0, NZF)
    def _(j):
        pltpu.sync_copy(rows0, acc_sh.at[pl.ds(s * NPT + j * CK, CK)])

    pltpu.sync_copy(rows0.at[pl.ds(0, NZT)],
                    acc_sh.at[pl.ds(s * NPT + NZF * CK, NZT)])
    plsc.subcore_barrier()

    def _scale_rows(rows, base):
        @pl.loop(0, CK)
        def _(r):
            idx16 = jnp.zeros((16,), jnp.int32) + (base + r)
            av = plsc.load_gather(sc_v, [idx16])
            for col in range(H // 16):
                sl = pl.ds(col * 16, 16)
                rows[r, sl] = rows[r, sl] * av

    def _gather(k, rows, sem):
        return pltpu.async_copy(wh_hbm.at[src2_v.at[k]], rows, sem)

    _gather(0, rows0, g0)

    @pl.loop(0, RPW, step=2)
    def _(k):
        _gather(k + 1, rows1, g1)
        pltpu.make_async_copy(wh_hbm.at[src2_v.at[0]], rows0, g0).wait()
        _scale_rows(rows0, k * CK)
        pltpu.sync_copy(rows0, acc_sh.at[tgt2_v.at[k]], add=True)

        @pl.when(k + 2 < RPW)
        def _():
            _gather(k + 2, rows0, g0)

        pltpu.make_async_copy(wh_hbm.at[src2_v.at[0]], rows1, g1).wait()
        _scale_rows(rows1, (k + 1) * CK)
        pltpu.sync_copy(rows1, acc_sh.at[tgt2_v.at[k + 1]], add=True)

    plsc.subcore_barrier()

    out_base = c * N + s * NPT

    @pl.loop(0, NZF)
    def _(j):
        pltpu.sync_copy(acc_sh.at[pl.ds(s * NPT + j * CK, CK)], rows0)
        pltpu.sync_copy(rows0, out_hbm.at[pl.ds(out_base + j * CK, CK)])

    pltpu.sync_copy(acc_sh.at[pl.ds(s * NPT + NZF * CK, NZT)],
                    rows0.at[pl.ds(0, NZT)])
    pltpu.sync_copy(rows0.at[pl.ds(0, NZT)],
                    out_hbm.at[pl.ds(out_base + NZF * CK, NZT)])


_sc_scatter = functools.partial(
    pl.kernel,
    out_type=jax.ShapeDtypeStruct((NC * N, H), jnp.float32),
    mesh=_mesh,
    compiler_params=pltpu.CompilerParams(
        needs_layout_passes=False, use_tc_tiling_on_sc=False),
    scratch_types=[
        pltpu.VMEM((RPW, CK), jnp.int32),
        pltpu.VMEM((RPW, CK), jnp.int32),
        pltpu.VMEM((EPP,), jnp.float32),
        pltpu.VMEM((CK, H), jnp.float32),
        pltpu.VMEM((CK, H), jnp.float32),
        pltpu.VMEM_SHARED((N, H), jnp.float32),
        pltpu.SemaphoreType.DMA,
        pltpu.SemaphoreType.DMA,
    ],
)(_sc_scatter_body)


def _sc_gather_body(src_hbm, tgt_hbm, a_hbm, b_hbm, out_hbm,
                    src2_v, tgt2_v, ra0, rb0, ra1, rb1,
                    sa0, sb0, sa1, sb1):
    w = _worker()
    pltpu.sync_copy(src_hbm.at[pl.ds(w * RPW, RPW)], src2_v)
    pltpu.sync_copy(tgt_hbm.at[pl.ds(w * RPW, RPW)], tgt2_v)

    def _add_store(ra, rb, k):
        @pl.loop(0, CK)
        def _(r):
            for col in range(H // 16):
                sl = pl.ds(col * 16, 16)
                ra[r, sl] = ra[r, sl] + rb[r, sl]

        pltpu.sync_copy(ra, out_hbm.at[pl.ds(w * EPP + k * CK, CK)])

    def _gather(k, ra, rb, sa, sb):
        pltpu.async_copy(a_hbm.at[src2_v.at[k]], ra, sa)
        pltpu.async_copy(b_hbm.at[tgt2_v.at[k]], rb, sb)

    def _wait(ra, rb, sa, sb):
        pltpu.make_async_copy(a_hbm.at[src2_v.at[0]], ra, sa).wait()
        pltpu.make_async_copy(b_hbm.at[tgt2_v.at[0]], rb, sb).wait()

    _gather(0, ra0, rb0, sa0, sb0)

    @pl.loop(0, RPW, step=2)
    def _(k):
        _gather(k + 1, ra1, rb1, sa1, sb1)
        _wait(ra0, rb0, sa0, sb0)
        _add_store(ra0, rb0, k)

        @pl.when(k + 2 < RPW)
        def _():
            _gather(k + 2, ra0, rb0, sa0, sb0)

        _wait(ra1, rb1, sa1, sb1)
        _add_store(ra1, rb1, k + 1)


_sc_gather = functools.partial(
    pl.kernel,
    out_type=jax.ShapeDtypeStruct((E_PAD, H), jnp.float32),
    mesh=_mesh,
    compiler_params=pltpu.CompilerParams(
        needs_layout_passes=False, use_tc_tiling_on_sc=False),
    scratch_types=[
        pltpu.VMEM((RPW, CK), jnp.int32),
        pltpu.VMEM((RPW, CK), jnp.int32),
        pltpu.VMEM((CK, H), jnp.float32),
        pltpu.VMEM((CK, H), jnp.float32),
        pltpu.VMEM((CK, H), jnp.float32),
        pltpu.VMEM((CK, H), jnp.float32),
        pltpu.SemaphoreType.DMA,
        pltpu.SemaphoreType.DMA,
        pltpu.SemaphoreType.DMA,
        pltpu.SemaphoreType.DMA,
    ],
)(_sc_gather_body)


def _mm(x, P, q):
    n, k = x.shape
    m = P.shape[1]
    bn = 2000

    def body(x_ref, p_ref, q_ref, o_ref):
        o_ref[...] = (jnp.dot(x_ref[...], p_ref[...],
                              preferred_element_type=jnp.float32) + q_ref[...])

    return pl.pallas_call(
        body,
        grid=(n // bn,),
        in_specs=[
            pl.BlockSpec((bn, k), lambda i: (i, 0)),
            pl.BlockSpec((k, m), lambda i: (0, 0)),
            pl.BlockSpec((1, m), lambda i: (0, 0)),
        ],
        out_specs=pl.BlockSpec((bn, m), lambda i: (i, 0)),
        out_shape=jax.ShapeDtypeStruct((n, m), jnp.float32),
    )(x, P, q)


def _fuse(m0, m1, P, q):
    n = m0.shape[0]
    m = P.shape[1]
    bn = 2000

    def body(a_ref, b_ref, p_ref, q_ref, o_ref):
        h = a_ref[...] + b_ref[...]
        h = jnp.where(h >= 0, h, 0.2 * h)
        o_ref[...] = (jnp.dot(h, p_ref[...],
                              preferred_element_type=jnp.float32) + q_ref[...])

    return pl.pallas_call(
        body,
        grid=(n // bn,),
        in_specs=[
            pl.BlockSpec((bn, H), lambda i: (i, 0)),
            pl.BlockSpec((bn, H), lambda i: (i, 0)),
            pl.BlockSpec((H, m), lambda i: (0, 0)),
            pl.BlockSpec((1, m), lambda i: (0, 0)),
        ],
        out_specs=pl.BlockSpec((bn, m), lambda i: (i, 0)),
        out_shape=jax.ShapeDtypeStruct((n, m), jnp.float32),
    )(m0, m1, P, q)


def _head(G, ea, wc, b1, w2, b2, w3, b3):
    ne = G.shape[0]
    be = 4096

    def body(g_ref, e_ref, wc_ref, b1_ref, w2_ref, b2_ref, w3_ref, b3_ref,
             o_ref):
        x1 = (g_ref[...] +
              jnp.dot(e_ref[...], wc_ref[...],
                      preferred_element_type=jnp.float32) + b1_ref[...])
        x1 = jnp.maximum(x1, 0.0)
        x2 = jnp.maximum(
            jnp.dot(x1, w2_ref[...], preferred_element_type=jnp.float32)
            + b2_ref[...], 0.0)
        o_ref[...] = (jnp.dot(x2, w3_ref[...],
                              preferred_element_type=jnp.float32) + b3_ref[...])

    return pl.pallas_call(
        body,
        grid=(ne // be,),
        in_specs=[
            pl.BlockSpec((be, H), lambda i: (i, 0)),
            pl.BlockSpec((be, DE), lambda i: (i, 0)),
            pl.BlockSpec((DE, H), lambda i: (0, 0)),
            pl.BlockSpec((1, H), lambda i: (0, 0)),
            pl.BlockSpec((H, 32), lambda i: (0, 0)),
            pl.BlockSpec((1, 32), lambda i: (0, 0)),
            pl.BlockSpec((32, 1), lambda i: (0, 0)),
            pl.BlockSpec((1, 1), lambda i: (0, 0)),
        ],
        out_specs=pl.BlockSpec((be, 1), lambda i: (i, 0)),
        out_shape=jax.ShapeDtypeStruct((ne, 1), jnp.float32),
    )(G, ea, wc, b1, w2, b2, w3, b3)


def kernel(node_feats, edge_index, edge_attr, W1, bW1, a1, ba1,
           W2, bW2, a2, ba2, Hw1, Hb1, Hw2, Hb2, Hw3, Hb3):
    pad = ((0, 0), (0, EPP - EPW))
    src2d = jnp.pad(edge_index[:, 0].reshape(NW, EPW),
                    pad).reshape(E_PAD // CK, CK)
    tgt2d = jnp.pad(edge_index[:, 1].reshape(NW, EPW),
                    pad).reshape(E_PAD // CK, CK)
    ea_pad = jnp.pad(edge_attr.reshape(NW, EPW, DE),
                     ((0, 0), (0, EPP - EPW), (0, 0))).reshape(E_PAD, DE)

    def fold(Wl, bWl, al, bal):
        a_s = al[:H, 0]
        a_t = al[H:, 0]
        P = jnp.concatenate(
            [Wl, (Wl @ a_s)[:, None], (Wl @ a_t)[:, None]], axis=1)
        q = jnp.concatenate(
            [bWl, (bWl @ a_s + bal[0])[None], (bWl @ a_t)[None]])[None, :]
        return P, q

    def gat_edge_phase(Wh, asv, atv):
        scores = _sc_scores(src2d, tgt2d, asv, atv)
        wt = _tc_softmax(scores)
        msgs = _sc_scatter(src2d, tgt2d, wt, Wh)
        return msgs[:N], msgs[N:]

    P1, q1 = fold(W1, bW1, a1, ba1)
    o1 = _mm(node_feats, P1, q1)
    m0, m1 = gat_edge_phase(o1[:, :H], o1[:, H], o1[:, H + 1])

    P2, q2 = fold(W2, bW2, a2, ba2)
    o2 = _fuse(m0, m1, P2, q2)
    m0, m1 = gat_edge_phase(o2[:, :H], o2[:, H], o2[:, H + 1])

    P3 = jnp.concatenate([Hw1[:H], Hw1[H:2 * H]], axis=1)
    q3 = jnp.concatenate([jnp.zeros((H,), jnp.float32), Hb1])[None, :]
    o3 = _fuse(m0, m1, P3, q3)
    G = _sc_gather(src2d, tgt2d, o3[:, :H], o3[:, H:])
    y = _head(G, ea_pad, Hw1[2 * H:], jnp.zeros((1, H), jnp.float32),
              Hw2, Hb2[None, :], Hw3, Hb3[None, :])
    return y[:, 0].reshape(NW, EPP)[:, :EPW].reshape(E)

# --- scband reference (transcript-rebuilt; emitter-appended) ---
"""Pipeline reference for scband-gnnsurrogate-56788057588240 (READ-ONLY COPY).

The authoritative reference and input builder live on the scoring server;
editing this copy changes nothing except your own understanding.
"""

import jax, jax.numpy as jnp
import numpy as np

N = 10000
E = 320000
D = 128
DE = 16
H = 64


def _leaky(x):
    return jnp.where(x >= 0, x, 0.2 * x)


def _gat(h, src, tgt, W, bW, a, ba):
    Wh = h @ W + bW
    e_src = Wh[src]
    e_tgt = Wh[tgt]
    e_concat = jnp.concatenate([e_src, e_tgt], axis=1)
    attn = _leaky(e_concat @ a + ba).squeeze(-1)
    attn = jax.nn.softmax(attn, axis=0)
    messages = jnp.zeros_like(Wh).at[tgt].add(attn[:, None] * e_src)
    return _leaky(messages)


def setup_inputs(seed: int = 0) -> dict:
    key = jax.random.key(seed)
    ks = jax.random.split(key, 16)
    s = 0.05
    inp = {}
    inp["node_feats"] = jax.random.normal(ks[0], (N, D), dtype=jnp.float32)
    inp["edge_index"] = jax.random.randint(ks[1], (E, 2), 0, N, dtype=jnp.int32)
    inp["edge_attr"] = jax.random.normal(ks[2], (E, DE), dtype=jnp.float32)
    inp["W1"] = jax.random.normal(ks[3], (D, H), dtype=jnp.float32) * s
    inp["bW1"] = jnp.zeros((H,), dtype=jnp.float32)
    inp["a1"] = jax.random.normal(ks[4], (2 * H, 1), dtype=jnp.float32) * s
    inp["ba1"] = jnp.zeros((1,), dtype=jnp.float32)
    inp["W2"] = jax.random.normal(ks[5], (H, H), dtype=jnp.float32) * s
    inp["bW2"] = jnp.zeros((H,), dtype=jnp.float32)
    inp["a2"] = jax.random.normal(ks[6], (2 * H, 1), dtype=jnp.float32) * s
    inp["ba2"] = jnp.zeros((1,), dtype=jnp.float32)
    inp["Hw1"] = jax.random.normal(ks[7], (2 * H + DE, H), dtype=jnp.float32) * s
    inp["Hb1"] = jnp.zeros((H,), dtype=jnp.float32)
    inp["Hw2"] = jax.random.normal(ks[8], (H, 32), dtype=jnp.float32) * s
    inp["Hb2"] = jnp.zeros((32,), dtype=jnp.float32)
    inp["Hw3"] = jax.random.normal(ks[9], (32, 1), dtype=jnp.float32) * s
    inp["Hb3"] = jnp.zeros((1,), dtype=jnp.float32)
    return inp


def reference(node_feats, edge_index, edge_attr, W1, bW1, a1, ba1, W2, bW2, a2, ba2, Hw1, Hb1, Hw2, Hb2, Hw3, Hb3):
    eT = edge_index.T
    src, tgt = eT[0], eT[1]
    h1 = _gat(node_feats, src, tgt, W1, bW1, a1, ba1)
    h2 = _gat(h1, src, tgt, W2, bW2, a2, ba2)
    edge_input = jnp.concatenate([h2[src], h2[tgt], edge_attr], axis=1)
    x = jax.nn.relu(edge_input @ Hw1 + Hb1)
    x = jax.nn.relu(x @ Hw2 + Hb2)
    x = x @ Hw3 + Hb3
    return x.squeeze(-1)

if __name__ == "__main__":
    import jax
    _d = setup_inputs()
    print(jax.jit(kernel)(*tuple(_d.values())))

</pallas_src>

<mosaic_0001>
#map = affine_map<(d0, d1) -> (0, 0)>
#map1 = affine_map<(d0, d1) -> (0)>
module attributes {stable_mosaic.version = 14 : i64} {
  func.func @_sc_scatter_body(%arg0: i32, %arg1: i32, %arg2: memref<2560x128xi32, #tpu.memory_space<hbm>>, %arg3: memref<2560x128xi32, #tpu.memory_space<hbm>>, %arg4: memref<327680xf32, #tpu.memory_space<hbm>>, %arg5: memref<10000x64xf32, #tpu.memory_space<hbm>>, %arg6: memref<20000x64xf32, #tpu.memory_space<hbm>>, %arg7: memref<80x128xi32, #tpu.memory_space<vmem>>, %arg8: memref<80x128xi32, #tpu.memory_space<vmem>>, %arg9: memref<10240xf32, #tpu.memory_space<vmem>>, %arg10: memref<128x64xf32, #tpu.memory_space<vmem>>, %arg11: memref<128x64xf32, #tpu.memory_space<vmem>>, %arg12: memref<10000x64xf32, #tpu.memory_space<vmem_shared>>, %arg13: memref<!tpu.dma_semaphore, #tpu.memory_space<semaphore_mem>>, %arg14: memref<!tpu.dma_semaphore, #tpu.memory_space<semaphore_mem>>) attributes {dimension_semantics = [#tpu.dimension_semantics<core_parallel>, #tpu.dimension_semantics<subcore_parallel>], iteration_bounds = array<i64: 2, 16>, scalar_prefetch = 0 : i64, scratch_operands = 8 : i64, tpu.core_type = #tpu.core_type<sc_vector_subcore>, window_params = [{transform_indices = #map}, {transform_indices = #map}, {transform_indices = #map1}, {transform_indices = #map}, {transform_indices = #map}]} {
    %mul3A = arith.constant 2 : i32
    %mul3A_0 = arith.muli %arg1, %mul3A : i32
    %add3A = arith.addi %mul3A_0, %arg0 : i32
    %mul3A_1 = arith.constant 80 : i32
    %mul3A_2 = arith.muli %add3A, %mul3A_1 : i32
    "tpu.region"() ({
      %run_scoped3A = tpu.sem_alloc : memref<!tpu.dma_semaphore, #tpu.memory_space<semaphore_mem>>
      %dma_start3A_49 = arith.constant 0 : i32
      %dma_start3A_50 = tpu.memref_slice %arg2[%mul3A_2, %dma_start3A_49] : memref<2560x128xi32, #tpu.memory_space<hbm>> -> memref<80x128xi32, #tpu.memory_space<hbm>>
      %dma_start3A_51 = arith.constant 0 : i32
      %dma_start3A_52 = tpu.memref_slice %arg2[%mul3A_2, %dma_start3A_51] : memref<2560x128xi32, #tpu.memory_space<hbm>> -> memref<80x128xi32, #tpu.memory_space<hbm>>
      tpu.enqueue_dma source(%dma_start3A_52 : memref<80x128xi32, #tpu.memory_space<hbm>>) target(%arg7 : memref<80x128xi32, #tpu.memory_space<vmem>>) target_semaphore(%run_scoped3A : memref<!tpu.dma_semaphore, #tpu.memory_space<semaphore_mem>>)
      %dma_wait3A = arith.constant 0 : i32
      %dma_wait3A_53 = tpu.memref_slice %arg2[%mul3A_2, %dma_wait3A] : memref<2560x128xi32, #tpu.memory_space<hbm>> -> memref<80x128xi32, #tpu.memory_space<hbm>>
      %dma_wait3A_54 = arith.constant 0 : i32
      %dma_wait3A_55 = tpu.memref_slice %arg2[%mul3A_2, %dma_wait3A_54] : memref<2560x128xi32, #tpu.memory_space<hbm>> -> memref<80x128xi32, #tpu.memory_space<hbm>>
      tpu.wait_dma2 semaphore(%run_scoped3A : memref<!tpu.dma_semaphore, #tpu.memory_space<semaphore_mem>>) src(%dma_wait3A_55 : memref<80x128xi32, #tpu.memory_space<hbm>>) dst(%arg7 : memref<80x128xi32, #tpu.memory_space<vmem>>)
      tpu.yield
    }) : () -> ()
    %mul3A_3 = arith.constant 80 : i32
    %mul3A_4 = arith.muli %add3A, %mul3A_3 : i32
    "tpu.region"() ({
      %run_scoped3A = tpu.sem_alloc : memref<!tpu.dma_semaphore, #tpu.memory_space<semaphore_mem>>
      %dma_start3A_49 = arith.constant 0 : i32
      %dma_start3A_50 = tpu.memref_slice %arg3[%mul3A_4, %dma_start3A_49] : memref<2560x128xi32, #tpu.memory_space<hbm>> -> memref<80x128xi32, #tpu.memory_space<hbm>>
      %dma_start3A_51 = arith.constant 0 : i32
      %dma_start3A_52 = tpu.memref_slice %arg3[%mul3A_4, %dma_start3A_51] : memref<2560x128xi32, #tpu.memory_space<hbm>> -> memref<80x128xi32, #tpu.memory_space<hbm>>
      tpu.enqueue_dma source(%dma_start3A_52 : memref<80x128xi32, #tpu.memory_space<hbm>>) target(%arg8 : memref<80x128xi32, #tpu.memory_space<vmem>>) target_semaphore(%run_scoped3A : memref<!tpu.dma_semaphore, #tpu.memory_space<semaphore_mem>>)
      %dma_wait3A = arith.constant 0 : i32
      %dma_wait3A_53 = tpu.memref_slice %arg3[%mul3A_4, %dma_wait3A] : memref<2560x128xi32, #tpu.memory_space<hbm>> -> memref<80x128xi32, #tpu.memory_space<hbm>>
      %dma_wait3A_54 = arith.constant 0 : i32
      %dma_wait3A_55 = tpu.memref_slice %arg3[%mul3A_4, %dma_wait3A_54] : memref<2560x128xi32, #tpu.memory_space<hbm>> -> memref<80x128xi32, #tpu.memory_space<hbm>>
      tpu.wait_dma2 semaphore(%run_scoped3A : memref<!tpu.dma_semaphore, #tpu.memory_space<semaphore_mem>>) src(%dma_wait3A_55 : memref<80x128xi32, #tpu.memory_space<hbm>>) dst(%arg8 : memref<80x128xi32, #tpu.memory_space<vmem>>)
      tpu.yield
    }) : () -> ()
    %mul3A_5 = arith.constant 10240 : i32
    %mul3A_6 = arith.muli %add3A, %mul3A_5 : i32
    "tpu.region"() ({
      %run_scoped3A = tpu.sem_alloc : memref<!tpu.dma_semaphore, #tpu.memory_space<semaphore_mem>>
      %dma_start3A_49 = tpu.memref_slice %arg4[%mul3A_6] : memref<327680xf32, #tpu.memory_space<hbm>> -> memref<10240xf32, #tpu.memory_space<hbm>>
      %dma_start3A_50 = tpu.memref_slice %arg4[%mul3A_6] : memref<327680xf32, #tpu.memory_space<hbm>> -> memref<10240xf32, #tpu.memory_space<hbm>>
      tpu.enqueue_dma source(%dma_start3A_50 : memref<10240xf32, #tpu.memory_space<hbm>>) target(%arg9 : memref<10240xf32, #tpu.memory_space<vmem>>) target_semaphore(%run_scoped3A : memref<!tpu.dma_semaphore, #tpu.memory_space<semaphore_mem>>)
      %dma_wait3A = tpu.memref_slice %arg4[%mul3A_6] : memref<327680xf32, #tpu.memory_space<hbm>> -> memref<10240xf32, #tpu.memory_space<hbm>>
      %dma_wait3A_51 = tpu.memref_slice %arg4[%mul3A_6] : memref<327680xf32, #tpu.memory_space<hbm>> -> memref<10240xf32, #tpu.memory_space<hbm>>
      tpu.wait_dma2 semaphore(%run_scoped3A : memref<!tpu.dma_semaphore, #tpu.memory_space<semaphore_mem>>) src(%dma_wait3A_51 : memref<10240xf32, #tpu.memory_space<hbm>>) dst(%arg9 : memref<10240xf32, #tpu.memory_space<vmem>>)
      tpu.yield
    }) : () -> ()
    %broadcast_in_dim3A = arith.constant 0.000000e+00 : f32
    %broadcast_in_dim3A_7 = vector.broadcast %broadcast_in_dim3A : f32 to vector<16xf32>
    %scan3A = arith.constant 0 : i32
    %scan3A_8 = arith.constant 128 : i32
    %scan3A_9 = arith.addi %scan3A, %scan3A_8 : i32
    %scan3A_10 = arith.constant 1 : i32
    scf.for %scan3A_49 = %scan3A to %scan3A_9 step %scan3A_10  : i32 {
      %mul3A_50 = arith.constant 1 : i32
      %mul3A_51 = arith.muli %scan3A_49, %mul3A_50 : i32
      %add3A_52 = arith.constant 0 : i32
      %add3A_53 = arith.addi %add3A_52, %mul3A_51 : i32
      %swap3A = arith.index_cast %add3A_53 : i32 to index
      %swap3A_54 = arith.constant 0 : index
      %swap3A_55 = tpu.vector_load %arg10[%swap3A, %swap3A_54] {strides = array<i32>} : memref<128x64xf32, #tpu.memory_space<vmem>>, vector<16xf32>,
      tpu.vector_store %arg10[%swap3A, %swap3A_54], %broadcast_in_dim3A_7 {strides = array<i32>} : memref<128x64xf32, #tpu.memory_space<vmem>>, vector<16xf32>,
      %swap3A_56 = arith.index_cast %add3A_53 : i32 to index
      %swap3A_57 = arith.constant 16 : index
      %swap3A_58 = tpu.vector_load %arg10[%swap3A_56, %swap3A_57] {strides = array<i32>} : memref<128x64xf32, #tpu.memory_space<vmem>>, vector<16xf32>,
      tpu.vector_store %arg10[%swap3A_56, %swap3A_57], %broadcast_in_dim3A_7 {strides = array<i32>} : memref<128x64xf32, #tpu.memory_space<vmem>>, vector<16xf32>,
      %swap3A_59 = arith.index_cast %add3A_53 : i32 to index
      %swap3A_60 = arith.constant 32 : index
      %swap3A_61 = tpu.vector_load %arg10[%swap3A_59, %swap3A_60] {strides = array<i32>} : memref<128x64xf32, #tpu.memory_space<vmem>>, vector<16xf32>,
      tpu.vector_store %arg10[%swap3A_59, %swap3A_60], %broadcast_in_dim3A_7 {strides = array<i32>} : memref<128x64xf32, #tpu.memory_space<vmem>>, vector<16xf32>,
      %swap3A_62 = arith.index_cast %add3A_53 : i32 to index
      %swap3A_63 = arith.constant 48 : index
      %swap3A_64 = tpu.vector_load %arg10[%swap3A_62, %swap3A_63] {strides = array<i32>} : memref<128x64xf32, #tpu.memory_space<vmem>>, vector<16xf32>,
      tpu.vector_store %arg10[%swap3A_62, %swap3A_63], %broadcast_in_dim3A_7 {strides = array<i32>} : memref<128x64xf32, #tpu.memory_space<vmem>>, vector<16xf32>,
    }
    %scan3A_11 = arith.constant 128 : i32
    %scan3A_12 = arith.constant 0 : i32
    %scan3A_13 = arith.constant 4 : i32
    %scan3A_14 = arith.addi %scan3A_12, %scan3A_13 : i32
    %scan3A_15 = arith.constant 1 : i32
    scf.for %scan3A_49 = %scan3A_12 to %scan3A_14 step %scan3A_15  : i32 {
      %mul3A_50 = arith.constant 1 : i32
      %mul3A_51 = arith.muli %scan3A_49, %mul3A_50 : i32
      %add3A_52 = arith.constant 0 : i32
      %add3A_53 = arith.addi %add3A_52, %mul3A_51 : i32
      %mul3A_54 = arith.constant 625 : i32
      %mul3A_55 = arith.muli %arg1, %mul3A_54 : i32
      %mul3A_56 = arith.constant 128 : i32
      %mul3A_57 = arith.muli %add3A_53, %mul3A_56 : i32
      %add3A_58 = arith.addi %mul3A_55, %mul3A_57 : i32
      "tpu.region"() ({
        %run_scoped3A = tpu.sem_alloc : memref<!tpu.dma_semaphore, #tpu.memory_space<semaphore_mem>>
        %dma_start3A_59 = arith.constant 0 : i32
        %dma_start3A_60 = tpu.memref_slice %arg12[%add3A_58, %dma_start3A_59] : memref<10000x64xf32, #tpu.memory_space<vmem_shared>> -> memref<128x64xf32, #tpu.memory_space<vmem_shared>>
        %dma_start3A_61 = arith.constant 0 : i32
        %dma_start3A_62 = tpu.memref_slice %arg12[%add3A_58, %dma_start3A_61] : memref<10000x64xf32, #tpu.memory_space<vmem_shared>> -> memref<128x64xf32, #tpu.memory_space<vmem_shared>>
        tpu.enqueue_dma source(%arg10 : memref<128x64xf32, #tpu.memory_space<vmem>>) target(%dma_start3A_62 : memref<128x64xf32, #tpu.memory_space<vmem_shared>>) target_semaphore(%run_scoped3A : memref<!tpu.dma_semaphore, #tpu.memory_space<semaphore_mem>>)
        %dma_wait3A = arith.constant 0 : i32
        %dma_wait3A_63 = tpu.memref_slice %arg12[%add3A_58, %dma_wait3A] : memref<10000x64xf32, #tpu.memory_space<vmem_shared>> -> memref<128x64xf32, #tpu.memory_space<vmem_shared>>
        %dma_wait3A_64 = arith.constant 0 : i32
        %dma_wait3A_65 = tpu.memref_slice %arg12[%add3A_58, %dma_wait3A_64] : memref<10000x64xf32, #tpu.memory_space<vmem_shared>> -> memref<128x64xf32, #tpu.memory_space<vmem_shared>>
        tpu.wait_dma2 semaphore(%run_scoped3A : memref<!tpu.dma_semaphore, #tpu.memory_space<semaphore_mem>>) src(%arg10 : memref<128x64xf32, #tpu.memory_space<vmem>>) dst(%dma_wait3A_65 : memref<128x64xf32, #tpu.memory_space<vmem_shared>>)
        tpu.yield
      }) : () -> ()
    }
    %scan3A_16 = arith.constant 4 : i32
    %mul3A_17 = arith.constant 625 : i32
    %mul3A_18 = arith.muli %arg1, %mul3A_17 : i32
    %add3A_19 = arith.constant 512 : i32
    %add3A_20 = arith.addi %mul3A_18, %add3A_19 : i32
    "tpu.region"() ({
      %run_scoped3A = tpu.sem_alloc : memref<!tpu.dma_semaphore, #tpu.memory_space<semaphore_mem>>
      %dma_start3A_49 = arith.constant 0 : i32
      %dma_start3A_50 = arith.constant 0 : i32
      %dma_start3A_51 = tpu.memref_slice %arg10[%dma_start3A_49, %dma_start3A_50] : memref<128x64xf32, #tpu.memory_space<vmem>> -> memref<113x64xf32, #tpu.memory_space<vmem>>
      %dma_start3A_52 = arith.constant 0 : i32
      %dma_start3A_53 = tpu.memref_slice %arg12[%add3A_20, %dma_start3A_52] : memref<10000x64xf32, #tpu.memory_space<vmem_shared>> -> memref<113x64xf32, #tpu.memory_space<vmem_shared>>
      %dma_start3A_54 = arith.constant 0 : i32
      %dma_start3A_55 = tpu.memref_slice %arg12[%add3A_20, %dma_start3A_54] : memref<10000x64xf32, #tpu.memory_space<vmem_shared>> -> memref<113x64xf32, #tpu.memory_space<vmem_shared>>
      %dma_start3A_56 = arith.constant 0 : i32
      %dma_start3A_57 = arith.constant 0 : i32
      %dma_start3A_58 = tpu.memref_slice %arg10[%dma_start3A_56, %dma_start3A_57] : memref<128x64xf32, #tpu.memory_space<vmem>> -> memref<113x64xf32, #tpu.memory_space<vmem>>
      tpu.enqueue_dma source(%dma_start3A_58 : memref<113x64xf32, #tpu.memory_space<vmem>>) target(%dma_start3A_55 : memref<113x64xf32, #tpu.memory_space<vmem_shared>>) target_semaphore(%run_scoped3A : memref<!tpu.dma_semaphore, #tpu.memory_space<semaphore_mem>>)
      %dma_wait3A = arith.constant 0 : i32
      %dma_wait3A_59 = arith.constant 0 : i32
      %dma_wait3A_60 = tpu.memref_slice %arg10[%dma_wait3A, %dma_wait3A_59] : memref<128x64xf32, #tpu.memory_space<vmem>> -> memref<113x64xf32, #tpu.memory_space<vmem>>
      %dma_wait3A_61 = arith.constant 0 : i32
      %dma_wait3A_62 = tpu.memref_slice %arg12[%add3A_20, %dma_wait3A_61] : memref<10000x64xf32, #tpu.memory_space<vmem_shared>> -> memref<113x64xf32, #tpu.memory_space<vmem_shared>>
      %dma_wait3A_63 = arith.constant 0 : i32
      %dma_wait3A_64 = tpu.memref_slice %arg12[%add3A_20, %dma_wait3A_63] : memref<10000x64xf32, #tpu.memory_space<vmem_shared>> -> memref<113x64xf32, #tpu.memory_space<vmem_shared>>
      %dma_wait3A_65 = arith.constant 0 : i32
      %dma_wait3A_66 = arith.constant 0 : i32
      %dma_wait3A_67 = tpu.memref_slice %arg10[%dma_wait3A_65, %dma_wait3A_66] : memref<128x64xf32, #tpu.memory_space<vmem>> -> memref<113x64xf32, #tpu.memory_space<vmem>>
      tpu.wait_dma2 semaphore(%run_scoped3A : memref<!tpu.dma_semaphore, #tpu.memory_space<semaphore_mem>>) src(%dma_wait3A_67 : memref<113x64xf32, #tpu.memory_space<vmem>>) dst(%dma_wait3A_64 : memref<113x64xf32, #tpu.memory_space<vmem_shared>>)
      tpu.yield
    }) : () -> ()
    %barrier3A = arith.constant 0 : index
    tpu.barrier barrier_id(%barrier3A)
    %dma_start3A = arith.constant 0 : i32
    %dma_start3A_21 = arith.constant 0 : i32
    %dma_start3A_22 = tpu.memref_slice %arg7[%dma_start3A, %dma_start3A_21] : memref<80x128xi32, #tpu.memory_space<vmem>> -> memref<1x128xi32, #tpu.memory_space<vmem>>
    %dma_start3A_23 = tpu.memref_squeeze %dma_start3A_22 : memref<1x128xi32, #tpu.memory_space<vmem>> -> memref<128xi32, #tpu.memory_space<vmem>>
    %dma_start3A_24 = arith.constant 0 : i32
    %dma_start3A_25 = arith.constant 0 : i32
    %dma_start3A_26 = tpu.memref_slice %arg5[%dma_start3A_24, %dma_start3A_25] : memref<10000x64xf32, #tpu.memory_space<hbm>> -> memref<10000x64xf32, #tpu.memory_space<hbm>>
    tpu.enqueue_indirect_dma source(%dma_start3A_26 : memref<10000x64xf32, #tpu.memory_space<hbm>>) target(%arg10 : memref<128x64xf32, #tpu.memory_space<vmem>>) offsets(%dma_start3A_23 : memref<128xi32, #tpu.memory_space<vmem>>) semaphore(%arg13 : memref<!tpu.dma_semaphore, #tpu.memory_space<semaphore_mem>>)
    %scan3A_27 = arith.constant 0 : i32
    %scan3A_28 = arith.constant 40 : i32
    %scan3A_29 = arith.addi %scan3A_27, %scan3A_28 : i32
    %scan3A_30 = arith.constant 1 : i32
    scf.for %scan3A_49 = %scan3A_27 to %scan3A_29 step %scan3A_30  : i32 {
      %mul3A_50 = arith.constant 2 : i32
      %mul3A_51 = arith.muli %scan3A_49, %mul3A_50 : i32
      %add3A_52 = arith.constant 0 : i32
      %add3A_53 = arith.addi %add3A_52, %mul3A_51 : i32
      %add3A_54 = arith.constant 1 : i32
      %add3A_55 = arith.addi %add3A_53, %add3A_54 : i32
      %dma_start3A_56 = arith.constant 0 : i32
      %dma_start3A_57 = tpu.memref_slice %arg7[%add3A_55, %dma_start3A_56] : memref<80x128xi32, #tpu.memory_space<vmem>> -> memref<1x128xi32, #tpu.memory_space<vmem>>
      %dma_start3A_58 = tpu.memref_squeeze %dma_start3A_57 : memref<1x128xi32, #tpu.memory_space<vmem>> -> memref<128xi32, #tpu.memory_space<vmem>>
      %dma_start3A_59 = arith.constant 0 : i32
      %dma_start3A_60 = arith.constant 0 : i32
      %dma_start3A_61 = tpu.memref_slice %arg5[%dma_start3A_59, %dma_start3A_60] : memref<10000x64xf32, #tpu.memory_space<hbm>> -> memref<10000x64xf32, #tpu.memory_space<hbm>>
      tpu.enqueue_indirect_dma source(%dma_start3A_61 : memref<10000x64xf32, #tpu.memory_space<hbm>>) target(%arg11 : memref<128x64xf32, #tpu.memory_space<vmem>>) offsets(%dma_start3A_58 : memref<128xi32, #tpu.memory_space<vmem>>) semaphore(%arg14 : memref<!tpu.dma_semaphore, #tpu.memory_space<semaphore_mem>>)
      %dma_wait3A = arith.constant 0 : i32
      %dma_wait3A_62 = arith.constant 0 : i32
      %dma_wait3A_63 = tpu.memref_slice %arg7[%dma_wait3A, %dma_wait3A_62] : memref<80x128xi32, #tpu.memory_space<vmem>> -> memref<1x128xi32, #tpu.memory_space<vmem>>
      %dma_wait3A_64 = tpu.memref_squeeze %dma_wait3A_63 : memref<1x128xi32, #tpu.memory_space<vmem>> -> memref<128xi32, #tpu.memory_space<vmem>>
      %dma_wait3A_65 = arith.constant 0 : i32
      %dma_wait3A_66 = arith.constant 0 : i32
      %dma_wait3A_67 = tpu.memref_slice %arg5[%dma_wait3A_65, %dma_wait3A_66] : memref<10000x64xf32, #tpu.memory_space<hbm>> -> memref<10000x64xf32, #tpu.memory_space<hbm>>
      tpu.wait_indirect_dma semaphore(%arg13 : memref<!tpu.dma_semaphore, #tpu.memory_space<semaphore_mem>>) src(%dma_wait3A_67 : memref<10000x64xf32, #tpu.memory_space<hbm>>) dst(%arg10 : memref<128x64xf32, #tpu.memory_space<vmem>>)
      %mul3A_68 = arith.constant 128 : i32
      %mul3A_69 = arith.muli %add3A_53, %mul3A_68 : i32
      %scan3A_70 = arith.constant 0 : i32
      %scan3A_71 = arith.constant 128 : i32
      %scan3A_72 = arith.addi %scan3A_70, %scan3A_71 : i32
      %scan3A_73 = arith.constant 1 : i32
      scf.for %scan3A_97 = %scan3A_70 to %scan3A_72 step %scan3A_73  : i32 {
        %mul3A_98 = arith.constant 1 : i32
        %mul3A_99 = arith.muli %scan3A_97, %mul3A_98 : i32
        %add3A_100 = arith.constant 0 : i32
        %add3A_101 = arith.addi %add3A_100, %mul3A_99 : i32
        %broadcast_in_dim3A_102 = arith.constant 0 : i32
        %broadcast_in_dim3A_103 = vector.broadcast %broadcast_in_dim3A_102 : i32 to vector<16xi32>
        %add3A_104 = arith.addi %mul3A_69, %add3A_101 : i32
        %add3A_105 = vector.broadcast %add3A_104 : i32 to vector<16xi32>
        %add3A_106 = arith.addi %broadcast_in_dim3A_103, %add3A_105 : vector<16xi32>
        %gather3A = tpu.vector_load_idx %arg9[%add3A_106] : memref<10240xf32, #tpu.memory_space<vmem>>[vector<16xi32>], vector<16xf32>,
        %get3A = arith.index_cast %add3A_101 : i32 to index
        %get3A_107 = arith.constant 0 : index
        %get3A_108 = tpu.vector_load %arg10[%get3A, %get3A_107] {strides = array<i32>} : memref<128x64xf32, #tpu.memory_space<vmem>>, vector<16xf32>,
        %mul3A_109 = arith.mulf %get3A_108, %gather3A : vector<16xf32>
        %swap3A = arith.index_cast %add3A_101 : i32 to index
        %swap3A_110 = arith.constant 0 : index
        %swap3A_111 = tpu.vector_load %arg10[%swap3A, %swap3A_110] {strides = array<i32>} : memref<128x64xf32, #tpu.memory_space<vmem>>, vector<16xf32>,
        tpu.vector_store %arg10[%swap3A, %swap3A_110], %mul3A_109 {strides = array<i32>} : memref<128x64xf32, #tpu.memory_space<vmem>>, vector<16xf32>,
        %get3A_112 = arith.index_cast %add3A_101 : i32 to index
        %get3A_113 = arith.constant 16 : index
        %get3A_114 = tpu.vector_load %arg10[%get3A_112, %get3A_113] {strides = array<i32>} : memref<128x64xf32, #tpu.memory_space<vmem>>, vector<16xf32>,
        %mul3A_115 = arith.mulf %get3A_114, %gather3A : vector<16xf32>
        %swap3A_116 = arith.index_cast %add3A_101 : i32 to index
        %swap3A_117 = arith.constant 16 : index
        %swap3A_118 = tpu.vector_load %arg10[%swap3A_116, %swap3A_117] {strides = array<i32>} : memref<128x64xf32, #tpu.memory_space<vmem>>, vector<16xf32>,
        tpu.vector_store %arg10[%swap3A_116, %swap3A_117], %mul3A_115 {strides = array<i32>} : memref<128x64xf32, #tpu.memory_space<vmem>>, vector<16xf32>,
        %get3A_119 = arith.index_cast %add3A_101 : i32 to index
        %get3A_120 = arith.constant 32 : index
        %get3A_121 = tpu.vector_load %arg10[%get3A_119, %get3A_120] {strides = array<i32>} : memref<128x64xf32, #tpu.memory_space<vmem>>, vector<16xf32>,
        %mul3A_122 = arith.mulf %get3A_121, %gather3A : vector<16xf32>
        %swap3A_123 = arith.index_cast %add3A_101 : i32 to index
        %swap3A_124 = arith.constant 32 : index
        %swap3A_125 = tpu.vector_load %arg10[%swap3A_123, %swap3A_124] {strides = array<i32>} : memref<128x64xf32, #tpu.memory_space<vmem>>, vector<16xf32>,
        tpu.vector_store %arg10[%swap3A_123, %swap3A_124], %mul3A_122 {strides = array<i32>} : memref<128x64xf32, #tpu.memory_space<vmem>>, vector<16xf32>,
        %get3A_126 = arith.index_cast %add3A_101 : i32 to index
        %get3A_127 = arith.constant 48 : index
        %get3A_128 = tpu.vector_load %arg10[%get3A_126, %get3A_127] {strides = array<i32>} : memref<128x64xf32, #tpu.memory_space<vmem>>, vector<16xf32>,
        %mul3A_129 = arith.mulf %get3A_128, %gather3A : vector<16xf32>
        %swap3A_130 = arith.index_cast %add3A_101 : i32 to index
        %swap3A_131 = arith.constant 48 : index
        %swap3A_132 = tpu.vector_load %arg10[%swap3A_130, %swap3A_131] {strides = array<i32>} : memref<128x64xf32, #tpu.memory_space<vmem>>, vector<16xf32>,
        tpu.vector_store %arg10[%swap3A_130, %swap3A_131], %mul3A_129 {strides = array<i32>} : memref<128x64xf32, #tpu.memory_space<vmem>>, vector<16xf32>,
      }
      %scan3A_74 = arith.constant 128 : i32
      "tpu.region"() ({
        %run_scoped3A = tpu.sem_alloc : memref<!tpu.dma_semaphore, #tpu.memory_space<semaphore_mem>>
        %dma_start3A_97 = arith.constant 0 : i32
        %dma_start3A_98 = tpu.memref_slice %arg8[%add3A_53, %dma_start3A_97] : memref<80x128xi32, #tpu.memory_space<vmem>> -> memref<1x128xi32, #tpu.memory_space<vmem>>
        %dma_start3A_99 = tpu.memref_squeeze %dma_start3A_98 : memref<1x128xi32, #tpu.memory_space<vmem>> -> memref<128xi32, #tpu.memory_space<vmem>>
        %dma_start3A_100 = arith.constant 0 : i32
        %dma_start3A_101 = arith.constant 0 : i32
        %dma_start3A_102 = tpu.memref_slice %arg12[%dma_start3A_100, %dma_start3A_101] : memref<10000x64xf32, #tpu.memory_space<vmem_shared>> -> memref<10000x64xf32, #tpu.memory_space<vmem_shared>>
        tpu.enqueue_indirect_dma source(%arg10 : memref<128x64xf32, #tpu.memory_space<vmem>>) target(%dma_start3A_102 : memref<10000x64xf32, #tpu.memory_space<vmem_shared>>) offsets(%dma_start3A_99 : memref<128xi32, #tpu.memory_space<vmem>>) semaphore(%run_scoped3A : memref<!tpu.dma_semaphore, #tpu.memory_space<semaphore_mem>>) {add = true}
        %dma_wait3A_103 = arith.constant 0 : i32
        %dma_wait3A_104 = tpu.memref_slice %arg8[%add3A_53, %dma_wait3A_103] : memref<80x128xi32, #tpu.memory_space<vmem>> -> memref<1x128xi32, #tpu.memory_space<vmem>>
        %dma_wait3A_105 = tpu.memref_squeeze %dma_wait3A_104 : memref<1x128xi32, #tpu.memory_space<vmem>> -> memref<128xi32, #tpu.memory_space<vmem>>
        %dma_wait3A_106 = arith.constant 0 : i32
        %dma_wait3A_107 = arith.constant 0 : i32
        %dma_wait3A_108 = tpu.memref_slice %arg12[%dma_wait3A_106, %dma_wait3A_107] : memref<10000x64xf32, #tpu.memory_space<vmem_shared>> -> memref<10000x64xf32, #tpu.memory_space<vmem_shared>>
        tpu.wait_indirect_dma semaphore(%run_scoped3A : memref<!tpu.dma_semaphore, #tpu.memory_space<semaphore_mem>>) src(%arg10 : memref<128x64xf32, #tpu.memory_space<vmem>>) dst(%dma_wait3A_108 : memref<10000x64xf32, #tpu.memory_space<vmem_shared>>)
        tpu.yield
      }) : () -> ()
      %add3A_75 = arith.constant 2 : i32
      %add3A_76 = arith.addi %add3A_53, %add3A_75 : i32
      %lt3A = arith.constant 80 : i32
      %lt3A_77 = arith.cmpi slt, %add3A_76, %lt3A : i32
      %convert_element_type3A = arith.extui %lt3A_77 : i1 to i32
      %cond3A = arith.constant 0 : i32
      %cond3A_78 = arith.cmpi ne, %convert_element_type3A, %cond3A : i32
      scf.if %cond3A_78 {
        %add3A_97 = arith.constant 2 : i32
        %add3A_98 = arith.addi %add3A_53, %add3A_97 : i32
        %dma_start3A_99 = arith.constant 0 : i32
        %dma_start3A_100 = tpu.memref_slice %arg7[%add3A_98, %dma_start3A_99] : memref<80x128xi32, #tpu.memory_space<vmem>> -> memref<1x128xi32, #tpu.memory_space<vmem>>
        %dma_start3A_101 = tpu.memref_squeeze %dma_start3A_100 : memref<1x128xi32, #tpu.memory_space<vmem>> -> memref<128xi32, #tpu.memory_space<vmem>>
        %dma_start3A_102 = arith.constant 0 : i32
        %dma_start3A_103 = arith.constant 0 : i32
        %dma_start3A_104 = tpu.memref_slice %arg5[%dma_start3A_102, %dma_start3A_103] : memref<10000x64xf32, #tpu.memory_space<hbm>> -> memref<10000x64xf32, #tpu.memory_space<hbm>>
        tpu.enqueue_indirect_dma source(%dma_start3A_104 : memref<10000x64xf32, #tpu.memory_space<hbm>>) target(%arg10 : memref<128x64xf32, #tpu.memory_space<vmem>>) offsets(%dma_start3A_101 : memref<128xi32, #tpu.memory_space<vmem>>) semaphore(%arg13 : memref<!tpu.dma_semaphore, #tpu.memory_space<semaphore_mem>>)
      } else {
      }
      %dma_wait3A_79 = arith.constant 0 : i32
      %dma_wait3A_80 = arith.constant 0 : i32
      %dma_wait3A_81 = tpu.memref_slice %arg7[%dma_wait3A_79, %dma_wait3A_80] : memref<80x128xi32, #tpu.memory_space<vmem>> -> memref<1x128xi32, #tpu.memory_space<vmem>>
      %dma_wait3A_82 = tpu.memref_squeeze %dma_wait3A_81 : memref<1x128xi32, #tpu.memory_space<vmem>> -> memref<128xi32, #tpu.memory_space<vmem>>
      %dma_wait3A_83 = arith.constant 0 : i32
      %dma_wait3A_84 = arith.constant 0 : i32
      %dma_wait3A_85 = tpu.memref_slice %arg5[%dma_wait3A_83, %dma_wait3A_84] : memref<10000x64xf32, #tpu.memory_space<hbm>> -> memref<10000x64xf32, #tpu.memory_space<hbm>>
      tpu.wait_indirect_dma semaphore(%arg14 : memref<!tpu.dma_semaphore, #tpu.memory_space<semaphore_mem>>) src(%dma_wait3A_85 : memref<10000x64xf32, #tpu.memory_space<hbm>>) dst(%arg11 : memref<128x64xf32, #tpu.memory_space<vmem>>)
      %add3A_86 = arith.constant 1 : i32
      %add3A_87 = arith.addi %add3A_53, %add3A_86 : i32
      %mul3A_88 = arith.constant 128 : i32
      %mul3A_89 = arith.muli %add3A_87, %mul3A_88 : i32
      %scan3A_90 = arith.constant 0 : i32
      %scan3A_91 = arith.constant 128 : i32
      %scan3A_92 = arith.addi %scan3A_90, %scan3A_91 : i32
      %scan3A_93 = arith.constant 1 : i32
      scf.for %scan3A_97 = %scan3A_90 to %scan3A_92 step %scan3A_93  : i32 {
        %mul3A_98 = arith.constant 1 : i32
        %mul3A_99 = arith.muli %scan3A_97, %mul3A_98 : i32
        %add3A_100 = arith.constant 0 : i32
        %add3A_101 = arith.addi %add3A_100, %mul3A_99 : i32
        %broadcast_in_dim3A_102 = arith.constant 0 : i32
        %broadcast_in_dim3A_103 = vector.broadcast %broadcast_in_dim3A_102 : i32 to vector<16xi32>
        %add3A_104 = arith.addi %mul3A_89, %add3A_101 : i32
        %add3A_105 = vector.broadcast %add3A_104 : i32 to vector<16xi32>
        %add3A_106 = arith.addi %broadcast_in_dim3A_103, %add3A_105 : vector<16xi32>
        %gather3A = tpu.vector_load_idx %arg9[%add3A_106] : memref<10240xf32, #tpu.memory_space<vmem>>[vector<16xi32>], vector<16xf32>,
        %get3A = arith.index_cast %add3A_101 : i32 to index
        %get3A_107 = arith.constant 0 : index
        %get3A_108 = tpu.vector_load %arg11[%get3A, %get3A_107] {strides = array<i32>} : memref<128x64xf32, #tpu.memory_space<vmem>>, vector<16xf32>,
        %mul3A_109 = arith.mulf %get3A_108, %gather3A : vector<16xf32>
        %swap3A = arith.index_cast %add3A_101 : i32 to index
        %swap3A_110 = arith.constant 0 : index
        %swap3A_111 = tpu.vector_load %arg11[%swap3A, %swap3A_110] {strides = array<i32>} : memref<128x64xf32, #tpu.memory_space<vmem>>, vector<16xf32>,
        tpu.vector_store %arg11[%swap3A, %swap3A_110], %mul3A_109 {strides = array<i32>} : memref<128x64xf32, #tpu.memory_space<vmem>>, vector<16xf32>,
        %get3A_112 = arith.index_cast %add3A_101 : i32 to index
        %get3A_113 = arith.constant 16 : index
        %get3A_114 = tpu.vector_load %arg11[%get3A_112, %get3A_113] {strides = array<i32>} : memref<128x64xf32, #tpu.memory_space<vmem>>, vector<16xf32>,
        %mul3A_115 = arith.mulf %get3A_114, %gather3A : vector<16xf32>
        %swap3A_116 = arith.index_cast %add3A_101 : i32 to index
        %swap3A_117 = arith.constant 16 : index
        %swap3A_118 = tpu.vector_load %arg11[%swap3A_116, %swap3A_117] {strides = array<i32>} : memref<128x64xf32, #tpu.memory_space<vmem>>, vector<16xf32>,
        tpu.vector_store %arg11[%swap3A_116, %swap3A_117], %mul3A_115 {strides = array<i32>} : memref<128x64xf32, #tpu.memory_space<vmem>>, vector<16xf32>,
        %get3A_119 = arith.index_cast %add3A_101 : i32 to index
        %get3A_120 = arith.constant 32 : index
        %get3A_121 = tpu.vector_load %arg11[%get3A_119, %get3A_120] {strides = array<i32>} : memref<128x64xf32, #tpu.memory_space<vmem>>, vector<16xf32>,
        %mul3A_122 = arith.mulf %get3A_121, %gather3A : vector<16xf32>
        %swap3A_123 = arith.index_cast %add3A_101 : i32 to index
        %swap3A_124 = arith.constant 32 : index
        %swap3A_125 = tpu.vector_load %arg11[%swap3A_123, %swap3A_124] {strides = array<i32>} : memref<128x64xf32, #tpu.memory_space<vmem>>, vector<16xf32>,
        tpu.vector_store %arg11[%swap3A_123, %swap3A_124], %mul3A_122 {strides = array<i32>} : memref<128x64xf32, #tpu.memory_space<vmem>>, vector<16xf32>,
        %get3A_126 = arith.index_cast %add3A_101 : i32 to index
        %get3A_127 = arith.constant 48 : index
        %get3A_128 = tpu.vector_load %arg11[%get3A_126, %get3A_127] {strides = array<i32>} : memref<128x64xf32, #tpu.memory_space<vmem>>, vector<16xf32>,
        %mul3A_129 = arith.mulf %get3A_128, %gather3A : vector<16xf32>
        %swap3A_130 = arith.index_cast %add3A_101 : i32 to index
        %swap3A_131 = arith.constant 48 : index
        %swap3A_132 = tpu.vector_load %arg11[%swap3A_130, %swap3A_131] {strides = array<i32>} : memref<128x64xf32, #tpu.memory_space<vmem>>, vector<16xf32>,
        tpu.vector_store %arg11[%swap3A_130, %swap3A_131], %mul3A_129 {strides = array<i32>} : memref<128x64xf32, #tpu.memory_space<vmem>>, vector<16xf32>,
      }
      %scan3A_94 = arith.constant 128 : i32
      %add3A_95 = arith.constant 1 : i32
      %add3A_96 = arith.addi %add3A_53, %add3A_95 : i32
      "tpu.region"() ({
        %run_scoped3A = tpu.sem_alloc : memref<!tpu.dma_semaphore, #tpu.memory_space<semaphore_mem>>
        %dma_start3A_97 = arith.constant 0 : i32
        %dma_start3A_98 = tpu.memref_slice %arg8[%add3A_96, %dma_start3A_97] : memref<80x128xi32, #tpu.memory_space<vmem>> -> memref<1x128xi32, #tpu.memory_space<vmem>>
        %dma_start3A_99 = tpu.memref_squeeze %dma_start3A_98 : memref<1x128xi32, #tpu.memory_space<vmem>> -> memref<128xi32, #tpu.memory_space<vmem>>
        %dma_start3A_100 = arith.constant 0 : i32
        %dma_start3A_101 = arith.constant 0 : i32
        %dma_start3A_102 = tpu.memref_slice %arg12[%dma_start3A_100, %dma_start3A_101] : memref<10000x64xf32, #tpu.memory_space<vmem_shared>> -> memref<10000x64xf32, #tpu.memory_space<vmem_shared>>
        tpu.enqueue_indirect_dma source(%arg11 : memref<128x64xf32, #tpu.memory_space<vmem>>) target(%dma_start3A_102 : memref<10000x64xf32, #tpu.memory_space<vmem_shared>>) offsets(%dma_start3A_99 : memref<128xi32, #tpu.memory_space<vmem>>) semaphore(%run_scoped3A : memref<!tpu.dma_semaphore, #tpu.memory_space<semaphore_mem>>) {add = true}
        %dma_wait3A_103 = arith.constant 0 : i32
        %dma_wait3A_104 = tpu.memref_slice %arg8[%add3A_96, %dma_wait3A_103] : memref<80x128xi32, #tpu.memory_space<vmem>> -> memref<1x128xi32, #tpu.memory_space<vmem>>
        %dma_wait3A_105 = tpu.memref_squeeze %dma_wait3A_104 : memref<1x128xi32, #tpu.memory_space<vmem>> -> memref<128xi32, #tpu.memory_space<vmem>>
        %dma_wait3A_106 = arith.constant 0 : i32
        %dma_wait3A_107 = arith.constant 0 : i32
        %dma_wait3A_108 = tpu.memref_slice %arg12[%dma_wait3A_106, %dma_wait3A_107] : memref<10000x64xf32, #tpu.memory_space<vmem_shared>> -> memref<10000x64xf32, #tpu.memory_space<vmem_shared>>
        tpu.wait_indirect_dma semaphore(%run_scoped3A : memref<!tpu.dma_semaphore, #tpu.memory_space<semaphore_mem>>) src(%arg11 : memref<128x64xf32, #tpu.memory_space<vmem>>) dst(%dma_wait3A_108 : memref<10000x64xf32, #tpu.memory_space<vmem_shared>>)
        tpu.yield
      }) : () -> ()
    }
    %scan3A_31 = arith.constant 40 : i32
    %barrier3A_32 = arith.constant 0 : index
    tpu.barrier barrier_id(%barrier3A_32)
    %mul3A_33 = arith.constant 10000 : i32
    %mul3A_34 = arith.muli %arg0, %mul3A_33 : i32
    %mul3A_35 = arith.constant 625 : i32
    %mul3A_36 = arith.muli %arg1, %mul3A_35 : i32
    %add3A_37 = arith.addi %mul3A_34, %mul3A_36 : i32
    %scan3A_38 = arith.constant 0 : i32
    %scan3A_39 = arith.constant 4 : i32
    %scan3A_40 = arith.addi %scan3A_38, %scan3A_39 : i32
    %scan3A_41 = arith.constant 1 : i32
    scf.for %scan3A_49 = %scan3A_38 to %scan3A_40 step %scan3A_41  : i32 {
      %mul3A_50 = arith.constant 1 : i32
      %mul3A_51 = arith.muli %scan3A_49, %mul3A_50 : i32
      %add3A_52 = arith.constant 0 : i32
      %add3A_53 = arith.addi %add3A_52, %mul3A_51 : i32
      %mul3A_54 = arith.constant 625 : i32
      %mul3A_55 = arith.muli %arg1, %mul3A_54 : i32
      %mul3A_56 = arith.constant 128 : i32
      %mul3A_57 = arith.muli %add3A_53, %mul3A_56 : i32
      %add3A_58 = arith.addi %mul3A_55, %mul3A_57 : i32
      "tpu.region"() ({
        %run_scoped3A = tpu.sem_alloc : memref<!tpu.dma_semaphore, #tpu.memory_space<semaphore_mem>>
        %dma_start3A_62 = arith.constant 0 : i32
        %dma_start3A_63 = tpu.memref_slice %arg12[%add3A_58, %dma_start3A_62] : memref<10000x64xf32, #tpu.memory_space<vmem_shared>> -> memref<128x64xf32, #tpu.memory_space<vmem_shared>>
        %dma_start3A_64 = arith.constant 0 : i32
        %dma_start3A_65 = tpu.memref_slice %arg12[%add3A_58, %dma_start3A_64] : memref<10000x64xf32, #tpu.memory_space<vmem_shared>> -> memref<128x64xf32, #tpu.memory_space<vmem_shared>>
        tpu.enqueue_dma source(%dma_start3A_65 : memref<128x64xf32, #tpu.memory_space<vmem_shared>>) target(%arg10 : memref<128x64xf32, #tpu.memory_space<vmem>>) target_semaphore(%run_scoped3A : memref<!tpu.dma_semaphore, #tpu.memory_space<semaphore_mem>>)
        %dma_wait3A = arith.constant 0 : i32
        %dma_wait3A_66 = tpu.memref_slice %arg12[%add3A_58, %dma_wait3A] : memref<10000x64xf32, #tpu.memory_space<vmem_shared>> -> memref<128x64xf32, #tpu.memory_space<vmem_shared>>
        %dma_wait3A_67 = arith.constant 0 : i32
        %dma_wait3A_68 = tpu.memref_slice %arg12[%add3A_58, %dma_wait3A_67] : memref<10000x64xf32, #tpu.memory_space<vmem_shared>> -> memref<128x64xf32, #tpu.memory_space<vmem_shared>>
        tpu.wait_dma2 semaphore(%run_scoped3A : memref<!tpu.dma_semaphore, #tpu.memory_space<semaphore_mem>>) src(%dma_wait3A_68 : memref<128x64xf32, #tpu.memory_space<vmem_shared>>) dst(%arg10 : memref<128x64xf32, #tpu.memory_space<vmem>>)
        tpu.yield
      }) : () -> ()
      %mul3A_59 = arith.constant 128 : i32
      %mul3A_60 = arith.muli %add3A_53, %mul3A_59 : i32
      %add3A_61 = arith.addi %add3A_37, %mul3A_60 : i32
      "tpu.region"() ({
        %run_scoped3A = tpu.sem_alloc : memref<!tpu.dma_semaphore, #tpu.memory_space<semaphore_mem>>
        %dma_start3A_62 = arith.constant 0 : i32
        %dma_start3A_63 = tpu.memref_slice %arg6[%add3A_61, %dma_start3A_62] : memref<20000x64xf32, #tpu.memory_space<hbm>> -> memref<128x64xf32, #tpu.memory_space<hbm>>
        %dma_start3A_64 = arith.constant 0 : i32
        %dma_start3A_65 = tpu.memref_slice %arg6[%add3A_61, %dma_start3A_64] : memref<20000x64xf32, #tpu.memory_space<hbm>> -> memref<128x64xf32, #tpu.memory_space<hbm>>
        tpu.enqueue_dma source(%arg10 : memref<128x64xf32, #tpu.memory_space<vmem>>) target(%dma_start3A_65 : memref<128x64xf32, #tpu.memory_space<hbm>>) target_semaphore(%run_scoped3A : memref<!tpu.dma_semaphore, #tpu.memory_space<semaphore_mem>>)
        %dma_wait3A = arith.constant 0 : i32
        %dma_wait3A_66 = tpu.memref_slice %arg6[%add3A_61, %dma_wait3A] : memref<20000x64xf32, #tpu.memory_space<hbm>> -> memref<128x64xf32, #tpu.memory_space<hbm>>
        %dma_wait3A_67 = arith.constant 0 : i32
        %dma_wait3A_68 = tpu.memref_slice %arg6[%add3A_61, %dma_wait3A_67] : memref<20000x64xf32, #tpu.memory_space<hbm>> -> memref<128x64xf32, #tpu.memory_space<hbm>>
        tpu.wait_dma2 semaphore(%run_scoped3A : memref<!tpu.dma_semaphore, #tpu.memory_space<semaphore_mem>>) src(%arg10 : memref<128x64xf32, #tpu.memory_space<vmem>>) dst(%dma_wait3A_68 : memref<128x64xf32, #tpu.memory_space<hbm>>)
        tpu.yield
      }) : () -> ()
    }
    %scan3A_42 = arith.constant 4 : i32
    %mul3A_43 = arith.constant 625 : i32
    %mul3A_44 = arith.muli %arg1, %mul3A_43 : i32
    %add3A_45 = arith.constant 512 : i32
    %add3A_46 = arith.addi %mul3A_44, %add3A_45 : i32
    "tpu.region"() ({
      %run_scoped3A = tpu.sem_alloc : memref<!tpu.dma_semaphore, #tpu.memory_space<semaphore_mem>>
      %dma_start3A_49 = arith.constant 0 : i32
      %dma_start3A_50 = arith.constant 0 : i32
      %dma_start3A_51 = tpu.memref_slice %arg10[%dma_start3A_49, %dma_start3A_50] : memref<128x64xf32, #tpu.memory_space<vmem>> -> memref<113x64xf32, #tpu.memory_space<vmem>>
      %dma_start3A_52 = arith.constant 0 : i32
      %dma_start3A_53 = tpu.memref_slice %arg12[%add3A_46, %dma_start3A_52] : memref<10000x64xf32, #tpu.memory_space<vmem_shared>> -> memref<113x64xf32, #tpu.memory_space<vmem_shared>>
      %dma_start3A_54 = arith.constant 0 : i32
      %dma_start3A_55 = arith.constant 0 : i32
      %dma_start3A_56 = tpu.memref_slice %arg10[%dma_start3A_54, %dma_start3A_55] : memref<128x64xf32, #tpu.memory_space<vmem>> -> memref<113x64xf32, #tpu.memory_space<vmem>>
      %dma_start3A_57 = arith.constant 0 : i32
      %dma_start3A_58 = tpu.memref_slice %arg12[%add3A_46, %dma_start3A_57] : memref<10000x64xf32, #tpu.memory_space<vmem_shared>> -> memref<113x64xf32, #tpu.memory_space<vmem_shared>>
      tpu.enqueue_dma source(%dma_start3A_58 : memref<113x64xf32, #tpu.memory_space<vmem_shared>>) target(%dma_start3A_56 : memref<113x64xf32, #tpu.memory_space<vmem>>) target_semaphore(%run_scoped3A : memref<!tpu.dma_semaphore, #tpu.memory_space<semaphore_mem>>)
      %dma_wait3A = arith.constant 0 : i32
      %dma_wait3A_59 = arith.constant 0 : i32
      %dma_wait3A_60 = tpu.memref_slice %arg10[%dma_wait3A, %dma_wait3A_59] : memref<128x64xf32, #tpu.memory_space<vmem>> -> memref<113x64xf32, #tpu.memory_space<vmem>>
      %dma_wait3A_61 = arith.constant 0 : i32
      %dma_wait3A_62 = tpu.memref_slice %arg12[%add3A_46, %dma_wait3A_61] : memref<10000x64xf32, #tpu.memory_space<vmem_shared>> -> memref<113x64xf32, #tpu.memory_space<vmem_shared>>
      %dma_wait3A_63 = arith.constant 0 : i32
      %dma_wait3A_64 = arith.constant 0 : i32
      %dma_wait3A_65 = tpu.memref_slice %arg10[%dma_wait3A_63, %dma_wait3A_64] : memref<128x64xf32, #tpu.memory_space<vmem>> -> memref<113x64xf32, #tpu.memory_space<vmem>>
      %dma_wait3A_66 = arith.constant 0 : i32
      %dma_wait3A_67 = tpu.memref_slice %arg12[%add3A_46, %dma_wait3A_66] : memref<10000x64xf32, #tpu.memory_space<vmem_shared>> -> memref<113x64xf32, #tpu.memory_space<vmem_shared>>
      tpu.wait_dma2 semaphore(%run_scoped3A : memref<!tpu.dma_semaphore, #tpu.memory_space<semaphore_mem>>) src(%dma_wait3A_67 : memref<113x64xf32, #tpu.memory_space<vmem_shared>>) dst(%dma_wait3A_65 : memref<113x64xf32, #tpu.memory_space<vmem>>)
      tpu.yield
    }) : () -> ()
    %add3A_47 = arith.constant 512 : i32
    %add3A_48 = arith.addi %add3A_37, %add3A_47 : i32
    "tpu.region"() ({
      %run_scoped3A = tpu.sem_alloc : memref<!tpu.dma_semaphore, #tpu.memory_space<semaphore_mem>>
      %dma_start3A_49 = arith.constant 0 : i32
      %dma_start3A_50 = arith.constant 0 : i32
      %dma_start3A_51 = tpu.memref_slice %arg10[%dma_start3A_49, %dma_start3A_50] : memref<128x64xf32, #tpu.memory_space<vmem>> -> memref<113x64xf32, #tpu.memory_space<vmem>>
      %dma_start3A_52 = arith.constant 0 : i32
      %dma_start3A_53 = tpu.memref_slice %arg6[%add3A_48, %dma_start3A_52] : memref<20000x64xf32, #tpu.memory_space<hbm>> -> memref<113x64xf32, #tpu.memory_space<hbm>>
      %dma_start3A_54 = arith.constant 0 : i32
      %dma_start3A_55 = tpu.memref_slice %arg6[%add3A_48, %dma_start3A_54] : memref<20000x64xf32, #tpu.memory_space<hbm>> -> memref<113x64xf32, #tpu.memory_space<hbm>>
      %dma_start3A_56 = arith.constant 0 : i32
      %dma_start3A_57 = arith.constant 0 : i32
      %dma_start3A_58 = tpu.memref_slice %arg10[%dma_start3A_56, %dma_start3A_57] : memref<128x64xf32, #tpu.memory_space<vmem>> -> memref<113x64xf32, #tpu.memory_space<vmem>>
      tpu.enqueue_dma source(%dma_start3A_58 : memref<113x64xf32, #tpu.memory_space<vmem>>) target(%dma_start3A_55 : memref<113x64xf32, #tpu.memory_space<hbm>>) target_semaphore(%run_scoped3A : memref<!tpu.dma_semaphore, #tpu.memory_space<semaphore_mem>>)
      %dma_wait3A = arith.constant 0 : i32
      %dma_wait3A_59 = arith.constant 0 : i32
      %dma_wait3A_60 = tpu.memref_slice %arg10[%dma_wait3A, %dma_wait3A_59] : memref<128x64xf32, #tpu.memory_space<vmem>> -> memref<113x64xf32, #tpu.memory_space<vmem>>
      %dma_wait3A_61 = arith.constant 0 : i32
      %dma_wait3A_62 = tpu.memref_slice %arg6[%add3A_48, %dma_wait3A_61] : memref<20000x64xf32, #tpu.memory_space<hbm>> -> memref<113x64xf32, #tpu.memory_space<hbm>>
      %dma_wait3A_63 = arith.constant 0 : i32
      %dma_wait3A_64 = tpu.memref_slice %arg6[%add3A_48, %dma_wait3A_63] : memref<20000x64xf32, #tpu.memory_space<hbm>> -> memref<113x64xf32, #tpu.memory_space<hbm>>
      %dma_wait3A_65 = arith.constant 0 : i32
      %dma_wait3A_66 = arith.constant 0 : i32
      %dma_wait3A_67 = tpu.memref_slice %arg10[%dma_wait3A_65, %dma_wait3A_66] : memref<128x64xf32, #tpu.memory_space<vmem>> -> memref<113x64xf32, #tpu.memory_space<vmem>>
      tpu.wait_dma2 semaphore(%run_scoped3A : memref<!tpu.dma_semaphore, #tpu.memory_space<semaphore_mem>>) src(%dma_wait3A_67 : memref<113x64xf32, #tpu.memory_space<vmem>>) dst(%dma_wait3A_64 : memref<113x64xf32, #tpu.memory_space<hbm>>)
      tpu.yield
    }) : () -> ()
    return
  }
}

#map = affine_map<(d0, d1) -> (0, 0)>
#map1 = affine_map<(d0, d1) -> (0)>
module attributes {stable_mosaic.version = 14 : i64} {
  func.func @_sc_scores_body(%arg0: i32, %arg1: i32, %arg2: memref<2560x128xi32, #tpu.memory_space<hbm>>, %arg3: memref<2560x128xi32, #tpu.memory_space<hbm>>, %arg4: memref<10000xf32, #tpu.memory_space<hbm>>, %arg5: memref<10000xf32, #tpu.memory_space<hbm>>, %arg6: memref<327680xf32, #tpu.memory_space<hbm>>, %arg7: memref<80x128xi32, #tpu.memory_space<vmem>>, %arg8: memref<80x128xi32, #tpu.memory_space<vmem>>, %arg9: memref<10000xf32, #tpu.memory_space<vmem>>, %arg10: memref<10000xf32, #tpu.memory_space<vmem>>, %arg11: memref<10240xf32, #tpu.memory_space<vmem>>) attributes {dimension_semantics = [#tpu.dimension_semantics<core_parallel>, #tpu.dimension_semantics<subcore_parallel>], iteration_bounds = array<i64: 2, 16>, scalar_prefetch = 0 : i64, scratch_operands = 5 : i64, tpu.core_type = #tpu.core_type<sc_vector_subcore>, window_params = [{transform_indices = #map}, {transform_indices = #map}, {transform_indices = #map1}, {transform_indices = #map1}, {transform_indices = #map1}]} {
    %mul3A = arith.constant 2 : i32
    %mul3A_0 = arith.muli %arg1, %mul3A : i32
    %add3A = arith.addi %mul3A_0, %arg0 : i32
    %mul3A_1 = arith.constant 80 : i32
    %mul3A_2 = arith.muli %add3A, %mul3A_1 : i32
    "tpu.region"() ({
      %run_scoped3A = tpu.sem_alloc : memref<!tpu.dma_semaphore, #tpu.memory_space<semaphore_mem>>
      %dma_start3A = arith.constant 0 : i32
      %dma_start3A_59 = tpu.memref_slice %arg2[%mul3A_2, %dma_start3A] : memref<2560x128xi32, #tpu.memory_space<hbm>> -> memref<80x128xi32, #tpu.memory_space<hbm>>
      %dma_start3A_60 = arith.constant 0 : i32
      %dma_start3A_61 = tpu.memref_slice %arg2[%mul3A_2, %dma_start3A_60] : memref<2560x128xi32, #tpu.memory_space<hbm>> -> memref<80x128xi32, #tpu.memory_space<hbm>>
      tpu.enqueue_dma source(%dma_start3A_61 : memref<80x128xi32, #tpu.memory_space<hbm>>) target(%arg7 : memref<80x128xi32, #tpu.memory_space<vmem>>) target_semaphore(%run_scoped3A : memref<!tpu.dma_semaphore, #tpu.memory_space<semaphore_mem>>)
      %dma_wait3A = arith.constant 0 : i32
      %dma_wait3A_62 = tpu.memref_slice %arg2[%mul3A_2, %dma_wait3A] : memref<2560x128xi32, #tpu.memory_space<hbm>> -> memref<80x128xi32, #tpu.memory_space<hbm>>
      %dma_wait3A_63 = arith.constant 0 : i32
      %dma_wait3A_64 = tpu.memref_slice %arg2[%mul3A_2, %dma_wait3A_63] : memref<2560x128xi32, #tpu.memory_space<hbm>> -> memref<80x128xi32, #tpu.memory_space<hbm>>
      tpu.wait_dma2 semaphore(%run_scoped3A : memref<!tpu.dma_semaphore, #tpu.memory_space<semaphore_mem>>) src(%dma_wait3A_64 : memref<80x128xi32, #tpu.memory_space<hbm>>) dst(%arg7 : memref<80x128xi32, #tpu.memory_space<vmem>>)
      tpu.yield
    }) : () -> ()
    %mul3A_3 = arith.constant 80 : i32
    %mul3A_4 = arith.muli %add3A, %mul3A_3 : i32
    "tpu.region"() ({
      %run_scoped3A = tpu.sem_alloc : memref<!tpu.dma_semaphore, #tpu.memory_space<semaphore_mem>>
      %dma_start3A = arith.constant 0 : i32
      %dma_start3A_59 = tpu.memref_slice %arg3[%mul3A_4, %dma_start3A] : memref<2560x128xi32, #tpu.memory_space<hbm>> -> memref<80x128xi32, #tpu.memory_space<hbm>>
      %dma_start3A_60 = arith.constant 0 : i32
      %dma_start3A_61 = tpu.memref_slice %arg3[%mul3A_4, %dma_start3A_60] : memref<2560x128xi32, #tpu.memory_space<hbm>> -> memref<80x128xi32, #tpu.memory_space<hbm>>
      tpu.enqueue_dma source(%dma_start3A_61 : memref<80x128xi32, #tpu.memory_space<hbm>>) target(%arg8 : memref<80x128xi32, #tpu.memory_space<vmem>>) target_semaphore(%run_scoped3A : memref<!tpu.dma_semaphore, #tpu.memory_space<semaphore_mem>>)
      %dma_wait3A = arith.constant 0 : i32
      %dma_wait3A_62 = tpu.memref_slice %arg3[%mul3A_4, %dma_wait3A] : memref<2560x128xi32, #tpu.memory_space<hbm>> -> memref<80x128xi32, #tpu.memory_space<hbm>>
      %dma_wait3A_63 = arith.constant 0 : i32
      %dma_wait3A_64 = tpu.memref_slice %arg3[%mul3A_4, %dma_wait3A_63] : memref<2560x128xi32, #tpu.memory_space<hbm>> -> memref<80x128xi32, #tpu.memory_space<hbm>>
      tpu.wait_dma2 semaphore(%run_scoped3A : memref<!tpu.dma_semaphore, #tpu.memory_space<semaphore_mem>>) src(%dma_wait3A_64 : memref<80x128xi32, #tpu.memory_space<hbm>>) dst(%arg8 : memref<80x128xi32, #tpu.memory_space<vmem>>)
      tpu.yield
    }) : () -> ()
    "tpu.region"() ({
      %run_scoped3A = tpu.sem_alloc : memref<!tpu.dma_semaphore, #tpu.memory_space<semaphore_mem>>
      tpu.enqueue_dma source(%arg4 : memref<10000xf32, #tpu.memory_space<hbm>>) target(%arg9 : memref<10000xf32, #tpu.memory_space<vmem>>) target_semaphore(%run_scoped3A : memref<!tpu.dma_semaphore, #tpu.memory_space<semaphore_mem>>)
      tpu.wait_dma2 semaphore(%run_scoped3A : memref<!tpu.dma_semaphore, #tpu.memory_space<semaphore_mem>>) src(%arg4 : memref<10000xf32, #tpu.memory_space<hbm>>) dst(%arg9 : memref<10000xf32, #tpu.memory_space<vmem>>)
      tpu.yield
    }) : () -> ()
    "tpu.region"() ({
      %run_scoped3A = tpu.sem_alloc : memref<!tpu.dma_semaphore, #tpu.memory_space<semaphore_mem>>
      tpu.enqueue_dma source(%arg5 : memref<10000xf32, #tpu.memory_space<hbm>>) target(%arg10 : memref<10000xf32, #tpu.memory_space<vmem>>) target_semaphore(%run_scoped3A : memref<!tpu.dma_semaphore, #tpu.memory_space<semaphore_mem>>)
      tpu.wait_dma2 semaphore(%run_scoped3A : memref<!tpu.dma_semaphore, #tpu.memory_space<semaphore_mem>>) src(%arg5 : memref<10000xf32, #tpu.memory_space<hbm>>) dst(%arg10 : memref<10000xf32, #tpu.memory_space<vmem>>)
      tpu.yield
    }) : () -> ()
    %broadcast_in_dim3A = arith.constant 0.000000e+00 : f32
    %broadcast_in_dim3A_5 = vector.broadcast %broadcast_in_dim3A : f32 to vector<16xf32>
    %sub3A = arith.constant 3.000000e+38 : f32
    %sub3A_6 = vector.broadcast %sub3A : f32 to vector<16xf32>
    %sub3A_7 = arith.subf %broadcast_in_dim3A_5, %sub3A_6 : vector<16xf32>
    %scan3A = arith.constant 0 : i32
    %scan3A_8 = arith.constant 78 : i32
    %scan3A_9 = arith.addi %scan3A, %scan3A_8 : i32
    %scan3A_10 = arith.constant 1 : i32
    scf.for %scan3A_59 = %scan3A to %scan3A_9 step %scan3A_10  : i32 {
      %mul3A_60 = arith.constant 1 : i32
      %mul3A_61 = arith.muli %scan3A_59, %mul3A_60 : i32
      %add3A_62 = arith.constant 0 : i32
      %add3A_63 = arith.addi %add3A_62, %mul3A_61 : i32
      %get3A_64 = arith.index_cast %add3A_63 : i32 to index
      %get3A_65 = arith.constant 0 : index
      %get3A_66 = tpu.vector_load %arg7[%get3A_64, %get3A_65] {strides = array<i32>} : memref<80x128xi32, #tpu.memory_space<vmem>>, vector<16xi32>,
      %gather3A_67 = tpu.vector_load_idx %arg9[%get3A_66] : memref<10000xf32, #tpu.memory_space<vmem>>[vector<16xi32>], vector<16xf32>,
      %get3A_68 = arith.index_cast %add3A_63 : i32 to index
      %get3A_69 = arith.constant 0 : index
      %get3A_70 = tpu.vector_load %arg8[%get3A_68, %get3A_69] {strides = array<i32>} : memref<80x128xi32, #tpu.memory_space<vmem>>, vector<16xi32>,
      %gather3A_71 = tpu.vector_load_idx %arg10[%get3A_70] : memref<10000xf32, #tpu.memory_space<vmem>>[vector<16xi32>], vector<16xf32>,
      %add3A_72 = arith.addf %gather3A_67, %gather3A_71 : vector<16xf32>
      %ge3A_73 = arith.constant 0.000000e+00 : f32
      %ge3A_74 = vector.broadcast %ge3A_73 : f32 to vector<16xf32>
      %ge3A_75 = arith.cmpf oge, %add3A_72, %ge3A_74 : vector<16xf32>
      %mul3A_76 = arith.constant 2.000000e-01 : f32
      %mul3A_77 = vector.broadcast %mul3A_76 : f32 to vector<16xf32>
      %mul3A_78 = arith.mulf %mul3A_77, %add3A_72 : vector<16xf32>
      %select_n3A_79 = arith.select %ge3A_75, %add3A_72, %mul3A_78 : vector<16xi1>, vector<16xf32>
      %mul3A_80 = arith.constant 128 : i32
      %mul3A_81 = arith.muli %add3A_63, %mul3A_80 : i32
      %add3A_82 = arith.constant 0 : i32
      %add3A_83 = arith.addi %mul3A_81, %add3A_82 : i32
      %swap3A_84 = arith.index_cast %add3A_83 : i32 to index
      %swap3A_85 = tpu.vector_load %arg11[%swap3A_84] {strides = array<i32>} : memref<10240xf32, #tpu.memory_space<vmem>>, vector<16xf32>,
      tpu.vector_store %arg11[%swap3A_84], %select_n3A_79 {strides = array<i32>} : memref<10240xf32, #tpu.memory_space<vmem>>, vector<16xf32>,
      %get3A_86 = arith.index_cast %add3A_63 : i32 to index
      %get3A_87 = arith.constant 16 : index
      %get3A_88 = tpu.vector_load %arg7[%get3A_86, %get3A_87] {strides = array<i32>} : memref<80x128xi32, #tpu.memory_space<vmem>>, vector<16xi32>,
      %gather3A_89 = tpu.vector_load_idx %arg9[%get3A_88] : memref<10000xf32, #tpu.memory_space<vmem>>[vector<16xi32>], vector<16xf32>,
      %get3A_90 = arith.index_cast %add3A_63 : i32 to index
      %get3A_91 = arith.constant 16 : index
      %get3A_92 = tpu.vector_load %arg8[%get3A_90, %get3A_91] {strides = array<i32>} : memref<80x128xi32, #tpu.memory_space<vmem>>, vector<16xi32>,
      %gather3A_93 = tpu.vector_load_idx %arg10[%get3A_92] : memref<10000xf32, #tpu.memory_space<vmem>>[vector<16xi32>], vector<16xf32>,
      %add3A_94 = arith.addf %gather3A_89, %gather3A_93 : vector<16xf32>
      %ge3A_95 = arith.constant 0.000000e+00 : f32
      %ge3A_96 = vector.broadcast %ge3A_95 : f32 to vector<16xf32>
      %ge3A_97 = arith.cmpf oge, %add3A_94, %ge3A_96 : vector<16xf32>
      %mul3A_98 = arith.constant 2.000000e-01 : f32
      %mul3A_99 = vector.broadcast %mul3A_98 : f32 to vector<16xf32>
      %mul3A_100 = arith.mulf %mul3A_99, %add3A_94 : vector<16xf32>
      %select_n3A_101 = arith.select %ge3A_97, %add3A_94, %mul3A_100 : vector<16xi1>, vector<16xf32>
      %mul3A_102 = arith.constant 128 : i32
      %mul3A_103 = arith.muli %add3A_63, %mul3A_102 : i32
      %add3A_104 = arith.constant 16 : i32
      %add3A_105 = arith.addi %mul3A_103, %add3A_104 : i32
      %swap3A_106 = arith.index_cast %add3A_105 : i32 to index
      %swap3A_107 = tpu.vector_load %arg11[%swap3A_106] {strides = array<i32>} : memref<10240xf32, #tpu.memory_space<vmem>>, vector<16xf32>,
      tpu.vector_store %arg11[%swap3A_106], %select_n3A_101 {strides = array<i32>} : memref<10240xf32, #tpu.memory_space<vmem>>, vector<16xf32>,
      %get3A_108 = arith.index_cast %add3A_63 : i32 to index
      %get3A_109 = arith.constant 32 : index
      %get3A_110 = tpu.vector_load %arg7[%get3A_108, %get3A_109] {strides = array<i32>} : memref<80x128xi32, #tpu.memory_space<vmem>>, vector<16xi32>,
      %gather3A_111 = tpu.vector_load_idx %arg9[%get3A_110] : memref<10000xf32, #tpu.memory_space<vmem>>[vector<16xi32>], vector<16xf32>,
      %get3A_112 = arith.index_cast %add3A_63 : i32 to index
      %get3A_113 = arith.constant 32 : index
      %get3A_114 = tpu.vector_load %arg8[%get3A_112, %get3A_113] {strides = array<i32>} : memref<80x128xi32, #tpu.memory_space<vmem>>, vector<16xi32>,
      %gather3A_115 = tpu.vector_load_idx %arg10[%get3A_114] : memref<10000xf32, #tpu.memory_space<vmem>>[vector<16xi32>], vector<16xf32>,
      %add3A_116 = arith.addf %gather3A_111, %gather3A_115 : vector<16xf32>
      %ge3A_117 = arith.constant 0.000000e+00 : f32
      %ge3A_118 = vector.broadcast %ge3A_117 : f32 to vector<16xf32>
      %ge3A_119 = arith.cmpf oge, %add3A_116, %ge3A_118 : vector<16xf32>
      %mul3A_120 = arith.constant 2.000000e-01 : f32
      %mul3A_121 = vector.broadcast %mul3A_120 : f32 to vector<16xf32>
      %mul3A_122 = arith.mulf %mul3A_121, %add3A_116 : vector<16xf32>
      %select_n3A_123 = arith.select %ge3A_119, %add3A_116, %mul3A_122 : vector<16xi1>, vector<16xf32>
      %mul3A_124 = arith.constant 128 : i32
      %mul3A_125 = arith.muli %add3A_63, %mul3A_124 : i32
      %add3A_126 = arith.constant 32 : i32
      %add3A_127 = arith.addi %mul3A_125, %add3A_126 : i32
      %swap3A_128 = arith.index_cast %add3A_127 : i32 to index
      %swap3A_129 = tpu.vector_load %arg11[%swap3A_128] {strides = array<i32>} : memref<10240xf32, #tpu.memory_space<vmem>>, vector<16xf32>,
      tpu.vector_store %arg11[%swap3A_128], %select_n3A_123 {strides = array<i32>} : memref<10240xf32, #tpu.memory_space<vmem>>, vector<16xf32>,
      %get3A_130 = arith.index_cast %add3A_63 : i32 to index
      %get3A_131 = arith.constant 48 : index
      %get3A_132 = tpu.vector_load %arg7[%get3A_130, %get3A_131] {strides = array<i32>} : memref<80x128xi32, #tpu.memory_space<vmem>>, vector<16xi32>,
      %gather3A_133 = tpu.vector_load_idx %arg9[%get3A_132] : memref<10000xf32, #tpu.memory_space<vmem>>[vector<16xi32>], vector<16xf32>,
      %get3A_134 = arith.index_cast %add3A_63 : i32 to index
      %get3A_135 = arith.constant 48 : index
      %get3A_136 = tpu.vector_load %arg8[%get3A_134, %get3A_135] {strides = array<i32>} : memref<80x128xi32, #tpu.memory_space<vmem>>, vector<16xi32>,
      %gather3A_137 = tpu.vector_load_idx %arg10[%get3A_136] : memref<10000xf32, #tpu.memory_space<vmem>>[vector<16xi32>], vector<16xf32>,
      %add3A_138 = arith.addf %gather3A_133, %gather3A_137 : vector<16xf32>
      %ge3A_139 = arith.constant 0.000000e+00 : f32
      %ge3A_140 = vector.broadcast %ge3A_139 : f32 to vector<16xf32>
      %ge3A_141 = arith.cmpf oge, %add3A_138, %ge3A_140 : vector<16xf32>
      %mul3A_142 = arith.constant 2.000000e-01 : f32
      %mul3A_143 = vector.broadcast %mul3A_142 : f32 to vector<16xf32>
      %mul3A_144 = arith.mulf %mul3A_143, %add3A_138 : vector<16xf32>
      %select_n3A_145 = arith.select %ge3A_141, %add3A_138, %mul3A_144 : vector<16xi1>, vector<16xf32>
      %mul3A_146 = arith.constant 128 : i32
      %mul3A_147 = arith.muli %add3A_63, %mul3A_146 : i32
      %add3A_148 = arith.constant 48 : i32
      %add3A_149 = arith.addi %mul3A_147, %add3A_148 : i32
      %swap3A_150 = arith.index_cast %add3A_149 : i32 to index
      %swap3A_151 = tpu.vector_load %arg11[%swap3A_150] {strides = array<i32>} : memref<10240xf32, #tpu.memory_space<vmem>>, vector<16xf32>,
      tpu.vector_store %arg11[%swap3A_150], %select_n3A_145 {strides = array<i32>} : memref<10240xf32, #tpu.memory_space<vmem>>, vector<16xf32>,
      %get3A_152 = arith.index_cast %add3A_63 : i32 to index
      %get3A_153 = arith.constant 64 : index
      %get3A_154 = tpu.vector_load %arg7[%get3A_152, %get3A_153] {strides = array<i32>} : memref<80x128xi32, #tpu.memory_space<vmem>>, vector<16xi32>,
      %gather3A_155 = tpu.vector_load_idx %arg9[%get3A_154] : memref<10000xf32, #tpu.memory_space<vmem>>[vector<16xi32>], vector<16xf32>,
      %get3A_156 = arith.index_cast %add3A_63 : i32 to index
      %get3A_157 = arith.constant 64 : index
      %get3A_158 = tpu.vector_load %arg8[%get3A_156, %get3A_157] {strides = array<i32>} : memref<80x128xi32, #tpu.memory_space<vmem>>, vector<16xi32>,
      %gather3A_159 = tpu.vector_load_idx %arg10[%get3A_158] : memref<10000xf32, #tpu.memory_space<vmem>>[vector<16xi32>], vector<16xf32>,
      %add3A_160 = arith.addf %gather3A_155, %gather3A_159 : vector<16xf32>
      %ge3A_161 = arith.constant 0.000000e+00 : f32
      %ge3A_162 = vector.broadcast %ge3A_161 : f32 to vector<16xf32>
      %ge3A_163 = arith.cmpf oge, %add3A_160, %ge3A_162 : vector<16xf32>
      %mul3A_164 = arith.constant 2.000000e-01 : f32
      %mul3A_165 = vector.broadcast %mul3A_164 : f32 to vector<16xf32>
      %mul3A_166 = arith.mulf %mul3A_165, %add3A_160 : vector<16xf32>
      %select_n3A_167 = arith.select %ge3A_163, %add3A_160, %mul3A_166 : vector<16xi1>, vector<16xf32>
      %mul3A_168 = arith.constant 128 : i32
      %mul3A_169 = arith.muli %add3A_63, %mul3A_168 : i32
      %add3A_170 = arith.constant 64 : i32
      %add3A_171 = arith.addi %mul3A_169, %add3A_170 : i32
      %swap3A_172 = arith.index_cast %add3A_171 : i32 to index
      %swap3A_173 = tpu.vector_load %arg11[%swap3A_172] {strides = array<i32>} : memref<10240xf32, #tpu.memory_space<vmem>>, vector<16xf32>,
      tpu.vector_store %arg11[%swap3A_172], %select_n3A_167 {strides = array<i32>} : memref<10240xf32, #tpu.memory_space<vmem>>, vector<16xf32>,
      %get3A_174 = arith.index_cast %add3A_63 : i32 to index
      %get3A_175 = arith.constant 80 : index
      %get3A_176 = tpu.vector_load %arg7[%get3A_174, %get3A_175] {strides = array<i32>} : memref<80x128xi32, #tpu.memory_space<vmem>>, vector<16xi32>,
      %gather3A_177 = tpu.vector_load_idx %arg9[%get3A_176] : memref<10000xf32, #tpu.memory_space<vmem>>[vector<16xi32>], vector<16xf32>,
      %get3A_178 = arith.index_cast %add3A_63 : i32 to index
      %get3A_179 = arith.constant 80 : index
      %get3A_180 = tpu.vector_load %arg8[%get3A_178, %get3A_179] {strides = array<i32>} : memref<80x128xi32, #tpu.memory_space<vmem>>, vector<16xi32>,
      %gather3A_181 = tpu.vector_load_idx %arg10[%get3A_180] : memref<10000xf32, #tpu.memory_space<vmem>>[vector<16xi32>], vector<16xf32>,
      %add3A_182 = arith.addf %gather3A_177, %gather3A_181 : vector<16xf32>
      %ge3A_183 = arith.constant 0.000000e+00 : f32
      %ge3A_184 = vector.broadcast %ge3A_183 : f32 to vector<16xf32>
      %ge3A_185 = arith.cmpf oge, %add3A_182, %ge3A_184 : vector<16xf32>
      %mul3A_186 = arith.constant 2.000000e-01 : f32
      %mul3A_187 = vector.broadcast %mul3A_186 : f32 to vector<16xf32>
      %mul3A_188 = arith.mulf %mul3A_187, %add3A_182 : vector<16xf32>
      %select_n3A_189 = arith.select %ge3A_185, %add3A_182, %mul3A_188 : vector<16xi1>, vector<16xf32>
      %mul3A_190 = arith.constant 128 : i32
      %mul3A_191 = arith.muli %add3A_63, %mul3A_190 : i32
      %add3A_192 = arith.constant 80 : i32
      %add3A_193 = arith.addi %mul3A_191, %add3A_192 : i32
      %swap3A_194 = arith.index_cast %add3A_193 : i32 to index
      %swap3A_195 = tpu.vector_load %arg11[%swap3A_194] {strides = array<i32>} : memref<10240xf32, #tpu.memory_space<vmem>>, vector<16xf32>,
      tpu.vector_store %arg11[%swap3A_194], %select_n3A_189 {strides = array<i32>} : memref<10240xf32, #tpu.memory_space<vmem>>, vector<16xf32>,
      %get3A_196 = arith.index_cast %add3A_63 : i32 to index
      %get3A_197 = arith.constant 96 : index
      %get3A_198 = tpu.vector_load %arg7[%get3A_196, %get3A_197] {strides = array<i32>} : memref<80x128xi32, #tpu.memory_space<vmem>>, vector<16xi32>,
      %gather3A_199 = tpu.vector_load_idx %arg9[%get3A_198] : memref<10000xf32, #tpu.memory_space<vmem>>[vector<16xi32>], vector<16xf32>,
      %get3A_200 = arith.index_cast %add3A_63 : i32 to index
      %get3A_201 = arith.constant 96 : index
      %get3A_202 = tpu.vector_load %arg8[%get3A_200, %get3A_201] {strides = array<i32>} : memref<80x128xi32, #tpu.memory_space<vmem>>, vector<16xi32>,
      %gather3A_203 = tpu.vector_load_idx %arg10[%get3A_202] : memref<10000xf32, #tpu.memory_space<vmem>>[vector<16xi32>], vector<16xf32>,
      %add3A_204 = arith.addf %gather3A_199, %gather3A_203 : vector<16xf32>
      %ge3A_205 = arith.constant 0.000000e+00 : f32
      %ge3A_206 = vector.broadcast %ge3A_205 : f32 to vector<16xf32>
      %ge3A_207 = arith.cmpf oge, %add3A_204, %ge3A_206 : vector<16xf32>
      %mul3A_208 = arith.constant 2.000000e-01 : f32
      %mul3A_209 = vector.broadcast %mul3A_208 : f32 to vector<16xf32>
      %mul3A_210 = arith.mulf %mul3A_209, %add3A_204 : vector<16xf32>
      %select_n3A_211 = arith.select %ge3A_207, %add3A_204, %mul3A_210 : vector<16xi1>, vector<16xf32>
      %mul3A_212 = arith.constant 128 : i32
      %mul3A_213 = arith.muli %add3A_63, %mul3A_212 : i32
      %add3A_214 = arith.constant 96 : i32
      %add3A_215 = arith.addi %mul3A_213, %add3A_214 : i32
      %swap3A_216 = arith.index_cast %add3A_215 : i32 to index
      %swap3A_217 = tpu.vector_load %arg11[%swap3A_216] {strides = array<i32>} : memref<10240xf32, #tpu.memory_space<vmem>>, vector<16xf32>,
      tpu.vector_store %arg11[%swap3A_216], %select_n3A_211 {strides = array<i32>} : memref<10240xf32, #tpu.memory_space<vmem>>, vector<16xf32>,
      %get3A_218 = arith.index_cast %add3A_63 : i32 to index
      %get3A_219 = arith.constant 112 : index
      %get3A_220 = tpu.vector_load %arg7[%get3A_218, %get3A_219] {strides = array<i32>} : memref<80x128xi32, #tpu.memory_space<vmem>>, vector<16xi32>,
      %gather3A_221 = tpu.vector_load_idx %arg9[%get3A_220] : memref<10000xf32, #tpu.memory_space<vmem>>[vector<16xi32>], vector<16xf32>,
      %get3A_222 = arith.index_cast %add3A_63 : i32 to index
      %get3A_223 = arith.constant 112 : index
      %get3A_224 = tpu.vector_load %arg8[%get3A_222, %get3A_223] {strides = array<i32>} : memref<80x128xi32, #tpu.memory_space<vmem>>, vector<16xi32>,
      %gather3A_225 = tpu.vector_load_idx %arg10[%get3A_224] : memref<10000xf32, #tpu.memory_space<vmem>>[vector<16xi32>], vector<16xf32>,
      %add3A_226 = arith.addf %gather3A_221, %gather3A_225 : vector<16xf32>
      %ge3A_227 = arith.constant 0.000000e+00 : f32
      %ge3A_228 = vector.broadcast %ge3A_227 : f32 to vector<16xf32>
      %ge3A_229 = arith.cmpf oge, %add3A_226, %ge3A_228 : vector<16xf32>
      %mul3A_230 = arith.constant 2.000000e-01 : f32
      %mul3A_231 = vector.broadcast %mul3A_230 : f32 to vector<16xf32>
      %mul3A_232 = arith.mulf %mul3A_231, %add3A_226 : vector<16xf32>
      %select_n3A_233 = arith.select %ge3A_229, %add3A_226, %mul3A_232 : vector<16xi1>, vector<16xf32>
      %mul3A_234 = arith.constant 128 : i32
      %mul3A_235 = arith.muli %add3A_63, %mul3A_234 : i32
      %add3A_236 = arith.constant 112 : i32
      %add3A_237 = arith.addi %mul3A_235, %add3A_236 : i32
      %swap3A_238 = arith.index_cast %add3A_237 : i32 to index
      %swap3A_239 = tpu.vector_load %arg11[%swap3A_238] {strides = array<i32>} : memref<10240xf32, #tpu.memory_space<vmem>>, vector<16xf32>,
      tpu.vector_store %arg11[%swap3A_238], %select_n3A_233 {strides = array<i32>} : memref<10240xf32, #tpu.memory_space<vmem>>, vector<16xf32>,
    }
    %scan3A_11 = arith.constant 78 : i32
    %get3A = arith.constant 78 : i32
    %get3A_12 = arith.index_cast %get3A : i32 to index
    %get3A_13 = arith.constant 0 : index
    %get3A_14 = tpu.vector_load %arg7[%get3A_12, %get3A_13] {strides = array<i32>} : memref<80x128xi32, #tpu.memory_space<vmem>>, vector<16xi32>,
    %gather3A = tpu.vector_load_idx %arg9[%get3A_14] : memref<10000xf32, #tpu.memory_space<vmem>>[vector<16xi32>], vector<16xf32>,
    %get3A_15 = arith.constant 78 : i32
    %get3A_16 = arith.index_cast %get3A_15 : i32 to index
    %get3A_17 = arith.constant 0 : index
    %get3A_18 = tpu.vector_load %arg8[%get3A_16, %get3A_17] {strides = array<i32>} : memref<80x128xi32, #tpu.memory_space<vmem>>, vector<16xi32>,
    %gather3A_19 = tpu.vector_load_idx %arg10[%get3A_18] : memref<10000xf32, #tpu.memory_space<vmem>>[vector<16xi32>], vector<16xf32>,
    %add3A_20 = arith.addf %gather3A, %gather3A_19 : vector<16xf32>
    %ge3A = arith.constant 0.000000e+00 : f32
    %ge3A_21 = vector.broadcast %ge3A : f32 to vector<16xf32>
    %ge3A_22 = arith.cmpf oge, %add3A_20, %ge3A_21 : vector<16xf32>
    %mul3A_23 = arith.constant 2.000000e-01 : f32
    %mul3A_24 = vector.broadcast %mul3A_23 : f32 to vector<16xf32>
    %mul3A_25 = arith.mulf %mul3A_24, %add3A_20 : vector<16xf32>
    %select_n3A = arith.select %ge3A_22, %add3A_20, %mul3A_25 : vector<16xi1>, vector<16xf32>
    %swap3A = arith.constant 9984 : index
    %swap3A_26 = tpu.vector_load %arg11[%swap3A] {strides = array<i32>} : memref<10240xf32, #tpu.memory_space<vmem>>, vector<16xf32>,
    tpu.vector_store %arg11[%swap3A], %select_n3A {strides = array<i32>} : memref<10240xf32, #tpu.memory_space<vmem>>, vector<16xf32>,
    %swap3A_27 = arith.constant 10000 : index
    %swap3A_28 = tpu.vector_load %arg11[%swap3A_27] {strides = array<i32>} : memref<10240xf32, #tpu.memory_space<vmem>>, vector<16xf32>,
    tpu.vector_store %arg11[%swap3A_27], %sub3A_7 {strides = array<i32>} : memref<10240xf32, #tpu.memory_space<vmem>>, vector<16xf32>,
    %swap3A_29 = arith.constant 10016 : index
    %swap3A_30 = tpu.vector_load %arg11[%swap3A_29] {strides = array<i32>} : memref<10240xf32, #tpu.memory_space<vmem>>, vector<16xf32>,
    tpu.vector_store %arg11[%swap3A_29], %sub3A_7 {strides = array<i32>} : memref<10240xf32, #tpu.memory_space<vmem>>, vector<16xf32>,
    %swap3A_31 = arith.constant 10032 : index
    %swap3A_32 = tpu.vector_load %arg11[%swap3A_31] {strides = array<i32>} : memref<10240xf32, #tpu.memory_space<vmem>>, vector<16xf32>,
    tpu.vector_store %arg11[%swap3A_31], %sub3A_7 {strides = array<i32>} : memref<10240xf32, #tpu.memory_space<vmem>>, vector<16xf32>,
    %swap3A_33 = arith.constant 10048 : index
    %swap3A_34 = tpu.vector_load %arg11[%swap3A_33] {strides = array<i32>} : memref<10240xf32, #tpu.memory_space<vmem>>, vector<16xf32>,
    tpu.vector_store %arg11[%swap3A_33], %sub3A_7 {strides = array<i32>} : memref<10240xf32, #tpu.memory_space<vmem>>, vector<16xf32>,
    %swap3A_35 = arith.constant 10064 : index
    %swap3A_36 = tpu.vector_load %arg11[%swap3A_35] {strides = array<i32>} : memref<10240xf32, #tpu.memory_space<vmem>>, vector<16xf32>,
    tpu.vector_store %arg11[%swap3A_35], %sub3A_7 {strides = array<i32>} : memref<10240xf32, #tpu.memory_space<vmem>>, vector<16xf32>,
    %swap3A_37 = arith.constant 10080 : index
    %swap3A_38 = tpu.vector_load %arg11[%swap3A_37] {strides = array<i32>} : memref<10240xf32, #tpu.memory_space<vmem>>, vector<16xf32>,
    tpu.vector_store %arg11[%swap3A_37], %sub3A_7 {strides = array<i32>} : memref<10240xf32, #tpu.memory_space<vmem>>, vector<16xf32>,
    %swap3A_39 = arith.constant 10096 : index
    %swap3A_40 = tpu.vector_load %arg11[%swap3A_39] {strides = array<i32>} : memref<10240xf32, #tpu.memory_space<vmem>>, vector<16xf32>,
    tpu.vector_store %arg11[%swap3A_39], %sub3A_7 {strides = array<i32>} : memref<10240xf32, #tpu.memory_space<vmem>>, vector<16xf32>,
    %swap3A_41 = arith.constant 10112 : index
    %swap3A_42 = tpu.vector_load %arg11[%swap3A_41] {strides = array<i32>} : memref<10240xf32, #tpu.memory_space<vmem>>, vector<16xf32>,
    tpu.vector_store %arg11[%swap3A_41], %sub3A_7 {strides = array<i32>} : memref<10240xf32, #tpu.memory_space<vmem>>, vector<16xf32>,
    %swap3A_43 = arith.constant 10128 : index
    %swap3A_44 = tpu.vector_load %arg11[%swap3A_43] {strides = array<i32>} : memref<10240xf32, #tpu.memory_space<vmem>>, vector<16xf32>,
    tpu.vector_store %arg11[%swap3A_43], %sub3A_7 {strides = array<i32>} : memref<10240xf32, #tpu.memory_space<vmem>>, vector<16xf32>,
    %swap3A_45 = arith.constant 10144 : index
    %swap3A_46 = tpu.vector_load %arg11[%swap3A_45] {strides = array<i32>} : memref<10240xf32, #tpu.memory_space<vmem>>, vector<16xf32>,
    tpu.vector_store %arg11[%swap3A_45], %sub3A_7 {strides = array<i32>} : memref<10240xf32, #tpu.memory_space<vmem>>, vector<16xf32>,
    %swap3A_47 = arith.constant 10160 : index
    %swap3A_48 = tpu.vector_load %arg11[%swap3A_47] {strides = array<i32>} : memref<10240xf32, #tpu.memory_space<vmem>>, vector<16xf32>,
    tpu.vector_store %arg11[%swap3A_47], %sub3A_7 {strides = array<i32>} : memref<10240xf32, #tpu.memory_space<vmem>>, vector<16xf32>,
    %swap3A_49 = arith.constant 10176 : index
    %swap3A_50 = tpu.vector_load %arg11[%swap3A_49] {strides = array<i32>} : memref<10240xf32, #tpu.memory_space<vmem>>, vector<16xf32>,
    tpu.vector_store %arg11[%swap3A_49], %sub3A_7 {strides = array<i32>} : memref<10240xf32, #tpu.memory_space<vmem>>, vector<16xf32>,
    %swap3A_51 = arith.constant 10192 : index
    %swap3A_52 = tpu.vector_load %arg11[%swap3A_51] {strides = array<i32>} : memref<10240xf32, #tpu.memory_space<vmem>>, vector<16xf32>,
    tpu.vector_store %arg11[%swap3A_51], %sub3A_7 {strides = array<i32>} : memref<10240xf32, #tpu.memory_space<vmem>>, vector<16xf32>,
    %swap3A_53 = arith.constant 10208 : index
    %swap3A_54 = tpu.vector_load %arg11[%swap3A_53] {strides = array<i32>} : memref<10240xf32, #tpu.memory_space<vmem>>, vector<16xf32>,
    tpu.vector_store %arg11[%swap3A_53], %sub3A_7 {strides = array<i32>} : memref<10240xf32, #tpu.memory_space<vmem>>, vector<16xf32>,
    %swap3A_55 = arith.constant 10224 : index
    %swap3A_56 = tpu.vector_load %arg11[%swap3A_55] {strides = array<i32>} : memref<10240xf32, #tpu.memory_space<vmem>>, vector<16xf32>,
    tpu.vector_store %arg11[%swap3A_55], %sub3A_7 {strides = array<i32>} : memref<10240xf32, #tpu.memory_space<vmem>>, vector<16xf32>,
    %mul3A_57 = arith.constant 10240 : i32
    %mul3A_58 = arith.muli %add3A, %mul3A_57 : i32
    "tpu.region"() ({
      %run_scoped3A = tpu.sem_alloc : memref<!tpu.dma_semaphore, #tpu.memory_space<semaphore_mem>>
      %dma_start3A = tpu.memref_slice %arg6[%mul3A_58] : memref<327680xf32, #tpu.memory_space<hbm>> -> memref<10240xf32, #tpu.memory_space<hbm>>
      %dma_start3A_59 = tpu.memref_slice %arg6[%mul3A_58] : memref<327680xf32, #tpu.memory_space<hbm>> -> memref<10240xf32, #tpu.memory_space<hbm>>
      tpu.enqueue_dma source(%arg11 : memref<10240xf32, #tpu.memory_space<vmem>>) target(%dma_start3A_59 : memref<10240xf32, #tpu.memory_space<hbm>>) target_semaphore(%run_scoped3A : memref<!tpu.dma_semaphore, #tpu.memory_space<semaphore_mem>>)
      %dma_wait3A = tpu.memref_slice %arg6[%mul3A_58] : memref<327680xf32, #tpu.memory_space<hbm>> -> memref<10240xf32, #tpu.memory_space<hbm>>
      %dma_wait3A_60 = tpu.memref_slice %arg6[%mul3A_58] : memref<327680xf32, #tpu.memory_space<hbm>> -> memref<10240xf32, #tpu.memory_space<hbm>>
      tpu.wait_dma2 semaphore(%run_scoped3A : memref<!tpu.dma_semaphore, #tpu.memory_space<semaphore_mem>>) src(%arg11 : memref<10240xf32, #tpu.memory_space<vmem>>) dst(%dma_wait3A_60 : memref<10240xf32, #tpu.memory_space<hbm>>)
      tpu.yield
    }) : () -> ()
    return
  }
}

#map = affine_map<(d0, d1) -> (0, 0)>
#map1 = affine_map<(d0, d1) -> (0)>
module attributes {stable_mosaic.version = 14 : i64} {
  func.func @_sc_scores_body(%arg0: i32, %arg1: i32, %arg2: memref<2560x128xi32, #tpu.memory_space<hbm>>, %arg3: memref<2560x128xi32, #tpu.memory_space<hbm>>, %arg4: memref<10000xf32, #tpu.memory_space<hbm>>, %arg5: memref<10000xf32, #tpu.memory_space<hbm>>, %arg6: memref<327680xf32, #tpu.memory_space<hbm>>, %arg7: memref<80x128xi32, #tpu.memory_space<vmem>>, %arg8: memref<80x128xi32, #tpu.memory_space<vmem>>, %arg9: memref<10000xf32, #tpu.memory_space<vmem>>, %arg10: memref<10000xf32, #tpu.memory_space<vmem>>, %arg11: memref<10240xf32, #tpu.memory_space<vmem>>) attributes {dimension_semantics = [#tpu.dimension_semantics<core_parallel>, #tpu.dimension_semantics<subcore_parallel>], iteration_bounds = array<i64: 2, 16>, scalar_prefetch = 0 : i64, scratch_operands = 5 : i64, tpu.core_type = #tpu.core_type<sc_vector_subcore>, window_params = [{transform_indices = #map}, {transform_indices = #map}, {transform_indices = #map1}, {transform_indices = #map1}, {transform_indices = #map1}]} {
    %mul3A = arith.constant 2 : i32
    %mul3A_0 = arith.muli %arg1, %mul3A : i32
    %add3A = arith.addi %mul3A_0, %arg0 : i32
    %mul3A_1 = arith.constant 80 : i32
    %mul3A_2 = arith.muli %add3A, %mul3A_1 : i32
    "tpu.region"() ({
      %run_scoped3A = tpu.sem_alloc : memref<!tpu.dma_semaphore, #tpu.memory_space<semaphore_mem>>
      %dma_start3A = arith.constant 0 : i32
      %dma_start3A_59 = tpu.memref_slice %arg2[%mul3A_2, %dma_start3A] : memref<2560x128xi32, #tpu.memory_space<hbm>> -> memref<80x128xi32, #tpu.memory_space<hbm>>
      %dma_start3A_60 = arith.constant 0 : i32
      %dma_start3A_61 = tpu.memref_slice %arg2[%mul3A_2, %dma_start3A_60] : memref<2560x128xi32, #tpu.memory_space<hbm>> -> memref<80x128xi32, #tpu.memory_space<hbm>>
      tpu.enqueue_dma source(%dma_start3A_61 : memref<80x128xi32, #tpu.memory_space<hbm>>) target(%arg7 : memref<80x128xi32, #tpu.memory_space<vmem>>) target_semaphore(%run_scoped3A : memref<!tpu.dma_semaphore, #tpu.memory_space<semaphore_mem>>)
      %dma_wait3A = arith.constant 0 : i32
      %dma_wait3A_62 = tpu.memref_slice %arg2[%mul3A_2, %dma_wait3A] : memref<2560x128xi32, #tpu.memory_space<hbm>> -> memref<80x128xi32, #tpu.memory_space<hbm>>
      %dma_wait3A_63 = arith.constant 0 : i32
      %dma_wait3A_64 = tpu.memref_slice %arg2[%mul3A_2, %dma_wait3A_63] : memref<2560x128xi32, #tpu.memory_space<hbm>> -> memref<80x128xi32, #tpu.memory_space<hbm>>
      tpu.wait_dma2 semaphore(%run_scoped3A : memref<!tpu.dma_semaphore, #tpu.memory_space<semaphore_mem>>) src(%dma_wait3A_64 : memref<80x128xi32, #tpu.memory_space<hbm>>) dst(%arg7 : memref<80x128xi32, #tpu.memory_space<vmem>>)
      tpu.yield
    }) : () -> ()
    %mul3A_3 = arith.constant 80 : i32
    %mul3A_4 = arith.muli %add3A, %mul3A_3 : i32
    "tpu.region"() ({
      %run_scoped3A = tpu.sem_alloc : memref<!tpu.dma_semaphore, #tpu.memory_space<semaphore_mem>>
      %dma_start3A = arith.constant 0 : i32
      %dma_start3A_59 = tpu.memref_slice %arg3[%mul3A_4, %dma_start3A] : memref<2560x128xi32, #tpu.memory_space<hbm>> -> memref<80x128xi32, #tpu.memory_space<hbm>>
      %dma_start3A_60 = arith.constant 0 : i32
      %dma_start3A_61 = tpu.memref_slice %arg3[%mul3A_4, %dma_start3A_60] : memref<2560x128xi32, #tpu.memory_space<hbm>> -> memref<80x128xi32, #tpu.memory_space<hbm>>
      tpu.enqueue_dma source(%dma_start3A_61 : memref<80x128xi32, #tpu.memory_space<hbm>>) target(%arg8 : memref<80x128xi32, #tpu.memory_space<vmem>>) target_semaphore(%run_scoped3A : memref<!tpu.dma_semaphore, #tpu.memory_space<semaphore_mem>>)
      %dma_wait3A = arith.constant 0 : i32
      %dma_wait3A_62 = tpu.memref_slice %arg3[%mul3A_4, %dma_wait3A] : memref<2560x128xi32, #tpu.memory_space<hbm>> -> memref<80x128xi32, #tpu.memory_space<hbm>>
      %dma_wait3A_63 = arith.constant 0 : i32
      %dma_wait3A_64 = tpu.memref_slice %arg3[%mul3A_4, %dma_wait3A_63] : memref<2560x128xi32, #tpu.memory_space<hbm>> -> memref<80x128xi32, #tpu.memory_space<hbm>>
      tpu.wait_dma2 semaphore(%run_scoped3A : memref<!tpu.dma_semaphore, #tpu.memory_space<semaphore_mem>>) src(%dma_wait3A_64 : memref<80x128xi32, #tpu.memory_space<hbm>>) dst(%arg8 : memref<80x128xi32, #tpu.memory_space<vmem>>)
      tpu.yield
    }) : () -> ()
    "tpu.region"() ({
      %run_scoped3A = tpu.sem_alloc : memref<!tpu.dma_semaphore, #tpu.memory_space<semaphore_mem>>
      tpu.enqueue_dma source(%arg4 : memref<10000xf32, #tpu.memory_space<hbm>>) target(%arg9 : memref<10000xf32, #tpu.memory_space<vmem>>) target_semaphore(%run_scoped3A : memref<!tpu.dma_semaphore, #tpu.memory_space<semaphore_mem>>)
      tpu.wait_dma2 semaphore(%run_scoped3A : memref<!tpu.dma_semaphore, #tpu.memory_space<semaphore_mem>>) src(%arg4 : memref<10000xf32, #tpu.memory_space<hbm>>) dst(%arg9 : memref<10000xf32, #tpu.memory_space<vmem>>)
      tpu.yield
    }) : () -> ()
    "tpu.region"() ({
      %run_scoped3A = tpu.sem_alloc : memref<!tpu.dma_semaphore, #tpu.memory_space<semaphore_mem>>
      tpu.enqueue_dma source(%arg5 : memref<10000xf32, #tpu.memory_space<hbm>>) target(%arg10 : memref<10000xf32, #tpu.memory_space<vmem>>) target_semaphore(%run_scoped3A : memref<!tpu.dma_semaphore, #tpu.memory_space<semaphore_mem>>)
      tpu.wait_dma2 semaphore(%run_scoped3A : memref<!tpu.dma_semaphore, #tpu.memory_space<semaphore_mem>>) src(%arg5 : memref<10000xf32, #tpu.memory_space<hbm>>) dst(%arg10 : memref<10000xf32, #tpu.memory_space<vmem>>)
      tpu.yield
    }) : () -> ()
    %broadcast_in_dim3A = arith.constant 0.000000e+00 : f32
    %broadcast_in_dim3A_5 = vector.broadcast %broadcast_in_dim3A : f32 to vector<16xf32>
    %sub3A = arith.constant 3.000000e+38 : f32
    %sub3A_6 = vector.broadcast %sub3A : f32 to vector<16xf32>
    %sub3A_7 = arith.subf %broadcast_in_dim3A_5, %sub3A_6 : vector<16xf32>
    %scan3A = arith.constant 0 : i32
    %scan3A_8 = arith.constant 78 : i32
    %scan3A_9 = arith.addi %scan3A, %scan3A_8 : i32
    %scan3A_10 = arith.constant 1 : i32
    scf.for %scan3A_59 = %scan3A to %scan3A_9 step %scan3A_10  : i32 {
      %mul3A_60 = arith.constant 1 : i32
      %mul3A_61 = arith.muli %scan3A_59, %mul3A_60 : i32
      %add3A_62 = arith.constant 0 : i32
      %add3A_63 = arith.addi %add3A_62, %mul3A_61 : i32
      %get3A_64 = arith.index_cast %add3A_63 : i32 to index
      %get3A_65 = arith.constant 0 : index
      %get3A_66 = tpu.vector_load %arg7[%get3A_64, %get3A_65] {strides = array<i32>} : memref<80x128xi32, #tpu.memory_space<vmem>>, vector<16xi32>,
      %gather3A_67 = tpu.vector_load_idx %arg9[%get3A_66] : memref<10000xf32, #tpu.memory_space<vmem>>[vector<16xi32>], vector<16xf32>,
      %get3A_68 = arith.index_cast %add3A_63 : i32 to index
      %get3A_69 = arith.constant 0 : index
      %get3A_70 = tpu.vector_load %arg8[%get3A_68, %get3A_69] {strides = array<i32>} : memref<80x128xi32, #tpu.memory_space<vmem>>, vector<16xi32>,
      %gather3A_71 = tpu.vector_load_idx %arg10[%get3A_70] : memref<10000xf32, #tpu.memory_space<vmem>>[vector<16xi32>], vector<16xf32>,
      %add3A_72 = arith.addf %gather3A_67, %gather3A_71 : vector<16xf32>
      %ge3A_73 = arith.constant 0.000000e+00 : f32
      %ge3A_74 = vector.broadcast %ge3A_73 : f32 to vector<16xf32>
      %ge3A_75 = arith.cmpf oge, %add3A_72, %ge3A_74 : vector<16xf32>
      %mul3A_76 = arith.constant 2.000000e-01 : f32
      %mul3A_77 = vector.broadcast %mul3A_76 : f32 to vector<16xf32>
      %mul3A_78 = arith.mulf %mul3A_77, %add3A_72 : vector<16xf32>
      %select_n3A_79 = arith.select %ge3A_75, %add3A_72, %mul3A_78 : vector<16xi1>, vector<16xf32>
      %mul3A_80 = arith.constant 128 : i32
      %mul3A_81 = arith.muli %add3A_63, %mul3A_80 : i32
      %add3A_82 = arith.constant 0 : i32
      %add3A_83 = arith.addi %mul3A_81, %add3A_82 : i32
      %swap3A_84 = arith.index_cast %add3A_83 : i32 to index
      %swap3A_85 = tpu.vector_load %arg11[%swap3A_84] {strides = array<i32>} : memref<10240xf32, #tpu.memory_space<vmem>>, vector<16xf32>,
      tpu.vector_store %arg11[%swap3A_84], %select_n3A_79 {strides = array<i32>} : memref<10240xf32, #tpu.memory_space<vmem>>, vector<16xf32>,
      %get3A_86 = arith.index_cast %add3A_63 : i32 to index
      %get3A_87 = arith.constant 16 : index
      %get3A_88 = tpu.vector_load %arg7[%get3A_86, %get3A_87] {strides = array<i32>} : memref<80x128xi32, #tpu.memory_space<vmem>>, vector<16xi32>,
      %gather3A_89 = tpu.vector_load_idx %arg9[%get3A_88] : memref<10000xf32, #tpu.memory_space<vmem>>[vector<16xi32>], vector<16xf32>,
      %get3A_90 = arith.index_cast %add3A_63 : i32 to index
      %get3A_91 = arith.constant 16 : index
      %get3A_92 = tpu.vector_load %arg8[%get3A_90, %get3A_91] {strides = array<i32>} : memref<80x128xi32, #tpu.memory_space<vmem>>, vector<16xi32>,
      %gather3A_93 = tpu.vector_load_idx %arg10[%get3A_92] : memref<10000xf32, #tpu.memory_space<vmem>>[vector<16xi32>], vector<16xf32>,
      %add3A_94 = arith.addf %gather3A_89, %gather3A_93 : vector<16xf32>
      %ge3A_95 = arith.constant 0.000000e+00 : f32
      %ge3A_96 = vector.broadcast %ge3A_95 : f32 to vector<16xf32>
      %ge3A_97 = arith.cmpf oge, %add3A_94, %ge3A_96 : vector<16xf32>
      %mul3A_98 = arith.constant 2.000000e-01 : f32
      %mul3A_99 = vector.broadcast %mul3A_98 : f32 to vector<16xf32>
      %mul3A_100 = arith.mulf %mul3A_99, %add3A_94 : vector<16xf32>
      %select_n3A_101 = arith.select %ge3A_97, %add3A_94, %mul3A_100 : vector<16xi1>, vector<16xf32>
      %mul3A_102 = arith.constant 128 : i32
      %mul3A_103 = arith.muli %add3A_63, %mul3A_102 : i32
      %add3A_104 = arith.constant 16 : i32
      %add3A_105 = arith.addi %mul3A_103, %add3A_104 : i32
      %swap3A_106 = arith.index_cast %add3A_105 : i32 to index
      %swap3A_107 = tpu.vector_load %arg11[%swap3A_106] {strides = array<i32>} : memref<10240xf32, #tpu.memory_space<vmem>>, vector<16xf32>,
      tpu.vector_store %arg11[%swap3A_106], %select_n3A_101 {strides = array<i32>} : memref<10240xf32, #tpu.memory_space<vmem>>, vector<16xf32>,
      %get3A_108 = arith.index_cast %add3A_63 : i32 to index
      %get3A_109 = arith.constant 32 : index
      %get3A_110 = tpu.vector_load %arg7[%get3A_108, %get3A_109] {strides = array<i32>} : memref<80x128xi32, #tpu.memory_space<vmem>>, vector<16xi32>,
      %gather3A_111 = tpu.vector_load_idx %arg9[%get3A_110] : memref<10000xf32, #tpu.memory_space<vmem>>[vector<16xi32>], vector<16xf32>,
      %get3A_112 = arith.index_cast %add3A_63 : i32 to index
      %get3A_113 = arith.constant 32 : index
      %get3A_114 = tpu.vector_load %arg8[%get3A_112, %get3A_113] {strides = array<i32>} : memref<80x128xi32, #tpu.memory_space<vmem>>, vector<16xi32>,
      %gather3A_115 = tpu.vector_load_idx %arg10[%get3A_114] : memref<10000xf32, #tpu.memory_space<vmem>>[vector<16xi32>], vector<16xf32>,
      %add3A_116 = arith.addf %gather3A_111, %gather3A_115 : vector<16xf32>
      %ge3A_117 = arith.constant 0.000000e+00 : f32
      %ge3A_118 = vector.broadcast %ge3A_117 : f32 to vector<16xf32>
      %ge3A_119 = arith.cmpf oge, %add3A_116, %ge3A_118 : vector<16xf32>
      %mul3A_120 = arith.constant 2.000000e-01 : f32
      %mul3A_121 = vector.broadcast %mul3A_120 : f32 to vector<16xf32>
      %mul3A_122 = arith.mulf %mul3A_121, %add3A_116 : vector<16xf32>
      %select_n3A_123 = arith.select %ge3A_119, %add3A_116, %mul3A_122 : vector<16xi1>, vector<16xf32>
      %mul3A_124 = arith.constant 128 : i32
      %mul3A_125 = arith.muli %add3A_63, %mul3A_124 : i32
      %add3A_126 = arith.constant 32 : i32
      %add3A_127 = arith.addi %mul3A_125, %add3A_126 : i32
      %swap3A_128 = arith.index_cast %add3A_127 : i32 to index
      %swap3A_129 = tpu.vector_load %arg11[%swap3A_128] {strides = array<i32>} : memref<10240xf32, #tpu.memory_space<vmem>>, vector<16xf32>,
      tpu.vector_store %arg11[%swap3A_128], %select_n3A_123 {strides = array<i32>} : memref<10240xf32, #tpu.memory_space<vmem>>, vector<16xf32>,
      %get3A_130 = arith.index_cast %add3A_63 : i32 to index
      %get3A_131 = arith.constant 48 : index
      %get3A_132 = tpu.vector_load %arg7[%get3A_130, %get3A_131] {strides = array<i32>} : memref<80x128xi32, #tpu.memory_space<vmem>>, vector<16xi32>,
      %gather3A_133 = tpu.vector_load_idx %arg9[%get3A_132] : memref<10000xf32, #tpu.memory_space<vmem>>[vector<16xi32>], vector<16xf32>,
      %get3A_134 = arith.index_cast %add3A_63 : i32 to index
      %get3A_135 = arith.constant 48 : index
      %get3A_136 = tpu.vector_load %arg8[%get3A_134, %get3A_135] {strides = array<i32>} : memref<80x128xi32, #tpu.memory_space<vmem>>, vector<16xi32>,
      %gather3A_137 = tpu.vector_load_idx %arg10[%get3A_136] : memref<10000xf32, #tpu.memory_space<vmem>>[vector<16xi32>], vector<16xf32>,
      %add3A_138 = arith.addf %gather3A_133, %gather3A_137 : vector<16xf32>
      %ge3A_139 = arith.constant 0.000000e+00 : f32
      %ge3A_140 = vector.broadcast %ge3A_139 : f32 to vector<16xf32>
      %ge3A_141 = arith.cmpf oge, %add3A_138, %ge3A_140 : vector<16xf32>
      %mul3A_142 = arith.constant 2.000000e-01 : f32
      %mul3A_143 = vector.broadcast %mul3A_142 : f32 to vector<16xf32>
      %mul3A_144 = arith.mulf %mul3A_143, %add3A_138 : vector<16xf32>
      %select_n3A_145 = arith.select %ge3A_141, %add3A_138, %mul3A_144 : vector<16xi1>, vector<16xf32>
      %mul3A_146 = arith.constant 128 : i32
      %mul3A_147 = arith.muli %add3A_63, %mul3A_146 : i32
      %add3A_148 = arith.constant 48 : i32
      %add3A_149 = arith.addi %mul3A_147, %add3A_148 : i32
      %swap3A_150 = arith.index_cast %add3A_149 : i32 to index
      %swap3A_151 = tpu.vector_load %arg11[%swap3A_150] {strides = array<i32>} : memref<10240xf32, #tpu.memory_space<vmem>>, vector<16xf32>,
      tpu.vector_store %arg11[%swap3A_150], %select_n3A_145 {strides = array<i32>} : memref<10240xf32, #tpu.memory_space<vmem>>, vector<16xf32>,
      %get3A_152 = arith.index_cast %add3A_63 : i32 to index
      %get3A_153 = arith.constant 64 : index
      %get3A_154 = tpu.vector_load %arg7[%get3A_152, %get3A_153] {strides = array<i32>} : memref<80x128xi32, #tpu.memory_space<vmem>>, vector<16xi32>,
      %gather3A_155 = tpu.vector_load_idx %arg9[%get3A_154] : memref<10000xf32, #tpu.memory_space<vmem>>[vector<16xi32>], vector<16xf32>,
      %get3A_156 = arith.index_cast %add3A_63 : i32 to index
      %get3A_157 = arith.constant 64 : index
      %get3A_158 = tpu.vector_load %arg8[%get3A_156, %get3A_157] {strides = array<i32>} : memref<80x128xi32, #tpu.memory_space<vmem>>, vector<16xi32>,
      %gather3A_159 = tpu.vector_load_idx %arg10[%get3A_158] : memref<10000xf32, #tpu.memory_space<vmem>>[vector<16xi32>], vector<16xf32>,
      %add3A_160 = arith.addf %gather3A_155, %gather3A_159 : vector<16xf32>
      %ge3A_161 = arith.constant 0.000000e+00 : f32
      %ge3A_162 = vector.broadcast %ge3A_161 : f32 to vector<16xf32>
      %ge3A_163 = arith.cmpf oge, %add3A_160, %ge3A_162 : vector<16xf32>
      %mul3A_164 = arith.constant 2.000000e-01 : f32
      %mul3A_165 = vector.broadcast %mul3A_164 : f32 to vector<16xf32>
      %mul3A_166 = arith.mulf %mul3A_165, %add3A_160 : vector<16xf32>
      %select_n3A_167 = arith.select %ge3A_163, %add3A_160, %mul3A_166 : vector<16xi1>, vector<16xf32>
      %mul3A_168 = arith.constant 128 : i32
      %mul3A_169 = arith.muli %add3A_63, %mul3A_168 : i32
      %add3A_170 = arith.constant 64 : i32
      %add3A_171 = arith.addi %mul3A_169, %add3A_170 : i32
      %swap3A_172 = arith.index_cast %add3A_171 : i32 to index
      %swap3A_173 = tpu.vector_load %arg11[%swap3A_172] {strides = array<i32>} : memref<10240xf32, #tpu.memory_space<vmem>>, vector<16xf32>,
      tpu.vector_store %arg11[%swap3A_172], %select_n3A_167 {strides = array<i32>} : memref<10240xf32, #tpu.memory_space<vmem>>, vector<16xf32>,
      %get3A_174 = arith.index_cast %add3A_63 : i32 to index
      %get3A_175 = arith.constant 80 : index
      %get3A_176 = tpu.vector_load %arg7[%get3A_174, %get3A_175] {strides = array<i32>} : memref<80x128xi32, #tpu.memory_space<vmem>>, vector<16xi32>,
      %gather3A_177 = tpu.vector_load_idx %arg9[%get3A_176] : memref<10000xf32, #tpu.memory_space<vmem>>[vector<16xi32>], vector<16xf32>,
      %get3A_178 = arith.index_cast %add3A_63 : i32 to index
      %get3A_179 = arith.constant 80 : index
      %get3A_180 = tpu.vector_load %arg8[%get3A_178, %get3A_179] {strides = array<i32>} : memref<80x128xi32, #tpu.memory_space<vmem>>, vector<16xi32>,
      %gather3A_181 = tpu.vector_load_idx %arg10[%get3A_180] : memref<10000xf32, #tpu.memory_space<vmem>>[vector<16xi32>], vector<16xf32>,
      %add3A_182 = arith.addf %gather3A_177, %gather3A_181 : vector<16xf32>
      %ge3A_183 = arith.constant 0.000000e+00 : f32
      %ge3A_184 = vector.broadcast %ge3A_183 : f32 to vector<16xf32>
      %ge3A_185 = arith.cmpf oge, %add3A_182, %ge3A_184 : vector<16xf32>
      %mul3A_186 = arith.constant 2.000000e-01 : f32
      %mul3A_187 = vector.broadcast %mul3A_186 : f32 to vector<16xf32>
      %mul3A_188 = arith.mulf %mul3A_187, %add3A_182 : vector<16xf32>
      %select_n3A_189 = arith.select %ge3A_185, %add3A_182, %mul3A_188 : vector<16xi1>, vector<16xf32>
      %mul3A_190 = arith.constant 128 : i32
      %mul3A_191 = arith.muli %add3A_63, %mul3A_190 : i32
      %add3A_192 = arith.constant 80 : i32
      %add3A_193 = arith.addi %mul3A_191, %add3A_192 : i32
      %swap3A_194 = arith.index_cast %add3A_193 : i32 to index
      %swap3A_195 = tpu.vector_load %arg11[%swap3A_194] {strides = array<i32>} : memref<10240xf32, #tpu.memory_space<vmem>>, vector<16xf32>,
      tpu.vector_store %arg11[%swap3A_194], %select_n3A_189 {strides = array<i32>} : memref<10240xf32, #tpu.memory_space<vmem>>, vector<16xf32>,
      %get3A_196 = arith.index_cast %add3A_63 : i32 to index
      %get3A_197 = arith.constant 96 : index
      %get3A_198 = tpu.vector_load %arg7[%get3A_196, %get3A_197] {strides = array<i32>} : memref<80x128xi32, #tpu.memory_space<vmem>>, vector<16xi32>,
      %gather3A_199 = tpu.vector_load_idx %arg9[%get3A_198] : memref<10000xf32, #tpu.memory_space<vmem>>[vector<16xi32>], vector<16xf32>,
      %get3A_200 = arith.index_cast %add3A_63 : i32 to index
      %get3A_201 = arith.constant 96 : index
      %get3A_202 = tpu.vector_load %arg8[%get3A_200, %get3A_201] {strides = array<i32>} : memref<80x128xi32, #tpu.memory_space<vmem>>, vector<16xi32>,
      %gather3A_203 = tpu.vector_load_idx %arg10[%get3A_202] : memref<10000xf32, #tpu.memory_space<vmem>>[vector<16xi32>], vector<16xf32>,
      %add3A_204 = arith.addf %gather3A_199, %gather3A_203 : vector<16xf32>
      %ge3A_205 = arith.constant 0.000000e+00 : f32
      %ge3A_206 = vector.broadcast %ge3A_205 : f32 to vector<16xf32>
      %ge3A_207 = arith.cmpf oge, %add3A_204, %ge3A_206 : vector<16xf32>
      %mul3A_208 = arith.constant 2.000000e-01 : f32
      %mul3A_209 = vector.broadcast %mul3A_208 : f32 to vector<16xf32>
      %mul3A_210 = arith.mulf %mul3A_209, %add3A_204 : vector<16xf32>
      %select_n3A_211 = arith.select %ge3A_207, %add3A_204, %mul3A_210 : vector<16xi1>, vector<16xf32>
      %mul3A_212 = arith.constant 128 : i32
      %mul3A_213 = arith.muli %add3A_63, %mul3A_212 : i32
      %add3A_214 = arith.constant 96 : i32
      %add3A_215 = arith.addi %mul3A_213, %add3A_214 : i32
      %swap3A_216 = arith.index_cast %add3A_215 : i32 to index
      %swap3A_217 = tpu.vector_load %arg11[%swap3A_216] {strides = array<i32>} : memref<10240xf32, #tpu.memory_space<vmem>>, vector<16xf32>,
      tpu.vector_store %arg11[%swap3A_216], %select_n3A_211 {strides = array<i32>} : memref<10240xf32, #tpu.memory_space<vmem>>, vector<16xf32>,
      %get3A_218 = arith.index_cast %add3A_63 : i32 to index
      %get3A_219 = arith.constant 112 : index
      %get3A_220 = tpu.vector_load %arg7[%get3A_218, %get3A_219] {strides = array<i32>} : memref<80x128xi32, #tpu.memory_space<vmem>>, vector<16xi32>,
      %gather3A_221 = tpu.vector_load_idx %arg9[%get3A_220] : memref<10000xf32, #tpu.memory_space<vmem>>[vector<16xi32>], vector<16xf32>,
      %get3A_222 = arith.index_cast %add3A_63 : i32 to index
      %get3A_223 = arith.constant 112 : index
      %get3A_224 = tpu.vector_load %arg8[%get3A_222, %get3A_223] {strides = array<i32>} : memref<80x128xi32, #tpu.memory_space<vmem>>, vector<16xi32>,
      %gather3A_225 = tpu.vector_load_idx %arg10[%get3A_224] : memref<10000xf32, #tpu.memory_space<vmem>>[vector<16xi32>], vector<16xf32>,
      %add3A_226 = arith.addf %gather3A_221, %gather3A_225 : vector<16xf32>
      %ge3A_227 = arith.constant 0.000000e+00 : f32
      %ge3A_228 = vector.broadcast %ge3A_227 : f32 to vector<16xf32>
      %ge3A_229 = arith.cmpf oge, %add3A_226, %ge3A_228 : vector<16xf32>
      %mul3A_230 = arith.constant 2.000000e-01 : f32
      %mul3A_231 = vector.broadcast %mul3A_230 : f32 to vector<16xf32>
      %mul3A_232 = arith.mulf %mul3A_231, %add3A_226 : vector<16xf32>
      %select_n3A_233 = arith.select %ge3A_229, %add3A_226, %mul3A_232 : vector<16xi1>, vector<16xf32>
      %mul3A_234 = arith.constant 128 : i32
      %mul3A_235 = arith.muli %add3A_63, %mul3A_234 : i32
      %add3A_236 = arith.constant 112 : i32
      %add3A_237 = arith.addi %mul3A_235, %add3A_236 : i32
      %swap3A_238 = arith.index_cast %add3A_237 : i32 to index
      %swap3A_239 = tpu.vector_load %arg11[%swap3A_238] {strides = array<i32>} : memref<10240xf32, #tpu.memory_space<vmem>>, vector<16xf32>,
      tpu.vector_store %arg11[%swap3A_238], %select_n3A_233 {strides = array<i32>} : memref<10240xf32, #tpu.memory_space<vmem>>, vector<16xf32>,
    }
    %scan3A_11 = arith.constant 78 : i32
    %get3A = arith.constant 78 : i32
    %get3A_12 = arith.index_cast %get3A : i32 to index
    %get3A_13 = arith.constant 0 : index
    %get3A_14 = tpu.vector_load %arg7[%get3A_12, %get3A_13] {strides = array<i32>} : memref<80x128xi32, #tpu.memory_space<vmem>>, vector<16xi32>,
    %gather3A = tpu.vector_load_idx %arg9[%get3A_14] : memref<10000xf32, #tpu.memory_space<vmem>>[vector<16xi32>], vector<16xf32>,
    %get3A_15 = arith.constant 78 : i32
    %get3A_16 = arith.index_cast %get3A_15 : i32 to index
    %get3A_17 = arith.constant 0 : index
    %get3A_18 = tpu.vector_load %arg8[%get3A_16, %get3A_17] {strides = array<i32>} : memref<80x128xi32, #tpu.memory_space<vmem>>, vector<16xi32>,
    %gather3A_19 = tpu.vector_load_idx %arg10[%get3A_18] : memref<10000xf32, #tpu.memory_space<vmem>>[vector<16xi32>], vector<16xf32>,
    %add3A_20 = arith.addf %gather3A, %gather3A_19 : vector<16xf32>
    %ge3A = arith.constant 0.000000e+00 : f32
    %ge3A_21 = vector.broadcast %ge3A : f32 to vector<16xf32>
    %ge3A_22 = arith.cmpf oge, %add3A_20, %ge3A_21 : vector<16xf32>
    %mul3A_23 = arith.constant 2.000000e-01 : f32
    %mul3A_24 = vector.broadcast %mul3A_23 : f32 to vector<16xf32>
    %mul3A_25 = arith.mulf %mul3A_24, %add3A_20 : vector<16xf32>
    %select_n3A = arith.select %ge3A_22, %add3A_20, %mul3A_25 : vector<16xi1>, vector<16xf32>
    %swap3A = arith.constant 9984 : index
    %swap3A_26 = tpu.vector_load %arg11[%swap3A] {strides = array<i32>} : memref<10240xf32, #tpu.memory_space<vmem>>, vector<16xf32>,
    tpu.vector_store %arg11[%swap3A], %select_n3A {strides = array<i32>} : memref<10240xf32, #tpu.memory_space<vmem>>, vector<16xf32>,
    %swap3A_27 = arith.constant 10000 : index
    %swap3A_28 = tpu.vector_load %arg11[%swap3A_27] {strides = array<i32>} : memref<10240xf32, #tpu.memory_space<vmem>>, vector<16xf32>,
    tpu.vector_store %arg11[%swap3A_27], %sub3A_7 {strides = array<i32>} : memref<10240xf32, #tpu.memory_space<vmem>>, vector<16xf32>,
    %swap3A_29 = arith.constant 10016 : index
    %swap3A_30 = tpu.vector_load %arg11[%swap3A_29] {strides = array<i32>} : memref<10240xf32, #tpu.memory_space<vmem>>, vector<16xf32>,
    tpu.vector_store %arg11[%swap3A_29], %sub3A_7 {strides = array<i32>} : memref<10240xf32, #tpu.memory_space<vmem>>, vector<16xf32>,
    %swap3A_31 = arith.constant 10032 : index
    %swap3A_32 = tpu.vector_load %arg11[%swap3A_31] {strides = array<i32>} : memref<10240xf32, #tpu.memory_space<vmem>>, vector<16xf32>,
    tpu.vector_store %arg11[%swap3A_31], %sub3A_7 {strides = array<i32>} : memref<10240xf32, #tpu.memory_space<vmem>>, vector<16xf32>,
    %swap3A_33 = arith.constant 10048 : index
    %swap3A_34 = tpu.vector_load %arg11[%swap3A_33] {strides = array<i32>} : memref<10240xf32, #tpu.memory_space<vmem>>, vector<16xf32>,
    tpu.vector_store %arg11[%swap3A_33], %sub3A_7 {strides = array<i32>} : memref<10240xf32, #tpu.memory_space<vmem>>, vector<16xf32>,
    %swap3A_35 = arith.constant 10064 : index
    %swap3A_36 = tpu.vector_load %arg11[%swap3A_35] {strides = array<i32>} : memref<10240xf32, #tpu.memory_space<vmem>>, vector<16xf32>,
    tpu.vector_store %arg11[%swap3A_35], %sub3A_7 {strides = array<i32>} : memref<10240xf32, #tpu.memory_space<vmem>>, vector<16xf32>,
    %swap3A_37 = arith.constant 10080 : index
    %swap3A_38 = tpu.vector_load %arg11[%swap3A_37] {strides = array<i32>} : memref<10240xf32, #tpu.memory_space<vmem>>, vector<16xf32>,
    tpu.vector_store %arg11[%swap3A_37], %sub3A_7 {strides = array<i32>} : memref<10240xf32, #tpu.memory_space<vmem>>, vector<16xf32>,
    %swap3A_39 = arith.constant 10096 : index
    %swap3A_40 = tpu.vector_load %arg11[%swap3A_39] {strides = array<i32>} : memref<10240xf32, #tpu.memory_space<vmem>>, vector<16xf32>,
    tpu.vector_store %arg11[%swap3A_39], %sub3A_7 {strides = array<i32>} : memref<10240xf32, #tpu.memory_space<vmem>>, vector<16xf32>,
    %swap3A_41 = arith.constant 10112 : index
    %swap3A_42 = tpu.vector_load %arg11[%swap3A_41] {strides = array<i32>} : memref<10240xf32, #tpu.memory_space<vmem>>, vector<16xf32>,
    tpu.vector_store %arg11[%swap3A_41], %sub3A_7 {strides = array<i32>} : memref<10240xf32, #tpu.memory_space<vmem>>, vector<16xf32>,
    %swap3A_43 = arith.constant 10128 : index
    %swap3A_44 = tpu.vector_load %arg11[%swap3A_43] {strides = array<i32>} : memref<10240xf32, #tpu.memory_space<vmem>>, vector<16xf32>,
    tpu.vector_store %arg11[%swap3A_43], %sub3A_7 {strides = array<i32>} : memref<10240xf32, #tpu.memory_space<vmem>>, vector<16xf32>,
    %swap3A_45 = arith.constant 10144 : index
    %swap3A_46 = tpu.vector_load %arg11[%swap3A_45] {strides = array<i32>} : memref<10240xf32, #tpu.memory_space<vmem>>, vector<16xf32>,
    tpu.vector_store %arg11[%swap3A_45], %sub3A_7 {strides = array<i32>} : memref<10240xf32, #tpu.memory_space<vmem>>, vector<16xf32>,
    %swap3A_47 = arith.constant 10160 : index
    %swap3A_48 = tpu.vector_load %arg11[%swap3A_47] {strides = array<i32>} : memref<10240xf32, #tpu.memory_space<vmem>>, vector<16xf32>,
    tpu.vector_store %arg11[%swap3A_47], %sub3A_7 {strides = array<i32>} : memref<10240xf32, #tpu.memory_space<vmem>>, vector<16xf32>,
    %swap3A_49 = arith.constant 10176 : index
    %swap3A_50 = tpu.vector_load %arg11[%swap3A_49] {strides = array<i32>} : memref<10240xf32, #tpu.memory_space<vmem>>, vector<16xf32>,
    tpu.vector_store %arg11[%swap3A_49], %sub3A_7 {strides = array<i32>} : memref<10240xf32, #tpu.memory_space<vmem>>, vector<16xf32>,
    %swap3A_51 = arith.constant 10192 : index
    %swap3A_52 = tpu.vector_load %arg11[%swap3A_51] {strides = array<i32>} : memref<10240xf32, #tpu.memory_space<vmem>>, vector<16xf32>,
    tpu.vector_store %arg11[%swap3A_51], %sub3A_7 {strides = array<i32>} : memref<10240xf32, #tpu.memory_space<vmem>>, vector<16xf32>,
    %swap3A_53 = arith.constant 10208 : index
    %swap3A_54 = tpu.vector_load %arg11[%swap3A_53] {strides = array<i32>} : memref<10240xf32, #tpu.memory_space<vmem>>, vector<16xf32>,
    tpu.vector_store %arg11[%swap3A_53], %sub3A_7 {strides = array<i32>} : memref<10240xf32, #tpu.memory_space<vmem>>, vector<16xf32>,
    %swap3A_55 = arith.constant 10224 : index
    %swap3A_56 = tpu.vector_load %arg11[%swap3A_55] {strides = array<i32>} : memref<10240xf32, #tpu.memory_space<vmem>>, vector<16xf32>,
    tpu.vector_store %arg11[%swap3A_55], %sub3A_7 {strides = array<i32>} : memref<10240xf32, #tpu.memory_space<vmem>>, vector<16xf32>,
    %mul3A_57 = arith.constant 10240 : i32
    %mul3A_58 = arith.muli %add3A, %mul3A_57 : i32
    "tpu.region"() ({
      %run_scoped3A = tpu.sem_alloc : memref<!tpu.dma_semaphore, #tpu.memory_space<semaphore_mem>>
      %dma_start3A = tpu.memref_slice %arg6[%mul3A_58] : memref<327680xf32, #tpu.memory_space<hbm>> -> memref<10240xf32, #tpu.memory_space<hbm>>
      %dma_start3A_59 = tpu.memref_slice %arg6[%mul3A_58] : memref<327680xf32, #tpu.memory_space<hbm>> -> memref<10240xf32, #tpu.memory_space<hbm>>
      tpu.enqueue_dma source(%arg11 : memref<10240xf32, #tpu.memory_space<vmem>>) target(%dma_start3A_59 : memref<10240xf32, #tpu.memory_space<hbm>>) target_semaphore(%run_scoped3A : memref<!tpu.dma_semaphore, #tpu.memory_space<semaphore_mem>>)
      %dma_wait3A = tpu.memref_slice %arg6[%mul3A_58] : memref<327680xf32, #tpu.memory_space<hbm>> -> memref<10240xf32, #tpu.memory_space<hbm>>
      %dma_wait3A_60 = tpu.memref_slice %arg6[%mul3A_58] : memref<327680xf32, #tpu.memory_space<hbm>> -> memref<10240xf32, #tpu.memory_space<hbm>>
      tpu.wait_dma2 semaphore(%run_scoped3A : memref<!tpu.dma_semaphore, #tpu.memory_space<semaphore_mem>>) src(%arg11 : memref<10240xf32, #tpu.memory_space<vmem>>) dst(%dma_wait3A_60 : memref<10240xf32, #tpu.memory_space<hbm>>)
      tpu.yield
    }) : () -> ()
    return
  }
}

#map = affine_map<(d0, d1) -> (0, 0)>
#map1 = affine_map<(d0, d1) -> (0)>
module attributes {stable_mosaic.version = 14 : i64} {
  func.func @_sc_scatter_body(%arg0: i32, %arg1: i32, %arg2: memref<2560x128xi32, #tpu.memory_space<hbm>>, %arg3: memref<2560x128xi32, #tpu.memory_space<hbm>>, %arg4: memref<327680xf32, #tpu.memory_space<hbm>>, %arg5: memref<10000x64xf32, #tpu.memory_space<hbm>>, %arg6: memref<20000x64xf32, #tpu.memory_space<hbm>>, %arg7: memref<80x128xi32, #tpu.memory_space<vmem>>, %arg8: memref<80x128xi32, #tpu.memory_space<vmem>>, %arg9: memref<10240xf32, #tpu.memory_space<vmem>>, %arg10: memref<128x64xf32, #tpu.memory_space<vmem>>, %arg11: memref<128x64xf32, #tpu.memory_space<vmem>>, %arg12: memref<10000x64xf32, #tpu.memory_space<vmem_shared>>, %arg13: memref<!tpu.dma_semaphore, #tpu.memory_space<semaphore_mem>>, %arg14: memref<!tpu.dma_semaphore, #tpu.memory_space<semaphore_mem>>) attributes {dimension_semantics = [#tpu.dimension_semantics<core_parallel>, #tpu.dimension_semantics<subcore_parallel>], iteration_bounds = array<i64: 2, 16>, scalar_prefetch = 0 : i64, scratch_operands = 8 : i64, tpu.core_type = #tpu.core_type<sc_vector_subcore>, window_params = [{transform_indices = #map}, {transform_indices = #map}, {transform_indices = #map1}, {transform_indices = #map}, {transform_indices = #map}]} {
    %mul3A = arith.constant 2 : i32
    %mul3A_0 = arith.muli %arg1, %mul3A : i32
    %add3A = arith.addi %mul3A_0, %arg0 : i32
    %mul3A_1 = arith.constant 80 : i32
    %mul3A_2 = arith.muli %add3A, %mul3A_1 : i32
    "tpu.region"() ({
      %run_scoped3A = tpu.sem_alloc : memref<!tpu.dma_semaphore, #tpu.memory_space<semaphore_mem>>
      %dma_start3A_49 = arith.constant 0 : i32
      %dma_start3A_50 = tpu.memref_slice %arg2[%mul3A_2, %dma_start3A_49] : memref<2560x128xi32, #tpu.memory_space<hbm>> -> memref<80x128xi32, #tpu.memory_space<hbm>>
      %dma_start3A_51 = arith.constant 0 : i32
      %dma_start3A_52 = tpu.memref_slice %arg2[%mul3A_2, %dma_start3A_51] : memref<2560x128xi32, #tpu.memory_space<hbm>> -> memref<80x128xi32, #tpu.memory_space<hbm>>
      tpu.enqueue_dma source(%dma_start3A_52 : memref<80x128xi32, #tpu.memory_space<hbm>>) target(%arg7 : memref<80x128xi32, #tpu.memory_space<vmem>>) target_semaphore(%run_scoped3A : memref<!tpu.dma_semaphore, #tpu.memory_space<semaphore_mem>>)
      %dma_wait3A = arith.constant 0 : i32
      %dma_wait3A_53 = tpu.memref_slice %arg2[%mul3A_2, %dma_wait3A] : memref<2560x128xi32, #tpu.memory_space<hbm>> -> memref<80x128xi32, #tpu.memory_space<hbm>>
      %dma_wait3A_54 = arith.constant 0 : i32
      %dma_wait3A_55 = tpu.memref_slice %arg2[%mul3A_2, %dma_wait3A_54] : memref<2560x128xi32, #tpu.memory_space<hbm>> -> memref<80x128xi32, #tpu.memory_space<hbm>>
      tpu.wait_dma2 semaphore(%run_scoped3A : memref<!tpu.dma_semaphore, #tpu.memory_space<semaphore_mem>>) src(%dma_wait3A_55 : memref<80x128xi32, #tpu.memory_space<hbm>>) dst(%arg7 : memref<80x128xi32, #tpu.memory_space<vmem>>)
      tpu.yield
    }) : () -> ()
    %mul3A_3 = arith.constant 80 : i32
    %mul3A_4 = arith.muli %add3A, %mul3A_3 : i32
    "tpu.region"() ({
      %run_scoped3A = tpu.sem_alloc : memref<!tpu.dma_semaphore, #tpu.memory_space<semaphore_mem>>
      %dma_start3A_49 = arith.constant 0 : i32
      %dma_start3A_50 = tpu.memref_slice %arg3[%mul3A_4, %dma_start3A_49] : memref<2560x128xi32, #tpu.memory_space<hbm>> -> memref<80x128xi32, #tpu.memory_space<hbm>>
      %dma_start3A_51 = arith.constant 0 : i32
      %dma_start3A_52 = tpu.memref_slice %arg3[%mul3A_4, %dma_start3A_51] : memref<2560x128xi32, #tpu.memory_space<hbm>> -> memref<80x128xi32, #tpu.memory_space<hbm>>
      tpu.enqueue_dma source(%dma_start3A_52 : memref<80x128xi32, #tpu.memory_space<hbm>>) target(%arg8 : memref<80x128xi32, #tpu.memory_space<vmem>>) target_semaphore(%run_scoped3A : memref<!tpu.dma_semaphore, #tpu.memory_space<semaphore_mem>>)
      %dma_wait3A = arith.constant 0 : i32
      %dma_wait3A_53 = tpu.memref_slice %arg3[%mul3A_4, %dma_wait3A] : memref<2560x128xi32, #tpu.memory_space<hbm>> -> memref<80x128xi32, #tpu.memory_space<hbm>>
      %dma_wait3A_54 = arith.constant 0 : i32
      %dma_wait3A_55 = tpu.memref_slice %arg3[%mul3A_4, %dma_wait3A_54] : memref<2560x128xi32, #tpu.memory_space<hbm>> -> memref<80x128xi32, #tpu.memory_space<hbm>>
      tpu.wait_dma2 semaphore(%run_scoped3A : memref<!tpu.dma_semaphore, #tpu.memory_space<semaphore_mem>>) src(%dma_wait3A_55 : memref<80x128xi32, #tpu.memory_space<hbm>>) dst(%arg8 : memref<80x128xi32, #tpu.memory_space<vmem>>)
      tpu.yield
    }) : () -> ()
    %mul3A_5 = arith.constant 10240 : i32
    %mul3A_6 = arith.muli %add3A, %mul3A_5 : i32
    "tpu.region"() ({
      %run_scoped3A = tpu.sem_alloc : memref<!tpu.dma_semaphore, #tpu.memory_space<semaphore_mem>>
      %dma_start3A_49 = tpu.memref_slice %arg4[%mul3A_6] : memref<327680xf32, #tpu.memory_space<hbm>> -> memref<10240xf32, #tpu.memory_space<hbm>>
      %dma_start3A_50 = tpu.memref_slice %arg4[%mul3A_6] : memref<327680xf32, #tpu.memory_space<hbm>> -> memref<10240xf32, #tpu.memory_space<hbm>>
      tpu.enqueue_dma source(%dma_start3A_50 : memref<10240xf32, #tpu.memory_space<hbm>>) target(%arg9 : memref<10240xf32, #tpu.memory_space<vmem>>) target_semaphore(%run_scoped3A : memref<!tpu.dma_semaphore, #tpu.memory_space<semaphore_mem>>)
      %dma_wait3A = tpu.memref_slice %arg4[%mul3A_6] : memref<327680xf32, #tpu.memory_space<hbm>> -> memref<10240xf32, #tpu.memory_space<hbm>>
      %dma_wait3A_51 = tpu.memref_slice %arg4[%mul3A_6] : memref<327680xf32, #tpu.memory_space<hbm>> -> memref<10240xf32, #tpu.memory_space<hbm>>
      tpu.wait_dma2 semaphore(%run_scoped3A : memref<!tpu.dma_semaphore, #tpu.memory_space<semaphore_mem>>) src(%dma_wait3A_51 : memref<10240xf32, #tpu.memory_space<hbm>>) dst(%arg9 : memref<10240xf32, #tpu.memory_space<vmem>>)
      tpu.yield
    }) : () -> ()
    %broadcast_in_dim3A = arith.constant 0.000000e+00 : f32
    %broadcast_in_dim3A_7 = vector.broadcast %broadcast_in_dim3A : f32 to vector<16xf32>
    %scan3A = arith.constant 0 : i32
    %scan3A_8 = arith.constant 128 : i32
    %scan3A_9 = arith.addi %scan3A, %scan3A_8 : i32
    %scan3A_10 = arith.constant 1 : i32
    scf.for %scan3A_49 = %scan3A to %scan3A_9 step %scan3A_10  : i32 {
      %mul3A_50 = arith.constant 1 : i32
      %mul3A_51 = arith.muli %scan3A_49, %mul3A_50 : i32
      %add3A_52 = arith.constant 0 : i32
      %add3A_53 = arith.addi %add3A_52, %mul3A_51 : i32
      %swap3A = arith.index_cast %add3A_53 : i32 to index
      %swap3A_54 = arith.constant 0 : index
      %swap3A_55 = tpu.vector_load %arg10[%swap3A, %swap3A_54] {strides = array<i32>} : memref<128x64xf32, #tpu.memory_space<vmem>>, vector<16xf32>,
      tpu.vector_store %arg10[%swap3A, %swap3A_54], %broadcast_in_dim3A_7 {strides = array<i32>} : memref<128x64xf32, #tpu.memory_space<vmem>>, vector<16xf32>,
      %swap3A_56 = arith.index_cast %add3A_53 : i32 to index
      %swap3A_57 = arith.constant 16 : index
      %swap3A_58 = tpu.vector_load %arg10[%swap3A_56, %swap3A_57] {strides = array<i32>} : memref<128x64xf32, #tpu.memory_space<vmem>>, vector<16xf32>,
      tpu.vector_store %arg10[%swap3A_56, %swap3A_57], %broadcast_in_dim3A_7 {strides = array<i32>} : memref<128x64xf32, #tpu.memory_space<vmem>>, vector<16xf32>,
      %swap3A_59 = arith.index_cast %add3A_53 : i32 to index
      %swap3A_60 = arith.constant 32 : index
      %swap3A_61 = tpu.vector_load %arg10[%swap3A_59, %swap3A_60] {strides = array<i32>} : memref<128x64xf32, #tpu.memory_space<vmem>>, vector<16xf32>,
      tpu.vector_store %arg10[%swap3A_59, %swap3A_60], %broadcast_in_dim3A_7 {strides = array<i32>} : memref<128x64xf32, #tpu.memory_space<vmem>>, vector<16xf32>,
      %swap3A_62 = arith.index_cast %add3A_53 : i32 to index
      %swap3A_63 = arith.constant 48 : index
      %swap3A_64 = tpu.vector_load %arg10[%swap3A_62, %swap3A_63] {strides = array<i32>} : memref<128x64xf32, #tpu.memory_space<vmem>>, vector<16xf32>,
      tpu.vector_store %arg10[%swap3A_62, %swap3A_63], %broadcast_in_dim3A_7 {strides = array<i32>} : memref<128x64xf32, #tpu.memory_space<vmem>>, vector<16xf32>,
    }
    %scan3A_11 = arith.constant 128 : i32
    %scan3A_12 = arith.constant 0 : i32
    %scan3A_13 = arith.constant 4 : i32
    %scan3A_14 = arith.addi %scan3A_12, %scan3A_13 : i32
    %scan3A_15 = arith.constant 1 : i32
    scf.for %scan3A_49 = %scan3A_12 to %scan3A_14 step %scan3A_15  : i32 {
      %mul3A_50 = arith.constant 1 : i32
      %mul3A_51 = arith.muli %scan3A_49, %mul3A_50 : i32
      %add3A_52 = arith.constant 0 : i32
      %add3A_53 = arith.addi %add3A_52, %mul3A_51 : i32
      %mul3A_54 = arith.constant 625 : i32
      %mul3A_55 = arith.muli %arg1, %mul3A_54 : i32
      %mul3A_56 = arith.constant 128 : i32
      %mul3A_57 = arith.muli %add3A_53, %mul3A_56 : i32
      %add3A_58 = arith.addi %mul3A_55, %mul3A_57 : i32
      "tpu.region"() ({
        %run_scoped3A = tpu.sem_alloc : memref<!tpu.dma_semaphore, #tpu.memory_space<semaphore_mem>>
        %dma_start3A_59 = arith.constant 0 : i32
        %dma_start3A_60 = tpu.memref_slice %arg12[%add3A_58, %dma_start3A_59] : memref<10000x64xf32, #tpu.memory_space<vmem_shared>> -> memref<128x64xf32, #tpu.memory_space<vmem_shared>>
        %dma_start3A_61 = arith.constant 0 : i32
        %dma_start3A_62 = tpu.memref_slice %arg12[%add3A_58, %dma_start3A_61] : memref<10000x64xf32, #tpu.memory_space<vmem_shared>> -> memref<128x64xf32, #tpu.memory_space<vmem_shared>>
        tpu.enqueue_dma source(%arg10 : memref<128x64xf32, #tpu.memory_space<vmem>>) target(%dma_start3A_62 : memref<128x64xf32, #tpu.memory_space<vmem_shared>>) target_semaphore(%run_scoped3A : memref<!tpu.dma_semaphore, #tpu.memory_space<semaphore_mem>>)
        %dma_wait3A = arith.constant 0 : i32
        %dma_wait3A_63 = tpu.memref_slice %arg12[%add3A_58, %dma_wait3A] : memref<10000x64xf32, #tpu.memory_space<vmem_shared>> -> memref<128x64xf32, #tpu.memory_space<vmem_shared>>
        %dma_wait3A_64 = arith.constant 0 : i32
        %dma_wait3A_65 = tpu.memref_slice %arg12[%add3A_58, %dma_wait3A_64] : memref<10000x64xf32, #tpu.memory_space<vmem_shared>> -> memref<128x64xf32, #tpu.memory_space<vmem_shared>>
        tpu.wait_dma2 semaphore(%run_scoped3A : memref<!tpu.dma_semaphore, #tpu.memory_space<semaphore_mem>>) src(%arg10 : memref<128x64xf32, #tpu.memory_space<vmem>>) dst(%dma_wait3A_65 : memref<128x64xf32, #tpu.memory_space<vmem_shared>>)
        tpu.yield
      }) : () -> ()
    }
    %scan3A_16 = arith.constant 4 : i32
    %mul3A_17 = arith.constant 625 : i32
    %mul3A_18 = arith.muli %arg1, %mul3A_17 : i32
    %add3A_19 = arith.constant 512 : i32
    %add3A_20 = arith.addi %mul3A_18, %add3A_19 : i32
    "tpu.region"() ({
      %run_scoped3A = tpu.sem_alloc : memref<!tpu.dma_semaphore, #tpu.memory_space<semaphore_mem>>
      %dma_start3A_49 = arith.constant 0 : i32
      %dma_start3A_50 = arith.constant 0 : i32
      %dma_start3A_51 = tpu.memref_slice %arg10[%dma_start3A_49, %dma_start3A_50] : memref<128x64xf32, #tpu.memory_space<vmem>> -> memref<113x64xf32, #tpu.memory_space<vmem>>
      %dma_start3A_52 = arith.constant 0 : i32
      %dma_start3A_53 = tpu.memref_slice %arg12[%add3A_20, %dma_start3A_52] : memref<10000x64xf32, #tpu.memory_space<vmem_shared>> -> memref<113x64xf32, #tpu.memory_space<vmem_shared>>
      %dma_start3A_54 = arith.constant 0 : i32
      %dma_start3A_55 = tpu.memref_slice %arg12[%add3A_20, %dma_start3A_54] : memref<10000x64xf32, #tpu.memory_space<vmem_shared>> -> memref<113x64xf32, #tpu.memory_space<vmem_shared>>
      %dma_start3A_56 = arith.constant 0 : i32
      %dma_start3A_57 = arith.constant 0 : i32
      %dma_start3A_58 = tpu.memref_slice %arg10[%dma_start3A_56, %dma_start3A_57] : memref<128x64xf32, #tpu.memory_space<vmem>> -> memref<113x64xf32, #tpu.memory_space<vmem>>
      tpu.enqueue_dma source(%dma_start3A_58 : memref<113x64xf32, #tpu.memory_space<vmem>>) target(%dma_start3A_55 : memref<113x64xf32, #tpu.memory_space<vmem_shared>>) target_semaphore(%run_scoped3A : memref<!tpu.dma_semaphore, #tpu.memory_space<semaphore_mem>>)
      %dma_wait3A = arith.constant 0 : i32
      %dma_wait3A_59 = arith.constant 0 : i32
      %dma_wait3A_60 = tpu.memref_slice %arg10[%dma_wait3A, %dma_wait3A_59] : memref<128x64xf32, #tpu.memory_space<vmem>> -> memref<113x64xf32, #tpu.memory_space<vmem>>
      %dma_wait3A_61 = arith.constant 0 : i32
      %dma_wait3A_62 = tpu.memref_slice %arg12[%add3A_20, %dma_wait3A_61] : memref<10000x64xf32, #tpu.memory_space<vmem_shared>> -> memref<113x64xf32, #tpu.memory_space<vmem_shared>>
      %dma_wait3A_63 = arith.constant 0 : i32
      %dma_wait3A_64 = tpu.memref_slice %arg12[%add3A_20, %dma_wait3A_63] : memref<10000x64xf32, #tpu.memory_space<vmem_shared>> -> memref<113x64xf32, #tpu.memory_space<vmem_shared>>
      %dma_wait3A_65 = arith.constant 0 : i32
      %dma_wait3A_66 = arith.constant 0 : i32
      %dma_wait3A_67 = tpu.memref_slice %arg10[%dma_wait3A_65, %dma_wait3A_66] : memref<128x64xf32, #tpu.memory_space<vmem>> -> memref<113x64xf32, #tpu.memory_space<vmem>>
      tpu.wait_dma2 semaphore(%run_scoped3A : memref<!tpu.dma_semaphore, #tpu.memory_space<semaphore_mem>>) src(%dma_wait3A_67 : memref<113x64xf32, #tpu.memory_space<vmem>>) dst(%dma_wait3A_64 : memref<113x64xf32, #tpu.memory_space<vmem_shared>>)
      tpu.yield
    }) : () -> ()
    %barrier3A = arith.constant 0 : index
    tpu.barrier barrier_id(%barrier3A)
    %dma_start3A = arith.constant 0 : i32
    %dma_start3A_21 = arith.constant 0 : i32
    %dma_start3A_22 = tpu.memref_slice %arg7[%dma_start3A, %dma_start3A_21] : memref<80x128xi32, #tpu.memory_space<vmem>> -> memref<1x128xi32, #tpu.memory_space<vmem>>
    %dma_start3A_23 = tpu.memref_squeeze %dma_start3A_22 : memref<1x128xi32, #tpu.memory_space<vmem>> -> memref<128xi32, #tpu.memory_space<vmem>>
    %dma_start3A_24 = arith.constant 0 : i32
    %dma_start3A_25 = arith.constant 0 : i32
    %dma_start3A_26 = tpu.memref_slice %arg5[%dma_start3A_24, %dma_start3A_25] : memref<10000x64xf32, #tpu.memory_space<hbm>> -> memref<10000x64xf32, #tpu.memory_space<hbm>>
    tpu.enqueue_indirect_dma source(%dma_start3A_26 : memref<10000x64xf32, #tpu.memory_space<hbm>>) target(%arg10 : memref<128x64xf32, #tpu.memory_space<vmem>>) offsets(%dma_start3A_23 : memref<128xi32, #tpu.memory_space<vmem>>) semaphore(%arg13 : memref<!tpu.dma_semaphore, #tpu.memory_space<semaphore_mem>>)
    %scan3A_27 = arith.constant 0 : i32
    %scan3A_28 = arith.constant 40 : i32
    %scan3A_29 = arith.addi %scan3A_27, %scan3A_28 : i32
    %scan3A_30 = arith.constant 1 : i32
    scf.for %scan3A_49 = %scan3A_27 to %scan3A_29 step %scan3A_30  : i32 {
      %mul3A_50 = arith.constant 2 : i32
      %mul3A_51 = arith.muli %scan3A_49, %mul3A_50 : i32
      %add3A_52 = arith.constant 0 : i32
      %add3A_53 = arith.addi %add3A_52, %mul3A_51 : i32
      %add3A_54 = arith.constant 1 : i32
      %add3A_55 = arith.addi %add3A_53, %add3A_54 : i32
      %dma_start3A_56 = arith.constant 0 : i32
      %dma_start3A_57 = tpu.memref_slice %arg7[%add3A_55, %dma_start3A_56] : memref<80x128xi32, #tpu.memory_space<vmem>> -> memref<1x128xi32, #tpu.memory_space<vmem>>
      %dma_start3A_58 = tpu.memref_squeeze %dma_start3A_57 : memref<1x128xi32, #tpu.memory_space<vmem>> -> memref<128xi32, #tpu.memory_space<vmem>>
      %dma_start3A_59 = arith.constant 0 : i32
      %dma_start3A_60 = arith.constant 0 : i32
      %dma_start3A_61 = tpu.memref_slice %arg5[%dma_start3A_59, %dma_start3A_60] : memref<10000x64xf32, #tpu.memory_space<hbm>> -> memref<10000x64xf32, #tpu.memory_space<hbm>>
      tpu.enqueue_indirect_dma source(%dma_start3A_61 : memref<10000x64xf32, #tpu.memory_space<hbm>>) target(%arg11 : memref<128x64xf32, #tpu.memory_space<vmem>>) offsets(%dma_start3A_58 : memref<128xi32, #tpu.memory_space<vmem>>) semaphore(%arg14 : memref<!tpu.dma_semaphore, #tpu.memory_space<semaphore_mem>>)
      %dma_wait3A = arith.constant 0 : i32
      %dma_wait3A_62 = arith.constant 0 : i32
      %dma_wait3A_63 = tpu.memref_slice %arg7[%dma_wait3A, %dma_wait3A_62] : memref<80x128xi32, #tpu.memory_space<vmem>> -> memref<1x128xi32, #tpu.memory_space<vmem>>
      %dma_wait3A_64 = tpu.memref_squeeze %dma_wait3A_63 : memref<1x128xi32, #tpu.memory_space<vmem>> -> memref<128xi32, #tpu.memory_space<vmem>>
      %dma_wait3A_65 = arith.constant 0 : i32
      %dma_wait3A_66 = arith.constant 0 : i32
      %dma_wait3A_67 = tpu.memref_slice %arg5[%dma_wait3A_65, %dma_wait3A_66] : memref<10000x64xf32, #tpu.memory_space<hbm>> -> memref<10000x64xf32, #tpu.memory_space<hbm>>
      tpu.wait_indirect_dma semaphore(%arg13 : memref<!tpu.dma_semaphore, #tpu.memory_space<semaphore_mem>>) src(%dma_wait3A_67 : memref<10000x64xf32, #tpu.memory_space<hbm>>) dst(%arg10 : memref<128x64xf32, #tpu.memory_space<vmem>>)
      %mul3A_68 = arith.constant 128 : i32
      %mul3A_69 = arith.muli %add3A_53, %mul3A_68 : i32
      %scan3A_70 = arith.constant 0 : i32
      %scan3A_71 = arith.constant 128 : i32
      %scan3A_72 = arith.addi %scan3A_70, %scan3A_71 : i32
      %scan3A_73 = arith.constant 1 : i32
      scf.for %scan3A_97 = %scan3A_70 to %scan3A_72 step %scan3A_73  : i32 {
        %mul3A_98 = arith.constant 1 : i32
        %mul3A_99 = arith.muli %scan3A_97, %mul3A_98 : i32
        %add3A_100 = arith.constant 0 : i32
        %add3A_101 = arith.addi %add3A_100, %mul3A_99 : i32
        %broadcast_in_dim3A_102 = arith.constant 0 : i32
        %broadcast_in_dim3A_103 = vector.broadcast %broadcast_in_dim3A_102 : i32 to vector<16xi32>
        %add3A_104 = arith.addi %mul3A_69, %add3A_101 : i32
        %add3A_105 = vector.broadcast %add3A_104 : i32 to vector<16xi32>
        %add3A_106 = arith.addi %broadcast_in_dim3A_103, %add3A_105 : vector<16xi32>
        %gather3A = tpu.vector_load_idx %arg9[%add3A_106] : memref<10240xf32, #tpu.memory_space<vmem>>[vector<16xi32>], vector<16xf32>,
        %get3A = arith.index_cast %add3A_101 : i32 to index
        %get3A_107 = arith.constant 0 : index
        %get3A_108 = tpu.vector_load %arg10[%get3A, %get3A_107] {strides = array<i32>} : memref<128x64xf32, #tpu.memory_space<vmem>>, vector<16xf32>,
        %mul3A_109 = arith.mulf %get3A_108, %gather3A : vector<16xf32>
        %swap3A = arith.index_cast %add3A_101 : i32 to index
        %swap3A_110 = arith.constant 0 : index
        %swap3A_111 = tpu.vector_load %arg10[%swap3A, %swap3A_110] {strides = array<i32>} : memref<128x64xf32, #tpu.memory_space<vmem>>, vector<16xf32>,
        tpu.vector_store %arg10[%swap3A, %swap3A_110], %mul3A_109 {strides = array<i32>} : memref<128x64xf32, #tpu.memory_space<vmem>>, vector<16xf32>,
        %get3A_112 = arith.index_cast %add3A_101 : i32 to index
        %get3A_113 = arith.constant 16 : index
        %get3A_114 = tpu.vector_load %arg10[%get3A_112, %get3A_113] {strides = array<i32>} : memref<128x64xf32, #tpu.memory_space<vmem>>, vector<16xf32>,
        %mul3A_115 = arith.mulf %get3A_114, %gather3A : vector<16xf32>
        %swap3A_116 = arith.index_cast %add3A_101 : i32 to index
        %swap3A_117 = arith.constant 16 : index
        %swap3A_118 = tpu.vector_load %arg10[%swap3A_116, %swap3A_117] {strides = array<i32>} : memref<128x64xf32, #tpu.memory_space<vmem>>, vector<16xf32>,
        tpu.vector_store %arg10[%swap3A_116, %swap3A_117], %mul3A_115 {strides = array<i32>} : memref<128x64xf32, #tpu.memory_space<vmem>>, vector<16xf32>,
        %get3A_119 = arith.index_cast %add3A_101 : i32 to index
        %get3A_120 = arith.constant 32 : index
        %get3A_121 = tpu.vector_load %arg10[%get3A_119, %get3A_120] {strides = array<i32>} : memref<128x64xf32, #tpu.memory_space<vmem>>, vector<16xf32>,
        %mul3A_122 = arith.mulf %get3A_121, %gather3A : vector<16xf32>
        %swap3A_123 = arith.index_cast %add3A_101 : i32 to index
        %swap3A_124 = arith.constant 32 : index
        %swap3A_125 = tpu.vector_load %arg10[%swap3A_123, %swap3A_124] {strides = array<i32>} : memref<128x64xf32, #tpu.memory_space<vmem>>, vector<16xf32>,
        tpu.vector_store %arg10[%swap3A_123, %swap3A_124], %mul3A_122 {strides = array<i32>} : memref<128x64xf32, #tpu.memory_space<vmem>>, vector<16xf32>,
        %get3A_126 = arith.index_cast %add3A_101 : i32 to index
        %get3A_127 = arith.constant 48 : index
        %get3A_128 = tpu.vector_load %arg10[%get3A_126, %get3A_127] {strides = array<i32>} : memref<128x64xf32, #tpu.memory_space<vmem>>, vector<16xf32>,
        %mul3A_129 = arith.mulf %get3A_128, %gather3A : vector<16xf32>
        %swap3A_130 = arith.index_cast %add3A_101 : i32 to index
        %swap3A_131 = arith.constant 48 : index
        %swap3A_132 = tpu.vector_load %arg10[%swap3A_130, %swap3A_131] {strides = array<i32>} : memref<128x64xf32, #tpu.memory_space<vmem>>, vector<16xf32>,
        tpu.vector_store %arg10[%swap3A_130, %swap3A_131], %mul3A_129 {strides = array<i32>} : memref<128x64xf32, #tpu.memory_space<vmem>>, vector<16xf32>,
      }
      %scan3A_74 = arith.constant 128 : i32
      "tpu.region"() ({
        %run_scoped3A = tpu.sem_alloc : memref<!tpu.dma_semaphore, #tpu.memory_space<semaphore_mem>>
        %dma_start3A_97 = arith.constant 0 : i32
        %dma_start3A_98 = tpu.memref_slice %arg8[%add3A_53, %dma_start3A_97] : memref<80x128xi32, #tpu.memory_space<vmem>> -> memref<1x128xi32, #tpu.memory_space<vmem>>
        %dma_start3A_99 = tpu.memref_squeeze %dma_start3A_98 : memref<1x128xi32, #tpu.memory_space<vmem>> -> memref<128xi32, #tpu.memory_space<vmem>>
        %dma_start3A_100 = arith.constant 0 : i32
        %dma_start3A_101 = arith.constant 0 : i32
        %dma_start3A_102 = tpu.memref_slice %arg12[%dma_start3A_100, %dma_start3A_101] : memref<10000x64xf32, #tpu.memory_space<vmem_shared>> -> memref<10000x64xf32, #tpu.memory_space<vmem_shared>>
        tpu.enqueue_indirect_dma source(%arg10 : memref<128x64xf32, #tpu.memory_space<vmem>>) target(%dma_start3A_102 : memref<10000x64xf32, #tpu.memory_space<vmem_shared>>) offsets(%dma_start3A_99 : memref<128xi32, #tpu.memory_space<vmem>>) semaphore(%run_scoped3A : memref<!tpu.dma_semaphore, #tpu.memory_space<semaphore_mem>>) {add = true}
        %dma_wait3A_103 = arith.constant 0 : i32
        %dma_wait3A_104 = tpu.memref_slice %arg8[%add3A_53, %dma_wait3A_103] : memref<80x128xi32, #tpu.memory_space<vmem>> -> memref<1x128xi32, #tpu.memory_space<vmem>>
        %dma_wait3A_105 = tpu.memref_squeeze %dma_wait3A_104 : memref<1x128xi32, #tpu.memory_space<vmem>> -> memref<128xi32, #tpu.memory_space<vmem>>
        %dma_wait3A_106 = arith.constant 0 : i32
        %dma_wait3A_107 = arith.constant 0 : i32
        %dma_wait3A_108 = tpu.memref_slice %arg12[%dma_wait3A_106, %dma_wait3A_107] : memref<10000x64xf32, #tpu.memory_space<vmem_shared>> -> memref<10000x64xf32, #tpu.memory_space<vmem_shared>>
        tpu.wait_indirect_dma semaphore(%run_scoped3A : memref<!tpu.dma_semaphore, #tpu.memory_space<semaphore_mem>>) src(%arg10 : memref<128x64xf32, #tpu.memory_space<vmem>>) dst(%dma_wait3A_108 : memref<10000x64xf32, #tpu.memory_space<vmem_shared>>)
        tpu.yield
      }) : () -> ()
      %add3A_75 = arith.constant 2 : i32
      %add3A_76 = arith.addi %add3A_53, %add3A_75 : i32
      %lt3A = arith.constant 80 : i32
      %lt3A_77 = arith.cmpi slt, %add3A_76, %lt3A : i32
      %convert_element_type3A = arith.extui %lt3A_77 : i1 to i32
      %cond3A = arith.constant 0 : i32
      %cond3A_78 = arith.cmpi ne, %convert_element_type3A, %cond3A : i32
      scf.if %cond3A_78 {
        %add3A_97 = arith.constant 2 : i32
        %add3A_98 = arith.addi %add3A_53, %add3A_97 : i32
        %dma_start3A_99 = arith.constant 0 : i32
        %dma_start3A_100 = tpu.memref_slice %arg7[%add3A_98, %dma_start3A_99] : memref<80x128xi32, #tpu.memory_space<vmem>> -> memref<1x128xi32, #tpu.memory_space<vmem>>
        %dma_start3A_101 = tpu.memref_squeeze %dma_start3A_100 : memref<1x128xi32, #tpu.memory_space<vmem>> -> memref<128xi32, #tpu.memory_space<vmem>>
        %dma_start3A_102 = arith.constant 0 : i32
        %dma_start3A_103 = arith.constant 0 : i32
        %dma_start3A_104 = tpu.memref_slice %arg5[%dma_start3A_102, %dma_start3A_103] : memref<10000x64xf32, #tpu.memory_space<hbm>> -> memref<10000x64xf32, #tpu.memory_space<hbm>>
        tpu.enqueue_indirect_dma source(%dma_start3A_104 : memref<10000x64xf32, #tpu.memory_space<hbm>>) target(%arg10 : memref<128x64xf32, #tpu.memory_space<vmem>>) offsets(%dma_start3A_101 : memref<128xi32, #tpu.memory_space<vmem>>) semaphore(%arg13 : memref<!tpu.dma_semaphore, #tpu.memory_space<semaphore_mem>>)
      } else {
      }
      %dma_wait3A_79 = arith.constant 0 : i32
      %dma_wait3A_80 = arith.constant 0 : i32
      %dma_wait3A_81 = tpu.memref_slice %arg7[%dma_wait3A_79, %dma_wait3A_80] : memref<80x128xi32, #tpu.memory_space<vmem>> -> memref<1x128xi32, #tpu.memory_space<vmem>>
      %dma_wait3A_82 = tpu.memref_squeeze %dma_wait3A_81 : memref<1x128xi32, #tpu.memory_space<vmem>> -> memref<128xi32, #tpu.memory_space<vmem>>
      %dma_wait3A_83 = arith.constant 0 : i32
      %dma_wait3A_84 = arith.constant 0 : i32
      %dma_wait3A_85 = tpu.memref_slice %arg5[%dma_wait3A_83, %dma_wait3A_84] : memref<10000x64xf32, #tpu.memory_space<hbm>> -> memref<10000x64xf32, #tpu.memory_space<hbm>>
      tpu.wait_indirect_dma semaphore(%arg14 : memref<!tpu.dma_semaphore, #tpu.memory_space<semaphore_mem>>) src(%dma_wait3A_85 : memref<10000x64xf32, #tpu.memory_space<hbm>>) dst(%arg11 : memref<128x64xf32, #tpu.memory_space<vmem>>)
      %add3A_86 = arith.constant 1 : i32
      %add3A_87 = arith.addi %add3A_53, %add3A_86 : i32
      %mul3A_88 = arith.constant 128 : i32
      %mul3A_89 = arith.muli %add3A_87, %mul3A_88 : i32
      %scan3A_90 = arith.constant 0 : i32
      %scan3A_91 = arith.constant 128 : i32
      %scan3A_92 = arith.addi %scan3A_90, %scan3A_91 : i32
      %scan3A_93 = arith.constant 1 : i32
      scf.for %scan3A_97 = %scan3A_90 to %scan3A_92 step %scan3A_93  : i32 {
        %mul3A_98 = arith.constant 1 : i32
        %mul3A_99 = arith.muli %scan3A_97, %mul3A_98 : i32
        %add3A_100 = arith.constant 0 : i32
        %add3A_101 = arith.addi %add3A_100, %mul3A_99 : i32
        %broadcast_in_dim3A_102 = arith.constant 0 : i32
        %broadcast_in_dim3A_103 = vector.broadcast %broadcast_in_dim3A_102 : i32 to vector<16xi32>
        %add3A_104 = arith.addi %mul3A_89, %add3A_101 : i32
        %add3A_105 = vector.broadcast %add3A_104 : i32 to vector<16xi32>
        %add3A_106 = arith.addi %broadcast_in_dim3A_103, %add3A_105 : vector<16xi32>
        %gather3A = tpu.vector_load_idx %arg9[%add3A_106] : memref<10240xf32, #tpu.memory_space<vmem>>[vector<16xi32>], vector<16xf32>,
        %get3A = arith.index_cast %add3A_101 : i32 to index
        %get3A_107 = arith.constant 0 : index
        %get3A_108 = tpu.vector_load %arg11[%get3A, %get3A_107] {strides = array<i32>} : memref<128x64xf32, #tpu.memory_space<vmem>>, vector<16xf32>,
        %mul3A_109 = arith.mulf %get3A_108, %gather3A : vector<16xf32>
        %swap3A = arith.index_cast %add3A_101 : i32 to index
        %swap3A_110 = arith.constant 0 : index
        %swap3A_111 = tpu.vector_load %arg11[%swap3A, %swap3A_110] {strides = array<i32>} : memref<128x64xf32, #tpu.memory_space<vmem>>, vector<16xf32>,
        tpu.vector_store %arg11[%swap3A, %swap3A_110], %mul3A_109 {strides = array<i32>} : memref<128x64xf32, #tpu.memory_space<vmem>>, vector<16xf32>,
        %get3A_112 = arith.index_cast %add3A_101 : i32 to index
        %get3A_113 = arith.constant 16 : index
        %get3A_114 = tpu.vector_load %arg11[%get3A_112, %get3A_113] {strides = array<i32>} : memref<128x64xf32, #tpu.memory_space<vmem>>, vector<16xf32>,
        %mul3A_115 = arith.mulf %get3A_114, %gather3A : vector<16xf32>
        %swap3A_116 = arith.index_cast %add3A_101 : i32 to index
        %swap3A_117 = arith.constant 16 : index
        %swap3A_118 = tpu.vector_load %arg11[%swap3A_116, %swap3A_117] {strides = array<i32>} : memref<128x64xf32, #tpu.memory_space<vmem>>, vector<16xf32>,
        tpu.vector_store %arg11[%swap3A_116, %swap3A_117], %mul3A_115 {strides = array<i32>} : memref<128x64xf32, #tpu.memory_space<vmem>>, vector<16xf32>,
        %get3A_119 = arith.index_cast %add3A_101 : i32 to index
        %get3A_120 = arith.constant 32 : index
        %get3A_121 = tpu.vector_load %arg11[%get3A_119, %get3A_120] {strides = array<i32>} : memref<128x64xf32, #tpu.memory_space<vmem>>, vector<16xf32>,
        %mul3A_122 = arith.mulf %get3A_121, %gather3A : vector<16xf32>
        %swap3A_123 = arith.index_cast %add3A_101 : i32 to index
        %swap3A_124 = arith.constant 32 : index
        %swap3A_125 = tpu.vector_load %arg11[%swap3A_123, %swap3A_124] {strides = array<i32>} : memref<128x64xf32, #tpu.memory_space<vmem>>, vector<16xf32>,
        tpu.vector_store %arg11[%swap3A_123, %swap3A_124], %mul3A_122 {strides = array<i32>} : memref<128x64xf32, #tpu.memory_space<vmem>>, vector<16xf32>,
        %get3A_126 = arith.index_cast %add3A_101 : i32 to index
        %get3A_127 = arith.constant 48 : index
        %get3A_128 = tpu.vector_load %arg11[%get3A_126, %get3A_127] {strides = array<i32>} : memref<128x64xf32, #tpu.memory_space<vmem>>, vector<16xf32>,
        %mul3A_129 = arith.mulf %get3A_128, %gather3A : vector<16xf32>
        %swap3A_130 = arith.index_cast %add3A_101 : i32 to index
        %swap3A_131 = arith.constant 48 : index
        %swap3A_132 = tpu.vector_load %arg11[%swap3A_130, %swap3A_131] {strides = array<i32>} : memref<128x64xf32, #tpu.memory_space<vmem>>, vector<16xf32>,
        tpu.vector_store %arg11[%swap3A_130, %swap3A_131], %mul3A_129 {strides = array<i32>} : memref<128x64xf32, #tpu.memory_space<vmem>>, vector<16xf32>,
      }
      %scan3A_94 = arith.constant 128 : i32
      %add3A_95 = arith.constant 1 : i32
      %add3A_96 = arith.addi %add3A_53, %add3A_95 : i32
      "tpu.region"() ({
        %run_scoped3A = tpu.sem_alloc : memref<!tpu.dma_semaphore, #tpu.memory_space<semaphore_mem>>
        %dma_start3A_97 = arith.constant 0 : i32
        %dma_start3A_98 = tpu.memref_slice %arg8[%add3A_96, %dma_start3A_97] : memref<80x128xi32, #tpu.memory_space<vmem>> -> memref<1x128xi32, #tpu.memory_space<vmem>>
        %dma_start3A_99 = tpu.memref_squeeze %dma_start3A_98 : memref<1x128xi32, #tpu.memory_space<vmem>> -> memref<128xi32, #tpu.memory_space<vmem>>
        %dma_start3A_100 = arith.constant 0 : i32
        %dma_start3A_101 = arith.constant 0 : i32
        %dma_start3A_102 = tpu.memref_slice %arg12[%dma_start3A_100, %dma_start3A_101] : memref<10000x64xf32, #tpu.memory_space<vmem_shared>> -> memref<10000x64xf32, #tpu.memory_space<vmem_shared>>
        tpu.enqueue_indirect_dma source(%arg11 : memref<128x64xf32, #tpu.memory_space<vmem>>) target(%dma_start3A_102 : memref<10000x64xf32, #tpu.memory_space<vmem_shared>>) offsets(%dma_start3A_99 : memref<128xi32, #tpu.memory_space<vmem>>) semaphore(%run_scoped3A : memref<!tpu.dma_semaphore, #tpu.memory_space<semaphore_mem>>) {add = true}
        %dma_wait3A_103 = arith.constant 0 : i32
        %dma_wait3A_104 = tpu.memref_slice %arg8[%add3A_96, %dma_wait3A_103] : memref<80x128xi32, #tpu.memory_space<vmem>> -> memref<1x128xi32, #tpu.memory_space<vmem>>
        %dma_wait3A_105 = tpu.memref_squeeze %dma_wait3A_104 : memref<1x128xi32, #tpu.memory_space<vmem>> -> memref<128xi32, #tpu.memory_space<vmem>>
        %dma_wait3A_106 = arith.constant 0 : i32
        %dma_wait3A_107 = arith.constant 0 : i32
        %dma_wait3A_108 = tpu.memref_slice %arg12[%dma_wait3A_106, %dma_wait3A_107] : memref<10000x64xf32, #tpu.memory_space<vmem_shared>> -> memref<10000x64xf32, #tpu.memory_space<vmem_shared>>
        tpu.wait_indirect_dma semaphore(%run_scoped3A : memref<!tpu.dma_semaphore, #tpu.memory_space<semaphore_mem>>) src(%arg11 : memref<128x64xf32, #tpu.memory_space<vmem>>) dst(%dma_wait3A_108 : memref<10000x64xf32, #tpu.memory_space<vmem_shared>>)
        tpu.yield
      }) : () -> ()
    }
    %scan3A_31 = arith.constant 40 : i32
    %barrier3A_32 = arith.constant 0 : index
    tpu.barrier barrier_id(%barrier3A_32)
    %mul3A_33 = arith.constant 10000 : i32
    %mul3A_34 = arith.muli %arg0, %mul3A_33 : i32
    %mul3A_35 = arith.constant 625 : i32
    %mul3A_36 = arith.muli %arg1, %mul3A_35 : i32
    %add3A_37 = arith.addi %mul3A_34, %mul3A_36 : i32
    %scan3A_38 = arith.constant 0 : i32
    %scan3A_39 = arith.constant 4 : i32
    %scan3A_40 = arith.addi %scan3A_38, %scan3A_39 : i32
    %scan3A_41 = arith.constant 1 : i32
    scf.for %scan3A_49 = %scan3A_38 to %scan3A_40 step %scan3A_41  : i32 {
      %mul3A_50 = arith.constant 1 : i32
      %mul3A_51 = arith.muli %scan3A_49, %mul3A_50 : i32
      %add3A_52 = arith.constant 0 : i32
      %add3A_53 = arith.addi %add3A_52, %mul3A_51 : i32
      %mul3A_54 = arith.constant 625 : i32
      %mul3A_55 = arith.muli %arg1, %mul3A_54 : i32
      %mul3A_56 = arith.constant 128 : i32
      %mul3A_57 = arith.muli %add3A_53, %mul3A_56 : i32
      %add3A_58 = arith.addi %mul3A_55, %mul3A_57 : i32
      "tpu.region"() ({
        %run_scoped3A = tpu.sem_alloc : memref<!tpu.dma_semaphore, #tpu.memory_space<semaphore_mem>>
        %dma_start3A_62 = arith.constant 0 : i32
        %dma_start3A_63 = tpu.memref_slice %arg12[%add3A_58, %dma_start3A_62] : memref<10000x64xf32, #tpu.memory_space<vmem_shared>> -> memref<128x64xf32, #tpu.memory_space<vmem_shared>>
        %dma_start3A_64 = arith.constant 0 : i32
        %dma_start3A_65 = tpu.memref_slice %arg12[%add3A_58, %dma_start3A_64] : memref<10000x64xf32, #tpu.memory_space<vmem_shared>> -> memref<128x64xf32, #tpu.memory_space<vmem_shared>>
        tpu.enqueue_dma source(%dma_start3A_65 : memref<128x64xf32, #tpu.memory_space<vmem_shared>>) target(%arg10 : memref<128x64xf32, #tpu.memory_space<vmem>>) target_semaphore(%run_scoped3A : memref<!tpu.dma_semaphore, #tpu.memory_space<semaphore_mem>>)
        %dma_wait3A = arith.constant 0 : i32
        %dma_wait3A_66 = tpu.memref_slice %arg12[%add3A_58, %dma_wait3A] : memref<10000x64xf32, #tpu.memory_space<vmem_shared>> -> memref<128x64xf32, #tpu.memory_space<vmem_shared>>
        %dma_wait3A_67 = arith.constant 0 : i32
        %dma_wait3A_68 = tpu.memref_slice %arg12[%add3A_58, %dma_wait3A_67] : memref<10000x64xf32, #tpu.memory_space<vmem_shared>> -> memref<128x64xf32, #tpu.memory_space<vmem_shared>>
        tpu.wait_dma2 semaphore(%run_scoped3A : memref<!tpu.dma_semaphore, #tpu.memory_space<semaphore_mem>>) src(%dma_wait3A_68 : memref<128x64xf32, #tpu.memory_space<vmem_shared>>) dst(%arg10 : memref<128x64xf32, #tpu.memory_space<vmem>>)
        tpu.yield
      }) : () -> ()
      %mul3A_59 = arith.constant 128 : i32
      %mul3A_60 = arith.muli %add3A_53, %mul3A_59 : i32
      %add3A_61 = arith.addi %add3A_37, %mul3A_60 : i32
      "tpu.region"() ({
        %run_scoped3A = tpu.sem_alloc : memref<!tpu.dma_semaphore, #tpu.memory_space<semaphore_mem>>
        %dma_start3A_62 = arith.constant 0 : i32
        %dma_start3A_63 = tpu.memref_slice %arg6[%add3A_61, %dma_start3A_62] : memref<20000x64xf32, #tpu.memory_space<hbm>> -> memref<128x64xf32, #tpu.memory_space<hbm>>
        %dma_start3A_64 = arith.constant 0 : i32
        %dma_start3A_65 = tpu.memref_slice %arg6[%add3A_61, %dma_start3A_64] : memref<20000x64xf32, #tpu.memory_space<hbm>> -> memref<128x64xf32, #tpu.memory_space<hbm>>
        tpu.enqueue_dma source(%arg10 : memref<128x64xf32, #tpu.memory_space<vmem>>) target(%dma_start3A_65 : memref<128x64xf32, #tpu.memory_space<hbm>>) target_semaphore(%run_scoped3A : memref<!tpu.dma_semaphore, #tpu.memory_space<semaphore_mem>>)
        %dma_wait3A = arith.constant 0 : i32
        %dma_wait3A_66 = tpu.memref_slice %arg6[%add3A_61, %dma_wait3A] : memref<20000x64xf32, #tpu.memory_space<hbm>> -> memref<128x64xf32, #tpu.memory_space<hbm>>
        %dma_wait3A_67 = arith.constant 0 : i32
        %dma_wait3A_68 = tpu.memref_slice %arg6[%add3A_61, %dma_wait3A_67] : memref<20000x64xf32, #tpu.memory_space<hbm>> -> memref<128x64xf32, #tpu.memory_space<hbm>>
        tpu.wait_dma2 semaphore(%run_scoped3A : memref<!tpu.dma_semaphore, #tpu.memory_space<semaphore_mem>>) src(%arg10 : memref<128x64xf32, #tpu.memory_space<vmem>>) dst(%dma_wait3A_68 : memref<128x64xf32, #tpu.memory_space<hbm>>)
        tpu.yield
      }) : () -> ()
    }
    %scan3A_42 = arith.constant 4 : i32
    %mul3A_43 = arith.constant 625 : i32
    %mul3A_44 = arith.muli %arg1, %mul3A_43 : i32
    %add3A_45 = arith.constant 512 : i32
    %add3A_46 = arith.addi %mul3A_44, %add3A_45 : i32
    "tpu.region"() ({
      %run_scoped3A = tpu.sem_alloc : memref<!tpu.dma_semaphore, #tpu.memory_space<semaphore_mem>>
      %dma_start3A_49 = arith.constant 0 : i32
      %dma_start3A_50 = arith.constant 0 : i32
      %dma_start3A_51 = tpu.memref_slice %arg10[%dma_start3A_49, %dma_start3A_50] : memref<128x64xf32, #tpu.memory_space<vmem>> -> memref<113x64xf32, #tpu.memory_space<vmem>>
      %dma_start3A_52 = arith.constant 0 : i32
      %dma_start3A_53 = tpu.memref_slice %arg12[%add3A_46, %dma_start3A_52] : memref<10000x64xf32, #tpu.memory_space<vmem_shared>> -> memref<113x64xf32, #tpu.memory_space<vmem_shared>>
      %dma_start3A_54 = arith.constant 0 : i32
      %dma_start3A_55 = arith.constant 0 : i32
      %dma_start3A_56 = tpu.memref_slice %arg10[%dma_start3A_54, %dma_start3A_55] : memref<128x64xf32, #tpu.memory_space<vmem>> -> memref<113x64xf32, #tpu.memory_space<vmem>>
      %dma_start3A_57 = arith.constant 0 : i32
      %dma_start3A_58 = tpu.memref_slice %arg12[%add3A_46, %dma_start3A_57] : memref<10000x64xf32, #tpu.memory_space<vmem_shared>> -> memref<113x64xf32, #tpu.memory_space<vmem_shared>>
      tpu.enqueue_dma source(%dma_start3A_58 : memref<113x64xf32, #tpu.memory_space<vmem_shared>>) target(%dma_start3A_56 : memref<113x64xf32, #tpu.memory_space<vmem>>) target_semaphore(%run_scoped3A : memref<!tpu.dma_semaphore, #tpu.memory_space<semaphore_mem>>)
      %dma_wait3A = arith.constant 0 : i32
      %dma_wait3A_59 = arith.constant 0 : i32
      %dma_wait3A_60 = tpu.memref_slice %arg10[%dma_wait3A, %dma_wait3A_59] : memref<128x64xf32, #tpu.memory_space<vmem>> -> memref<113x64xf32, #tpu.memory_space<vmem>>
      %dma_wait3A_61 = arith.constant 0 : i32
      %dma_wait3A_62 = tpu.memref_slice %arg12[%add3A_46, %dma_wait3A_61] : memref<10000x64xf32, #tpu.memory_space<vmem_shared>> -> memref<113x64xf32, #tpu.memory_space<vmem_shared>>
      %dma_wait3A_63 = arith.constant 0 : i32
      %dma_wait3A_64 = arith.constant 0 : i32
      %dma_wait3A_65 = tpu.memref_slice %arg10[%dma_wait3A_63, %dma_wait3A_64] : memref<128x64xf32, #tpu.memory_space<vmem>> -> memref<113x64xf32, #tpu.memory_space<vmem>>
      %dma_wait3A_66 = arith.constant 0 : i32
      %dma_wait3A_67 = tpu.memref_slice %arg12[%add3A_46, %dma_wait3A_66] : memref<10000x64xf32, #tpu.memory_space<vmem_shared>> -> memref<113x64xf32, #tpu.memory_space<vmem_shared>>
      tpu.wait_dma2 semaphore(%run_scoped3A : memref<!tpu.dma_semaphore, #tpu.memory_space<semaphore_mem>>) src(%dma_wait3A_67 : memref<113x64xf32, #tpu.memory_space<vmem_shared>>) dst(%dma_wait3A_65 : memref<113x64xf32, #tpu.memory_space<vmem>>)
      tpu.yield
    }) : () -> ()
    %add3A_47 = arith.constant 512 : i32
    %add3A_48 = arith.addi %add3A_37, %add3A_47 : i32
    "tpu.region"() ({
      %run_scoped3A = tpu.sem_alloc : memref<!tpu.dma_semaphore, #tpu.memory_space<semaphore_mem>>
      %dma_start3A_49 = arith.constant 0 : i32
      %dma_start3A_50 = arith.constant 0 : i32
      %dma_start3A_51 = tpu.memref_slice %arg10[%dma_start3A_49, %dma_start3A_50] : memref<128x64xf32, #tpu.memory_space<vmem>> -> memref<113x64xf32, #tpu.memory_space<vmem>>
      %dma_start3A_52 = arith.constant 0 : i32
      %dma_start3A_53 = tpu.memref_slice %arg6[%add3A_48, %dma_start3A_52] : memref<20000x64xf32, #tpu.memory_space<hbm>> -> memref<113x64xf32, #tpu.memory_space<hbm>>
      %dma_start3A_54 = arith.constant 0 : i32
      %dma_start3A_55 = tpu.memref_slice %arg6[%add3A_48, %dma_start3A_54] : memref<20000x64xf32, #tpu.memory_space<hbm>> -> memref<113x64xf32, #tpu.memory_space<hbm>>
      %dma_start3A_56 = arith.constant 0 : i32
      %dma_start3A_57 = arith.constant 0 : i32
      %dma_start3A_58 = tpu.memref_slice %arg10[%dma_start3A_56, %dma_start3A_57] : memref<128x64xf32, #tpu.memory_space<vmem>> -> memref<113x64xf32, #tpu.memory_space<vmem>>
      tpu.enqueue_dma source(%dma_start3A_58 : memref<113x64xf32, #tpu.memory_space<vmem>>) target(%dma_start3A_55 : memref<113x64xf32, #tpu.memory_space<hbm>>) target_semaphore(%run_scoped3A : memref<!tpu.dma_semaphore, #tpu.memory_space<semaphore_mem>>)
      %dma_wait3A = arith.constant 0 : i32
      %dma_wait3A_59 = arith.constant 0 : i32
      %dma_wait3A_60 = tpu.memref_slice %arg10[%dma_wait3A, %dma_wait3A_59] : memref<128x64xf32, #tpu.memory_space<vmem>> -> memref<113x64xf32, #tpu.memory_space<vmem>>
      %dma_wait3A_61 = arith.constant 0 : i32
      %dma_wait3A_62 = tpu.memref_slice %arg6[%add3A_48, %dma_wait3A_61] : memref<20000x64xf32, #tpu.memory_space<hbm>> -> memref<113x64xf32, #tpu.memory_space<hbm>>
      %dma_wait3A_63 = arith.constant 0 : i32
      %dma_wait3A_64 = tpu.memref_slice %arg6[%add3A_48, %dma_wait3A_63] : memref<20000x64xf32, #tpu.memory_space<hbm>> -> memref<113x64xf32, #tpu.memory_space<hbm>>
      %dma_wait3A_65 = arith.constant 0 : i32
      %dma_wait3A_66 = arith.constant 0 : i32
      %dma_wait3A_67 = tpu.memref_slice %arg10[%dma_wait3A_65, %dma_wait3A_66] : memref<128x64xf32, #tpu.memory_space<vmem>> -> memref<113x64xf32, #tpu.memory_space<vmem>>
      tpu.wait_dma2 semaphore(%run_scoped3A : memref<!tpu.dma_semaphore, #tpu.memory_space<semaphore_mem>>) src(%dma_wait3A_67 : memref<113x64xf32, #tpu.memory_space<vmem>>) dst(%dma_wait3A_64 : memref<113x64xf32, #tpu.memory_space<hbm>>)
      tpu.yield
    }) : () -> ()
    return
  }
}

#map = affine_map<(d0, d1) -> (0, 0)>
module attributes {stable_mosaic.version = 14 : i64} {
  func.func @_sc_gather_body(%arg0: i32, %arg1: i32, %arg2: memref<2560x128xi32, #tpu.memory_space<hbm>>, %arg3: memref<2560x128xi32, #tpu.memory_space<hbm>>, %arg4: memref<10000x64xf32, #tpu.memory_space<hbm>>, %arg5: memref<10000x64xf32, #tpu.memory_space<hbm>>, %arg6: memref<327680x64xf32, #tpu.memory_space<hbm>>, %arg7: memref<80x128xi32, #tpu.memory_space<vmem>>, %arg8: memref<80x128xi32, #tpu.memory_space<vmem>>, %arg9: memref<128x64xf32, #tpu.memory_space<vmem>>, %arg10: memref<128x64xf32, #tpu.memory_space<vmem>>, %arg11: memref<128x64xf32, #tpu.memory_space<vmem>>, %arg12: memref<128x64xf32, #tpu.memory_space<vmem>>, %arg13: memref<!tpu.dma_semaphore, #tpu.memory_space<semaphore_mem>>, %arg14: memref<!tpu.dma_semaphore, #tpu.memory_space<semaphore_mem>>, %arg15: memref<!tpu.dma_semaphore, #tpu.memory_space<semaphore_mem>>, %arg16: memref<!tpu.dma_semaphore, #tpu.memory_space<semaphore_mem>>) attributes {dimension_semantics = [#tpu.dimension_semantics<core_parallel>, #tpu.dimension_semantics<subcore_parallel>], iteration_bounds = array<i64: 2, 16>, scalar_prefetch = 0 : i64, scratch_operands = 10 : i64, tpu.core_type = #tpu.core_type<sc_vector_subcore>, window_params = [{transform_indices = #map}, {transform_indices = #map}, {transform_indices = #map}, {transform_indices = #map}, {transform_indices = #map}]} {
    %mul3A = arith.constant 2 : i32
    %mul3A_0 = arith.muli %arg1, %mul3A : i32
    %add3A = arith.addi %mul3A_0, %arg0 : i32
    %mul3A_1 = arith.constant 80 : i32
    %mul3A_2 = arith.muli %add3A, %mul3A_1 : i32
    "tpu.region"() ({
      %run_scoped3A = tpu.sem_alloc : memref<!tpu.dma_semaphore, #tpu.memory_space<semaphore_mem>>
      %dma_start3A_22 = arith.constant 0 : i32
      %dma_start3A_23 = tpu.memref_slice %arg2[%mul3A_2, %dma_start3A_22] : memref<2560x128xi32, #tpu.memory_space<hbm>> -> memref<80x128xi32, #tpu.memory_space<hbm>>
      %dma_start3A_24 = arith.constant 0 : i32
      %dma_start3A_25 = tpu.memref_slice %arg2[%mul3A_2, %dma_start3A_24] : memref<2560x128xi32, #tpu.memory_space<hbm>> -> memref<80x128xi32, #tpu.memory_space<hbm>>
      tpu.enqueue_dma source(%dma_start3A_25 : memref<80x128xi32, #tpu.memory_space<hbm>>) target(%arg7 : memref<80x128xi32, #tpu.memory_space<vmem>>) target_semaphore(%run_scoped3A : memref<!tpu.dma_semaphore, #tpu.memory_space<semaphore_mem>>)
      %dma_wait3A = arith.constant 0 : i32
      %dma_wait3A_26 = tpu.memref_slice %arg2[%mul3A_2, %dma_wait3A] : memref<2560x128xi32, #tpu.memory_space<hbm>> -> memref<80x128xi32, #tpu.memory_space<hbm>>
      %dma_wait3A_27 = arith.constant 0 : i32
      %dma_wait3A_28 = tpu.memref_slice %arg2[%mul3A_2, %dma_wait3A_27] : memref<2560x128xi32, #tpu.memory_space<hbm>> -> memref<80x128xi32, #tpu.memory_space<hbm>>
      tpu.wait_dma2 semaphore(%run_scoped3A : memref<!tpu.dma_semaphore, #tpu.memory_space<semaphore_mem>>) src(%dma_wait3A_28 : memref<80x128xi32, #tpu.memory_space<hbm>>) dst(%arg7 : memref<80x128xi32, #tpu.memory_space<vmem>>)
      tpu.yield
    }) : () -> ()
    %mul3A_3 = arith.constant 80 : i32
    %mul3A_4 = arith.muli %add3A, %mul3A_3 : i32
    "tpu.region"() ({
      %run_scoped3A = tpu.sem_alloc : memref<!tpu.dma_semaphore, #tpu.memory_space<semaphore_mem>>
      %dma_start3A_22 = arith.constant 0 : i32
      %dma_start3A_23 = tpu.memref_slice %arg3[%mul3A_4, %dma_start3A_22] : memref<2560x128xi32, #tpu.memory_space<hbm>> -> memref<80x128xi32, #tpu.memory_space<hbm>>
      %dma_start3A_24 = arith.constant 0 : i32
      %dma_start3A_25 = tpu.memref_slice %arg3[%mul3A_4, %dma_start3A_24] : memref<2560x128xi32, #tpu.memory_space<hbm>> -> memref<80x128xi32, #tpu.memory_space<hbm>>
      tpu.enqueue_dma source(%dma_start3A_25 : memref<80x128xi32, #tpu.memory_space<hbm>>) target(%arg8 : memref<80x128xi32, #tpu.memory_space<vmem>>) target_semaphore(%run_scoped3A : memref<!tpu.dma_semaphore, #tpu.memory_space<semaphore_mem>>)
      %dma_wait3A = arith.constant 0 : i32
      %dma_wait3A_26 = tpu.memref_slice %arg3[%mul3A_4, %dma_wait3A] : memref<2560x128xi32, #tpu.memory_space<hbm>> -> memref<80x128xi32, #tpu.memory_space<hbm>>
      %dma_wait3A_27 = arith.constant 0 : i32
      %dma_wait3A_28 = tpu.memref_slice %arg3[%mul3A_4, %dma_wait3A_27] : memref<2560x128xi32, #tpu.memory_space<hbm>> -> memref<80x128xi32, #tpu.memory_space<hbm>>
      tpu.wait_dma2 semaphore(%run_scoped3A : memref<!tpu.dma_semaphore, #tpu.memory_space<semaphore_mem>>) src(%dma_wait3A_28 : memref<80x128xi32, #tpu.memory_space<hbm>>) dst(%arg8 : memref<80x128xi32, #tpu.memory_space<vmem>>)
      tpu.yield
    }) : () -> ()
    %dma_start3A = arith.constant 0 : i32
    %dma_start3A_5 = arith.constant 0 : i32
    %dma_start3A_6 = tpu.memref_slice %arg7[%dma_start3A, %dma_start3A_5] : memref<80x128xi32, #tpu.memory_space<vmem>> -> memref<1x128xi32, #tpu.memory_space<vmem>>
    %dma_start3A_7 = tpu.memref_squeeze %dma_start3A_6 : memref<1x128xi32, #tpu.memory_space<vmem>> -> memref<128xi32, #tpu.memory_space<vmem>>
    %dma_start3A_8 = arith.constant 0 : i32
    %dma_start3A_9 = arith.constant 0 : i32
    %dma_start3A_10 = tpu.memref_slice %arg4[%dma_start3A_8, %dma_start3A_9] : memref<10000x64xf32, #tpu.memory_space<hbm>> -> memref<10000x64xf32, #tpu.memory_space<hbm>>
    tpu.enqueue_indirect_dma source(%dma_start3A_10 : memref<10000x64xf32, #tpu.memory_space<hbm>>) target(%arg9 : memref<128x64xf32, #tpu.memory_space<vmem>>) offsets(%dma_start3A_7 : memref<128xi32, #tpu.memory_space<vmem>>) semaphore(%arg13 : memref<!tpu.dma_semaphore, #tpu.memory_space<semaphore_mem>>)
    %dma_start3A_11 = arith.constant 0 : i32
    %dma_start3A_12 = arith.constant 0 : i32
    %dma_start3A_13 = tpu.memref_slice %arg8[%dma_start3A_11, %dma_start3A_12] : memref<80x128xi32, #tpu.memory_space<vmem>> -> memref<1x128xi32, #tpu.memory_space<vmem>>
    %dma_start3A_14 = tpu.memref_squeeze %dma_start3A_13 : memref<1x128xi32, #tpu.memory_space<vmem>> -> memref<128xi32, #tpu.memory_space<vmem>>
    %dma_start3A_15 = arith.constant 0 : i32
    %dma_start3A_16 = arith.constant 0 : i32
    %dma_start3A_17 = tpu.memref_slice %arg5[%dma_start3A_15, %dma_start3A_16] : memref<10000x64xf32, #tpu.memory_space<hbm>> -> memref<10000x64xf32, #tpu.memory_space<hbm>>
    tpu.enqueue_indirect_dma source(%dma_start3A_17 : memref<10000x64xf32, #tpu.memory_space<hbm>>) target(%arg10 : memref<128x64xf32, #tpu.memory_space<vmem>>) offsets(%dma_start3A_14 : memref<128xi32, #tpu.memory_space<vmem>>) semaphore(%arg14 : memref<!tpu.dma_semaphore, #tpu.memory_space<semaphore_mem>>)
    %scan3A = arith.constant 0 : i32
    %scan3A_18 = arith.constant 40 : i32
    %scan3A_19 = arith.addi %scan3A, %scan3A_18 : i32
    %scan3A_20 = arith.constant 1 : i32
    scf.for %scan3A_22 = %scan3A to %scan3A_19 step %scan3A_20  : i32 {
      %mul3A_23 = arith.constant 2 : i32
      %mul3A_24 = arith.muli %scan3A_22, %mul3A_23 : i32
      %add3A_25 = arith.constant 0 : i32
      %add3A_26 = arith.addi %add3A_25, %mul3A_24 : i32
      %add3A_27 = arith.constant 1 : i32
      %add3A_28 = arith.addi %add3A_26, %add3A_27 : i32
      %dma_start3A_29 = arith.constant 0 : i32
      %dma_start3A_30 = tpu.memref_slice %arg7[%add3A_28, %dma_start3A_29] : memref<80x128xi32, #tpu.memory_space<vmem>> -> memref<1x128xi32, #tpu.memory_space<vmem>>
      %dma_start3A_31 = tpu.memref_squeeze %dma_start3A_30 : memref<1x128xi32, #tpu.memory_space<vmem>> -> memref<128xi32, #tpu.memory_space<vmem>>
      %dma_start3A_32 = arith.constant 0 : i32
      %dma_start3A_33 = arith.constant 0 : i32
      %dma_start3A_34 = tpu.memref_slice %arg4[%dma_start3A_32, %dma_start3A_33] : memref<10000x64xf32, #tpu.memory_space<hbm>> -> memref<10000x64xf32, #tpu.memory_space<hbm>>
      tpu.enqueue_indirect_dma source(%dma_start3A_34 : memref<10000x64xf32, #tpu.memory_space<hbm>>) target(%arg11 : memref<128x64xf32, #tpu.memory_space<vmem>>) offsets(%dma_start3A_31 : memref<128xi32, #tpu.memory_space<vmem>>) semaphore(%arg15 : memref<!tpu.dma_semaphore, #tpu.memory_space<semaphore_mem>>)
      %dma_start3A_35 = arith.constant 0 : i32
      %dma_start3A_36 = tpu.memref_slice %arg8[%add3A_28, %dma_start3A_35] : memref<80x128xi32, #tpu.memory_space<vmem>> -> memref<1x128xi32, #tpu.memory_space<vmem>>
      %dma_start3A_37 = tpu.memref_squeeze %dma_start3A_36 : memref<1x128xi32, #tpu.memory_space<vmem>> -> memref<128xi32, #tpu.memory_space<vmem>>
      %dma_start3A_38 = arith.constant 0 : i32
      %dma_start3A_39 = arith.constant 0 : i32
      %dma_start3A_40 = tpu.memref_slice %arg5[%dma_start3A_38, %dma_start3A_39] : memref<10000x64xf32, #tpu.memory_space<hbm>> -> memref<10000x64xf32, #tpu.memory_space<hbm>>
      tpu.enqueue_indirect_dma source(%dma_start3A_40 : memref<10000x64xf32, #tpu.memory_space<hbm>>) target(%arg12 : memref<128x64xf32, #tpu.memory_space<vmem>>) offsets(%dma_start3A_37 : memref<128xi32, #tpu.memory_space<vmem>>) semaphore(%arg16 : memref<!tpu.dma_semaphore, #tpu.memory_space<semaphore_mem>>)
      %dma_wait3A = arith.constant 0 : i32
      %dma_wait3A_41 = arith.constant 0 : i32
      %dma_wait3A_42 = tpu.memref_slice %arg7[%dma_wait3A, %dma_wait3A_41] : memref<80x128xi32, #tpu.memory_space<vmem>> -> memref<1x128xi32, #tpu.memory_space<vmem>>
      %dma_wait3A_43 = tpu.memref_squeeze %dma_wait3A_42 : memref<1x128xi32, #tpu.memory_space<vmem>> -> memref<128xi32, #tpu.memory_space<vmem>>
      %dma_wait3A_44 = arith.constant 0 : i32
      %dma_wait3A_45 = arith.constant 0 : i32
      %dma_wait3A_46 = tpu.memref_slice %arg4[%dma_wait3A_44, %dma_wait3A_45] : memref<10000x64xf32, #tpu.memory_space<hbm>> -> memref<10000x64xf32, #tpu.memory_space<hbm>>
      tpu.wait_indirect_dma semaphore(%arg13 : memref<!tpu.dma_semaphore, #tpu.memory_space<semaphore_mem>>) src(%dma_wait3A_46 : memref<10000x64xf32, #tpu.memory_space<hbm>>) dst(%arg9 : memref<128x64xf32, #tpu.memory_space<vmem>>)
      %dma_wait3A_47 = arith.constant 0 : i32
      %dma_wait3A_48 = arith.constant 0 : i32
      %dma_wait3A_49 = tpu.memref_slice %arg8[%dma_wait3A_47, %dma_wait3A_48] : memref<80x128xi32, #tpu.memory_space<vmem>> -> memref<1x128xi32, #tpu.memory_space<vmem>>
      %dma_wait3A_50 = tpu.memref_squeeze %dma_wait3A_49 : memref<1x128xi32, #tpu.memory_space<vmem>> -> memref<128xi32, #tpu.memory_space<vmem>>
      %dma_wait3A_51 = arith.constant 0 : i32
      %dma_wait3A_52 = arith.constant 0 : i32
      %dma_wait3A_53 = tpu.memref_slice %arg5[%dma_wait3A_51, %dma_wait3A_52] : memref<10000x64xf32, #tpu.memory_space<hbm>> -> memref<10000x64xf32, #tpu.memory_space<hbm>>
      tpu.wait_indirect_dma semaphore(%arg14 : memref<!tpu.dma_semaphore, #tpu.memory_space<semaphore_mem>>) src(%dma_wait3A_53 : memref<10000x64xf32, #tpu.memory_space<hbm>>) dst(%arg10 : memref<128x64xf32, #tpu.memory_space<vmem>>)
      %scan3A_54 = arith.constant 0 : i32
      %scan3A_55 = arith.constant 128 : i32
      %scan3A_56 = arith.addi %scan3A_54, %scan3A_55 : i32
      %scan3A_57 = arith.constant 1 : i32
      scf.for %scan3A_94 = %scan3A_54 to %scan3A_56 step %scan3A_57  : i32 {
        %mul3A_95 = arith.constant 1 : i32
        %mul3A_96 = arith.muli %scan3A_94, %mul3A_95 : i32
        %add3A_97 = arith.constant 0 : i32
        %add3A_98 = arith.addi %add3A_97, %mul3A_96 : i32
        %get3A = arith.index_cast %add3A_98 : i32 to index
        %get3A_99 = arith.constant 0 : index
        %get3A_100 = tpu.vector_load %arg9[%get3A, %get3A_99] {strides = array<i32>} : memref<128x64xf32, #tpu.memory_space<vmem>>, vector<16xf32>,
        %get3A_101 = arith.index_cast %add3A_98 : i32 to index
        %get3A_102 = arith.constant 0 : index
        %get3A_103 = tpu.vector_load %arg10[%get3A_101, %get3A_102] {strides = array<i32>} : memref<128x64xf32, #tpu.memory_space<vmem>>, vector<16xf32>,
        %add3A_104 = arith.addf %get3A_100, %get3A_103 : vector<16xf32>
        %swap3A = arith.index_cast %add3A_98 : i32 to index
        %swap3A_105 = arith.constant 0 : index
        %swap3A_106 = tpu.vector_load %arg9[%swap3A, %swap3A_105] {strides = array<i32>} : memref<128x64xf32, #tpu.memory_space<vmem>>, vector<16xf32>,
        tpu.vector_store %arg9[%swap3A, %swap3A_105], %add3A_104 {strides = array<i32>} : memref<128x64xf32, #tpu.memory_space<vmem>>, vector<16xf32>,
        %get3A_107 = arith.index_cast %add3A_98 : i32 to index
        %get3A_108 = arith.constant 16 : index
        %get3A_109 = tpu.vector_load %arg9[%get3A_107, %get3A_108] {strides = array<i32>} : memref<128x64xf32, #tpu.memory_space<vmem>>, vector<16xf32>,
        %get3A_110 = arith.index_cast %add3A_98 : i32 to index
        %get3A_111 = arith.constant 16 : index
        %get3A_112 = tpu.vector_load %arg10[%get3A_110, %get3A_111] {strides = array<i32>} : memref<128x64xf32, #tpu.memory_space<vmem>>, vector<16xf32>,
        %add3A_113 = arith.addf %get3A_109, %get3A_112 : vector<16xf32>
        %swap3A_114 = arith.index_cast %add3A_98 : i32 to index
        %swap3A_115 = arith.constant 16 : index
        %swap3A_116 = tpu.vector_load %arg9[%swap3A_114, %swap3A_115] {strides = array<i32>} : memref<128x64xf32, #tpu.memory_space<vmem>>, vector<16xf32>,
        tpu.vector_store %arg9[%swap3A_114, %swap3A_115], %add3A_113 {strides = array<i32>} : memref<128x64xf32, #tpu.memory_space<vmem>>, vector<16xf32>,
        %get3A_117 = arith.index_cast %add3A_98 : i32 to index
        %get3A_118 = arith.constant 32 : index
        %get3A_119 = tpu.vector_load %arg9[%get3A_117, %get3A_118] {strides = array<i32>} : memref<128x64xf32, #tpu.memory_space<vmem>>, vector<16xf32>,
        %get3A_120 = arith.index_cast %add3A_98 : i32 to index
        %get3A_121 = arith.constant 32 : index
        %get3A_122 = tpu.vector_load %arg10[%get3A_120, %get3A_121] {strides = array<i32>} : memref<128x64xf32, #tpu.memory_space<vmem>>, vector<16xf32>,
        %add3A_123 = arith.addf %get3A_119, %get3A_122 : vector<16xf32>
        %swap3A_124 = arith.index_cast %add3A_98 : i32 to index
        %swap3A_125 = arith.constant 32 : index
        %swap3A_126 = tpu.vector_load %arg9[%swap3A_124, %swap3A_125] {strides = array<i32>} : memref<128x64xf32, #tpu.memory_space<vmem>>, vector<16xf32>,
        tpu.vector_store %arg9[%swap3A_124, %swap3A_125], %add3A_123 {strides = array<i32>} : memref<128x64xf32, #tpu.memory_space<vmem>>, vector<16xf32>,
        %get3A_127 = arith.index_cast %add3A_98 : i32 to index
        %get3A_128 = arith.constant 48 : index
        %get3A_129 = tpu.vector_load %arg9[%get3A_127, %get3A_128] {strides = array<i32>} : memref<128x64xf32, #tpu.memory_space<vmem>>, vector<16xf32>,
        %get3A_130 = arith.index_cast %add3A_98 : i32 to index
        %get3A_131 = arith.constant 48 : index
        %get3A_132 = tpu.vector_load %arg10[%get3A_130, %get3A_131] {strides = array<i32>} : memref<128x64xf32, #tpu.memory_space<vmem>>, vector<16xf32>,
        %add3A_133 = arith.addf %get3A_129, %get3A_132 : vector<16xf32>
        %swap3A_134 = arith.index_cast %add3A_98 : i32 to index
        %swap3A_135 = arith.constant 48 : index
        %swap3A_136 = tpu.vector_load %arg9[%swap3A_134, %swap3A_135] {strides = array<i32>} : memref<128x64xf32, #tpu.memory_space<vmem>>, vector<16xf32>,
        tpu.vector_store %arg9[%swap3A_134, %swap3A_135], %add3A_133 {strides = array<i32>} : memref<128x64xf32, #tpu.memory_space<vmem>>, vector<16xf32>,
      }
      %scan3A_58 = arith.constant 128 : i32
      %mul3A_59 = arith.constant 10240 : i32
      %mul3A_60 = arith.muli %add3A, %mul3A_59 : i32
      %mul3A_61 = arith.constant 128 : i32
      %mul3A_62 = arith.muli %add3A_26, %mul3A_61 : i32
      %add3A_63 = arith.addi %mul3A_60, %mul3A_62 : i32
      "tpu.region"() ({
        %run_scoped3A = tpu.sem_alloc : memref<!tpu.dma_semaphore, #tpu.memory_space<semaphore_mem>>
        %dma_start3A_94 = arith.constant 0 : i32
        %dma_start3A_95 = tpu.memref_slice %arg6[%add3A_63, %dma_start3A_94] : memref<327680x64xf32, #tpu.memory_space<hbm>> -> memref<128x64xf32, #tpu.memory_space<hbm>>
        %dma_start3A_96 = arith.constant 0 : i32
        %dma_start3A_97 = tpu.memref_slice %arg6[%add3A_63, %dma_start3A_96] : memref<327680x64xf32, #tpu.memory_space<hbm>> -> memref<128x64xf32, #tpu.memory_space<hbm>>
        tpu.enqueue_dma source(%arg9 : memref<128x64xf32, #tpu.memory_space<vmem>>) target(%dma_start3A_97 : memref<128x64xf32, #tpu.memory_space<hbm>>) target_semaphore(%run_scoped3A : memref<!tpu.dma_semaphore, #tpu.memory_space<semaphore_mem>>)
        %dma_wait3A_98 = arith.constant 0 : i32
        %dma_wait3A_99 = tpu.memref_slice %arg6[%add3A_63, %dma_wait3A_98] : memref<327680x64xf32, #tpu.memory_space<hbm>> -> memref<128x64xf32, #tpu.memory_space<hbm>>
        %dma_wait3A_100 = arith.constant 0 : i32
        %dma_wait3A_101 = tpu.memref_slice %arg6[%add3A_63, %dma_wait3A_100] : memref<327680x64xf32, #tpu.memory_space<hbm>> -> memref<128x64xf32, #tpu.memory_space<hbm>>
        tpu.wait_dma2 semaphore(%run_scoped3A : memref<!tpu.dma_semaphore, #tpu.memory_space<semaphore_mem>>) src(%arg9 : memref<128x64xf32, #tpu.memory_space<vmem>>) dst(%dma_wait3A_101 : memref<128x64xf32, #tpu.memory_space<hbm>>)
        tpu.yield
      }) : () -> ()
      %add3A_64 = arith.constant 2 : i32
      %add3A_65 = arith.addi %add3A_26, %add3A_64 : i32
      %lt3A = arith.constant 80 : i32
      %lt3A_66 = arith.cmpi slt, %add3A_65, %lt3A : i32
      %convert_element_type3A = arith.extui %lt3A_66 : i1 to i32
      %cond3A = arith.constant 0 : i32
      %cond3A_67 = arith.cmpi ne, %convert_element_type3A, %cond3A : i32
      scf.if %cond3A_67 {
        %add3A_94 = arith.constant 2 : i32
        %add3A_95 = arith.addi %add3A_26, %add3A_94 : i32
        %dma_start3A_96 = arith.constant 0 : i32
        %dma_start3A_97 = tpu.memref_slice %arg7[%add3A_95, %dma_start3A_96] : memref<80x128xi32, #tpu.memory_space<vmem>> -> memref<1x128xi32, #tpu.memory_space<vmem>>
        %dma_start3A_98 = tpu.memref_squeeze %dma_start3A_97 : memref<1x128xi32, #tpu.memory_space<vmem>> -> memref<128xi32, #tpu.memory_space<vmem>>
        %dma_start3A_99 = arith.constant 0 : i32
        %dma_start3A_100 = arith.constant 0 : i32
        %dma_start3A_101 = tpu.memref_slice %arg4[%dma_start3A_99, %dma_start3A_100] : memref<10000x64xf32, #tpu.memory_space<hbm>> -> memref<10000x64xf32, #tpu.memory_space<hbm>>
        tpu.enqueue_indirect_dma source(%dma_start3A_101 : memref<10000x64xf32, #tpu.memory_space<hbm>>) target(%arg9 : memref<128x64xf32, #tpu.memory_space<vmem>>) offsets(%dma_start3A_98 : memref<128xi32, #tpu.memory_space<vmem>>) semaphore(%arg13 : memref<!tpu.dma_semaphore, #tpu.memory_space<semaphore_mem>>)
        %dma_start3A_102 = arith.constant 0 : i32
        %dma_start3A_103 = tpu.memref_slice %arg8[%add3A_95, %dma_start3A_102] : memref<80x128xi32, #tpu.memory_space<vmem>> -> memref<1x128xi32, #tpu.memory_space<vmem>>
        %dma_start3A_104 = tpu.memref_squeeze %dma_start3A_103 : memref<1x128xi32, #tpu.memory_space<vmem>> -> memref<128xi32, #tpu.memory_space<vmem>>
        %dma_start3A_105 = arith.constant 0 : i32
        %dma_start3A_106 = arith.constant 0 : i32
        %dma_start3A_107 = tpu.memref_slice %arg5[%dma_start3A_105, %dma_start3A_106] : memref<10000x64xf32, #tpu.memory_space<hbm>> -> memref<10000x64xf32, #tpu.memory_space<hbm>>
        tpu.enqueue_indirect_dma source(%dma_start3A_107 : memref<10000x64xf32, #tpu.memory_space<hbm>>) target(%arg10 : memref<128x64xf32, #tpu.memory_space<vmem>>) offsets(%dma_start3A_104 : memref<128xi32, #tpu.memory_space<vmem>>) semaphore(%arg14 : memref<!tpu.dma_semaphore, #tpu.memory_space<semaphore_mem>>)
      } else {
      }
      %dma_wait3A_68 = arith.constant 0 : i32
      %dma_wait3A_69 = arith.constant 0 : i32
      %dma_wait3A_70 = tpu.memref_slice %arg7[%dma_wait3A_68, %dma_wait3A_69] : memref<80x128xi32, #tpu.memory_space<vmem>> -> memref<1x128xi32, #tpu.memory_space<vmem>>
      %dma_wait3A_71 = tpu.memref_squeeze %dma_wait3A_70 : memref<1x128xi32, #tpu.memory_space<vmem>> -> memref<128xi32, #tpu.memory_space<vmem>>
      %dma_wait3A_72 = arith.constant 0 : i32
      %dma_wait3A_73 = arith.constant 0 : i32
      %dma_wait3A_74 = tpu.memref_slice %arg4[%dma_wait3A_72, %dma_wait3A_73] : memref<10000x64xf32, #tpu.memory_space<hbm>> -> memref<10000x64xf32, #tpu.memory_space<hbm>>
      tpu.wait_indirect_dma semaphore(%arg15 : memref<!tpu.dma_semaphore, #tpu.memory_space<semaphore_mem>>) src(%dma_wait3A_74 : memref<10000x64xf32, #tpu.memory_space<hbm>>) dst(%arg11 : memref<128x64xf32, #tpu.memory_space<vmem>>)
      %dma_wait3A_75 = arith.constant 0 : i32
      %dma_wait3A_76 = arith.constant 0 : i32
      %dma_wait3A_77 = tpu.memref_slice %arg8[%dma_wait3A_75, %dma_wait3A_76] : memref<80x128xi32, #tpu.memory_space<vmem>> -> memref<1x128xi32, #tpu.memory_space<vmem>>
      %dma_wait3A_78 = tpu.memref_squeeze %dma_wait3A_77 : memref<1x128xi32, #tpu.memory_space<vmem>> -> memref<128xi32, #tpu.memory_space<vmem>>
      %dma_wait3A_79 = arith.constant 0 : i32
      %dma_wait3A_80 = arith.constant 0 : i32
      %dma_wait3A_81 = tpu.memref_slice %arg5[%dma_wait3A_79, %dma_wait3A_80] : memref<10000x64xf32, #tpu.memory_space<hbm>> -> memref<10000x64xf32, #tpu.memory_space<hbm>>
      tpu.wait_indirect_dma semaphore(%arg16 : memref<!tpu.dma_semaphore, #tpu.memory_space<semaphore_mem>>) src(%dma_wait3A_81 : memref<10000x64xf32, #tpu.memory_space<hbm>>) dst(%arg12 : memref<128x64xf32, #tpu.memory_space<vmem>>)
      %add3A_82 = arith.constant 1 : i32
      %add3A_83 = arith.addi %add3A_26, %add3A_82 : i32
      %scan3A_84 = arith.constant 0 : i32
      %scan3A_85 = arith.constant 128 : i32
      %scan3A_86 = arith.addi %scan3A_84, %scan3A_85 : i32
      %scan3A_87 = arith.constant 1 : i32
      scf.for %scan3A_94 = %scan3A_84 to %scan3A_86 step %scan3A_87  : i32 {
        %mul3A_95 = arith.constant 1 : i32
        %mul3A_96 = arith.muli %scan3A_94, %mul3A_95 : i32
        %add3A_97 = arith.constant 0 : i32
        %add3A_98 = arith.addi %add3A_97, %mul3A_96 : i32
        %get3A = arith.index_cast %add3A_98 : i32 to index
        %get3A_99 = arith.constant 0 : index
        %get3A_100 = tpu.vector_load %arg11[%get3A, %get3A_99] {strides = array<i32>} : memref<128x64xf32, #tpu.memory_space<vmem>>, vector<16xf32>,
        %get3A_101 = arith.index_cast %add3A_98 : i32 to index
        %get3A_102 = arith.constant 0 : index
        %get3A_103 = tpu.vector_load %arg12[%get3A_101, %get3A_102] {strides = array<i32>} : memref<128x64xf32, #tpu.memory_space<vmem>>, vector<16xf32>,
        %add3A_104 = arith.addf %get3A_100, %get3A_103 : vector<16xf32>
        %swap3A = arith.index_cast %add3A_98 : i32 to index
        %swap3A_105 = arith.constant 0 : index
        %swap3A_106 = tpu.vector_load %arg11[%swap3A, %swap3A_105] {strides = array<i32>} : memref<128x64xf32, #tpu.memory_space<vmem>>, vector<16xf32>,
        tpu.vector_store %arg11[%swap3A, %swap3A_105], %add3A_104 {strides = array<i32>} : memref<128x64xf32, #tpu.memory_space<vmem>>, vector<16xf32>,
        %get3A_107 = arith.index_cast %add3A_98 : i32 to index
        %get3A_108 = arith.constant 16 : index
        %get3A_109 = tpu.vector_load %arg11[%get3A_107, %get3A_108] {strides = array<i32>} : memref<128x64xf32, #tpu.memory_space<vmem>>, vector<16xf32>,
        %get3A_110 = arith.index_cast %add3A_98 : i32 to index
        %get3A_111 = arith.constant 16 : index
        %get3A_112 = tpu.vector_load %arg12[%get3A_110, %get3A_111] {strides = array<i32>} : memref<128x64xf32, #tpu.memory_space<vmem>>, vector<16xf32>,
        %add3A_113 = arith.addf %get3A_109, %get3A_112 : vector<16xf32>
        %swap3A_114 = arith.index_cast %add3A_98 : i32 to index
        %swap3A_115 = arith.constant 16 : index
        %swap3A_116 = tpu.vector_load %arg11[%swap3A_114, %swap3A_115] {strides = array<i32>} : memref<128x64xf32, #tpu.memory_space<vmem>>, vector<16xf32>,
        tpu.vector_store %arg11[%swap3A_114, %swap3A_115], %add3A_113 {strides = array<i32>} : memref<128x64xf32, #tpu.memory_space<vmem>>, vector<16xf32>,
        %get3A_117 = arith.index_cast %add3A_98 : i32 to index
        %get3A_118 = arith.constant 32 : index
        %get3A_119 = tpu.vector_load %arg11[%get3A_117, %get3A_118] {strides = array<i32>} : memref<128x64xf32, #tpu.memory_space<vmem>>, vector<16xf32>,
        %get3A_120 = arith.index_cast %add3A_98 : i32 to index
        %get3A_121 = arith.constant 32 : index
        %get3A_122 = tpu.vector_load %arg12[%get3A_120, %get3A_121] {strides = array<i32>} : memref<128x64xf32, #tpu.memory_space<vmem>>, vector<16xf32>,
        %add3A_123 = arith.addf %get3A_119, %get3A_122 : vector<16xf32>
        %swap3A_124 = arith.index_cast %add3A_98 : i32 to index
        %swap3A_125 = arith.constant 32 : index
        %swap3A_126 = tpu.vector_load %arg11[%swap3A_124, %swap3A_125] {strides = array<i32>} : memref<128x64xf32, #tpu.memory_space<vmem>>, vector<16xf32>,
        tpu.vector_store %arg11[%swap3A_124, %swap3A_125], %add3A_123 {strides = array<i32>} : memref<128x64xf32, #tpu.memory_space<vmem>>, vector<16xf32>,
        %get3A_127 = arith.index_cast %add3A_98 : i32 to index
        %get3A_128 = arith.constant 48 : index
        %get3A_129 = tpu.vector_load %arg11[%get3A_127, %get3A_128] {strides = array<i32>} : memref<128x64xf32, #tpu.memory_space<vmem>>, vector<16xf32>,
        %get3A_130 = arith.index_cast %add3A_98 : i32 to index
        %get3A_131 = arith.constant 48 : index
        %get3A_132 = tpu.vector_load %arg12[%get3A_130, %get3A_131] {strides = array<i32>} : memref<128x64xf32, #tpu.memory_space<vmem>>, vector<16xf32>,
        %add3A_133 = arith.addf %get3A_129, %get3A_132 : vector<16xf32>
        %swap3A_134 = arith.index_cast %add3A_98 : i32 to index
        %swap3A_135 = arith.constant 48 : index
        %swap3A_136 = tpu.vector_load %arg11[%swap3A_134, %swap3A_135] {strides = array<i32>} : memref<128x64xf32, #tpu.memory_space<vmem>>, vector<16xf32>,
        tpu.vector_store %arg11[%swap3A_134, %swap3A_135], %add3A_133 {strides = array<i32>} : memref<128x64xf32, #tpu.memory_space<vmem>>, vector<16xf32>,
      }
      %scan3A_88 = arith.constant 128 : i32
      %mul3A_89 = arith.constant 10240 : i32
      %mul3A_90 = arith.muli %add3A, %mul3A_89 : i32
      %mul3A_91 = arith.constant 128 : i32
      %mul3A_92 = arith.muli %add3A_83, %mul3A_91 : i32
      %add3A_93 = arith.addi %mul3A_90, %mul3A_92 : i32
      "tpu.region"() ({
        %run_scoped3A = tpu.sem_alloc : memref<!tpu.dma_semaphore, #tpu.memory_space<semaphore_mem>>
        %dma_start3A_94 = arith.constant 0 : i32
        %dma_start3A_95 = tpu.memref_slice %arg6[%add3A_93, %dma_start3A_94] : memref<327680x64xf32, #tpu.memory_space<hbm>> -> memref<128x64xf32, #tpu.memory_space<hbm>>
        %dma_start3A_96 = arith.constant 0 : i32
        %dma_start3A_97 = tpu.memref_slice %arg6[%add3A_93, %dma_start3A_96] : memref<327680x64xf32, #tpu.memory_space<hbm>> -> memref<128x64xf32, #tpu.memory_space<hbm>>
        tpu.enqueue_dma source(%arg11 : memref<128x64xf32, #tpu.memory_space<vmem>>) target(%dma_start3A_97 : memref<128x64xf32, #tpu.memory_space<hbm>>) target_semaphore(%run_scoped3A : memref<!tpu.dma_semaphore, #tpu.memory_space<semaphore_mem>>)
        %dma_wait3A_98 = arith.constant 0 : i32
        %dma_wait3A_99 = tpu.memref_slice %arg6[%add3A_93, %dma_wait3A_98] : memref<327680x64xf32, #tpu.memory_space<hbm>> -> memref<128x64xf32, #tpu.memory_space<hbm>>
        %dma_wait3A_100 = arith.constant 0 : i32
        %dma_wait3A_101 = tpu.memref_slice %arg6[%add3A_93, %dma_wait3A_100] : memref<327680x64xf32, #tpu.memory_space<hbm>> -> memref<128x64xf32, #tpu.memory_space<hbm>>
        tpu.wait_dma2 semaphore(%run_scoped3A : memref<!tpu.dma_semaphore, #tpu.memory_space<semaphore_mem>>) src(%arg11 : memref<128x64xf32, #tpu.memory_space<vmem>>) dst(%dma_wait3A_101 : memref<128x64xf32, #tpu.memory_space<hbm>>)
        tpu.yield
      }) : () -> ()
    }
    %scan3A_21 = arith.constant 40 : i32
    return
  }
}

module attributes {stable_mosaic.version = 14 : i64} {
  func.func @body(%arg0: i32, %arg1: memref<2000x128xf32, #tpu.memory_space<vmem>>, %arg2: memref<128x66xf32, #tpu.memory_space<vmem>>, %arg3: memref<1x66xf32, #tpu.memory_space<vmem>>, %arg4: memref<2000x66xf32, #tpu.memory_space<vmem>>) attributes {dimension_semantics = [#tpu.dimension_semantics<arbitrary>], iteration_bounds = array<i64: 5>, scalar_prefetch = 0 : i64, scratch_operands = 0 : i64, tpu.core_type = #tpu.core_type<tc>, window_params = [{transform_indices = @transform_0, window_bounds = array<i64: 2000, 128>}, {pipeline_mode = #tpu.pipeline_mode<synchronous>, transform_indices = @transform_1, window_bounds = array<i64: 128, 66>}, {pipeline_mode = #tpu.pipeline_mode<synchronous>, transform_indices = @transform_2, window_bounds = array<i64: 1, 66>}, {transform_indices = @transform_3, window_bounds = array<i64: 2000, 66>}]} {
    %get3A = arith.constant 0 : index
    %get3A_0 = arith.constant 0 : index
    %get3A_1 = vector.load %arg1[%get3A, %get3A_0] : memref<2000x128xf32, #tpu.memory_space<vmem>>, vector<2000x128xf32>
    %get3A_2 = arith.constant 0 : index
    %get3A_3 = arith.constant 0 : index
    %get3A_4 = vector.load %arg2[%get3A_2, %get3A_3] : memref<128x66xf32, #tpu.memory_space<vmem>>, vector<128x66xf32>
    %dot_general3A = arith.constant dense<0.000000e+00> : vector<2000x66xf32>
    %dot_general3A_5 = tpu.matmul %get3A_1, %get3A_4, %dot_general3A {dimension_numbers = #tpu.dot_dimension_numbers<[1], [0], [0], [1], [0, 0, 1, 1], [], []>, transpose_lhs_hint = false} : vector<2000x128xf32>, vector<128x66xf32>, vector<2000x66xf32> -> vector<2000x66xf32>
    %get3A_6 = arith.constant 0 : index
    %get3A_7 = arith.constant 0 : index
    %get3A_8 = vector.load %arg3[%get3A_6, %get3A_7] : memref<1x66xf32, #tpu.memory_space<vmem>>, vector<1x66xf32>
    %add3A = vector.broadcast %get3A_8 : vector<1x66xf32> to vector<2000x66xf32>
    %add3A_9 = arith.addf %dot_general3A_5, %add3A : vector<2000x66xf32>
    %swap3A = arith.constant 0 : index
    %swap3A_10 = arith.constant 0 : index
    %swap3A_11 = vector.load %arg4[%swap3A, %swap3A_10] : memref<2000x66xf32, #tpu.memory_space<vmem>>, vector<2000x66xf32>
    tpu.vector_store %arg4[%swap3A, %swap3A_10], %add3A_9 {strides = array<i32>} : memref<2000x66xf32, #tpu.memory_space<vmem>>, vector<2000x66xf32>,
    return
  }
  func.func @transform_0(%arg0: i32) -> (i32, i32) {
    %c0_i32 = arith.constant 0 : i32
    %c0_i32_0 = arith.constant 0 : i32
    return %arg0, %c0_i32 : i32, i32
  }
  func.func @transform_1(%arg0: i32) -> (i32, i32) {
    %c0_i32 = arith.constant 0 : i32
    %c0_i32_0 = arith.constant 0 : i32
    %c0_i32_1 = arith.constant 0 : i32
    return %c0_i32, %c0_i32_0 : i32, i32
  }
  func.func @transform_2(%arg0: i32) -> (i32, i32) {
    %c0_i32 = arith.constant 0 : i32
    %c0_i32_0 = arith.constant 0 : i32
    %c0_i32_1 = arith.constant 0 : i32
    return %c0_i32, %c0_i32_0 : i32, i32
  }
  func.func @transform_3(%arg0: i32) -> (i32, i32) {
    %c0_i32 = arith.constant 0 : i32
    %c0_i32_0 = arith.constant 0 : i32
    return %arg0, %c0_i32 : i32, i32
  }
}

module attributes {stable_mosaic.version = 14 : i64} {
  func.func @body(%arg0: memref<2560x128xf32, #tpu.memory_space<vmem>>, %arg1: memref<2560x128xf32, #tpu.memory_space<vmem>>) attributes {dimension_semantics = [], scalar_prefetch = 0 : i64, scratch_operands = 0 : i64, tpu.core_type = #tpu.core_type<tc>} {
    %get3A = arith.constant 0 : index
    %get3A_0 = arith.constant 0 : index
    %get3A_1 = vector.load %arg0[%get3A, %get3A_0] : memref<2560x128xf32, #tpu.memory_space<vmem>>, vector<2560x128xf32>
    %reduce_max3A = vector.shape_cast %get3A_1 : vector<2560x128xf32> to vector<1x2560x128xf32>
    %reduce_max3A_2 = arith.constant dense<0xFF800000> : vector<1xf32>
    %reduce_max3A_3 = vector.multi_reduction <maximumf>, %reduce_max3A, %reduce_max3A_2 [1, 2] : vector<1x2560x128xf32> to vector<1xf32>
    %reduce_max3A_4 = vector.shape_cast %reduce_max3A_3 : vector<1xf32> to vector<1x1x1xf32>
    %reduce_max3A_5 = vector.extract %reduce_max3A_4[0, 0, 0] : f32 from vector<1x1x1xf32>
    %sub3A = vector.broadcast %reduce_max3A_5 : f32 to vector<2560x128xf32>
    %sub3A_6 = arith.subf %get3A_1, %sub3A : vector<2560x128xf32>
    %exp3A = math.exp %sub3A_6 : vector<2560x128xf32>
    %reduce_sum3A = vector.shape_cast %exp3A : vector<2560x128xf32> to vector<1x2560x128xf32>
    %reduce_sum3A_7 = arith.constant dense<0.000000e+00> : vector<1xf32>
    %reduce_sum3A_8 = vector.multi_reduction <add>, %reduce_sum3A, %reduce_sum3A_7 [1, 2] : vector<1x2560x128xf32> to vector<1xf32>
    %reduce_sum3A_9 = vector.shape_cast %reduce_sum3A_8 : vector<1xf32> to vector<1x1x1xf32>
    %reduce_sum3A_10 = vector.extract %reduce_sum3A_9[0, 0, 0] : f32 from vector<1x1x1xf32>
    %div3A = vector.broadcast %reduce_sum3A_10 : f32 to vector<2560x128xf32>
    %div3A_11 = arith.divf %exp3A, %div3A : vector<2560x128xf32>
    %swap3A = arith.constant 0 : index
    %swap3A_12 = arith.constant 0 : index
    %swap3A_13 = vector.load %arg1[%swap3A, %swap3A_12] : memref<2560x128xf32, #tpu.memory_space<vmem>>, vector<2560x128xf32>
    tpu.vector_store %arg1[%swap3A, %swap3A_12], %div3A_11 {strides = array<i32>} : memref<2560x128xf32, #tpu.memory_space<vmem>>, vector<2560x128xf32>,
    return
  }
}

module attributes {stable_mosaic.version = 14 : i64} {
  func.func @body(%arg0: i32, %arg1: memref<2000x64xf32, #tpu.memory_space<vmem>>, %arg2: memref<2000x64xf32, #tpu.memory_space<vmem>>, %arg3: memref<64x66xf32, #tpu.memory_space<vmem>>, %arg4: memref<1x66xf32, #tpu.memory_space<vmem>>, %arg5: memref<2000x66xf32, #tpu.memory_space<vmem>>) attributes {dimension_semantics = [#tpu.dimension_semantics<arbitrary>], iteration_bounds = array<i64: 5>, scalar_prefetch = 0 : i64, scratch_operands = 0 : i64, tpu.core_type = #tpu.core_type<tc>, window_params = [{transform_indices = @transform_0, window_bounds = array<i64: 2000, 64>}, {transform_indices = @transform_1, window_bounds = array<i64: 2000, 64>}, {pipeline_mode = #tpu.pipeline_mode<synchronous>, transform_indices = @transform_2, window_bounds = array<i64: 64, 66>}, {pipeline_mode = #tpu.pipeline_mode<synchronous>, transform_indices = @transform_3, window_bounds = array<i64: 1, 66>}, {transform_indices = @transform_4, window_bounds = array<i64: 2000, 66>}]} {
    %get3A = arith.constant 0 : index
    %get3A_0 = arith.constant 0 : index
    %get3A_1 = vector.load %arg1[%get3A, %get3A_0] : memref<2000x64xf32, #tpu.memory_space<vmem>>, vector<2000x64xf32>
    %get3A_2 = arith.constant 0 : index
    %get3A_3 = arith.constant 0 : index
    %get3A_4 = vector.load %arg2[%get3A_2, %get3A_3] : memref<2000x64xf32, #tpu.memory_space<vmem>>, vector<2000x64xf32>
    %add3A = arith.addf %get3A_1, %get3A_4 : vector<2000x64xf32>
    %ge3A = arith.constant 0.000000e+00 : f32
    %ge3A_5 = vector.broadcast %ge3A : f32 to vector<2000x64xf32>
    %ge3A_6 = arith.cmpf oge, %add3A, %ge3A_5 : vector<2000x64xf32>
    %mul3A = arith.constant 2.000000e-01 : f32
    %mul3A_7 = vector.broadcast %mul3A : f32 to vector<2000x64xf32>
    %mul3A_8 = arith.mulf %mul3A_7, %add3A : vector<2000x64xf32>
    %select_n3A = arith.select %ge3A_6, %add3A, %mul3A_8 : vector<2000x64xi1>, vector<2000x64xf32>
    %get3A_9 = arith.constant 0 : index
    %get3A_10 = arith.constant 0 : index
    %get3A_11 = vector.load %arg3[%get3A_9, %get3A_10] : memref<64x66xf32, #tpu.memory_space<vmem>>, vector<64x66xf32>
    %dot_general3A = arith.constant dense<0.000000e+00> : vector<2000x66xf32>
    %dot_general3A_12 = tpu.matmul %select_n3A, %get3A_11, %dot_general3A {dimension_numbers = #tpu.dot_dimension_numbers<[1], [0], [0], [1], [0, 0, 1, 1], [], []>, transpose_lhs_hint = false} : vector<2000x64xf32>, vector<64x66xf32>, vector<2000x66xf32> -> vector<2000x66xf32>
    %get3A_13 = arith.constant 0 : index
    %get3A_14 = arith.constant 0 : index
    %get3A_15 = vector.load %arg4[%get3A_13, %get3A_14] : memref<1x66xf32, #tpu.memory_space<vmem>>, vector<1x66xf32>
    %add3A_16 = vector.broadcast %get3A_15 : vector<1x66xf32> to vector<2000x66xf32>
    %add3A_17 = arith.addf %dot_general3A_12, %add3A_16 : vector<2000x66xf32>
    %swap3A = arith.constant 0 : index
    %swap3A_18 = arith.constant 0 : index
    %swap3A_19 = vector.load %arg5[%swap3A, %swap3A_18] : memref<2000x66xf32, #tpu.memory_space<vmem>>, vector<2000x66xf32>
    tpu.vector_store %arg5[%swap3A, %swap3A_18], %add3A_17 {strides = array<i32>} : memref<2000x66xf32, #tpu.memory_space<vmem>>, vector<2000x66xf32>,
    return
  }
  func.func @transform_0(%arg0: i32) -> (i32, i32) {
    %c0_i32 = arith.constant 0 : i32
    %c0_i32_0 = arith.constant 0 : i32
    return %arg0, %c0_i32 : i32, i32
  }
  func.func @transform_1(%arg0: i32) -> (i32, i32) {
    %c0_i32 = arith.constant 0 : i32
    %c0_i32_0 = arith.constant 0 : i32
    return %arg0, %c0_i32 : i32, i32
  }
  func.func @transform_2(%arg0: i32) -> (i32, i32) {
    %c0_i32 = arith.constant 0 : i32
    %c0_i32_0 = arith.constant 0 : i32
    %c0_i32_1 = arith.constant 0 : i32
    return %c0_i32, %c0_i32_0 : i32, i32
  }
  func.func @transform_3(%arg0: i32) -> (i32, i32) {
    %c0_i32 = arith.constant 0 : i32
    %c0_i32_0 = arith.constant 0 : i32
    %c0_i32_1 = arith.constant 0 : i32
    return %c0_i32, %c0_i32_0 : i32, i32
  }
  func.func @transform_4(%arg0: i32) -> (i32, i32) {
    %c0_i32 = arith.constant 0 : i32
    %c0_i32_0 = arith.constant 0 : i32
    return %arg0, %c0_i32 : i32, i32
  }
}

module attributes {stable_mosaic.version = 14 : i64} {
  func.func @body(%arg0: i32, %arg1: memref<2000x64xf32, #tpu.memory_space<vmem>>, %arg2: memref<2000x64xf32, #tpu.memory_space<vmem>>, %arg3: memref<64x128xf32, #tpu.memory_space<vmem>>, %arg4: memref<1x128xf32, #tpu.memory_space<vmem>>, %arg5: memref<2000x128xf32, #tpu.memory_space<vmem>>) attributes {dimension_semantics = [#tpu.dimension_semantics<arbitrary>], iteration_bounds = array<i64: 5>, scalar_prefetch = 0 : i64, scratch_operands = 0 : i64, tpu.core_type = #tpu.core_type<tc>, window_params = [{transform_indices = @transform_0, window_bounds = array<i64: 2000, 64>}, {transform_indices = @transform_1, window_bounds = array<i64: 2000, 64>}, {pipeline_mode = #tpu.pipeline_mode<synchronous>, transform_indices = @transform_2, window_bounds = array<i64: 64, 128>}, {pipeline_mode = #tpu.pipeline_mode<synchronous>, transform_indices = @transform_3, window_bounds = array<i64: 1, 128>}, {transform_indices = @transform_4, window_bounds = array<i64: 2000, 128>}]} {
    %get3A = arith.constant 0 : index
    %get3A_0 = arith.constant 0 : index
    %get3A_1 = vector.load %arg1[%get3A, %get3A_0] : memref<2000x64xf32, #tpu.memory_space<vmem>>, vector<2000x64xf32>
    %get3A_2 = arith.constant 0 : index
    %get3A_3 = arith.constant 0 : index
    %get3A_4 = vector.load %arg2[%get3A_2, %get3A_3] : memref<2000x64xf32, #tpu.memory_space<vmem>>, vector<2000x64xf32>
    %add3A = arith.addf %get3A_1, %get3A_4 : vector<2000x64xf32>
    %ge3A = arith.constant 0.000000e+00 : f32
    %ge3A_5 = vector.broadcast %ge3A : f32 to vector<2000x64xf32>
    %ge3A_6 = arith.cmpf oge, %add3A, %ge3A_5 : vector<2000x64xf32>
    %mul3A = arith.constant 2.000000e-01 : f32
    %mul3A_7 = vector.broadcast %mul3A : f32 to vector<2000x64xf32>
    %mul3A_8 = arith.mulf %mul3A_7, %add3A : vector<2000x64xf32>
    %select_n3A = arith.select %ge3A_6, %add3A, %mul3A_8 : vector<2000x64xi1>, vector<2000x64xf32>
    %get3A_9 = arith.constant 0 : index
    %get3A_10 = arith.constant 0 : index
    %get3A_11 = vector.load %arg3[%get3A_9, %get3A_10] : memref<64x128xf32, #tpu.memory_space<vmem>>, vector<64x128xf32>
    %dot_general3A = arith.constant dense<0.000000e+00> : vector<2000x128xf32>
    %dot_general3A_12 = tpu.matmul %select_n3A, %get3A_11, %dot_general3A {dimension_numbers = #tpu.dot_dimension_numbers<[1], [0], [0], [1], [0, 0, 1, 1], [], []>, transpose_lhs_hint = false} : vector<2000x64xf32>, vector<64x128xf32>, vector<2000x128xf32> -> vector<2000x128xf32>
    %get3A_13 = arith.constant 0 : index
    %get3A_14 = arith.constant 0 : index
    %get3A_15 = vector.load %arg4[%get3A_13, %get3A_14] : memref<1x128xf32, #tpu.memory_space<vmem>>, vector<1x128xf32>
    %add3A_16 = vector.broadcast %get3A_15 : vector<1x128xf32> to vector<2000x128xf32>
    %add3A_17 = arith.addf %dot_general3A_12, %add3A_16 : vector<2000x128xf32>
    %swap3A = arith.constant 0 : index
    %swap3A_18 = arith.constant 0 : index
    %swap3A_19 = vector.load %arg5[%swap3A, %swap3A_18] : memref<2000x128xf32, #tpu.memory_space<vmem>>, vector<2000x128xf32>
    tpu.vector_store %arg5[%swap3A, %swap3A_18], %add3A_17 {strides = array<i32>} : memref<2000x128xf32, #tpu.memory_space<vmem>>, vector<2000x128xf32>,
    return
  }
  func.func @transform_0(%arg0: i32) -> (i32, i32) {
    %c0_i32 = arith.constant 0 : i32
    %c0_i32_0 = arith.constant 0 : i32
    return %arg0, %c0_i32 : i32, i32
  }
  func.func @transform_1(%arg0: i32) -> (i32, i32) {
    %c0_i32 = arith.constant 0 : i32
    %c0_i32_0 = arith.constant 0 : i32
    return %arg0, %c0_i32 : i32, i32
  }
  func.func @transform_2(%arg0: i32) -> (i32, i32) {
    %c0_i32 = arith.constant 0 : i32
    %c0_i32_0 = arith.constant 0 : i32
    %c0_i32_1 = arith.constant 0 : i32
    return %c0_i32, %c0_i32_0 : i32, i32
  }
  func.func @transform_3(%arg0: i32) -> (i32, i32) {
    %c0_i32 = arith.constant 0 : i32
    %c0_i32_0 = arith.constant 0 : i32
    %c0_i32_1 = arith.constant 0 : i32
    return %c0_i32, %c0_i32_0 : i32, i32
  }
  func.func @transform_4(%arg0: i32) -> (i32, i32) {
    %c0_i32 = arith.constant 0 : i32
    %c0_i32_0 = arith.constant 0 : i32
    return %arg0, %c0_i32 : i32, i32
  }
}

module attributes {stable_mosaic.version = 14 : i64} {
  func.func @body(%arg0: i32, %arg1: memref<4096x64xf32, #tpu.memory_space<vmem>>, %arg2: memref<4096x16xf32, #tpu.memory_space<vmem>>, %arg3: memref<16x64xf32, #tpu.memory_space<vmem>>, %arg4: memref<1x64xf32, #tpu.memory_space<vmem>>, %arg5: memref<64x32xf32, #tpu.memory_space<vmem>>, %arg6: memref<1x32xf32, #tpu.memory_space<vmem>>, %arg7: memref<32x1xf32, #tpu.memory_space<vmem>>, %arg8: memref<1x1xf32, #tpu.memory_space<vmem>>, %arg9: memref<4096x1xf32, #tpu.memory_space<vmem>>) attributes {dimension_semantics = [#tpu.dimension_semantics<arbitrary>], iteration_bounds = array<i64: 80>, scalar_prefetch = 0 : i64, scratch_operands = 0 : i64, tpu.core_type = #tpu.core_type<tc>, window_params = [{transform_indices = @transform_0, window_bounds = array<i64: 4096, 64>}, {transform_indices = @transform_1, window_bounds = array<i64: 4096, 16>}, {pipeline_mode = #tpu.pipeline_mode<synchronous>, transform_indices = @transform_2, window_bounds = array<i64: 16, 64>}, {pipeline_mode = #tpu.pipeline_mode<synchronous>, transform_indices = @transform_3, window_bounds = array<i64: 1, 64>}, {pipeline_mode = #tpu.pipeline_mode<synchronous>, transform_indices = @transform_4, window_bounds = array<i64: 64, 32>}, {pipeline_mode = #tpu.pipeline_mode<synchronous>, transform_indices = @transform_5, window_bounds = array<i64: 1, 32>}, {pipeline_mode = #tpu.pipeline_mode<synchronous>, transform_indices = @transform_6, window_bounds = array<i64: 32, 1>}, {pipeline_mode = #tpu.pipeline_mode<synchronous>, transform_indices = @transform_7, window_bounds = array<i64: 1, 1>}, {transform_indices = @transform_8, window_bounds = array<i64: 4096, 1>}]} {
    %get3A = arith.constant 0 : index
    %get3A_0 = arith.constant 0 : index
    %get3A_1 = vector.load %arg1[%get3A, %get3A_0] : memref<4096x64xf32, #tpu.memory_space<vmem>>, vector<4096x64xf32>
    %get3A_2 = arith.constant 0 : index
    %get3A_3 = arith.constant 0 : index
    %get3A_4 = vector.load %arg2[%get3A_2, %get3A_3] : memref<4096x16xf32, #tpu.memory_space<vmem>>, vector<4096x16xf32>
    %get3A_5 = arith.constant 0 : index
    %get3A_6 = arith.constant 0 : index
    %get3A_7 = vector.load %arg3[%get3A_5, %get3A_6] : memref<16x64xf32, #tpu.memory_space<vmem>>, vector<16x64xf32>
    %dot_general3A = arith.constant dense<0.000000e+00> : vector<4096x64xf32>
    %dot_general3A_8 = tpu.matmul %get3A_4, %get3A_7, %dot_general3A {dimension_numbers = #tpu.dot_dimension_numbers<[1], [0], [0], [1], [0, 0, 1, 1], [], []>, transpose_lhs_hint = false} : vector<4096x16xf32>, vector<16x64xf32>, vector<4096x64xf32> -> vector<4096x64xf32>
    %add3A = arith.addf %get3A_1, %dot_general3A_8 : vector<4096x64xf32>
    %get3A_9 = arith.constant 0 : index
    %get3A_10 = arith.constant 0 : index
    %get3A_11 = vector.load %arg4[%get3A_9, %get3A_10] : memref<1x64xf32, #tpu.memory_space<vmem>>, vector<1x64xf32>
    %add3A_12 = vector.broadcast %get3A_11 : vector<1x64xf32> to vector<4096x64xf32>
    %add3A_13 = arith.addf %add3A, %add3A_12 : vector<4096x64xf32>
    %max3A = arith.constant 0.000000e+00 : f32
    %max3A_14 = vector.broadcast %max3A : f32 to vector<4096x64xf32>
    %max3A_15 = arith.maximumf %add3A_13, %max3A_14 : vector<4096x64xf32>
    %get3A_16 = arith.constant 0 : index
    %get3A_17 = arith.constant 0 : index
    %get3A_18 = vector.load %arg5[%get3A_16, %get3A_17] : memref<64x32xf32, #tpu.memory_space<vmem>>, vector<64x32xf32>
    %dot_general3A_19 = arith.constant dense<0.000000e+00> : vector<4096x32xf32>
    %dot_general3A_20 = tpu.matmul %max3A_15, %get3A_18, %dot_general3A_19 {dimension_numbers = #tpu.dot_dimension_numbers<[1], [0], [0], [1], [0, 0, 1, 1], [], []>, transpose_lhs_hint = false} : vector<4096x64xf32>, vector<64x32xf32>, vector<4096x32xf32> -> vector<4096x32xf32>
    %get3A_21 = arith.constant 0 : index
    %get3A_22 = arith.constant 0 : index
    %get3A_23 = vector.load %arg6[%get3A_21, %get3A_22] : memref<1x32xf32, #tpu.memory_space<vmem>>, vector<1x32xf32>
    %add3A_24 = vector.broadcast %get3A_23 : vector<1x32xf32> to vector<4096x32xf32>
    %add3A_25 = arith.addf %dot_general3A_20, %add3A_24 : vector<4096x32xf32>
    %max3A_26 = arith.constant 0.000000e+00 : f32
    %max3A_27 = vector.broadcast %max3A_26 : f32 to vector<4096x32xf32>
    %max3A_28 = arith.maximumf %add3A_25, %max3A_27 : vector<4096x32xf32>
    %get3A_29 = arith.constant 0 : index
    %get3A_30 = arith.constant 0 : index
    %get3A_31 = vector.load %arg7[%get3A_29, %get3A_30] : memref<32x1xf32, #tpu.memory_space<vmem>>, vector<32x1xf32>
    %dot_general3A_32 = arith.constant dense<0.000000e+00> : vector<4096x1xf32>
    %dot_general3A_33 = tpu.matmul %max3A_28, %get3A_31, %dot_general3A_32 {dimension_numbers = #tpu.dot_dimension_numbers<[1], [0], [0], [1], [0, 0, 1, 1], [], []>, transpose_lhs_hint = false} : vector<4096x32xf32>, vector<32x1xf32>, vector<4096x1xf32> -> vector<4096x1xf32>
    %get3A_34 = arith.constant 0 : index
    %get3A_35 = arith.constant 0 : index
    %get3A_36 = vector.load %arg8[%get3A_34, %get3A_35] : memref<1x1xf32, #tpu.memory_space<vmem>>, vector<1x1xf32>
    %add3A_37 = vector.broadcast %get3A_36 : vector<1x1xf32> to vector<4096x1xf32>
    %add3A_38 = arith.addf %dot_general3A_33, %add3A_37 : vector<4096x1xf32>
    %swap3A = arith.constant 0 : index
    %swap3A_39 = arith.constant 0 : index
    %swap3A_40 = vector.load %arg9[%swap3A, %swap3A_39] : memref<4096x1xf32, #tpu.memory_space<vmem>>, vector<4096x1xf32>
    tpu.vector_store %arg9[%swap3A, %swap3A_39], %add3A_38 {strides = array<i32>} : memref<4096x1xf32, #tpu.memory_space<vmem>>, vector<4096x1xf32>,
    return
  }
  func.func @transform_0(%arg0: i32) -> (i32, i32) {
    %c0_i32 = arith.constant 0 : i32
    %c0_i32_0 = arith.constant 0 : i32
    return %arg0, %c0_i32 : i32, i32
  }
  func.func @transform_1(%arg0: i32) -> (i32, i32) {
    %c0_i32 = arith.constant 0 : i32
    %c0_i32_0 = arith.constant 0 : i32
    return %arg0, %c0_i32 : i32, i32
  }
  func.func @transform_2(%arg0: i32) -> (i32, i32) {
    %c0_i32 = arith.constant 0 : i32
    %c0_i32_0 = arith.constant 0 : i32
    %c0_i32_1 = arith.constant 0 : i32
    return %c0_i32, %c0_i32_0 : i32, i32
  }
  func.func @transform_3(%arg0: i32) -> (i32, i32) {
    %c0_i32 = arith.constant 0 : i32
    %c0_i32_0 = arith.constant 0 : i32
    %c0_i32_1 = arith.constant 0 : i32
    return %c0_i32, %c0_i32_0 : i32, i32
  }
  func.func @transform_4(%arg0: i32) -> (i32, i32) {
    %c0_i32 = arith.constant 0 : i32
    %c0_i32_0 = arith.constant 0 : i32
    %c0_i32_1 = arith.constant 0 : i32
    return %c0_i32, %c0_i32_0 : i32, i32
  }
  func.func @transform_5(%arg0: i32) -> (i32, i32) {
    %c0_i32 = arith.constant 0 : i32
    %c0_i32_0 = arith.constant 0 : i32
    %c0_i32_1 = arith.constant 0 : i32
    return %c0_i32, %c0_i32_0 : i32, i32
  }
  func.func @transform_6(%arg0: i32) -> (i32, i32) {
    %c0_i32 = arith.constant 0 : i32
    %c0_i32_0 = arith.constant 0 : i32
    %c0_i32_1 = arith.constant 0 : i32
    return %c0_i32, %c0_i32_0 : i32, i32
  }
  func.func @transform_7(%arg0: i32) -> (i32, i32) {
    %c0_i32 = arith.constant 0 : i32
    %c0_i32_0 = arith.constant 0 : i32
    %c0_i32_1 = arith.constant 0 : i32
    return %c0_i32, %c0_i32_0 : i32, i32
  }
  func.func @transform_8(%arg0: i32) -> (i32, i32) {
    %c0_i32 = arith.constant 0 : i32
    %c0_i32_0 = arith.constant 0 : i32
    return %arg0, %c0_i32 : i32, i32
  }
}

</mosaic_0001>

<sc_bundles>
// kernel: kernel.13.cloned.1.call-start
scs
__scs_entry_jumppad:
0x0: {  	(pc) =	sbr.rel $0x88, $3  }
0x1: {  	(tag) =	ssettag $0x0;
	lr =	simm.s32 $0x1  }
0x2: {  	[smem:$0x3F90] =	sst lr;
	_ =	strace $0xD0000000  }
0x3: {  	_ = 	snop  }
0x4: {  	_ = 	snop  }
0x5: {  	_ = 	snop  }
0x6: {  	_ = 	snop  }
0x7: {  	_ = 	snop  }
__scs_overlays_trampoline_lowered:
0x8: {  	[smem:$0x3F9F] =	sst s0  }
0x9: {  	[smem:$0x3FA0] =	sst s1  }
0xa: {  	[smem:$0x3FA1] =	sst s2  }
0xb: {  	[smem:$0x3FA2] =	sst s3  }
0xc: {  	[smem:$0x3FA3] =	sst s4  }
0xd: {  	[smem:$0x3FA4] =	sst s5  }
0xe: {  	[smem:$0x3FA5] =	sst s6  }
0xf: {  	[smem:$0x3FA6] =	sst s7  }
0x10: {  	[smem:$0x3FA7] =	sst s8  }
0x11: {  	[smem:$0x3FA8] =	sst s9;
	s0 =	simm.s32 @!p0 $0x0  }
0x12: {  	s1 =	sld [smem:$0x3F8E];
	s0 =	simm.s32 @p0 $0x1  }
0x13: {  	[smem:$0x3FA9] =	sst s0;
	s0 =	simm.s32 @!p1 $0x0  }
0x14: {  	s2 =	sld [smem:$0x3F8D];
	s0 =	simm.s32 @p1 $0x1  }
0x15: {  	[smem:$0x3FAA] =	sst s0;
	s0 =	simm.s32 @!p2 $0x0  }
0x16: {  	s3 =	sld [smem:$0x3FDB];
	s0 =	simm.s32 @p2 $0x1  }
0x17: {  	s4 =	simm.s32 $0x1BF5;
	[smem:$0x3FAC] =	sst s0  }
0x18: {  	s0 =	sld [smem:$0x3F8F];
	_ =	swait.ge [sflag:s4], $0x0  }
0x19: {  	s7 =	sld [smem:$0x3F90]  }
0x1a: {  	s8 =	sadd.s32 $0xFFFFE003, lr  }
0x1b: {  	s9 =	sadd.s32 $0xFFFFFEF7, lr;
	s5 =	simm.s32 $0xFFFFFFFF;
	p2 =	slt.u32 s8, $0xFFFFF086  }
0x1c: {  	p1 =	slt.u32 s9, $0xF7A;
	s5 =	simm.s32 @!p2 $0x0  }
0x1d: {  	s5 =	simm.s32 @p1 $0x1;
	p0 =	seq.s32 s7, s2  }
0x1e: {  	s7 =	smul.u32 @!p0 $0xF7A, s2;
	p2 =	seq.s32 @!p0 s5, $0x0  }
0x1f: {  	s9 =	smul.u32 $0xF7A, s1;
	s8 =	simm.s32 @!p0 $0x1BF5;
	p2 =	por !p2, p0  }
0x20: {  	[sflag:s8] =	ssyncset.s32 @!p0 $0xFFFFF086;
	s6 =	sadd.s32 @!p0 s3, s7;
	s7 =	simm.s32 @!p0 $0x108  }
0x21: {  	s3 =	sadd.s32 s3, s9;
	s6 =	sadd.s32 @!p0 $0x88, s6;
	s7 =	simm.s32 @p2 $0x1082  }
0x22: {  	[simem:s7], [sflag:s8] =	dma.local @!p0 [hbm:s6], $0xF7A  }
0x23: {  	s9 =	sor.u32 $0xD0000000, s2;
	s6 =	simm.s32 $0x108;
	_ =	swait.ge @!p0 [sflag:s8], $0x0  }
0x24: {  	s3 =	sadd.s32 $0x88, s3;
	s6 =	simm.s32 @!p1 $0x1082;
	[sflag:s4] =	ssyncset.s32 $0xFFFFF086  }
0x25: {  	[simem:s6], [sflag:s4] =	dma.local [hbm:s3], $0xF7A  }
0x26: {  	[smem:$0x3F90] =	sst s1;
	(tag) =	ssettag s2;
	_ =	strace s9  }
0x27: {  	s1 =	sld [smem:$0x3FA0]  }
0x28: {  	s2 =	sld [smem:$0x3FA1]  }
0x29: {  	s4 =	sld [smem:$0x3FA3]  }
0x2a: {  	p0 =	seq.s32 s5, $0x0;
	s5 =	sld [smem:$0x3FA4]  }
0x2b: {  	s6 =	sld [smem:$0x3FA5]  }
0x2c: {  	s7 =	sld [smem:$0x3FA6]  }
0x2d: {  	s3 =	simm.s32 $0x108;
	s8 =	sld [smem:$0x3FA7]  }
0x2e: {  	s3 =	simm.s32 @!p0 $0x1082;
	s9 =	sld [smem:$0x3FA8]  }
0x2f: {  	lr =	sadd.s32 s0, s3;
	s0 =	sld [smem:$0x3F9F]  }
0x30: {  	s3 =	sld [smem:$0x3FA2]  }
0x31: {  	[smem:$0x3FAB] =	sst s10  }
0x32: {  	s10 =	sld [smem:$0x3FA9];
	_ =	sdelay $0x3  }
0x33: {  	p0 =	seq.s32 s10, $0x1;
	s10 =	sld [smem:$0x3FAB];
	_ =	sdelay $0x3  }
0x34: {  	[smem:$0x3FAB] =	sst s10  }
0x35: {  	s10 =	sld [smem:$0x3FAA];
	_ =	sdelay $0x3  }
0x36: {  	p1 =	seq.s32 s10, $0x1;
	s10 =	sld [smem:$0x3FAB];
	_ =	sdelay $0x3  }
0x37: {  	[smem:$0x3FAB] =	sst s10  }
0x38: {  	s10 =	sld [smem:$0x3FAC]  }
0x39: {  	_ = 	snop;
	(pc) =	sbr.ind lr, $3  }
0x3a: {  	_ = 	snop  }
0x3b: {  	_ = 	snop  }
0x3c: {  	p2 =	seq.s32 s10, $0x1;
	s10 =	sld [smem:$0x3FAB]  }
0x3d: {  	_ =	shalt  }
0x3e: {  	_ =	shalt  }
0x3f: {  	_ =	shalt  }
0x40: {  	_ =	shalt  }
0x41: {  	_ =	shalt  }
0x42: {  	_ =	shalt  }
0x43: {  	_ =	shalt  }
0x44: {  	_ =	shalt  }
0x45: {  	_ =	shalt  }
0x46: {  	_ =	shalt  }
0x47: {  	_ =	shalt  }
0x48: {  	_ =	shalt  }
0x49: {  	_ =	shalt  }
0x4a: {  	_ =	shalt  }
0x4b: {  	_ =	shalt  }
0x4c: {  	_ =	shalt  }
0x4d: {  	_ =	shalt  }
0x4e: {  	_ =	shalt  }
0x4f: {  	_ =	shalt  }
0x50: {  	_ =	shalt  }
0x51: {  	_ =	shalt  }
0x52: {  	_ =	shalt  }
0x53: {  	_ =	shalt  }
0x54: {  	_ =	shalt  }
0x55: {  	_ =	shalt  }
0x56: {  	_ =	shalt  }
0x57: {  	_ =	shalt  }
0x58: {  	_ =	shalt  }
0x59: {  	_ =	shalt  }
0x5a: {  	_ =	shalt  }
0x5b: {  	_ =	shalt  }
0x5c: {  	_ =	shalt  }
0x5d: {  	_ =	shalt  }
0x5e: {  	_ =	shalt  }
0x5f: {  	_ =	shalt  }
0x60: {  	_ =	shalt  }
0x61: {  	_ =	shalt  }
0x62: {  	_ =	shalt  }
0x63: {  	_ =	shalt  }
0x64: {  	_ =	shalt  }
0x65: {  	_ =	shalt  }
0x66: {  	_ =	shalt  }
0x67: {  	_ =	shalt  }
0x68: {  	_ =	shalt  }
0x69: {  	_ =	shalt  }
0x6a: {  	_ =	shalt  }
0x6b: {  	_ =	shalt  }
0x6c: {  	_ =	shalt  }
0x6d: {  	_ =	shalt  }
0x6e: {  	_ =	shalt  }
0x6f: {  	_ =	shalt  }
0x70: {  	_ =	shalt  }
0x71: {  	_ =	shalt  }
0x72: {  	_ =	shalt  }
0x73: {  	_ =	shalt  }
0x74: {  	_ =	shalt  }
0x75: {  	_ =	shalt  }
0x76: {  	_ =	shalt  }
0x77: {  	_ =	shalt  }
0x78: {  	_ =	shalt  }
0x79: {  	_ =	shalt  }
0x7a: {  	_ =	shalt  }
0x7b: {  	_ =	shalt  }
0x7c: {  	_ =	shalt  }
0x7d: {  	_ =	shalt  }
0x7e: {  	_ =	shalt  }
0x7f: {  	_ =	shalt  }
0x80: {  	_ =	shalt  }
0x81: {  	_ =	shalt  }
0x82: {  	_ =	shalt  }
0x83: {  	_ =	shalt  }
0x84: {  	_ =	shalt  }
0x85: {  	_ =	shalt  }
0x86: {  	_ =	shalt  }
0x87: {  	_ =	shalt  }
.Lfunc_end0:
.L_simem_size_0:
called_computation_lowered:
.L_overlay_start_0:
0x88: {  	s2 =	sld [smem:$0x3FD9]  }
0x89: {  	s3 =	sld [smem:$0x3FFE];
	_ =	sdelay $0x1  }
0x8a: {  	s1 =	srdreg.scid  }
0x8b: {  	s0 =	sand.u32 $0x1, s1  }
0x8c: {  	s17 =	sshll.u32 s0, $0xA;
	s2 =	sadd.s32 s3, s2  }
0x8d: {  	s2 =	sadd.s32 s2, s17  }
0x8e: {  	[smem:$0x3FB7] =	sst s2  }
0x8f: {  	_ = 	snop  }
0x90: {  	s2 =	sld [smem:$0x3FD0];
	(tm) =	ssettm $0x1  }
0x91: {  	s18 =	sld [smem:$0x3FFB];
	_ =	sdelay $0x3  }
0x92: {  	_ =	strace s18  }
0x93: {  	s3 =	sld [smem:$0x3FFC];
	_ =	sdelay $0x3  }
0x94: {  	_ =	strace s3  }
0x95: {  	s3 =	sld [smem:$0x3FFD];
	_ =	sdelay $0x3  }
0x96: {  	_ =	strace s3  }
0x97: {  	_ =	strace $0x8FFFFFFF  }
0x98: {  	s19 =	sld [smem:$0x3FDB];
	_ =	sdelay $0x1  }
0x99: {  	s4 =	simm.s32 $_scs_section_size  }
0x9a: {  	s5 =	simm.s32 $_size__tile_overlayer_lowered;
	s6 =	simm.s32 $_tile_overlayer_lowered  }
0x9b: {  	s22 =	simm.s32 $0x1BFF;
	s21 =	sshll.u32 s6, $0x1;
	s3 =	sadd.s32 s4, s19  }
0x9c: {  	s7 =	simm.s32 $0x0;
	s20 =	sshll.u32 s5, $0x1;
	s5 =	sadd.s32 s21, s3  }
0x9d: {  	[timem:s7], [sflag:s22] =	dma.local [hbm:s5], s20  }
0x9e: {  	_ =	swait.ge [sflag:s22], s20  }
0x9f: {  	s4 =	ssub.s32 $0x0, s20;
	[sflag:s22] =	ssyncset.done $0x0  }
0xa0: {  	[sflag:s22] =	ssyncadd.s32 s4;
	_ =	sdelay $0x1  }
0xa1: {  	s23 =	simm.s32 $0x1B8B  }
0xa2: {  	_ =	swait.ge [sflag:s23], $0x1  }
0xa3: {  	[sflag:s23] =	ssyncset.done $0x0  }
0xa4: {  	s25 =	simm.s32 $0x1B8E;
	s24 =	sld [smem:$0x3FFE];
	[sflag:s23] =	ssyncadd.s32 $0xFFFFFFFF  }
0xa5: {  	s26 =	simm.s32 $execute0_lowered;
	[smem:$0x3FD2] =	sst s25  }
0xa6: {  	s5 =	sshll.u32 s26, $0x1;
	_ =	strace $0x80000046;
	[dreg:$0x1] =	wrdreg $0xFFFFFFFF  }
0xa7: {  	s28 =	simm.s32 $_size_execute0_lowered;
	s3 =	sadd.s32 s3, s5;
	[dreg:$0x0] =	wrdreg $0x0  }
0xa8: {  	s5 =	sshll.u32 s28, $0x1;
	[dreg:$0x2] =	wrdreg s3  }
0xa9: {  	[dreg:$0x3] =	wrdreg s5  }
0xaa: {  	[dreg:$0x4] =	wrdreg $0xC0  }
0xab: {  	_ =	task [dreg:s7], $0x5FFFF  }
0xac: {  	[dreg:$0x1] =	wrdreg $0xFFFFFFFF  }
0xad: {  	[dreg:$0x0] =	wrdreg $0x60  }
0xae: {  	[dreg:$0x2] =	wrdreg s24  }
0xaf: {  	[dreg:$0x3] =	wrdreg s2  }
0xb0: {  	[dreg:$0x4] =	wrdreg $0x9  }
0xb1: {  	_ =	task.clear_ibuf [dreg:s7], $0x5FFFF;
	_ =	strace $0x90000046  }
0xb2: {  	s29 =	simm.s32 $0x9;
	_ =	strace $0x80000048  }
0xb3: {  	_ =	swait.ge [sflag:s29], $0x1  }
0xb4: {  	[sflag:s29] =	ssyncadd.s32 $0xFFFFFFFF  }
0xb5: {  	_ =	strace $0x90000048  }
0xb6: {  	_ =	sfence  }
0xb7: {  	s30 =	sld [smem:$0x0];
	_ =	sdelay $0x2  }
0xb8: {  	s31 =	sshll.u32 s1, $0xD;
	s1 =	sshrl.u32 s1, $0x2  }
0xb9: {  	s3 =	sand.u32 $0x4000, s31;
	s1 =	sadd.s32 s1, s30  }
0xba: {  	s0 =	sor.u32 s3, s0;
	s1 =	sshll.u32 s1, $0x11  }
0xbb: {  	s0 =	sor.u32 s1, s0  }
0xbc: {  	s0 =	sadd.s32 $0x8F2B, s0  }
0xbd: {  	[sflag:s0] =	ssyncadd.remote.s32 $0x1  }
0xbe: {  	_ =	sfence.sel $0xFFFF  }
0xbf: {  	[dreg:$0x0] =	wrdreg $0xFFFFFFFF;
	(pc) =	sbr.abs _section_cstart, $3  }
0xc0: {  	[dreg:$0x1] =	wrdreg $0xFFFFFFFF  }
0xc1: {  	_ =	task.clear_ibuf [dreg:s7], $0x2FFFF;
	_ =	strace $0x9FFFFFFF  }
0xc2: {  	(tm) =	ssettm $0x7FFFFFFF  }
0xc3: {  	_ =	shalt  }
tec
execute0_lowered:
.L_overlay_start_1:
0x0: {  	(tag) =	ssettag $0x1  }
0x1: {  	s1 =	srdreg.scid  }
0x2: {  	s0 =	stileid.u32;
	s4 =	rddreg [dreg:$0x0]  }
0x3: {  	s2 =	rddreg [dreg:$0x1];
	s3 =	simm.s32 $0x0;
	s9 =	simm.s32 $0x1  }
0x4: {  	s10 =	simm.s32 $0x2800;
	s11 =	simm.s32 $0x5000;
	s12 =	simm.s32 $0x7710  }
0x5: {  	s13 =	simm.s32 $0x9E20;
	s5 =	sand.u32 $0x1, s1;
	s30 =	sshll.u32 s0, $0x1  }
0x6: {  	s14 =	simm.s32 $0x0;
	s6 =	sor.u32 s5, s30;
	s5 =	ssub.s32 $0x2, s5  }
0x7: {  	[smem:$0x7FF] =	sst s3;
	s6 =	smul.u32 $0x500, s6;
	s31 =	sshrl.u32 s5, $0x1  }
0x8: {  	s1 =	rddreg [dreg:$0x2];
	_ =	strace $0x80000047;
	s8 =	ssub.s32 s5, s31  }
0x9: {  	s7 =	sadd.s32 s6, s4;
	s4 =	sadd.s32 $0x16A00, s4;
	s8 =	smax.u32 s8, $0x1  }
0xa: {  	v0 =	vimm.f32 $-3.000000010e+38;
	s5 =	sadd.s32 $0xCA00, s7;
	s6 =	sadd.s32 $0x2A00, s7;
	s7 =	sadd.s32 $0x17000, s7  }
.LBB2_1:
0xb: {  	[tilespmem:s3], [sflag:$0x1] =	stream.linear.gather [hbm4b:s5+s3], $0x2800, $0x38;
	[tilespmem:$0xC620] =	vst v63  }
0xc: {  	_ =	swait.ge [sflag:s9], $0x2800  }
0xd: {  	[sflag:s9] =	ssyncset.done $0x0  }
0xe: {  	[sflag:s9] =	ssyncadd.s32 $0xFFFFD800  }
0xf: {  	[tilespmem:s10], [sflag:$0x1] =	stream.linear.gather [hbm4b:s6+s3], $0x2800, $0x38;
	[tilespmem:$0xC620] =	vst v63  }
0x10: {  	_ =	swait.ge [sflag:s9], $0x2800  }
0x11: {  	[sflag:s9] =	ssyncset.done $0x0  }
0x12: {  	[sflag:s9] =	ssyncadd.s32 $0xFFFFD800  }
0x13: {  	[tilespmem:s11], [sflag:$0x1] =	stream.linear.gather [hbm4b:s4+s3], $0x2710, $0x38;
	[tilespmem:$0xC620] =	vst v63  }
0x14: {  	_ =	swait.ge [sflag:s9], $0x2710  }
0x15: {  	[sflag:s9] =	ssyncset.done $0x0  }
0x16: {  	[sflag:s9] =	ssyncadd.s32 $0xFFFFD8F0  }
0x17: {  	[tilespmem:s12], [sflag:$0x1] =	stream.linear.gather [hbm4b:s2+s3], $0x2710, $0x38;
	[tilespmem:$0xC620] =	vst v63  }
0x18: {  	_ =	swait.ge [sflag:s9], $0x2710  }
0x19: {  	[sflag:s9] =	ssyncset.done $0x0  }
0x1a: {  	s15 =	simm.s32 $0x0;
	[sflag:s9] =	ssyncadd.s32 $0xFFFFD8F0  }
0x1b: {  	v1 =	vld [tilespmem:s15+$0x0]  }
0x1c: {  	v2 =	vld [tilespmem:s15+$0x2800];
	_ =	sdelay $0x6  }
0x1d: {  	v1 =	vld.idx.msk [tilespmem:v1+s11+$0x0], $0xffff  }
0x1e: {  	v2 =	vld.idx.msk [tilespmem:v2+s12+$0x0], $0xffff;
	_ =	sdelay $0x2  }
0x1f: {  	v3 =	vld [tilespmem:s15+$0x10]  }
0x20: {  	v4 =	vld [tilespmem:s15+$0x2810]  }
0x21: {  	v1 =	vadd.f32 v2, v1;
	_ =	sdelay $0x1  }
0x22: {  	v2 =	vmul.f32 $2.000000030e-01, v1  }
0x23: {  	vm0 =	vge.f32 v1, $0.0e+00  }
0x24: {  	v1 =	vsel vm0, v1, v2  }
0x25: {  	[tilespmem:s15+$0x9E20] =	vst v1  }
0x26: {  	v1 =	vld.idx.msk [tilespmem:v3+s11+$0x0], $0xffff  }
0x27: {  	v2 =	vld.idx.msk [tilespmem:v4+s12+$0x0], $0xffff;
	_ =	sdelay $0x2  }
0x28: {  	v3 =	vld [tilespmem:s15+$0x20]  }
0x29: {  	v58 =	vld [tilespmem:s15+$0x2820]  }
0x2a: {  	v1 =	vadd.f32 v2, v1;
	_ =	sdelay $0x1  }
0x2b: {  	v2 =	vmul.f32 $2.000000030e-01, v1  }
0x2c: {  	vm10 =	vge.f32 v1, $0.0e+00  }
0x2d: {  	v1 =	vsel vm10, v1, v2  }
0x2e: {  	[tilespmem:s15+$0x9E30] =	vst v1  }
0x2f: {  	v1 =	vld.idx.msk [tilespmem:v3+s11+$0x0], $0xffff  }
0x30: {  	v2 =	vld.idx.msk [tilespmem:v58+s12+$0x0], $0xffff;
	_ =	sdelay $0x2  }
0x31: {  	v3 =	vld [tilespmem:s15+$0x30]  }
0x32: {  	v59 =	vld [tilespmem:s15+$0x2830]  }
0x33: {  	v1 =	vadd.f32 v2, v1;
	_ =	sdelay $0x1  }
0x34: {  	v2 =	vmul.f32 $2.000000030e-01, v1  }
0x35: {  	vm11 =	vge.f32 v1, $0.0e+00  }
0x36: {  	v1 =	vsel vm11, v1, v2  }
0x37: {  	[tilespmem:s15+$0x9E40] =	vst v1  }
0x38: {  	v1 =	vld.idx.msk [tilespmem:v3+s11+$0x0], $0xffff  }
0x39: {  	v2 =	vld.idx.msk [tilespmem:v59+s12+$0x0], $0xffff;
	_ =	sdelay $0x2  }
0x3a: {  	v3 =	vld [tilespmem:s15+$0x40]  }
0x3b: {  	v60 =	vld [tilespmem:s15+$0x2840]  }
0x3c: {  	v1 =	vadd.f32 v2, v1;
	_ =	sdelay $0x1  }
0x3d: {  	v2 =	vmul.f32 $2.000000030e-01, v1  }
0x3e: {  	vm12 =	vge.f32 v1, $0.0e+00  }
0x3f: {  	v1 =	vsel vm12, v1, v2  }
0x40: {  	[tilespmem:s15+$0x9E50] =	vst v1  }
0x41: {  	v1 =	vld.idx.msk [tilespmem:v3+s11+$0x0], $0xffff  }
0x42: {  	v2 =	vld.idx.msk [tilespmem:v60+s12+$0x0], $0xffff;
	_ =	sdelay $0x2  }
0x43: {  	v3 =	vld [tilespmem:s15+$0x50]  }
0x44: {  	v61 =	vld [tilespmem:s15+$0x2850]  }
0x45: {  	v1 =	vadd.f32 v2, v1;
	_ =	sdelay $0x1  }
0x46: {  	v2 =	vmul.f32 $2.000000030e-01, v1  }
0x47: {  	vm13 =	vge.f32 v1, $0.0e+00  }
0x48: {  	v1 =	vsel vm13, v1, v2  }
0x49: {  	[tilespmem:s15+$0x9E60] =	vst v1  }
0x4a: {  	v1 =	vld.idx.msk [tilespmem:v3+s11+$0x0], $0xffff  }
0x4b: {  	v2 =	vld.idx.msk [tilespmem:v61+s12+$0x0], $0xffff;
	_ =	sdelay $0x2  }
0x4c: {  	v3 =	vld [tilespmem:s15+$0x60]  }
0x4d: {  	v62 =	vld [tilespmem:s15+$0x2860]  }
0x4e: {  	v1 =	vadd.f32 v2, v1;
	_ =	sdelay $0x1  }
0x4f: {  	v2 =	vmul.f32 $2.000000030e-01, v1  }
0x50: {  	vm14 =	vge.f32 v1, $0.0e+00  }
0x51: {  	v1 =	vsel vm14, v1, v2  }
0x52: {  	[tilespmem:s15+$0x9E70] =	vst v1  }
0x53: {  	v1 =	vld.idx.msk [tilespmem:v3+s11+$0x0], $0xffff  }
0x54: {  	v2 =	vld.idx.msk [tilespmem:v62+s12+$0x0], $0xffff;
	_ =	sdelay $0x2  }
0x55: {  	v3 =	vld [tilespmem:s15+$0x70]  }
0x56: {  	v63 =	vld [tilespmem:s15+$0x2870]  }
0x57: {  	v1 =	vadd.f32 v2, v1;
	_ =	sdelay $0x1  }
0x58: {  	v2 =	vmul.f32 $2.000000030e-01, v1  }
0x59: {  	vm15 =	vge.f32 v1, $0.0e+00  }
0x5a: {  	v1 =	vsel vm15, v1, v2  }
0x5b: {  	[tilespmem:s15+$0x9E80] =	vst v1  }
0x5c: {  	v1 =	vld.idx.msk [tilespmem:v3+s11+$0x0], $0xffff  }
0x5d: {  	s16 =	simm.s32 $0x200;
	s17 =	simm.s32 $0x400;
	v2 =	vld.idx.msk [tilespmem:v63+s12+$0x0], $0xffff  }
.LBB2_2:
0x5e: {  	p0 =	sne.s32 s17, $0x9A00  }
0x5f: {  	s18 =	sshra.s32 s16, $0x2;
	s16 =	smov.u32 s17;
	s17 =	sadd.s32 $0x200, s17  }
0x60: {  	v3 =	vld [tilespmem:s18+$0x0]  }
0x61: {  	v4 =	vld [tilespmem:s18+$0x2800]  }
0x62: {  	v1 =	vadd.f32 v2, v1;
	_ =	sdelay $0x1  }
0x63: {  	vm0 =	vge.f32 v1, $0.0e+00;
	v2 =	vmul.f32 $2.000000030e-01, v1;
	_ =	sdelay $0x1  }
0x64: {  	v1 =	vsel vm0, v1, v2  }
0x65: {  	[tilespmem:s15+$0x9E90] =	vst v1;
	s15 =	smov.u32 s18  }
0x66: {  	v1 =	vld.idx.msk [tilespmem:v3+s11+$0x0], $0xffff  }
0x67: {  	v2 =	vld.idx.msk [tilespmem:v4+s12+$0x0], $0xffff;
	_ =	sdelay $0x2  }
0x68: {  	v3 =	vld [tilespmem:s15+$0x2810]  }
0x69: {  	v4 =	vld [tilespmem:s15+$0x10];
	_ =	sdelay $0x1  }
0x6a: {  	v1 =	vadd.f32 v2, v1;
	_ =	sdelay $0x1  }
0x6b: {  	vm0 =	vge.f32 v1, $0.0e+00;
	v2 =	vmul.f32 $2.000000030e-01, v1;
	_ =	sdelay $0x1  }
0x6c: {  	v1 =	vsel vm0, v1, v2  }
0x6d: {  	[tilespmem:s15+$0x9E20] =	vst v1  }
0x6e: {  	v1 =	vld.idx.msk [tilespmem:v4+s11+$0x0], $0xffff  }
0x6f: {  	v2 =	vld.idx.msk [tilespmem:v3+s12+$0x0], $0xffff;
	_ =	sdelay $0x2  }
0x70: {  	v3 =	vld [tilespmem:s15+$0x2820]  }
0x71: {  	v4 =	vld [tilespmem:s15+$0x20];
	_ =	sdelay $0x1  }
0x72: {  	v1 =	vadd.f32 v2, v1;
	_ =	sdelay $0x1  }
0x73: {  	vm0 =	vge.f32 v1, $0.0e+00;
	v2 =	vmul.f32 $2.000000030e-01, v1;
	_ =	sdelay $0x1  }
0x74: {  	v1 =	vsel vm0, v1, v2  }
0x75: {  	[tilespmem:s15+$0x9E30] =	vst v1  }
0x76: {  	v1 =	vld.idx.msk [tilespmem:v4+s11+$0x0], $0xffff  }
0x77: {  	v2 =	vld.idx.msk [tilespmem:v3+s12+$0x0], $0xffff;
	_ =	sdelay $0x2  }
0x78: {  	v3 =	vld [tilespmem:s15+$0x2830]  }
0x79: {  	v4 =	vld [tilespmem:s15+$0x30];
	_ =	sdelay $0x1  }
0x7a: {  	v1 =	vadd.f32 v2, v1;
	_ =	sdelay $0x1  }
0x7b: {  	vm0 =	vge.f32 v1, $0.0e+00;
	v2 =	vmul.f32 $2.000000030e-01, v1;
	_ =	sdelay $0x1  }
0x7c: {  	v1 =	vsel vm0, v1, v2  }
0x7d: {  	[tilespmem:s15+$0x9E40] =	vst v1  }
0x7e: {  	v1 =	vld.idx.msk [tilespmem:v4+s11+$0x0], $0xffff  }
0x7f: {  	v2 =	vld.idx.msk [tilespmem:v3+s12+$0x0], $0xffff;
	_ =	sdelay $0x2  }
0x80: {  	v3 =	vld [tilespmem:s15+$0x2840]  }
0x81: {  	v4 =	vld [tilespmem:s15+$0x40];
	_ =	sdelay $0x1  }
0x82: {  	v1 =	vadd.f32 v2, v1;
	_ =	sdelay $0x1  }
0x83: {  	vm0 =	vge.f32 v1, $0.0e+00;
	v2 =	vmul.f32 $2.000000030e-01, v1;
	_ =	sdelay $0x1  }
0x84: {  	v1 =	vsel vm0, v1, v2  }
0x85: {  	[tilespmem:s15+$0x9E50] =	vst v1  }
0x86: {  	v1 =	vld.idx.msk [tilespmem:v4+s11+$0x0], $0xffff  }
0x87: {  	v2 =	vld.idx.msk [tilespmem:v3+s12+$0x0], $0xffff;
	_ =	sdelay $0x2  }
0x88: {  	v3 =	vld [tilespmem:s15+$0x2850]  }
0x89: {  	v4 =	vld [tilespmem:s15+$0x50];
	_ =	sdelay $0x1  }
0x8a: {  	v1 =	vadd.f32 v2, v1;
	_ =	sdelay $0x1  }
0x8b: {  	vm0 =	vge.f32 v1, $0.0e+00;
	v2 =	vmul.f32 $2.000000030e-01, v1;
	_ =	sdelay $0x1  }
0x8c: {  	v1 =	vsel vm0, v1, v2  }
0x8d: {  	[tilespmem:s15+$0x9E60] =	vst v1  }
0x8e: {  	v1 =	vld.idx.msk [tilespmem:v4+s11+$0x0], $0xffff  }
0x8f: {  	v2 =	vld.idx.msk [tilespmem:v3+s12+$0x0], $0xffff;
	_ =	sdelay $0x2  }
0x90: {  	v3 =	vld [tilespmem:s15+$0x2860]  }
0x91: {  	v4 =	vld [tilespmem:s15+$0x60];
	_ =	sdelay $0x1  }
0x92: {  	v1 =	vadd.f32 v2, v1;
	_ =	sdelay $0x1  }
0x93: {  	vm0 =	vge.f32 v1, $0.0e+00;
	v2 =	vmul.f32 $2.000000030e-01, v1;
	_ =	sdelay $0x1  }
0x94: {  	v1 =	vsel vm0, v1, v2  }
0x95: {  	[tilespmem:s15+$0x9E70] =	vst v1  }
0x96: {  	v1 =	vld.idx.msk [tilespmem:v4+s11+$0x0], $0xffff  }
0x97: {  	v2 =	vld.idx.msk [tilespmem:v3+s12+$0x0], $0xffff;
	_ =	sdelay $0x2  }
0x98: {  	v3 =	vld [tilespmem:s15+$0x2870]  }
0x99: {  	v4 =	vld [tilespmem:s15+$0x70];
	_ =	sdelay $0x1  }
0x9a: {  	v1 =	vadd.f32 v2, v1;
	_ =	sdelay $0x1  }
0x9b: {  	vm0 =	vge.f32 v1, $0.0e+00;
	v2 =	vmul.f32 $2.000000030e-01, v1  }
.Ltmp0:
0x9c: {  	(pc) =	sbr.rel @p0 .LBB2_2-.Ltmp0, $4  }
0x9d: {  	v1 =	vsel vm0, v1, v2  }
0x9e: {  	[tilespmem:s15+$0x9E80] =	vst v1  }
0x9f: {  	v1 =	vld.idx.msk [tilespmem:v4+s11+$0x0], $0xffff  }
0xa0: {  	v2 =	vld.idx.msk [tilespmem:v3+s12+$0x0], $0xffff  }
0xa1: {  	_ = 	snop  }
0xa2: {  	s16 =	sshra.s32 s16, $0x2  }
0xa3: {  	v3 =	vld [tilespmem:s16+$0x0]  }
0xa4: {  	v4 =	vld [tilespmem:s16+$0x2800]  }
0xa5: {  	v1 =	vadd.f32 v2, v1;
	_ =	sdelay $0x1  }
0xa6: {  	v2 =	vmul.f32 $2.000000030e-01, v1  }
0xa7: {  	vm0 =	vge.f32 v1, $0.0e+00  }
0xa8: {  	v1 =	vsel vm0, v1, v2  }
0xa9: {  	[tilespmem:s15+$0x9E90] =	vst v1  }
0xaa: {  	v1 =	vld.idx.msk [tilespmem:v3+s11+$0x0], $0xffff  }
0xab: {  	v2 =	vld.idx.msk [tilespmem:v4+s12+$0x0], $0xffff;
	_ =	sdelay $0x2  }
0xac: {  	v3 =	vld [tilespmem:s16+$0x10]  }
0xad: {  	v57 =	vld [tilespmem:s16+$0x2810]  }
0xae: {  	v1 =	vadd.f32 v2, v1;
	_ =	sdelay $0x1  }
0xaf: {  	v2 =	vmul.f32 $2.000000030e-01, v1  }
0xb0: {  	vm7 =	vge.f32 v1, $0.0e+00  }
0xb1: {  	v1 =	vsel vm7, v1, v2  }
0xb2: {  	[tilespmem:s16+$0x9E20] =	vst v1  }
0xb3: {  	v1 =	vld.idx.msk [tilespmem:v3+s11+$0x0], $0xffff  }
0xb4: {  	v2 =	vld.idx.msk [tilespmem:v57+s12+$0x0], $0xffff;
	_ =	sdelay $0x2  }
0xb5: {  	v3 =	vld [tilespmem:s16+$0x20]  }
0xb6: {  	v58 =	vld [tilespmem:s16+$0x2820]  }
0xb7: {  	v1 =	vadd.f32 v2, v1;
	_ =	sdelay $0x1  }
0xb8: {  	v2 =	vmul.f32 $2.000000030e-01, v1  }
0xb9: {  	vm8 =	vge.f32 v1, $0.0e+00  }
0xba: {  	v1 =	vsel vm8, v1, v2  }
0xbb: {  	[tilespmem:s16+$0x9E30] =	vst v1  }
0xbc: {  	v1 =	vld.idx.msk [tilespmem:v3+s11+$0x0], $0xffff  }
0xbd: {  	v2 =	vld.idx.msk [tilespmem:v58+s12+$0x0], $0xffff;
	_ =	sdelay $0x2  }
0xbe: {  	v3 =	vld [tilespmem:s16+$0x30]  }
0xbf: {  	v59 =	vld [tilespmem:s16+$0x2830]  }
0xc0: {  	v1 =	vadd.f32 v2, v1;
	_ =	sdelay $0x1  }
0xc1: {  	v2 =	vmul.f32 $2.000000030e-01, v1  }
0xc2: {  	vm9 =	vge.f32 v1, $0.0e+00  }
0xc3: {  	v1 =	vsel vm9, v1, v2  }
0xc4: {  	[tilespmem:s16+$0x9E40] =	vst v1  }
0xc5: {  	v1 =	vld.idx.msk [tilespmem:v3+s11+$0x0], $0xffff  }
0xc6: {  	v2 =	vld.idx.msk [tilespmem:v59+s12+$0x0], $0xffff;
	_ =	sdelay $0x2  }
0xc7: {  	v3 =	vld [tilespmem:s16+$0x40]  }
0xc8: {  	v60 =	vld [tilespmem:s16+$0x2840]  }
0xc9: {  	v1 =	vadd.f32 v2, v1;
	_ =	sdelay $0x1  }
0xca: {  	v2 =	vmul.f32 $2.000000030e-01, v1  }
0xcb: {  	vm10 =	vge.f32 v1, $0.0e+00  }
0xcc: {  	v1 =	vsel vm10, v1, v2  }
0xcd: {  	[tilespmem:s16+$0x9E50] =	vst v1  }
0xce: {  	v1 =	vld.idx.msk [tilespmem:v3+s11+$0x0], $0xffff  }
0xcf: {  	v2 =	vld.idx.msk [tilespmem:v60+s12+$0x0], $0xffff;
	_ =	sdelay $0x2  }
0xd0: {  	v3 =	vld [tilespmem:s16+$0x50]  }
0xd1: {  	v61 =	vld [tilespmem:s16+$0x2850]  }
0xd2: {  	v1 =	vadd.f32 v2, v1;
	_ =	sdelay $0x1  }
0xd3: {  	v2 =	vmul.f32 $2.000000030e-01, v1  }
0xd4: {  	vm11 =	vge.f32 v1, $0.0e+00  }
0xd5: {  	v1 =	vsel vm11, v1, v2  }
0xd6: {  	[tilespmem:s16+$0x9E60] =	vst v1  }
0xd7: {  	v1 =	vld.idx.msk [tilespmem:v3+s11+$0x0], $0xffff  }
0xd8: {  	v2 =	vld.idx.msk [tilespmem:v61+s12+$0x0], $0xffff;
	_ =	sdelay $0x2  }
0xd9: {  	v3 =	vld [tilespmem:s16+$0x60]  }
0xda: {  	v62 =	vld [tilespmem:s16+$0x2860]  }
0xdb: {  	v1 =	vadd.f32 v2, v1;
	_ =	sdelay $0x1  }
0xdc: {  	v2 =	vmul.f32 $2.000000030e-01, v1  }
0xdd: {  	vm12 =	vge.f32 v1, $0.0e+00  }
0xde: {  	v1 =	vsel vm12, v1, v2  }
0xdf: {  	[tilespmem:s16+$0x9E70] =	vst v1  }
0xe0: {  	v1 =	vld.idx.msk [tilespmem:v3+s11+$0x0], $0xffff  }
0xe1: {  	v2 =	vld.idx.msk [tilespmem:v62+s12+$0x0], $0xffff;
	_ =	sdelay $0x2  }
0xe2: {  	v3 =	vld [tilespmem:s16+$0x70]  }
0xe3: {  	v63 =	vld [tilespmem:s16+$0x2870]  }
0xe4: {  	v1 =	vadd.f32 v2, v1;
	_ =	sdelay $0x1  }
0xe5: {  	v2 =	vmul.f32 $2.000000030e-01, v1  }
0xe6: {  	vm13 =	vge.f32 v1, $0.0e+00  }
0xe7: {  	v1 =	vsel vm13, v1, v2  }
0xe8: {  	[tilespmem:s16+$0x9E80] =	vst v1  }
0xe9: {  	v1 =	vld.idx.msk [tilespmem:v3+s11+$0x0], $0xffff  }
0xea: {  	v2 =	vld.idx.msk [tilespmem:v63+s12+$0x0], $0xffff;
	_ =	sdelay $0x4  }
0xeb: {  	v1 =	vadd.f32 v2, v1;
	_ =	sdelay $0x1  }
0xec: {  	v2 =	vmul.f32 $2.000000030e-01, v1  }
0xed: {  	vm14 =	vge.f32 v1, $0.0e+00  }
0xee: {  	v1 =	vsel vm14, v1, v2  }
0xef: {  	[tilespmem:s16+$0x9E90] =	vst v1  }
0xf0: {  	v1 =	vld [tilespmem:$0x2700]  }
0xf1: {  	v2 =	vld [tilespmem:$0x4F00];
	_ =	sdelay $0x6  }
0xf2: {  	v1 =	vld.idx.msk [tilespmem:v1+s11+$0x0], $0xffff  }
0xf3: {  	v2 =	vld.idx.msk [tilespmem:v2+s12+$0x0], $0xffff;
	[tilespmem:$0xC530] =	vst v0  }
0xf4: {  	[tilespmem:$0xC540] =	vst v0  }
0xf5: {  	[tilespmem:$0xC550] =	vst v0  }
0xf6: {  	[tilespmem:$0xC560] =	vst v0  }
0xf7: {  	[tilespmem:$0xC570] =	vst v0  }
0xf8: {  	[tilespmem:$0xC580] =	vst v0  }
0xf9: {  	[tilespmem:$0xC590] =	vst v0  }
0xfa: {  	[tilespmem:$0xC5A0] =	vst v0  }
0xfb: {  	[tilespmem:$0xC5B0] =	vst v0  }
0xfc: {  	[tilespmem:$0xC5C0] =	vst v0  }
0xfd: {  	[tilespmem:$0xC5D0] =	vst v0;
	v1 =	vadd.f32 v2, v1  }
0xfe: {  	[tilespmem:$0xC5E0] =	vst v0  }
0xff: {  	[tilespmem:$0xC5F0] =	vst v0;
	v2 =	vmul.f32 $2.000000030e-01, v1  }
0x100: {  	s14 =	sadd.s32 $0x1, s14;
	[tilespmem:$0xC600] =	vst v0;
	vm15 =	vge.f32 v1, $0.0e+00  }
0x101: {  	p0 =	sne.s32 s14, s8;
	[tilespmem:$0xC610] =	vst v0;
	v1 =	vsel vm15, v1, v2  }
.Ltmp1:
0x102: {  	[tilespmem:$0xC520] =	vst v1;
	(pc) =	sbr.rel @p0 .LBB2_1-.Ltmp1, $4  }
0x103: {  	[hbm4b:s7+s3] =	stream.linear.scatter [tilespmem:s13], [sflag:$0x1], $0x2800, $0x38;
	[tilespmem:$0xC620] =	vst v63  }
0x104: {  	_ =	swait.ge [sflag:s9], $0x2800  }
0x105: {  	[sflag:s9] =	ssyncset.done $0x0  }
0x106: {  	[sflag:s9] =	ssyncadd.s32 $0xFFFFD800  }
0x107: {  	_ =	sfence.sel $0x180000  }
0x108: {  	[bflag:$0x0] =	sbarrier.arrive $0xFFFF  }
0x109: {  	p0 =	sne.s32 s0, $0x0;
	_ =	strace $0x90000047  }
0x10a: {  	s0 =	sadd.s32 @!p0 $0x100000, s1;
	[bflag:$0x2] =	sbarrier.arrive $0xFFFF  }
0x10b: {  	[sflag:s0] =	ssyncadd.tile.s32 @!p0 $0x1;
	_ =	shalt  }
.Lfunc_end2:
_tile_overlayer_lowered:
.L_overlay_start_2:
0x10c: {  	(tag) =	ssettag $0x2  }
0x10d: {  	s0 =	rddreg [dreg:$0x0];
	s2 =	stileid.u32  }
0x10e: {  	s1 =	rddreg [dreg:$0x1];
	p0 =	sne.s32 s2, $0x0  }
0x10f: {  	s3 =	rddreg [dreg:$0x2];
	[bflag:$0x3] =	sbarrier.arrive $0xFFFF;
	s2 =	simm.s32 @!p0 $0x1C01  }
0x110: {  	[timem:s3], [sflag:s2] =	dma.local @!p0 [hbm:s0], s1  }
0x111: {  	s0 =	simm.s32 @!p0 $0x1  }
0x112: {  	_ =	swait.ge @!p0 [sflag:s0], s1  }
0x113: {  	s1 =	ssub.s32 @!p0 $0x0, s1;
	[sflag:s0] =	ssyncset.done @!p0 $0x0  }
0x114: {  	[sflag:s0] =	ssyncadd.s32 @!p0 s1  }
0x115: {  	[bflag:$0x3] =	sbarrier.arrive $0xFFFF  }
0x116: {  	_ =	shalt  }

// kernel: kernel.16.cloned.1.call-start
scs
__scs_entry_jumppad:
0x0: {  	(pc) =	sbr.rel $0x88, $3  }
0x1: {  	(tag) =	ssettag $0x0;
	lr =	simm.s32 $0x1  }
0x2: {  	[smem:$0x3F90] =	sst lr;
	_ =	strace $0xD0000000  }
0x3: {  	_ = 	snop  }
0x4: {  	_ = 	snop  }
0x5: {  	_ = 	snop  }
0x6: {  	_ = 	snop  }
0x7: {  	_ = 	snop  }
__scs_overlays_trampoline_lowered:
0x8: {  	[smem:$0x3F9F] =	sst s0  }
0x9: {  	[smem:$0x3FA0] =	sst s1  }
0xa: {  	[smem:$0x3FA1] =	sst s2  }
0xb: {  	[smem:$0x3FA2] =	sst s3  }
0xc: {  	[smem:$0x3FA3] =	sst s4  }
0xd: {  	[smem:$0x3FA4] =	sst s5  }
0xe: {  	[smem:$0x3FA5] =	sst s6  }
0xf: {  	[smem:$0x3FA6] =	sst s7  }
0x10: {  	[smem:$0x3FA7] =	sst s8  }
0x11: {  	[smem:$0x3FA8] =	sst s9;
	s0 =	simm.s32 @!p0 $0x0  }
0x12: {  	s1 =	sld [smem:$0x3F8E];
	s0 =	simm.s32 @p0 $0x1  }
0x13: {  	[smem:$0x3FA9] =	sst s0;
	s0 =	simm.s32 @!p1 $0x0  }
0x14: {  	s2 =	sld [smem:$0x3F8D];
	s0 =	simm.s32 @p1 $0x1  }
0x15: {  	[smem:$0x3FAA] =	sst s0;
	s0 =	simm.s32 @!p2 $0x0  }
0x16: {  	s3 =	sld [smem:$0x3FDB];
	s0 =	simm.s32 @p2 $0x1  }
0x17: {  	s4 =	simm.s32 $0x1BF5;
	[smem:$0x3FAC] =	sst s0  }
0x18: {  	s0 =	sld [smem:$0x3F8F];
	_ =	swait.ge [sflag:s4], $0x0  }
0x19: {  	s7 =	sld [smem:$0x3F90]  }
0x1a: {  	s8 =	sadd.s32 $0xFFFFE003, lr  }
0x1b: {  	s9 =	sadd.s32 $0xFFFFFEF7, lr;
	s5 =	simm.s32 $0xFFFFFFFF;
	p2 =	slt.u32 s8, $0xFFFFF086  }
0x1c: {  	p1 =	slt.u32 s9, $0xF7A;
	s5 =	simm.s32 @!p2 $0x0  }
0x1d: {  	s5 =	simm.s32 @p1 $0x1;
	p0 =	seq.s32 s7, s2  }
0x1e: {  	s7 =	smul.u32 @!p0 $0xF7A, s2;
	p2 =	seq.s32 @!p0 s5, $0x0  }
0x1f: {  	s9 =	smul.u32 $0xF7A, s1;
	s8 =	simm.s32 @!p0 $0x1BF5;
	p2 =	por !p2, p0  }
0x20: {  	[sflag:s8] =	ssyncset.s32 @!p0 $0xFFFFF086;
	s6 =	sadd.s32 @!p0 s3, s7;
	s7 =	simm.s32 @!p0 $0x108  }
0x21: {  	s3 =	sadd.s32 s3, s9;
	s6 =	sadd.s32 @!p0 $0x88, s6;
	s7 =	simm.s32 @p2 $0x1082  }
0x22: {  	[simem:s7], [sflag:s8] =	dma.local @!p0 [hbm:s6], $0xF7A  }
0x23: {  	s9 =	sor.u32 $0xD0000000, s2;
	s6 =	simm.s32 $0x108;
	_ =	swait.ge @!p0 [sflag:s8], $0x0  }
0x24: {  	s3 =	sadd.s32 $0x88, s3;
	s6 =	simm.s32 @!p1 $0x1082;
	[sflag:s4] =	ssyncset.s32 $0xFFFFF086  }
0x25: {  	[simem:s6], [sflag:s4] =	dma.local [hbm:s3], $0xF7A  }
0x26: {  	[smem:$0x3F90] =	sst s1;
	(tag) =	ssettag s2;
	_ =	strace s9  }
0x27: {  	s1 =	sld [smem:$0x3FA0]  }
0x28: {  	s2 =	sld [smem:$0x3FA1]  }
0x29: {  	s4 =	sld [smem:$0x3FA3]  }
0x2a: {  	p0 =	seq.s32 s5, $0x0;
	s5 =	sld [smem:$0x3FA4]  }
0x2b: {  	s6 =	sld [smem:$0x3FA5]  }
0x2c: {  	s7 =	sld [smem:$0x3FA6]  }
0x2d: {  	s3 =	simm.s32 $0x108;
	s8 =	sld [smem:$0x3FA7]  }
0x2e: {  	s3 =	simm.s32 @!p0 $0x1082;
	s9 =	sld [smem:$0x3FA8]  }
0x2f: {  	lr =	sadd.s32 s0, s3;
	s0 =	sld [smem:$0x3F9F]  }
0x30: {  	s3 =	sld [smem:$0x3FA2]  }
0x31: {  	[smem:$0x3FAB] =	sst s10  }
0x32: {  	s10 =	sld [smem:$0x3FA9];
	_ =	sdelay $0x3  }
0x33: {  	p0 =	seq.s32 s10, $0x1;
	s10 =	sld [smem:$0x3FAB];
	_ =	sdelay $0x3  }
0x34: {  	[smem:$0x3FAB] =	sst s10  }
0x35: {  	s10 =	sld [smem:$0x3FAA];
	_ =	sdelay $0x3  }
0x36: {  	p1 =	seq.s32 s10, $0x1;
	s10 =	sld [smem:$0x3FAB];
	_ =	sdelay $0x3  }
0x37: {  	[smem:$0x3FAB] =	sst s10  }
0x38: {  	s10 =	sld [smem:$0x3FAC]  }
0x39: {  	_ = 	snop;
	(pc) =	sbr.ind lr, $3  }
0x3a: {  	_ = 	snop  }
0x3b: {  	_ = 	snop  }
0x3c: {  	p2 =	seq.s32 s10, $0x1;
	s10 =	sld [smem:$0x3FAB]  }
0x3d: {  	_ =	shalt  }
0x3e: {  	_ =	shalt  }
0x3f: {  	_ =	shalt  }
0x40: {  	_ =	shalt  }
0x41: {  	_ =	shalt  }
0x42: {  	_ =	shalt  }
0x43: {  	_ =	shalt  }
0x44: {  	_ =	shalt  }
0x45: {  	_ =	shalt  }
0x46: {  	_ =	shalt  }
0x47: {  	_ =	shalt  }
0x48: {  	_ =	shalt  }
0x49: {  	_ =	shalt  }
0x4a: {  	_ =	shalt  }
0x4b: {  	_ =	shalt  }
0x4c: {  	_ =	shalt  }
0x4d: {  	_ =	shalt  }
0x4e: {  	_ =	shalt  }
0x4f: {  	_ =	shalt  }
0x50: {  	_ =	shalt  }
0x51: {  	_ =	shalt  }
0x52: {  	_ =	shalt  }
0x53: {  	_ =	shalt  }
0x54: {  	_ =	shalt  }
0x55: {  	_ =	shalt  }
0x56: {  	_ =	shalt  }
0x57: {  	_ =	shalt  }
0x58: {  	_ =	shalt  }
0x59: {  	_ =	shalt  }
0x5a: {  	_ =	shalt  }
0x5b: {  	_ =	shalt  }
0x5c: {  	_ =	shalt  }
0x5d: {  	_ =	shalt  }
0x5e: {  	_ =	shalt  }
0x5f: {  	_ =	shalt  }
0x60: {  	_ =	shalt  }
0x61: {  	_ =	shalt  }
0x62: {  	_ =	shalt  }
0x63: {  	_ =	shalt  }
0x64: {  	_ =	shalt  }
0x65: {  	_ =	shalt  }
0x66: {  	_ =	shalt  }
0x67: {  	_ =	shalt  }
0x68: {  	_ =	shalt  }
0x69: {  	_ =	shalt  }
0x6a: {  	_ =	shalt  }
0x6b: {  	_ =	shalt  }
0x6c: {  	_ =	shalt  }
0x6d: {  	_ =	shalt  }
0x6e: {  	_ =	shalt  }
0x6f: {  	_ =	shalt  }
0x70: {  	_ =	shalt  }
0x71: {  	_ =	shalt  }
0x72: {  	_ =	shalt  }
0x73: {  	_ =	shalt  }
0x74: {  	_ =	shalt  }
0x75: {  	_ =	shalt  }
0x76: {  	_ =	shalt  }
0x77: {  	_ =	shalt  }
0x78: {  	_ =	shalt  }
0x79: {  	_ =	shalt  }
0x7a: {  	_ =	shalt  }
0x7b: {  	_ =	shalt  }
0x7c: {  	_ =	shalt  }
0x7d: {  	_ =	shalt  }
0x7e: {  	_ =	shalt  }
0x7f: {  	_ =	shalt  }
0x80: {  	_ =	shalt  }
0x81: {  	_ =	shalt  }
0x82: {  	_ =	shalt  }
0x83: {  	_ =	shalt  }
0x84: {  	_ =	shalt  }
0x85: {  	_ =	shalt  }
0x86: {  	_ =	shalt  }
0x87: {  	_ =	shalt  }
.Lfunc_end0:
.L_simem_size_0:
called_computation.1_lowered:
.L_overlay_start_0:
0x88: {  	s2 =	sld [smem:$0x3FD9]  }
0x89: {  	s3 =	sld [smem:$0x3FFE];
	_ =	sdelay $0x1  }
0x8a: {  	s1 =	srdreg.scid  }
0x8b: {  	s0 =	sand.u32 $0x1, s1  }
0x8c: {  	s16 =	sshll.u32 s0, $0xA;
	s2 =	sadd.s32 s3, s2  }
0x8d: {  	s2 =	sadd.s32 s2, s16  }
0x8e: {  	[smem:$0x3FB7] =	sst s2  }
0x8f: {  	_ = 	snop  }
0x90: {  	(tm) =	ssettm $0x1  }
0x91: {  	s17 =	sld [smem:$0x3FFB];
	_ =	sdelay $0x3  }
0x92: {  	_ =	strace s17  }
0x93: {  	s2 =	sld [smem:$0x3FFC];
	_ =	sdelay $0x3  }
0x94: {  	_ =	strace s2  }
0x95: {  	s2 =	sld [smem:$0x3FFD];
	_ =	sdelay $0x3  }
0x96: {  	_ =	strace s2  }
0x97: {  	_ =	strace $0x8FFFFFFF  }
0x98: {  	s18 =	sld [smem:$0x3FDB];
	_ =	sdelay $0x1  }
0x99: {  	s19 =	simm.s32 $_scs_section_size  }
0x9a: {  	s4 =	simm.s32 $_size__tile_overlayer_lowered;
	s5 =	simm.s32 $_tile_overlayer_lowered  }
0x9b: {  	s22 =	simm.s32 $0x1BFF;
	s21 =	sshll.u32 s5, $0x1;
	s2 =	sadd.s32 s19, s18  }
0x9c: {  	s6 =	simm.s32 $0x0;
	s20 =	sshll.u32 s4, $0x1;
	s4 =	sadd.s32 s21, s2  }
0x9d: {  	[timem:s6], [sflag:s22] =	dma.local [hbm:s4], s20  }
0x9e: {  	_ =	swait.ge [sflag:s22], s20  }
0x9f: {  	s3 =	ssub.s32 $0x0, s20;
	[sflag:s22] =	ssyncset.done $0x0  }
0xa0: {  	[sflag:s22] =	ssyncadd.s32 s3;
	_ =	sdelay $0x1  }
0xa1: {  	s23 =	simm.s32 $0x1B8B  }
0xa2: {  	_ =	swait.ge [sflag:s23], $0x1  }
0xa3: {  	[sflag:s23] =	ssyncset.done $0x0  }
0xa4: {  	s25 =	simm.s32 $0x1B8E;
	s24 =	sld [smem:$0x3FFE];
	[sflag:s23] =	ssyncadd.s32 $0xFFFFFFFF  }
0xa5: {  	s26 =	simm.s32 $execute0_lowered;
	[smem:$0x3FD2] =	sst s25  }
0xa6: {  	s4 =	sshll.u32 s26, $0x1;
	_ =	strace $0x80000049;
	[dreg:$0x1] =	wrdreg $0xFFFFFFFF  }
0xa7: {  	s28 =	simm.s32 $_size_execute0_lowered;
	s2 =	sadd.s32 s2, s4;
	[dreg:$0x0] =	wrdreg $0x0  }
0xa8: {  	s4 =	sshll.u32 s28, $0x1;
	[dreg:$0x2] =	wrdreg s2  }
0xa9: {  	[dreg:$0x3] =	wrdreg s4  }
0xaa: {  	[dreg:$0x4] =	wrdreg $0xC0  }
0xab: {  	_ =	task [dreg:s6], $0x5FFFF  }
0xac: {  	[dreg:$0x1] =	wrdreg $0xFFFFFFFF  }
0xad: {  	[dreg:$0x0] =	wrdreg $0x60  }
0xae: {  	[dreg:$0x2] =	wrdreg s24  }
0xaf: {  	[dreg:$0x3] =	wrdreg $0xB8000  }
0xb0: {  	[dreg:$0x4] =	wrdreg $0x9  }
0xb1: {  	_ =	task.clear_ibuf [dreg:s6], $0x5FFFF;
	_ =	strace $0x90000049  }
0xb2: {  	s29 =	simm.s32 $0x9;
	_ =	strace $0x8000004B  }
0xb3: {  	_ =	swait.ge [sflag:s29], $0x1  }
0xb4: {  	[sflag:s29] =	ssyncadd.s32 $0xFFFFFFFF  }
0xb5: {  	_ =	strace $0x9000004B  }
0xb6: {  	_ =	sfence  }
0xb7: {  	s30 =	sld [smem:$0x0];
	_ =	sdelay $0x2  }
0xb8: {  	s31 =	sshll.u32 s1, $0xD;
	s1 =	sshrl.u32 s1, $0x2  }
0xb9: {  	s3 =	sand.u32 $0x4000, s31;
	s1 =	sadd.s32 s1, s30  }
0xba: {  	s0 =	sor.u32 s3, s0;
	s1 =	sshll.u32 s1, $0x11  }
0xbb: {  	s0 =	sor.u32 s1, s0  }
0xbc: {  	s0 =	sadd.s32 $0x8F2B, s0  }
0xbd: {  	[sflag:s0] =	ssyncadd.remote.s32 $0x1  }
0xbe: {  	_ =	sfence.sel $0xFFFF  }
0xbf: {  	[dreg:$0x0] =	wrdreg $0xFFFFFFFF;
	(pc) =	sbr.abs _section_cstart, $3  }
0xc0: {  	[dreg:$0x1] =	wrdreg $0xFFFFFFFF  }
0xc1: {  	_ =	task.clear_ibuf [dreg:s6], $0x2FFFF;
	_ =	strace $0x9FFFFFFF  }
0xc2: {  	(tm) =	ssettm $0x7FFFFFFF  }
0xc3: {  	_ =	shalt  }
tec
execute0_lowered:
.L_overlay_start_1:
0x0: {  	(tag) =	ssettag $0x1  }
0x1: {  	s0 =	srdreg.scid;
	s5 =	rddreg [dreg:$0x0]  }
0x2: {  	s7 =	stileid.u32;
	s2 =	rddreg [dreg:$0x1];
	s3 =	simm.s32 $0x0  }
0x3: {  	s19 =	simm.s32 $0x3;
	s21 =	simm.s32 $0x5000;
	s22 =	simm.s32 $0x7800  }
0x4: {  	s23 =	simm.s32 $0x80;
	s24 =	simm.s32 $0x9800;
	s25 =	simm.s32 $0x1  }
0x5: {  	s26 =	simm.s32 $0x2;
	s28 =	simm.s32 $0x0;
	s4 =	smul.u32 $0x271, s7  }
0x6: {  	s0 =	sand.u32 $0x1, s0;
	s1 =	sshll.u32 s7, $0x1;
	s7 =	smul.u32 $0x27100, s7  }
0x7: {  	[smem:$0x7FF] =	sst s3;
	s1 =	sor.u32 s0, s1;
	s6 =	smul.u32 $0x2710, s0  }
0x8: {  	_ =	strace $0x8000004A;
	s0 =	ssub.s32 $0x2, s0;
	s1 =	smul.u32 $0x500, s1  }
0x9: {  	s29 =	sshrl.u32 s0, $0x1;
	s7 =	sshrl.u32 s7, $0x2;
	s6 =	sadd.s32 s4, s6  }
0xa: {  	s4 =	sadd.s32 $0x21000, s5;
	s0 =	ssub.s32 s0, s29;
	s1 =	sadd.s32 s1, s5  }
0xb: {  	s6 =	sshll.u32 s6, $0x3;
	s11 =	smax.u32 s0, $0x1;
	s30 =	sadd.s32 $0xCA00, s1  }
0xc: {  	s5 =	sadd.s32 s6, s5;
	s31 =	sadd.s32 $0x2A00, s1;
	[dreg:$0x3] =	wrdreg s30  }
0xd: {  	s6 =	sadd.s32 s7, s2;
	s8 =	sadd.s32 $0x16A00, s1;
	[dreg:$0x4] =	wrdreg s31  }
0xe: {  	s9 =	sadd.s32 $0x8000, s6;
	s10 =	sadd.s32 $0x35A00, s5;
	s12 =	sadd.s32 $0x2000, s6  }
0xf: {  	s13 =	sadd.s32 $0x4000, s6;
	s14 =	sadd.s32 $0x6000, s6;
	s15 =	sadd.s32 $0x34A00, s5  }
0x10: {  	v0 =	vimm.f32 $0.0e+00;
	s16 =	sadd.s32 $0x34E00, s5;
	s17 =	sadd.s32 $0x35200, s5;
	s18 =	sadd.s32 $0x35600, s5  }
.LBB2_1:
0x11: {  	s0 =	rddreg [dreg:$0x3]  }
0x12: {  	[tilespmem:s3], [sflag:$0x3] =	stream.linear.gather [hbm4b:s0+s3], $0x2800, $0x38;
	[tilespmem:$0x15440] =	vst v63  }
0x13: {  	_ =	swait.ge [sflag:s19], $0x2800  }
0x14: {  	[sflag:s19] =	ssyncset.done $0x0  }
0x15: {  	s1 =	simm.s32 $0x2800;
	s31 =	rddreg [dreg:$0x4];
	[sflag:s19] =	ssyncadd.s32 $0xFFFFD800  }
0x16: {  	[tilespmem:s1], [sflag:$0x3] =	stream.linear.gather [hbm4b:s31+s3], $0x2800, $0x38;
	[tilespmem:$0x15440] =	vst v63  }
0x17: {  	_ =	swait.ge [sflag:s19], $0x2800  }
0x18: {  	[sflag:s19] =	ssyncset.done $0x0  }
0x19: {  	[sflag:s19] =	ssyncadd.s32 $0xFFFFD800  }
0x1a: {  	[tilespmem:s21], [sflag:$0x3] =	stream.linear.gather [hbm4b:s8+s3], $0x2800, $0x38;
	[tilespmem:$0x15440] =	vst v63  }
0x1b: {  	_ =	swait.ge [sflag:s19], $0x2800  }
0x1c: {  	[sflag:s19] =	ssyncset.done $0x0  }
0x1d: {  	s0 =	simm.s32 $0x0;
	s1 =	simm.s32 $0x100;
	[sflag:s19] =	ssyncadd.s32 $0xFFFFD800  }
.LBB2_2:
0x1e: {  	p0 =	sne.s32 s1, $0x7F00;
	[tilespmem:s0+$0x7830] =	vst v0;
	s5 =	smov.u32 s1;
	s1 =	sadd.s32 $0x100, s1  }
.Ltmp0:
0x1f: {  	[tilespmem:s0+$0x7820] =	vst v0;
	(pc) =	sbr.rel @p0 .LBB2_2-.Ltmp0, $3  }
0x20: {  	[tilespmem:s0+$0x7800] =	vst v0  }
0x21: {  	[tilespmem:s0+$0x7810] =	vst v0;
	_ =	sdelay $0x1  }
0x22: {  	s0 =	sshra.s32 s5, $0x2  }
0x23: {  	[tilespmem:s0+$0x7830] =	vst v0  }
0x24: {  	[tilespmem:s0+$0x7820] =	vst v0  }
0x25: {  	[tilespmem:s0+$0x7800] =	vst v0  }
0x26: {  	[tilespmem:s0+$0x7810] =	vst v0  }
0x27: {  	[spmem:s6] =	stream.linear.scatter [tilespmem:s22], [sflag:$0x3], $0x2000, $0x38;
	[tilespmem:$0x15440] =	vst v63  }
0x28: {  	_ =	swait.ge [sflag:s19], $0x2000  }
0x29: {  	[sflag:s19] =	ssyncset.done $0x0  }
0x2a: {  	[sflag:s19] =	ssyncadd.s32 $0xFFFFE000  }
0x2b: {  	[spmem:s12] =	stream.linear.scatter [tilespmem:s22], [sflag:$0x3], $0x2000, $0x38;
	[tilespmem:$0x15440] =	vst v63  }
0x2c: {  	_ =	swait.ge [sflag:s19], $0x2000  }
0x2d: {  	[sflag:s19] =	ssyncset.done $0x0  }
0x2e: {  	[sflag:s19] =	ssyncadd.s32 $0xFFFFE000  }
0x2f: {  	[spmem:s13] =	stream.linear.scatter [tilespmem:s22], [sflag:$0x3], $0x2000, $0x38;
	[tilespmem:$0x15440] =	vst v63  }
0x30: {  	_ =	swait.ge [sflag:s19], $0x2000  }
0x31: {  	[sflag:s19] =	ssyncset.done $0x0  }
0x32: {  	[sflag:s19] =	ssyncadd.s32 $0xFFFFE000  }
0x33: {  	[spmem:s14] =	stream.linear.scatter [tilespmem:s22], [sflag:$0x3], $0x2000, $0x38;
	[tilespmem:$0x15440] =	vst v63  }
0x34: {  	_ =	swait.ge [sflag:s19], $0x2000  }
0x35: {  	[sflag:s19] =	ssyncset.done $0x0  }
0x36: {  	[sflag:s19] =	ssyncadd.s32 $0xFFFFE000  }
0x37: {  	[spmem:s9] =	stream.linear.scatter [tilespmem:s22], [sflag:$0x3], $0x1C40, $0x38;
	[tilespmem:$0x15440] =	vst v63  }
0x38: {  	_ =	swait.ge [sflag:s19], $0x1C40  }
0x39: {  	[sflag:s19] =	ssyncset.done $0x0  }
0x3a: {  	s29 =	simm.s32 $0x80;
	[sflag:s19] =	ssyncadd.s32 $0xFFFFE3C0  }
0x3b: {  	s30 =	simm.s32 $0x0;
	s31 =	simm.s32 $0x0;
	[bflag:$0x0] =	sbarrier.arrive $0xFFFF  }
0x3c: {  	[tilespmem:s22], [sflag:$0x1] =	stream.indirect.gather [hbm4b:s4+s29], $0x40, s30, s29, $0xb8;
	[tilespmem:$0x15440] =	vst v63  }
.LBB2_4:
0x3d: {  	s0 =	sshll.u32 s31, $0x8  }
0x3e: {  	s20 =	sadd.s32 $0x0, s30;
	s1 =	sor.u32 $0x80, s0  }
0x3f: {  	[tilespmem:s24], [sflag:$0x2] =	stream.indirect.gather [hbm4b:s4+s23], $0x40, s1, s23, $0xb8;
	[tilespmem:$0x15440] =	vst v63  }
0x40: {  	v1 =	vmov s20;
	_ =	swait.ge [sflag:s25], $0x2000  }
0x41: {  	[sflag:s25] =	ssyncset.done $0x0  }
0x42: {  	s0 =	simm.s32 $0x7820;
	[sflag:s25] =	ssyncadd.s32 $0xFFFFE000  }
0x43: {  	v3 =	vld [tilespmem:s0+$0xFFFFFFF0]  }
0x44: {  	v4 =	vld [tilespmem:s0+$0x10]  }
0x45: {  	v6 =	vld.idx.msk [tilespmem:v1+s21+$0x0], $0xffff  }
0x46: {  	v1 =	vld [tilespmem:s0+$0xFFFFFFE0]  }
0x47: {  	v7 =	vld [tilespmem:s0+$0x0];
	_ =	sdelay $0x3  }
0x48: {  	s5 =	sadd.s32 $0x1, s30;
	v2 =	vmul.f32 v1, v6;
	v5 =	vmul.f32 v4, v6  }
0x49: {  	s20 =	simm.s32 $0x2;
	v1 =	vmov s5;
	v4 =	vmul.f32 v3, v6;
	v3 =	vmul.f32 v7, v6;
	s5 =	simm.s32 $0x7820  }
.LBB2_5:
0x4a: {  	p0 =	sne.s32 s20, $0x7F  }
0x4b: {  	[tilespmem:s0+$0x10] =	vst v5;
	s5 =	sadd.s32 $0x40, s5;
	s7 =	smov.u32 s20;
	s20 =	sadd.s32 $0x1, s20  }
0x4c: {  	[tilespmem:s0+$0xFFFFFFE0] =	vst v2  }
0x4d: {  	v6 =	vld [tilespmem:s5+$0xFFFFFFF0];
	[tilespmem:s0+$0xFFFFFFF0] =	vst v4  }
0x4e: {  	v4 =	vld [tilespmem:s5+$0x10];
	[tilespmem:s0+$0x0] =	vst v3;
	s0 =	smov.u32 s5  }
0x4f: {  	v3 =	vld.idx.msk [tilespmem:v1+s21+$0x0], $0xffff  }
0x50: {  	v1 =	vld [tilespmem:s5+$0xFFFFFFE0]  }
0x51: {  	v7 =	vld [tilespmem:s5+$0x0]  }
.Ltmp1:
0x52: {  	(pc) =	sbr.rel @p0 .LBB2_5-.Ltmp1, $3  }
0x53: {  	_ =	sdelay $0x1  }
0x54: {  	s7 =	sadd.s32 s7, s30;
	v5 =	vmul.f32 v4, v3;
	v2 =	vmul.f32 v1, v3  }
0x55: {  	v4 =	vmul.f32 v6, v3;
	v1 =	vmov s7;
	v3 =	vmul.f32 v7, v3  }
0x56: {  	[tilespmem:s0+$0x10] =	vst v5  }
0x57: {  	s5 =	sadd.s32 $0x40, s5;
	[tilespmem:s0+$0xFFFFFFE0] =	vst v2  }
0x58: {  	v2 =	vld [tilespmem:s5+$0xFFFFFFF0];
	[tilespmem:s0+$0xFFFFFFF0] =	vst v4  }
0x59: {  	v4 =	vld [tilespmem:s5+$0x10];
	[tilespmem:s0+$0x0] =	vst v3  }
0x5a: {  	v1 =	vld.idx.msk [tilespmem:v1+s21+$0x0], $0xffff  }
0x5b: {  	v3 =	vld [tilespmem:s5+$0xFFFFFFE0];
	_ =	sdelay $0x1  }
0x5c: {  	v5 =	vld [tilespmem:s5+$0x0];
	_ =	sdelay $0x1  }
0x5d: {  	v4 =	vmul.f32 v4, v1  }
0x5e: {  	v3 =	vmul.f32 v3, v1  }
0x5f: {  	v2 =	vmul.f32 v2, v1;
	[tilespmem:s5+$0x10] =	vst v4  }
0x60: {  	s0 =	sshll.u32 s31, $0xA;
	v1 =	vmul.f32 v5, v1;
	[tilespmem:s5+$0xFFFFFFE0] =	vst v3  }
0x61: {  	s7 =	sshrl.u32 s0, $0x2;
	[tilespmem:s5+$0xFFFFFFF0] =	vst v2  }
0x62: {  	p0 =	seq.s32 s31, $0x27;
	s20 =	sadd.s32 $0x2800, s7;
	[tilespmem:s5+$0x0] =	vst v1  }
0x63: {  	[spmem:s2] =	stream.indirect.scatter.add.f32 [tilespmem:s22], [sflag:$0x3], $0x40, s20, s23, $0xb8;
	[tilespmem:$0x15440] =	vst v63  }
0x64: {  	s0 =	sshrl.u32 @!p0 s0, $0x2;
	_ =	swait.ge [sflag:s19], $0x2000  }
0x65: {  	s0 =	sadd.s32 @!p0 $0x100, s0;
	[sflag:s19] =	ssyncset.done $0x0  }
0x66: {  	s7 =	simm.s32 @!p0 $0x7800;
	s5 =	simm.s32 @!p0 $0x80;
	[sflag:s19] =	ssyncadd.s32 $0xFFFFE000  }
0x67: {  	[tilespmem:s7], [sflag:$0x1] =	stream.indirect.gather @!p0 [hbm4b:s4+s5], $0x40, s0, s5, $0xb8;
	[tilespmem:$0x15440] =	vst v63  }
0x68: {  	s5 =	sadd.s32 $0x0, s29  }
0x69: {  	_ =	swait.ge [sflag:s26], $0x2000;
	v1 =	vmov s5  }
0x6a: {  	[sflag:s26] =	ssyncset.done $0x0  }
0x6b: {  	s0 =	simm.s32 $0x9820;
	[sflag:s26] =	ssyncadd.s32 $0xFFFFE000  }
0x6c: {  	v3 =	vld [tilespmem:s0+$0xFFFFFFF0]  }
0x6d: {  	v4 =	vld [tilespmem:s0+$0x10]  }
0x6e: {  	v6 =	vld.idx.msk [tilespmem:v1+s21+$0x0], $0xffff  }
0x6f: {  	v1 =	vld [tilespmem:s0+$0xFFFFFFE0]  }
0x70: {  	v7 =	vld [tilespmem:s0+$0x0];
	_ =	sdelay $0x3  }
0x71: {  	s7 =	sadd.s32 $0x1, s29;
	v2 =	vmul.f32 v1, v6;
	v5 =	vmul.f32 v4, v6  }
0x72: {  	s20 =	simm.s32 $0x2;
	s5 =	simm.s32 $0x9820;
	v1 =	vmov s7;
	v4 =	vmul.f32 v3, v6;
	v3 =	vmul.f32 v7, v6  }
.LBB2_7:
0x73: {  	p0 =	sne.s32 s20, $0x7F  }
0x74: {  	[tilespmem:s0+$0x10] =	vst v5;
	s5 =	sadd.s32 $0x40, s5;
	s7 =	smov.u32 s20;
	s20 =	sadd.s32 $0x1, s20  }
0x75: {  	[tilespmem:s0+$0xFFFFFFE0] =	vst v2  }
0x76: {  	v6 =	vld [tilespmem:s5+$0xFFFFFFF0];
	[tilespmem:s0+$0xFFFFFFF0] =	vst v4  }
0x77: {  	v4 =	vld [tilespmem:s5+$0x10];
	[tilespmem:s0+$0x0] =	vst v3;
	s0 =	smov.u32 s5  }
0x78: {  	v3 =	vld.idx.msk [tilespmem:v1+s21+$0x0], $0xffff  }
0x79: {  	v1 =	vld [tilespmem:s5+$0xFFFFFFE0]  }
0x7a: {  	v7 =	vld [tilespmem:s5+$0x0]  }
.Ltmp2:
0x7b: {  	(pc) =	sbr.rel @p0 .LBB2_7-.Ltmp2, $3  }
0x7c: {  	_ =	sdelay $0x1  }
0x7d: {  	s7 =	sadd.s32 s7, s29;
	v5 =	vmul.f32 v4, v3;
	v2 =	vmul.f32 v1, v3  }
0x7e: {  	v4 =	vmul.f32 v6, v3;
	v1 =	vmov s7;
	v3 =	vmul.f32 v7, v3  }
0x7f: {  	[tilespmem:s0+$0x10] =	vst v5  }
0x80: {  	s5 =	sadd.s32 $0x40, s5;
	[tilespmem:s0+$0xFFFFFFE0] =	vst v2  }
0x81: {  	v2 =	vld [tilespmem:s5+$0xFFFFFFF0];
	[tilespmem:s0+$0xFFFFFFF0] =	vst v4  }
0x82: {  	v4 =	vld [tilespmem:s5+$0x10];
	[tilespmem:s0+$0x0] =	vst v3  }
0x83: {  	v1 =	vld.idx.msk [tilespmem:v1+s21+$0x0], $0xffff  }
0x84: {  	v3 =	vld [tilespmem:s5+$0xFFFFFFE0];
	_ =	sdelay $0x1  }
0x85: {  	v5 =	vld [tilespmem:s5+$0x0];
	_ =	sdelay $0x1  }
0x86: {  	v4 =	vmul.f32 v4, v1  }
0x87: {  	v3 =	vmul.f32 v3, v1  }
0x88: {  	v2 =	vmul.f32 v2, v1;
	[tilespmem:s5+$0x10] =	vst v4  }
0x89: {  	s31 =	sadd.s32 $0x1, s31;
	v1 =	vmul.f32 v5, v1;
	[tilespmem:s5+$0xFFFFFFE0] =	vst v3  }
0x8a: {  	p0 =	sne.s32 s31, $0x28;
	[tilespmem:s5+$0xFFFFFFF0] =	vst v2  }
.Ltmp3:
0x8b: {  	s20 =	sadd.s32 $0x2800, s1;
	[tilespmem:s5+$0x0] =	vst v1;
	(pc) =	sbr.rel @p0 .LBB2_4-.Ltmp3, $4  }
0x8c: {  	[spmem:s2] =	stream.indirect.scatter.add.f32 [tilespmem:s24], [sflag:$0x3], $0x40, s20, s23, $0xb8;
	[tilespmem:$0x15440] =	vst v63  }
0x8d: {  	_ =	swait.ge [sflag:s19], $0x2000  }
0x8e: {  	[sflag:s19] =	ssyncset.done $0x0  }
0x8f: {  	s30 =	sadd.s32 $0x100, s30;
	s29 =	sadd.s32 $0x100, s29;
	[sflag:s19] =	ssyncadd.s32 $0xFFFFE000  }
0x90: {  	[bflag:$0x0] =	sbarrier.arrive $0xFFFF  }
0x91: {  	[tilespmem:s22], [sflag:$0x3] =	stream.linear.gather [spmem:s6], $0x2000, $0x38;
	[tilespmem:$0x15440] =	vst v63  }
0x92: {  	_ =	swait.ge [sflag:s19], $0x2000  }
0x93: {  	[sflag:s19] =	ssyncset.done $0x0  }
0x94: {  	[sflag:s19] =	ssyncadd.s32 $0xFFFFE000  }
0x95: {  	[hbm4b:s15+s3] =	stream.linear.scatter [tilespmem:s22], [sflag:$0x3], $0x2000, $0x38;
	[tilespmem:$0x15440] =	vst v63  }
0x96: {  	_ =	swait.ge [sflag:s19], $0x2000  }
0x97: {  	[sflag:s19] =	ssyncset.done $0x0  }
0x98: {  	[sflag:s19] =	ssyncadd.s32 $0xFFFFE000  }
0x99: {  	[tilespmem:s22], [sflag:$0x3] =	stream.linear.gather [spmem:s12], $0x2000, $0x38;
	[tilespmem:$0x15440] =	vst v63  }
0x9a: {  	_ =	swait.ge [sflag:s19], $0x2000  }
0x9b: {  	[sflag:s19] =	ssyncset.done $0x0  }
0x9c: {  	[sflag:s19] =	ssyncadd.s32 $0xFFFFE000  }
0x9d: {  	[hbm4b:s16+s3] =	stream.linear.scatter [tilespmem:s22], [sflag:$0x3], $0x2000, $0x38;
	[tilespmem:$0x15440] =	vst v63  }
0x9e: {  	_ =	swait.ge [sflag:s19], $0x2000  }
0x9f: {  	[sflag:s19] =	ssyncset.done $0x0  }
0xa0: {  	[sflag:s19] =	ssyncadd.s32 $0xFFFFE000  }
0xa1: {  	[tilespmem:s22], [sflag:$0x3] =	stream.linear.gather [spmem:s13], $0x2000, $0x38;
	[tilespmem:$0x15440] =	vst v63  }
0xa2: {  	_ =	swait.ge [sflag:s19], $0x2000  }
0xa3: {  	[sflag:s19] =	ssyncset.done $0x0  }
0xa4: {  	[sflag:s19] =	ssyncadd.s32 $0xFFFFE000  }
0xa5: {  	[hbm4b:s17+s3] =	stream.linear.scatter [tilespmem:s22], [sflag:$0x3], $0x2000, $0x38;
	[tilespmem:$0x15440] =	vst v63  }
0xa6: {  	_ =	swait.ge [sflag:s19], $0x2000  }
0xa7: {  	[sflag:s19] =	ssyncset.done $0x0  }
0xa8: {  	[sflag:s19] =	ssyncadd.s32 $0xFFFFE000  }
0xa9: {  	[tilespmem:s22], [sflag:$0x3] =	stream.linear.gather [spmem:s14], $0x2000, $0x38;
	[tilespmem:$0x15440] =	vst v63  }
0xaa: {  	_ =	swait.ge [sflag:s19], $0x2000  }
0xab: {  	[sflag:s19] =	ssyncset.done $0x0  }
0xac: {  	[sflag:s19] =	ssyncadd.s32 $0xFFFFE000  }
0xad: {  	[hbm4b:s18+s3] =	stream.linear.scatter [tilespmem:s22], [sflag:$0x3], $0x2000, $0x38;
	[tilespmem:$0x15440] =	vst v63  }
0xae: {  	_ =	swait.ge [sflag:s19], $0x2000  }
0xaf: {  	[sflag:s19] =	ssyncset.done $0x0  }
0xb0: {  	[sflag:s19] =	ssyncadd.s32 $0xFFFFE000  }
0xb1: {  	[tilespmem:s22], [sflag:$0x3] =	stream.linear.gather [spmem:s9], $0x1C40, $0x38;
	[tilespmem:$0x15440] =	vst v63  }
0xb2: {  	s28 =	sadd.s32 $0x1, s28;
	_ =	swait.ge [sflag:s19], $0x1C40  }
0xb3: {  	p0 =	sne.s32 s28, s11;
	[sflag:s19] =	ssyncset.done $0x0  }
.Ltmp4:
0xb4: {  	[sflag:s19] =	ssyncadd.s32 $0xFFFFE3C0;
	(pc) =	sbr.rel @p0 .LBB2_1-.Ltmp4, $4  }
0xb5: {  	[hbm4b:s10+s3] =	stream.linear.scatter [tilespmem:s22], [sflag:$0x3], $0x1C40, $0x38;
	[tilespmem:$0x15440] =	vst v63  }
0xb6: {  	_ =	swait.ge [sflag:s19], $0x1C40  }
0xb7: {  	[sflag:s19] =	ssyncset.done $0x0  }
0xb8: {  	[sflag:s19] =	ssyncadd.s32 $0xFFFFE3C0  }
0xb9: {  	_ =	sfence.sel $0x180000  }
0xba: {  	[bflag:$0x0] =	sbarrier.arrive $0xFFFF  }
0xbb: {  	_ =	strace $0x9000004A  }
0xbc: {  	s0 =	stileid.u32;
	[bflag:$0x2] =	sbarrier.arrive $0xFFFF  }
0xbd: {  	p0 =	sne.s32 s0, $0x0;
	s0 =	rddreg [dreg:$0x2]  }
0xbe: {  	s0 =	sadd.s32 @!p0 $0x100000, s0  }
0xbf: {  	[sflag:s0] =	ssyncadd.tile.s32 @!p0 $0x1;
	_ =	shalt  }
.Lfunc_end2:
_tile_overlayer_lowered:
.L_overlay_start_2:
0xc0: {  	(tag) =	ssettag $0x2  }
0xc1: {  	s0 =	rddreg [dreg:$0x0];
	s2 =	stileid.u32  }
0xc2: {  	s1 =	rddreg [dreg:$0x1];
	p0 =	sne.s32 s2, $0x0  }
0xc3: {  	s3 =	rddreg [dreg:$0x2];
	[bflag:$0x3] =	sbarrier.arrive $0xFFFF;
	s2 =	simm.s32 @!p0 $0x1C03  }
0xc4: {  	[timem:s3], [sflag:s2] =	dma.local @!p0 [hbm:s0], s1  }
0xc5: {  	s0 =	simm.s32 @!p0 $0x3  }
0xc6: {  	_ =	swait.ge @!p0 [sflag:s0], s1  }
0xc7: {  	s1 =	ssub.s32 @!p0 $0x0, s1;
	[sflag:s0] =	ssyncset.done @!p0 $0x0  }
0xc8: {  	[sflag:s0] =	ssyncadd.s32 @!p0 s1  }
0xc9: {  	[bflag:$0x3] =	sbarrier.arrive $0xFFFF  }
0xca: {  	_ =	shalt  }

// kernel: kernel.19.cloned.1.call-start
scs
__scs_entry_jumppad:
0x0: {  	(pc) =	sbr.rel $0x88, $3  }
0x1: {  	(tag) =	ssettag $0x0;
	lr =	simm.s32 $0x1  }
0x2: {  	[smem:$0x3F90] =	sst lr;
	_ =	strace $0xD0000000  }
0x3: {  	_ = 	snop  }
0x4: {  	_ = 	snop  }
0x5: {  	_ = 	snop  }
0x6: {  	_ = 	snop  }
0x7: {  	_ = 	snop  }
__scs_overlays_trampoline_lowered:
0x8: {  	[smem:$0x3F9F] =	sst s0  }
0x9: {  	[smem:$0x3FA0] =	sst s1  }
0xa: {  	[smem:$0x3FA1] =	sst s2  }
0xb: {  	[smem:$0x3FA2] =	sst s3  }
0xc: {  	[smem:$0x3FA3] =	sst s4  }
0xd: {  	[smem:$0x3FA4] =	sst s5  }
0xe: {  	[smem:$0x3FA5] =	sst s6  }
0xf: {  	[smem:$0x3FA6] =	sst s7  }
0x10: {  	[smem:$0x3FA7] =	sst s8  }
0x11: {  	[smem:$0x3FA8] =	sst s9;
	s0 =	simm.s32 @!p0 $0x0  }
0x12: {  	s1 =	sld [smem:$0x3F8E];
	s0 =	simm.s32 @p0 $0x1  }
0x13: {  	[smem:$0x3FA9] =	sst s0;
	s0 =	simm.s32 @!p1 $0x0  }
0x14: {  	s2 =	sld [smem:$0x3F8D];
	s0 =	simm.s32 @p1 $0x1  }
0x15: {  	[smem:$0x3FAA] =	sst s0;
	s0 =	simm.s32 @!p2 $0x0  }
0x16: {  	s3 =	sld [smem:$0x3FDB];
	s0 =	simm.s32 @p2 $0x1  }
0x17: {  	s4 =	simm.s32 $0x1BF5;
	[smem:$0x3FAC] =	sst s0  }
0x18: {  	s0 =	sld [smem:$0x3F8F];
	_ =	swait.ge [sflag:s4], $0x0  }
0x19: {  	s7 =	sld [smem:$0x3F90]  }
0x1a: {  	s8 =	sadd.s32 $0xFFFFE003, lr  }
0x1b: {  	s9 =	sadd.s32 $0xFFFFFEF7, lr;
	s5 =	simm.s32 $0xFFFFFFFF;
	p2 =	slt.u32 s8, $0xFFFFF086  }
0x1c: {  	p1 =	slt.u32 s9, $0xF7A;
	s5 =	simm.s32 @!p2 $0x0  }
0x1d: {  	s5 =	simm.s32 @p1 $0x1;
	p0 =	seq.s32 s7, s2  }
0x1e: {  	s7 =	smul.u32 @!p0 $0xF7A, s2;
	p2 =	seq.s32 @!p0 s5, $0x0  }
0x1f: {  	s9 =	smul.u32 $0xF7A, s1;
	s8 =	simm.s32 @!p0 $0x1BF5;
	p2 =	por !p2, p0  }
0x20: {  	[sflag:s8] =	ssyncset.s32 @!p0 $0xFFFFF086;
	s6 =	sadd.s32 @!p0 s3, s7;
	s7 =	simm.s32 @!p0 $0x108  }
0x21: {  	s3 =	sadd.s32 s3, s9;
	s6 =	sadd.s32 @!p0 $0x88, s6;
	s7 =	simm.s32 @p2 $0x1082  }
0x22: {  	[simem:s7], [sflag:s8] =	dma.local @!p0 [hbm:s6], $0xF7A  }
0x23: {  	s9 =	sor.u32 $0xD0000000, s2;
	s6 =	simm.s32 $0x108;
	_ =	swait.ge @!p0 [sflag:s8], $0x0  }
0x24: {  	s3 =	sadd.s32 $0x88, s3;
	s6 =	simm.s32 @!p1 $0x1082;
	[sflag:s4] =	ssyncset.s32 $0xFFFFF086  }
0x25: {  	[simem:s6], [sflag:s4] =	dma.local [hbm:s3], $0xF7A  }
0x26: {  	[smem:$0x3F90] =	sst s1;
	(tag) =	ssettag s2;
	_ =	strace s9  }
0x27: {  	s1 =	sld [smem:$0x3FA0]  }
0x28: {  	s2 =	sld [smem:$0x3FA1]  }
0x29: {  	s4 =	sld [smem:$0x3FA3]  }
0x2a: {  	p0 =	seq.s32 s5, $0x0;
	s5 =	sld [smem:$0x3FA4]  }
0x2b: {  	s6 =	sld [smem:$0x3FA5]  }
0x2c: {  	s7 =	sld [smem:$0x3FA6]  }
0x2d: {  	s3 =	simm.s32 $0x108;
	s8 =	sld [smem:$0x3FA7]  }
0x2e: {  	s3 =	simm.s32 @!p0 $0x1082;
	s9 =	sld [smem:$0x3FA8]  }
0x2f: {  	lr =	sadd.s32 s0, s3;
	s0 =	sld [smem:$0x3F9F]  }
0x30: {  	s3 =	sld [smem:$0x3FA2]  }
0x31: {  	[smem:$0x3FAB] =	sst s10  }
0x32: {  	s10 =	sld [smem:$0x3FA9];
	_ =	sdelay $0x3  }
0x33: {  	p0 =	seq.s32 s10, $0x1;
	s10 =	sld [smem:$0x3FAB];
	_ =	sdelay $0x3  }
0x34: {  	[smem:$0x3FAB] =	sst s10  }
0x35: {  	s10 =	sld [smem:$0x3FAA];
	_ =	sdelay $0x3  }
0x36: {  	p1 =	seq.s32 s10, $0x1;
	s10 =	sld [smem:$0x3FAB];
	_ =	sdelay $0x3  }
0x37: {  	[smem:$0x3FAB] =	sst s10  }
0x38: {  	s10 =	sld [smem:$0x3FAC]  }
0x39: {  	_ = 	snop;
	(pc) =	sbr.ind lr, $3  }
0x3a: {  	_ = 	snop  }
0x3b: {  	_ = 	snop  }
0x3c: {  	p2 =	seq.s32 s10, $0x1;
	s10 =	sld [smem:$0x3FAB]  }
0x3d: {  	_ =	shalt  }
0x3e: {  	_ =	shalt  }
0x3f: {  	_ =	shalt  }
0x40: {  	_ =	shalt  }
0x41: {  	_ =	shalt  }
0x42: {  	_ =	shalt  }
0x43: {  	_ =	shalt  }
0x44: {  	_ =	shalt  }
0x45: {  	_ =	shalt  }
0x46: {  	_ =	shalt  }
0x47: {  	_ =	shalt  }
0x48: {  	_ =	shalt  }
0x49: {  	_ =	shalt  }
0x4a: {  	_ =	shalt  }
0x4b: {  	_ =	shalt  }
0x4c: {  	_ =	shalt  }
0x4d: {  	_ =	shalt  }
0x4e: {  	_ =	shalt  }
0x4f: {  	_ =	shalt  }
0x50: {  	_ =	shalt  }
0x51: {  	_ =	shalt  }
0x52: {  	_ =	shalt  }
0x53: {  	_ =	shalt  }
0x54: {  	_ =	shalt  }
0x55: {  	_ =	shalt  }
0x56: {  	_ =	shalt  }
0x57: {  	_ =	shalt  }
0x58: {  	_ =	shalt  }
0x59: {  	_ =	shalt  }
0x5a: {  	_ =	shalt  }
0x5b: {  	_ =	shalt  }
0x5c: {  	_ =	shalt  }
0x5d: {  	_ =	shalt  }
0x5e: {  	_ =	shalt  }
0x5f: {  	_ =	shalt  }
0x60: {  	_ =	shalt  }
0x61: {  	_ =	shalt  }
0x62: {  	_ =	shalt  }
0x63: {  	_ =	shalt  }
0x64: {  	_ =	shalt  }
0x65: {  	_ =	shalt  }
0x66: {  	_ =	shalt  }
0x67: {  	_ =	shalt  }
0x68: {  	_ =	shalt  }
0x69: {  	_ =	shalt  }
0x6a: {  	_ =	shalt  }
0x6b: {  	_ =	shalt  }
0x6c: {  	_ =	shalt  }
0x6d: {  	_ =	shalt  }
0x6e: {  	_ =	shalt  }
0x6f: {  	_ =	shalt  }
0x70: {  	_ =	shalt  }
0x71: {  	_ =	shalt  }
0x72: {  	_ =	shalt  }
0x73: {  	_ =	shalt  }
0x74: {  	_ =	shalt  }
0x75: {  	_ =	shalt  }
0x76: {  	_ =	shalt  }
0x77: {  	_ =	shalt  }
0x78: {  	_ =	shalt  }
0x79: {  	_ =	shalt  }
0x7a: {  	_ =	shalt  }
0x7b: {  	_ =	shalt  }
0x7c: {  	_ =	shalt  }
0x7d: {  	_ =	shalt  }
0x7e: {  	_ =	shalt  }
0x7f: {  	_ =	shalt  }
0x80: {  	_ =	shalt  }
0x81: {  	_ =	shalt  }
0x82: {  	_ =	shalt  }
0x83: {  	_ =	shalt  }
0x84: {  	_ =	shalt  }
0x85: {  	_ =	shalt  }
0x86: {  	_ =	shalt  }
0x87: {  	_ =	shalt  }
.Lfunc_end0:
.L_simem_size_0:
called_computation.2_lowered:
.L_overlay_start_0:
0x88: {  	s2 =	sld [smem:$0x3FD9]  }
0x89: {  	s3 =	sld [smem:$0x3FFE];
	_ =	sdelay $0x1  }
0x8a: {  	s1 =	srdreg.scid  }
0x8b: {  	s0 =	sand.u32 $0x1, s1  }
0x8c: {  	s17 =	sshll.u32 s0, $0xA;
	s2 =	sadd.s32 s3, s2  }
0x8d: {  	s2 =	sadd.s32 s2, s17  }
0x8e: {  	[smem:$0x3FB7] =	sst s2  }
0x8f: {  	_ = 	snop  }
0x90: {  	s2 =	sld [smem:$0x3FD0];
	(tm) =	ssettm $0x1  }
0x91: {  	s18 =	sld [smem:$0x3FFB];
	_ =	sdelay $0x3  }
0x92: {  	_ =	strace s18  }
0x93: {  	s3 =	sld [smem:$0x3FFC];
	_ =	sdelay $0x3  }
0x94: {  	_ =	strace s3  }
0x95: {  	s3 =	sld [smem:$0x3FFD];
	_ =	sdelay $0x3  }
0x96: {  	_ =	strace s3  }
0x97: {  	_ =	strace $0x8FFFFFFF  }
0x98: {  	s19 =	sld [smem:$0x3FDB];
	_ =	sdelay $0x1  }
0x99: {  	s4 =	simm.s32 $_scs_section_size  }
0x9a: {  	s5 =	simm.s32 $_size__tile_overlayer_lowered;
	s6 =	simm.s32 $_tile_overlayer_lowered  }
0x9b: {  	s22 =	simm.s32 $0x1BFF;
	s21 =	sshll.u32 s6, $0x1;
	s3 =	sadd.s32 s4, s19  }
0x9c: {  	s7 =	simm.s32 $0x0;
	s20 =	sshll.u32 s5, $0x1;
	s5 =	sadd.s32 s21, s3  }
0x9d: {  	[timem:s7], [sflag:s22] =	dma.local [hbm:s5], s20  }
0x9e: {  	_ =	swait.ge [sflag:s22], s20  }
0x9f: {  	s4 =	ssub.s32 $0x0, s20;
	[sflag:s22] =	ssyncset.done $0x0  }
0xa0: {  	[sflag:s22] =	ssyncadd.s32 s4;
	_ =	sdelay $0x1  }
0xa1: {  	s23 =	simm.s32 $0x1B8B  }
0xa2: {  	_ =	swait.ge [sflag:s23], $0x1  }
0xa3: {  	[sflag:s23] =	ssyncset.done $0x0  }
0xa4: {  	s25 =	simm.s32 $0x1B8E;
	s24 =	sld [smem:$0x3FFE];
	[sflag:s23] =	ssyncadd.s32 $0xFFFFFFFF  }
0xa5: {  	s26 =	simm.s32 $execute0_lowered;
	[smem:$0x3FD2] =	sst s25  }
0xa6: {  	s5 =	sshll.u32 s26, $0x1;
	_ =	strace $0x8000004C;
	[dreg:$0x1] =	wrdreg $0xFFFFFFFF  }
0xa7: {  	s28 =	simm.s32 $_size_execute0_lowered;
	s3 =	sadd.s32 s3, s5;
	[dreg:$0x0] =	wrdreg $0x0  }
0xa8: {  	s5 =	sshll.u32 s28, $0x1;
	[dreg:$0x2] =	wrdreg s3  }
0xa9: {  	[dreg:$0x3] =	wrdreg s5  }
0xaa: {  	[dreg:$0x4] =	wrdreg $0xC0  }
0xab: {  	_ =	task [dreg:s7], $0x5FFFF  }
0xac: {  	[dreg:$0x1] =	wrdreg $0xFFFFFFFF  }
0xad: {  	[dreg:$0x0] =	wrdreg $0x60  }
0xae: {  	[dreg:$0x2] =	wrdreg s24  }
0xaf: {  	[dreg:$0x3] =	wrdreg s2  }
0xb0: {  	[dreg:$0x4] =	wrdreg $0x9  }
0xb1: {  	_ =	task.clear_ibuf [dreg:s7], $0x5FFFF;
	_ =	strace $0x9000004C  }
0xb2: {  	s29 =	simm.s32 $0x9;
	_ =	strace $0x8000004E  }
0xb3: {  	_ =	swait.ge [sflag:s29], $0x1  }
0xb4: {  	[sflag:s29] =	ssyncadd.s32 $0xFFFFFFFF  }
0xb5: {  	_ =	strace $0x9000004E  }
0xb6: {  	_ =	sfence  }
0xb7: {  	s30 =	sld [smem:$0x0];
	_ =	sdelay $0x2  }
0xb8: {  	s31 =	sshll.u32 s1, $0xD;
	s1 =	sshrl.u32 s1, $0x2  }
0xb9: {  	s3 =	sand.u32 $0x4000, s31;
	s1 =	sadd.s32 s1, s30  }
0xba: {  	s0 =	sor.u32 s3, s0;
	s1 =	sshll.u32 s1, $0x11  }
0xbb: {  	s0 =	sor.u32 s1, s0  }
0xbc: {  	s0 =	sadd.s32 $0x8F2B, s0  }
0xbd: {  	[sflag:s0] =	ssyncadd.remote.s32 $0x1  }
0xbe: {  	_ =	sfence.sel $0xFFFF  }
0xbf: {  	[dreg:$0x0] =	wrdreg $0xFFFFFFFF;
	(pc) =	sbr.abs _section_cstart, $3  }
0xc0: {  	[dreg:$0x1] =	wrdreg $0xFFFFFFFF  }
0xc1: {  	_ =	task.clear_ibuf [dreg:s7], $0x2FFFF;
	_ =	strace $0x9FFFFFFF  }
0xc2: {  	(tm) =	ssettm $0x7FFFFFFF  }
0xc3: {  	_ =	shalt  }
tec
execute0_lowered:
.L_overlay_start_1:
0x0: {  	(tag) =	ssettag $0x1  }
0x1: {  	s1 =	srdreg.scid  }
0x2: {  	s0 =	stileid.u32;
	s4 =	rddreg [dreg:$0x0]  }
0x3: {  	s2 =	rddreg [dreg:$0x1];
	s3 =	simm.s32 $0x0;
	s9 =	simm.s32 $0x1  }
0x4: {  	s10 =	simm.s32 $0x2800;
	s11 =	simm.s32 $0x5000;
	s12 =	simm.s32 $0x7710  }
0x5: {  	s13 =	simm.s32 $0x9E20;
	s5 =	sand.u32 $0x1, s1;
	s30 =	sshll.u32 s0, $0x1  }
0x6: {  	s14 =	simm.s32 $0x0;
	s6 =	sor.u32 s5, s30;
	s5 =	ssub.s32 $0x2, s5  }
0x7: {  	[smem:$0x7FF] =	sst s3;
	s6 =	smul.u32 $0x500, s6;
	s31 =	sshrl.u32 s5, $0x1  }
0x8: {  	s1 =	rddreg [dreg:$0x2];
	_ =	strace $0x8000004D;
	s8 =	ssub.s32 s5, s31  }
0x9: {  	s7 =	sadd.s32 s6, s4;
	s4 =	sadd.s32 $0x16A00, s4;
	s8 =	smax.u32 s8, $0x1  }
0xa: {  	v0 =	vimm.f32 $-3.000000010e+38;
	s5 =	sadd.s32 $0xCA00, s7;
	s6 =	sadd.s32 $0x2A00, s7;
	s7 =	sadd.s32 $0x17000, s7  }
.LBB2_1:
0xb: {  	[tilespmem:s3], [sflag:$0x1] =	stream.linear.gather [hbm4b:s5+s3], $0x2800, $0x38;
	[tilespmem:$0xC620] =	vst v63  }
0xc: {  	_ =	swait.ge [sflag:s9], $0x2800  }
0xd: {  	[sflag:s9] =	ssyncset.done $0x0  }
0xe: {  	[sflag:s9] =	ssyncadd.s32 $0xFFFFD800  }
0xf: {  	[tilespmem:s10], [sflag:$0x1] =	stream.linear.gather [hbm4b:s6+s3], $0x2800, $0x38;
	[tilespmem:$0xC620] =	vst v63  }
0x10: {  	_ =	swait.ge [sflag:s9], $0x2800  }
0x11: {  	[sflag:s9] =	ssyncset.done $0x0  }
0x12: {  	[sflag:s9] =	ssyncadd.s32 $0xFFFFD800  }
0x13: {  	[tilespmem:s11], [sflag:$0x1] =	stream.linear.gather [hbm4b:s4+s3], $0x2710, $0x38;
	[tilespmem:$0xC620] =	vst v63  }
0x14: {  	_ =	swait.ge [sflag:s9], $0x2710  }
0x15: {  	[sflag:s9] =	ssyncset.done $0x0  }
0x16: {  	[sflag:s9] =	ssyncadd.s32 $0xFFFFD8F0  }
0x17: {  	[tilespmem:s12], [sflag:$0x1] =	stream.linear.gather [hbm4b:s2+s3], $0x2710, $0x38;
	[tilespmem:$0xC620] =	vst v63  }
0x18: {  	_ =	swait.ge [sflag:s9], $0x2710  }
0x19: {  	[sflag:s9] =	ssyncset.done $0x0  }
0x1a: {  	s15 =	simm.s32 $0x0;
	[sflag:s9] =	ssyncadd.s32 $0xFFFFD8F0  }
0x1b: {  	v1 =	vld [tilespmem:s15+$0x0]  }
0x1c: {  	v2 =	vld [tilespmem:s15+$0x2800];
	_ =	sdelay $0x6  }
0x1d: {  	v1 =	vld.idx.msk [tilespmem:v1+s11+$0x0], $0xffff  }
0x1e: {  	v2 =	vld.idx.msk [tilespmem:v2+s12+$0x0], $0xffff;
	_ =	sdelay $0x2  }
0x1f: {  	v3 =	vld [tilespmem:s15+$0x10]  }
0x20: {  	v4 =	vld [tilespmem:s15+$0x2810]  }
0x21: {  	v1 =	vadd.f32 v2, v1;
	_ =	sdelay $0x1  }
0x22: {  	v2 =	vmul.f32 $2.000000030e-01, v1  }
0x23: {  	vm0 =	vge.f32 v1, $0.0e+00  }
0x24: {  	v1 =	vsel vm0, v1, v2  }
0x25: {  	[tilespmem:s15+$0x9E20] =	vst v1  }
0x26: {  	v1 =	vld.idx.msk [tilespmem:v3+s11+$0x0], $0xffff  }
0x27: {  	v2 =	vld.idx.msk [tilespmem:v4+s12+$0x0], $0xffff;
	_ =	sdelay $0x2  }
0x28: {  	v3 =	vld [tilespmem:s15+$0x20]  }
0x29: {  	v58 =	vld [tilespmem:s15+$0x2820]  }
0x2a: {  	v1 =	vadd.f32 v2, v1;
	_ =	sdelay $0x1  }
0x2b: {  	v2 =	vmul.f32 $2.000000030e-01, v1  }
0x2c: {  	vm10 =	vge.f32 v1, $0.0e+00  }
0x2d: {  	v1 =	vsel vm10, v1, v2  }
0x2e: {  	[tilespmem:s15+$0x9E30] =	vst v1  }
0x2f: {  	v1 =	vld.idx.msk [tilespmem:v3+s11+$0x0], $0xffff  }
0x30: {  	v2 =	vld.idx.msk [tilespmem:v58+s12+$0x0], $0xffff;
	_ =	sdelay $0x2  }
0x31: {  	v3 =	vld [tilespmem:s15+$0x30]  }
0x32: {  	v59 =	vld [tilespmem:s15+$0x2830]  }
0x33: {  	v1 =	vadd.f32 v2, v1;
	_ =	sdelay $0x1  }
0x34: {  	v2 =	vmul.f32 $2.000000030e-01, v1  }
0x35: {  	vm11 =	vge.f32 v1, $0.0e+00  }
0x36: {  	v1 =	vsel vm11, v1, v2  }
0x37: {  	[tilespmem:s15+$0x9E40] =	vst v1  }
0x38: {  	v1 =	vld.idx.msk [tilespmem:v3+s11+$0x0], $0xffff  }
0x39: {  	v2 =	vld.idx.msk [tilespmem:v59+s12+$0x0], $0xffff;
	_ =	sdelay $0x2  }
0x3a: {  	v3 =	vld [tilespmem:s15+$0x40]  }
0x3b: {  	v60 =	vld [tilespmem:s15+$0x2840]  }
0x3c: {  	v1 =	vadd.f32 v2, v1;
	_ =	sdelay $0x1  }
0x3d: {  	v2 =	vmul.f32 $2.000000030e-01, v1  }
0x3e: {  	vm12 =	vge.f32 v1, $0.0e+00  }
0x3f: {  	v1 =	vsel vm12, v1, v2  }
0x40: {  	[tilespmem:s15+$0x9E50] =	vst v1  }
0x41: {  	v1 =	vld.idx.msk [tilespmem:v3+s11+$0x0], $0xffff  }
0x42: {  	v2 =	vld.idx.msk [tilespmem:v60+s12+$0x0], $0xffff;
	_ =	sdelay $0x2  }
0x43: {  	v3 =	vld [tilespmem:s15+$0x50]  }
0x44: {  	v61 =	vld [tilespmem:s15+$0x2850]  }
0x45: {  	v1 =	vadd.f32 v2, v1;
	_ =	sdelay $0x1  }
0x46: {  	v2 =	vmul.f32 $2.000000030e-01, v1  }
0x47: {  	vm13 =	vge.f32 v1, $0.0e+00  }
0x48: {  	v1 =	vsel vm13, v1, v2  }
0x49: {  	[tilespmem:s15+$0x9E60] =	vst v1  }
0x4a: {  	v1 =	vld.idx.msk [tilespmem:v3+s11+$0x0], $0xffff  }
0x4b: {  	v2 =	vld.idx.msk [tilespmem:v61+s12+$0x0], $0xffff;
	_ =	sdelay $0x2  }
0x4c: {  	v3 =	vld [tilespmem:s15+$0x60]  }
0x4d: {  	v62 =	vld [tilespmem:s15+$0x2860]  }
0x4e: {  	v1 =	vadd.f32 v2, v1;
	_ =	sdelay $0x1  }
0x4f: {  	v2 =	vmul.f32 $2.000000030e-01, v1  }
0x50: {  	vm14 =	vge.f32 v1, $0.0e+00  }
0x51: {  	v1 =	vsel vm14, v1, v2  }
0x52: {  	[tilespmem:s15+$0x9E70] =	vst v1  }
0x53: {  	v1 =	vld.idx.msk [tilespmem:v3+s11+$0x0], $0xffff  }
0x54: {  	v2 =	vld.idx.msk [tilespmem:v62+s12+$0x0], $0xffff;
	_ =	sdelay $0x2  }
0x55: {  	v3 =	vld [tilespmem:s15+$0x70]  }
0x56: {  	v63 =	vld [tilespmem:s15+$0x2870]  }
0x57: {  	v1 =	vadd.f32 v2, v1;
	_ =	sdelay $0x1  }
0x58: {  	v2 =	vmul.f32 $2.000000030e-01, v1  }
0x59: {  	vm15 =	vge.f32 v1, $0.0e+00  }
0x5a: {  	v1 =	vsel vm15, v1, v2  }
0x5b: {  	[tilespmem:s15+$0x9E80] =	vst v1  }
0x5c: {  	v1 =	vld.idx.msk [tilespmem:v3+s11+$0x0], $0xffff  }
0x5d: {  	s16 =	simm.s32 $0x200;
	s17 =	simm.s32 $0x400;
	v2 =	vld.idx.msk [tilespmem:v63+s12+$0x0], $0xffff  }
.LBB2_2:
0x5e: {  	p0 =	sne.s32 s17, $0x9A00  }
0x5f: {  	s18 =	sshra.s32 s16, $0x2;
	s16 =	smov.u32 s17;
	s17 =	sadd.s32 $0x200, s17  }
0x60: {  	v3 =	vld [tilespmem:s18+$0x0]  }
0x61: {  	v4 =	vld [tilespmem:s18+$0x2800]  }
0x62: {  	v1 =	vadd.f32 v2, v1;
	_ =	sdelay $0x1  }
0x63: {  	vm0 =	vge.f32 v1, $0.0e+00;
	v2 =	vmul.f32 $2.000000030e-01, v1;
	_ =	sdelay $0x1  }
0x64: {  	v1 =	vsel vm0, v1, v2  }
0x65: {  	[tilespmem:s15+$0x9E90] =	vst v1;
	s15 =	smov.u32 s18  }
0x66: {  	v1 =	vld.idx.msk [tilespmem:v3+s11+$0x0], $0xffff  }
0x67: {  	v2 =	vld.idx.msk [tilespmem:v4+s12+$0x0], $0xffff;
	_ =	sdelay $0x2  }
0x68: {  	v3 =	vld [tilespmem:s15+$0x2810]  }
0x69: {  	v4 =	vld [tilespmem:s15+$0x10];
	_ =	sdelay $0x1  }
0x6a: {  	v1 =	vadd.f32 v2, v1;
	_ =	sdelay $0x1  }
0x6b: {  	vm0 =	vge.f32 v1, $0.0e+00;
	v2 =	vmul.f32 $2.000000030e-01, v1;
	_ =	sdelay $0x1  }
0x6c: {  	v1 =	vsel vm0, v1, v2  }
0x6d: {  	[tilespmem:s15+$0x9E20] =	vst v1  }
0x6e: {  	v1 =	vld.idx.msk [tilespmem:v4+s11+$0x0], $0xffff  }
0x6f: {  	v2 =	vld.idx.msk [tilespmem:v3+s12+$0x0], $0xffff;
	_ =	sdelay $0x2  }
0x70: {  	v3 =	vld [tilespmem:s15+$0x2820]  }
0x71: {  	v4 =	vld [tilespmem:s15+$0x20];
	_ =	sdelay $0x1  }
0x72: {  	v1 =	vadd.f32 v2, v1;
	_ =	sdelay $0x1  }
0x73: {  	vm0 =	vge.f32 v1, $0.0e+00;
	v2 =	vmul.f32 $2.000000030e-01, v1;
	_ =	sdelay $0x1  }
0x74: {  	v1 =	vsel vm0, v1, v2  }
0x75: {  	[tilespmem:s15+$0x9E30] =	vst v1  }
0x76: {  	v1 =	vld.idx.msk [tilespmem:v4+s11+$0x0], $0xffff  }
0x77: {  	v2 =	vld.idx.msk [tilespmem:v3+s12+$0x0], $0xffff;
	_ =	sdelay $0x2  }
0x78: {  	v3 =	vld [tilespmem:s15+$0x2830]  }
0x79: {  	v4 =	vld [tilespmem:s15+$0x30];
	_ =	sdelay $0x1  }
0x7a: {  	v1 =	vadd.f32 v2, v1;
	_ =	sdelay $0x1  }
0x7b: {  	vm0 =	vge.f32 v1, $0.0e+00;
	v2 =	vmul.f32 $2.000000030e-01, v1;
	_ =	sdelay $0x1  }
0x7c: {  	v1 =	vsel vm0, v1, v2  }
0x7d: {  	[tilespmem:s15+$0x9E40] =	vst v1  }
0x7e: {  	v1 =	vld.idx.msk [tilespmem:v4+s11+$0x0], $0xffff  }
0x7f: {  	v2 =	vld.idx.msk [tilespmem:v3+s12+$0x0], $0xffff;
	_ =	sdelay $0x2  }
0x80: {  	v3 =	vld [tilespmem:s15+$0x2840]  }
0x81: {  	v4 =	vld [tilespmem:s15+$0x40];
	_ =	sdelay $0x1  }
0x82: {  	v1 =	vadd.f32 v2, v1;
	_ =	sdelay $0x1  }
0x83: {  	vm0 =	vge.f32 v1, $0.0e+00;
	v2 =	vmul.f32 $2.000000030e-01, v1;
	_ =	sdelay $0x1  }
0x84: {  	v1 =	vsel vm0, v1, v2  }
0x85: {  	[tilespmem:s15+$0x9E50] =	vst v1  }
0x86: {  	v1 =	vld.idx.msk [tilespmem:v4+s11+$0x0], $0xffff  }
0x87: {  	v2 =	vld.idx.msk [tilespmem:v3+s12+$0x0], $0xffff;
	_ =	sdelay $0x2  }
0x88: {  	v3 =	vld [tilespmem:s15+$0x2850]  }
0x89: {  	v4 =	vld [tilespmem:s15+$0x50];
	_ =	sdelay $0x1  }
0x8a: {  	v1 =	vadd.f32 v2, v1;
	_ =	sdelay $0x1  }
0x8b: {  	vm0 =	vge.f32 v1, $0.0e+00;
	v2 =	vmul.f32 $2.000000030e-01, v1;
	_ =	sdelay $0x1  }
0x8c: {  	v1 =	vsel vm0, v1, v2  }
0x8d: {  	[tilespmem:s15+$0x9E60] =	vst v1  }
0x8e: {  	v1 =	vld.idx.msk [tilespmem:v4+s11+$0x0], $0xffff  }
0x8f: {  	v2 =	vld.idx.msk [tilespmem:v3+s12+$0x0], $0xffff;
	_ =	sdelay $0x2  }
0x90: {  	v3 =	vld [tilespmem:s15+$0x2860]  }
0x91: {  	v4 =	vld [tilespmem:s15+$0x60];
	_ =	sdelay $0x1  }
0x92: {  	v1 =	vadd.f32 v2, v1;
	_ =	sdelay $0x1  }
0x93: {  	vm0 =	vge.f32 v1, $0.0e+00;
	v2 =	vmul.f32 $2.000000030e-01, v1;
	_ =	sdelay $0x1  }
0x94: {  	v1 =	vsel vm0, v1, v2  }
0x95: {  	[tilespmem:s15+$0x9E70] =	vst v1  }
0x96: {  	v1 =	vld.idx.msk [tilespmem:v4+s11+$0x0], $0xffff  }
0x97: {  	v2 =	vld.idx.msk [tilespmem:v3+s12+$0x0], $0xffff;
	_ =	sdelay $0x2  }
0x98: {  	v3 =	vld [tilespmem:s15+$0x2870]  }
0x99: {  	v4 =	vld [tilespmem:s15+$0x70];
	_ =	sdelay $0x1  }
0x9a: {  	v1 =	vadd.f32 v2, v1;
	_ =	sdelay $0x1  }
0x9b: {  	vm0 =	vge.f32 v1, $0.0e+00;
	v2 =	vmul.f32 $2.000000030e-01, v1  }
.Ltmp0:
0x9c: {  	(pc) =	sbr.rel @p0 .LBB2_2-.Ltmp0, $4  }
0x9d: {  	v1 =	vsel vm0, v1, v2  }
0x9e: {  	[tilespmem:s15+$0x9E80] =	vst v1  }
0x9f: {  	v1 =	vld.idx.msk [tilespmem:v4+s11+$0x0], $0xffff  }
0xa0: {  	v2 =	vld.idx.msk [tilespmem:v3+s12+$0x0], $0xffff  }
0xa1: {  	_ = 	snop  }
0xa2: {  	s16 =	sshra.s32 s16, $0x2  }
0xa3: {  	v3 =	vld [tilespmem:s16+$0x0]  }
0xa4: {  	v4 =	vld [tilespmem:s16+$0x2800]  }
0xa5: {  	v1 =	vadd.f32 v2, v1;
	_ =	sdelay $0x1  }
0xa6: {  	v2 =	vmul.f32 $2.000000030e-01, v1  }
0xa7: {  	vm0 =	vge.f32 v1, $0.0e+00  }
0xa8: {  	v1 =	vsel vm0, v1, v2  }
0xa9: {  	[tilespmem:s15+$0x9E90] =	vst v1  }
0xaa: {  	v1 =	vld.idx.msk [tilespmem:v3+s11+$0x0], $0xffff  }
0xab: {  	v2 =	vld.idx.msk [tilespmem:v4+s12+$0x0], $0xffff;
	_ =	sdelay $0x2  }
0xac: {  	v3 =	vld [tilespmem:s16+$0x10]  }
0xad: {  	v57 =	vld [tilespmem:s16+$0x2810]  }
0xae: {  	v1 =	vadd.f32 v2, v1;
	_ =	sdelay $0x1  }
0xaf: {  	v2 =	vmul.f32 $2.000000030e-01, v1  }
0xb0: {  	vm7 =	vge.f32 v1, $0.0e+00  }
0xb1: {  	v1 =	vsel vm7, v1, v2  }
0xb2: {  	[tilespmem:s16+$0x9E20] =	vst v1  }
0xb3: {  	v1 =	vld.idx.msk [tilespmem:v3+s11+$0x0], $0xffff  }
0xb4: {  	v2 =	vld.idx.msk [tilespmem:v57+s12+$0x0], $0xffff;
	_ =	sdelay $0x2  }
0xb5: {  	v3 =	vld [tilespmem:s16+$0x20]  }
0xb6: {  	v58 =	vld [tilespmem:s16+$0x2820]  }
0xb7: {  	v1 =	vadd.f32 v2, v1;
	_ =	sdelay $0x1  }
0xb8: {  	v2 =	vmul.f32 $2.000000030e-01, v1  }
0xb9: {  	vm8 =	vge.f32 v1, $0.0e+00  }
0xba: {  	v1 =	vsel vm8, v1, v2  }
0xbb: {  	[tilespmem:s16+$0x9E30] =	vst v1  }
0xbc: {  	v1 =	vld.idx.msk [tilespmem:v3+s11+$0x0], $0xffff  }
0xbd: {  	v2 =	vld.idx.msk [tilespmem:v58+s12+$0x0], $0xffff;
	_ =	sdelay $0x2  }
0xbe: {  	v3 =	vld [tilespmem:s16+$0x30]  }
0xbf: {  	v59 =	vld [tilespmem:s16+$0x2830]  }
0xc0: {  	v1 =	vadd.f32 v2, v1;
	_ =	sdelay $0x1  }
0xc1: {  	v2 =	vmul.f32 $2.000000030e-01, v1  }
0xc2: {  	vm9 =	vge.f32 v1, $0.0e+00  }
0xc3: {  	v1 =	vsel vm9, v1, v2  }
0xc4: {  	[tilespmem:s16+$0x9E40] =	vst v1  }
0xc5: {  	v1 =	vld.idx.msk [tilespmem:v3+s11+$0x0], $0xffff  }
0xc6: {  	v2 =	vld.idx.msk [tilespmem:v59+s12+$0x0], $0xffff;
	_ =	sdelay $0x2  }
0xc7: {  	v3 =	vld [tilespmem:s16+$0x40]  }
0xc8: {  	v60 =	vld [tilespmem:s16+$0x2840]  }
0xc9: {  	v1 =	vadd.f32 v2, v1;
	_ =	sdelay $0x1  }
0xca: {  	v2 =	vmul.f32 $2.000000030e-01, v1  }
0xcb: {  	vm10 =	vge.f32 v1, $0.0e+00  }
0xcc: {  	v1 =	vsel vm10, v1, v2  }
0xcd: {  	[tilespmem:s16+$0x9E50] =	vst v1  }
0xce: {  	v1 =	vld.idx.msk [tilespmem:v3+s11+$0x0], $0xffff  }
0xcf: {  	v2 =	vld.idx.msk [tilespmem:v60+s12+$0x0], $0xffff;
	_ =	sdelay $0x2  }
0xd0: {  	v3 =	vld [tilespmem:s16+$0x50]  }
0xd1: {  	v61 =	vld [tilespmem:s16+$0x2850]  }
0xd2: {  	v1 =	vadd.f32 v2, v1;
	_ =	sdelay $0x1  }
0xd3: {  	v2 =	vmul.f32 $2.000000030e-01, v1  }
0xd4: {  	vm11 =	vge.f32 v1, $0.0e+00  }
0xd5: {  	v1 =	vsel vm11, v1, v2  }
0xd6: {  	[tilespmem:s16+$0x9E60] =	vst v1  }
0xd7: {  	v1 =	vld.idx.msk [tilespmem:v3+s11+$0x0], $0xffff  }
0xd8: {  	v2 =	vld.idx.msk [tilespmem:v61+s12+$0x0], $0xffff;
	_ =	sdelay $0x2  }
0xd9: {  	v3 =	vld [tilespmem:s16+$0x60]  }
0xda: {  	v62 =	vld [tilespmem:s16+$0x2860]  }
0xdb: {  	v1 =	vadd.f32 v2, v1;
	_ =	sdelay $0x1  }
0xdc: {  	v2 =	vmul.f32 $2.000000030e-01, v1  }
0xdd: {  	vm12 =	vge.f32 v1, $0.0e+00  }
0xde: {  	v1 =	vsel vm12, v1, v2  }
0xdf: {  	[tilespmem:s16+$0x9E70] =	vst v1  }
0xe0: {  	v1 =	vld.idx.msk [tilespmem:v3+s11+$0x0], $0xffff  }
0xe1: {  	v2 =	vld.idx.msk [tilespmem:v62+s12+$0x0], $0xffff;
	_ =	sdelay $0x2  }
0xe2: {  	v3 =	vld [tilespmem:s16+$0x70]  }
0xe3: {  	v63 =	vld [tilespmem:s16+$0x2870]  }
0xe4: {  	v1 =	vadd.f32 v2, v1;
	_ =	sdelay $0x1  }
0xe5: {  	v2 =	vmul.f32 $2.000000030e-01, v1  }
0xe6: {  	vm13 =	vge.f32 v1, $0.0e+00  }
0xe7: {  	v1 =	vsel vm13, v1, v2  }
0xe8: {  	[tilespmem:s16+$0x9E80] =	vst v1  }
0xe9: {  	v1 =	vld.idx.msk [tilespmem:v3+s11+$0x0], $0xffff  }
0xea: {  	v2 =	vld.idx.msk [tilespmem:v63+s12+$0x0], $0xffff;
	_ =	sdelay $0x4  }
0xeb: {  	v1 =	vadd.f32 v2, v1;
	_ =	sdelay $0x1  }
0xec: {  	v2 =	vmul.f32 $2.000000030e-01, v1  }
0xed: {  	vm14 =	vge.f32 v1, $0.0e+00  }
0xee: {  	v1 =	vsel vm14, v1, v2  }
0xef: {  	[tilespmem:s16+$0x9E90] =	vst v1  }
0xf0: {  	v1 =	vld [tilespmem:$0x2700]  }
0xf1: {  	v2 =	vld [tilespmem:$0x4F00];
	_ =	sdelay $0x6  }
0xf2: {  	v1 =	vld.idx.msk [tilespmem:v1+s11+$0x0], $0xffff  }
0xf3: {  	v2 =	vld.idx.msk [tilespmem:v2+s12+$0x0], $0xffff;
	[tilespmem:$0xC530] =	vst v0  }
0xf4: {  	[tilespmem:$0xC540] =	vst v0  }
0xf5: {  	[tilespmem:$0xC550] =	vst v0  }
0xf6: {  	[tilespmem:$0xC560] =	vst v0  }
0xf7: {  	[tilespmem:$0xC570] =	vst v0  }
0xf8: {  	[tilespmem:$0xC580] =	vst v0  }
0xf9: {  	[tilespmem:$0xC590] =	vst v0  }
0xfa: {  	[tilespmem:$0xC5A0] =	vst v0  }
0xfb: {  	[tilespmem:$0xC5B0] =	vst v0  }
0xfc: {  	[tilespmem:$0xC5C0] =	vst v0  }
0xfd: {  	[tilespmem:$0xC5D0] =	vst v0;
	v1 =	vadd.f32 v2, v1  }
0xfe: {  	[tilespmem:$0xC5E0] =	vst v0  }
0xff: {  	[tilespmem:$0xC5F0] =	vst v0;
	v2 =	vmul.f32 $2.000000030e-01, v1  }
0x100: {  	s14 =	sadd.s32 $0x1, s14;
	[tilespmem:$0xC600] =	vst v0;
	vm15 =	vge.f32 v1, $0.0e+00  }
0x101: {  	p0 =	sne.s32 s14, s8;
	[tilespmem:$0xC610] =	vst v0;
	v1 =	vsel vm15, v1, v2  }
.Ltmp1:
0x102: {  	[tilespmem:$0xC520] =	vst v1;
	(pc) =	sbr.rel @p0 .LBB2_1-.Ltmp1, $4  }
0x103: {  	[hbm4b:s7+s3] =	stream.linear.scatter [tilespmem:s13], [sflag:$0x1], $0x2800, $0x38;
	[tilespmem:$0xC620] =	vst v63  }
0x104: {  	_ =	swait.ge [sflag:s9], $0x2800  }
0x105: {  	[sflag:s9] =	ssyncset.done $0x0  }
0x106: {  	[sflag:s9] =	ssyncadd.s32 $0xFFFFD800  }
0x107: {  	_ =	sfence.sel $0x180000  }
0x108: {  	[bflag:$0x0] =	sbarrier.arrive $0xFFFF  }
0x109: {  	p0 =	sne.s32 s0, $0x0;
	_ =	strace $0x9000004D  }
0x10a: {  	s0 =	sadd.s32 @!p0 $0x100000, s1;
	[bflag:$0x2] =	sbarrier.arrive $0xFFFF  }
0x10b: {  	[sflag:s0] =	ssyncadd.tile.s32 @!p0 $0x1;
	_ =	shalt  }
.Lfunc_end2:
_tile_overlayer_lowered:
.L_overlay_start_2:
0x10c: {  	(tag) =	ssettag $0x2  }
0x10d: {  	s0 =	rddreg [dreg:$0x0];
	s2 =	stileid.u32  }
0x10e: {  	s1 =	rddreg [dreg:$0x1];
	p0 =	sne.s32 s2, $0x0  }
0x10f: {  	s3 =	rddreg [dreg:$0x2];
	[bflag:$0x3] =	sbarrier.arrive $0xFFFF;
	s2 =	simm.s32 @!p0 $0x1C01  }
0x110: {  	[timem:s3], [sflag:s2] =	dma.local @!p0 [hbm:s0], s1  }
0x111: {  	s0 =	simm.s32 @!p0 $0x1  }
0x112: {  	_ =	swait.ge @!p0 [sflag:s0], s1  }
0x113: {  	s1 =	ssub.s32 @!p0 $0x0, s1;
	[sflag:s0] =	ssyncset.done @!p0 $0x0  }
0x114: {  	[sflag:s0] =	ssyncadd.s32 @!p0 s1  }
0x115: {  	[bflag:$0x3] =	sbarrier.arrive $0xFFFF  }
0x116: {  	_ =	shalt  }

// kernel: kernel.22.cloned.1.call-start
scs
__scs_entry_jumppad:
0x0: {  	(pc) =	sbr.rel $0x88, $3  }
0x1: {  	(tag) =	ssettag $0x0;
	lr =	simm.s32 $0x1  }
0x2: {  	[smem:$0x3F90] =	sst lr;
	_ =	strace $0xD0000000  }
0x3: {  	_ = 	snop  }
0x4: {  	_ = 	snop  }
0x5: {  	_ = 	snop  }
0x6: {  	_ = 	snop  }
0x7: {  	_ = 	snop  }
__scs_overlays_trampoline_lowered:
0x8: {  	[smem:$0x3F9F] =	sst s0  }
0x9: {  	[smem:$0x3FA0] =	sst s1  }
0xa: {  	[smem:$0x3FA1] =	sst s2  }
0xb: {  	[smem:$0x3FA2] =	sst s3  }
0xc: {  	[smem:$0x3FA3] =	sst s4  }
0xd: {  	[smem:$0x3FA4] =	sst s5  }
0xe: {  	[smem:$0x3FA5] =	sst s6  }
0xf: {  	[smem:$0x3FA6] =	sst s7  }
0x10: {  	[smem:$0x3FA7] =	sst s8  }
0x11: {  	[smem:$0x3FA8] =	sst s9;
	s0 =	simm.s32 @!p0 $0x0  }
0x12: {  	s1 =	sld [smem:$0x3F8E];
	s0 =	simm.s32 @p0 $0x1  }
0x13: {  	[smem:$0x3FA9] =	sst s0;
	s0 =	simm.s32 @!p1 $0x0  }
0x14: {  	s2 =	sld [smem:$0x3F8D];
	s0 =	simm.s32 @p1 $0x1  }
0x15: {  	[smem:$0x3FAA] =	sst s0;
	s0 =	simm.s32 @!p2 $0x0  }
0x16: {  	s3 =	sld [smem:$0x3FDB];
	s0 =	simm.s32 @p2 $0x1  }
0x17: {  	s4 =	simm.s32 $0x1BF5;
	[smem:$0x3FAC] =	sst s0  }
0x18: {  	s0 =	sld [smem:$0x3F8F];
	_ =	swait.ge [sflag:s4], $0x0  }
0x19: {  	s7 =	sld [smem:$0x3F90]  }
0x1a: {  	s8 =	sadd.s32 $0xFFFFE003, lr  }
0x1b: {  	s9 =	sadd.s32 $0xFFFFFEF7, lr;
	s5 =	simm.s32 $0xFFFFFFFF;
	p2 =	slt.u32 s8, $0xFFFFF086  }
0x1c: {  	p1 =	slt.u32 s9, $0xF7A;
	s5 =	simm.s32 @!p2 $0x0  }
0x1d: {  	s5 =	simm.s32 @p1 $0x1;
	p0 =	seq.s32 s7, s2  }
0x1e: {  	s7 =	smul.u32 @!p0 $0xF7A, s2;
	p2 =	seq.s32 @!p0 s5, $0x0  }
0x1f: {  	s9 =	smul.u32 $0xF7A, s1;
	s8 =	simm.s32 @!p0 $0x1BF5;
	p2 =	por !p2, p0  }
0x20: {  	[sflag:s8] =	ssyncset.s32 @!p0 $0xFFFFF086;
	s6 =	sadd.s32 @!p0 s3, s7;
	s7 =	simm.s32 @!p0 $0x108  }
0x21: {  	s3 =	sadd.s32 s3, s9;
	s6 =	sadd.s32 @!p0 $0x88, s6;
	s7 =	simm.s32 @p2 $0x1082  }
0x22: {  	[simem:s7], [sflag:s8] =	dma.local @!p0 [hbm:s6], $0xF7A  }
0x23: {  	s9 =	sor.u32 $0xD0000000, s2;
	s6 =	simm.s32 $0x108;
	_ =	swait.ge @!p0 [sflag:s8], $0x0  }
0x24: {  	s3 =	sadd.s32 $0x88, s3;
	s6 =	simm.s32 @!p1 $0x1082;
	[sflag:s4] =	ssyncset.s32 $0xFFFFF086  }
0x25: {  	[simem:s6], [sflag:s4] =	dma.local [hbm:s3], $0xF7A  }
0x26: {  	[smem:$0x3F90] =	sst s1;
	(tag) =	ssettag s2;
	_ =	strace s9  }
0x27: {  	s1 =	sld [smem:$0x3FA0]  }
0x28: {  	s2 =	sld [smem:$0x3FA1]  }
0x29: {  	s4 =	sld [smem:$0x3FA3]  }
0x2a: {  	p0 =	seq.s32 s5, $0x0;
	s5 =	sld [smem:$0x3FA4]  }
0x2b: {  	s6 =	sld [smem:$0x3FA5]  }
0x2c: {  	s7 =	sld [smem:$0x3FA6]  }
0x2d: {  	s3 =	simm.s32 $0x108;
	s8 =	sld [smem:$0x3FA7]  }
0x2e: {  	s3 =	simm.s32 @!p0 $0x1082;
	s9 =	sld [smem:$0x3FA8]  }
0x2f: {  	lr =	sadd.s32 s0, s3;
	s0 =	sld [smem:$0x3F9F]  }
0x30: {  	s3 =	sld [smem:$0x3FA2]  }
0x31: {  	[smem:$0x3FAB] =	sst s10  }
0x32: {  	s10 =	sld [smem:$0x3FA9];
	_ =	sdelay $0x3  }
0x33: {  	p0 =	seq.s32 s10, $0x1;
	s10 =	sld [smem:$0x3FAB];
	_ =	sdelay $0x3  }
0x34: {  	[smem:$0x3FAB] =	sst s10  }
0x35: {  	s10 =	sld [smem:$0x3FAA];
	_ =	sdelay $0x3  }
0x36: {  	p1 =	seq.s32 s10, $0x1;
	s10 =	sld [smem:$0x3FAB];
	_ =	sdelay $0x3  }
0x37: {  	[smem:$0x3FAB] =	sst s10  }
0x38: {  	s10 =	sld [smem:$0x3FAC]  }
0x39: {  	_ = 	snop;
	(pc) =	sbr.ind lr, $3  }
0x3a: {  	_ = 	snop  }
0x3b: {  	_ = 	snop  }
0x3c: {  	p2 =	seq.s32 s10, $0x1;
	s10 =	sld [smem:$0x3FAB]  }
0x3d: {  	_ =	shalt  }
0x3e: {  	_ =	shalt  }
0x3f: {  	_ =	shalt  }
0x40: {  	_ =	shalt  }
0x41: {  	_ =	shalt  }
0x42: {  	_ =	shalt  }
0x43: {  	_ =	shalt  }
0x44: {  	_ =	shalt  }
0x45: {  	_ =	shalt  }
0x46: {  	_ =	shalt  }
0x47: {  	_ =	shalt  }
0x48: {  	_ =	shalt  }
0x49: {  	_ =	shalt  }
0x4a: {  	_ =	shalt  }
0x4b: {  	_ =	shalt  }
0x4c: {  	_ =	shalt  }
0x4d: {  	_ =	shalt  }
0x4e: {  	_ =	shalt  }
0x4f: {  	_ =	shalt  }
0x50: {  	_ =	shalt  }
0x51: {  	_ =	shalt  }
0x52: {  	_ =	shalt  }
0x53: {  	_ =	shalt  }
0x54: {  	_ =	shalt  }
0x55: {  	_ =	shalt  }
0x56: {  	_ =	shalt  }
0x57: {  	_ =	shalt  }
0x58: {  	_ =	shalt  }
0x59: {  	_ =	shalt  }
0x5a: {  	_ =	shalt  }
0x5b: {  	_ =	shalt  }
0x5c: {  	_ =	shalt  }
0x5d: {  	_ =	shalt  }
0x5e: {  	_ =	shalt  }
0x5f: {  	_ =	shalt  }
0x60: {  	_ =	shalt  }
0x61: {  	_ =	shalt  }
0x62: {  	_ =	shalt  }
0x63: {  	_ =	shalt  }
0x64: {  	_ =	shalt  }
0x65: {  	_ =	shalt  }
0x66: {  	_ =	shalt  }
0x67: {  	_ =	shalt  }
0x68: {  	_ =	shalt  }
0x69: {  	_ =	shalt  }
0x6a: {  	_ =	shalt  }
0x6b: {  	_ =	shalt  }
0x6c: {  	_ =	shalt  }
0x6d: {  	_ =	shalt  }
0x6e: {  	_ =	shalt  }
0x6f: {  	_ =	shalt  }
0x70: {  	_ =	shalt  }
0x71: {  	_ =	shalt  }
0x72: {  	_ =	shalt  }
0x73: {  	_ =	shalt  }
0x74: {  	_ =	shalt  }
0x75: {  	_ =	shalt  }
0x76: {  	_ =	shalt  }
0x77: {  	_ =	shalt  }
0x78: {  	_ =	shalt  }
0x79: {  	_ =	shalt  }
0x7a: {  	_ =	shalt  }
0x7b: {  	_ =	shalt  }
0x7c: {  	_ =	shalt  }
0x7d: {  	_ =	shalt  }
0x7e: {  	_ =	shalt  }
0x7f: {  	_ =	shalt  }
0x80: {  	_ =	shalt  }
0x81: {  	_ =	shalt  }
0x82: {  	_ =	shalt  }
0x83: {  	_ =	shalt  }
0x84: {  	_ =	shalt  }
0x85: {  	_ =	shalt  }
0x86: {  	_ =	shalt  }
0x87: {  	_ =	shalt  }
.Lfunc_end0:
.L_simem_size_0:
called_computation.3_lowered:
.L_overlay_start_0:
0x88: {  	s2 =	sld [smem:$0x3FD9]  }
0x89: {  	s3 =	sld [smem:$0x3FFE];
	_ =	sdelay $0x1  }
0x8a: {  	s1 =	srdreg.scid  }
0x8b: {  	s0 =	sand.u32 $0x1, s1  }
0x8c: {  	s16 =	sshll.u32 s0, $0xA;
	s2 =	sadd.s32 s3, s2  }
0x8d: {  	s2 =	sadd.s32 s2, s16  }
0x8e: {  	[smem:$0x3FB7] =	sst s2  }
0x8f: {  	_ = 	snop  }
0x90: {  	(tm) =	ssettm $0x1  }
0x91: {  	s17 =	sld [smem:$0x3FFB];
	_ =	sdelay $0x3  }
0x92: {  	_ =	strace s17  }
0x93: {  	s2 =	sld [smem:$0x3FFC];
	_ =	sdelay $0x3  }
0x94: {  	_ =	strace s2  }
0x95: {  	s2 =	sld [smem:$0x3FFD];
	_ =	sdelay $0x3  }
0x96: {  	_ =	strace s2  }
0x97: {  	_ =	strace $0x8FFFFFFF  }
0x98: {  	s18 =	sld [smem:$0x3FDB];
	_ =	sdelay $0x1  }
0x99: {  	s19 =	simm.s32 $_scs_section_size  }
0x9a: {  	s4 =	simm.s32 $_size__tile_overlayer_lowered;
	s5 =	simm.s32 $_tile_overlayer_lowered  }
0x9b: {  	s22 =	simm.s32 $0x1BFF;
	s21 =	sshll.u32 s5, $0x1;
	s2 =	sadd.s32 s19, s18  }
0x9c: {  	s6 =	simm.s32 $0x0;
	s20 =	sshll.u32 s4, $0x1;
	s4 =	sadd.s32 s21, s2  }
0x9d: {  	[timem:s6], [sflag:s22] =	dma.local [hbm:s4], s20  }
0x9e: {  	_ =	swait.ge [sflag:s22], s20  }
0x9f: {  	s3 =	ssub.s32 $0x0, s20;
	[sflag:s22] =	ssyncset.done $0x0  }
0xa0: {  	[sflag:s22] =	ssyncadd.s32 s3;
	_ =	sdelay $0x1  }
0xa1: {  	s23 =	simm.s32 $0x1B8B  }
0xa2: {  	_ =	swait.ge [sflag:s23], $0x1  }
0xa3: {  	[sflag:s23] =	ssyncset.done $0x0  }
0xa4: {  	s25 =	simm.s32 $0x1B8E;
	s24 =	sld [smem:$0x3FFE];
	[sflag:s23] =	ssyncadd.s32 $0xFFFFFFFF  }
0xa5: {  	s26 =	simm.s32 $execute0_lowered;
	[smem:$0x3FD2] =	sst s25  }
0xa6: {  	s4 =	sshll.u32 s26, $0x1;
	_ =	strace $0x8000004F;
	[dreg:$0x1] =	wrdreg $0xFFFFFFFF  }
0xa7: {  	s28 =	simm.s32 $_size_execute0_lowered;
	s2 =	sadd.s32 s2, s4;
	[dreg:$0x0] =	wrdreg $0x0  }
0xa8: {  	s4 =	sshll.u32 s28, $0x1;
	[dreg:$0x2] =	wrdreg s2  }
0xa9: {  	[dreg:$0x3] =	wrdreg s4  }
0xaa: {  	[dreg:$0x4] =	wrdreg $0xC0  }
0xab: {  	_ =	task [dreg:s6], $0x5FFFF  }
0xac: {  	[dreg:$0x1] =	wrdreg $0xFFFFFFFF  }
0xad: {  	[dreg:$0x0] =	wrdreg $0x60  }
0xae: {  	[dreg:$0x2] =	wrdreg s24  }
0xaf: {  	[dreg:$0x3] =	wrdreg $0xB8000  }
0xb0: {  	[dreg:$0x4] =	wrdreg $0x9  }
0xb1: {  	_ =	task.clear_ibuf [dreg:s6], $0x5FFFF;
	_ =	strace $0x9000004F  }
0xb2: {  	s29 =	simm.s32 $0x9;
	_ =	strace $0x80000051  }
0xb3: {  	_ =	swait.ge [sflag:s29], $0x1  }
0xb4: {  	[sflag:s29] =	ssyncadd.s32 $0xFFFFFFFF  }
0xb5: {  	_ =	strace $0x90000051  }
0xb6: {  	_ =	sfence  }
0xb7: {  	s30 =	sld [smem:$0x0];
	_ =	sdelay $0x2  }
0xb8: {  	s31 =	sshll.u32 s1, $0xD;
	s1 =	sshrl.u32 s1, $0x2  }
0xb9: {  	s3 =	sand.u32 $0x4000, s31;
	s1 =	sadd.s32 s1, s30  }
0xba: {  	s0 =	sor.u32 s3, s0;
	s1 =	sshll.u32 s1, $0x11  }
0xbb: {  	s0 =	sor.u32 s1, s0  }
0xbc: {  	s0 =	sadd.s32 $0x8F2B, s0  }
0xbd: {  	[sflag:s0] =	ssyncadd.remote.s32 $0x1  }
0xbe: {  	_ =	sfence.sel $0xFFFF  }
0xbf: {  	[dreg:$0x0] =	wrdreg $0xFFFFFFFF;
	(pc) =	sbr.abs _section_cstart, $3  }
0xc0: {  	[dreg:$0x1] =	wrdreg $0xFFFFFFFF  }
0xc1: {  	_ =	task.clear_ibuf [dreg:s6], $0x2FFFF;
	_ =	strace $0x9FFFFFFF  }
0xc2: {  	(tm) =	ssettm $0x7FFFFFFF  }
0xc3: {  	_ =	shalt  }
tec
execute0_lowered:
.L_overlay_start_1:
0x0: {  	(tag) =	ssettag $0x1  }
0x1: {  	s0 =	srdreg.scid;
	s5 =	rddreg [dreg:$0x0]  }
0x2: {  	s7 =	stileid.u32;
	s2 =	rddreg [dreg:$0x1];
	s3 =	simm.s32 $0x0  }
0x3: {  	s19 =	simm.s32 $0x3;
	s21 =	simm.s32 $0x5000;
	s22 =	simm.s32 $0x7800  }
0x4: {  	s23 =	simm.s32 $0x80;
	s24 =	simm.s32 $0x9800;
	s25 =	simm.s32 $0x1  }
0x5: {  	s26 =	simm.s32 $0x2;
	s28 =	simm.s32 $0x0;
	s4 =	smul.u32 $0x271, s7  }
0x6: {  	s0 =	sand.u32 $0x1, s0;
	s1 =	sshll.u32 s7, $0x1;
	s7 =	smul.u32 $0x27100, s7  }
0x7: {  	[smem:$0x7FF] =	sst s3;
	s1 =	sor.u32 s0, s1;
	s6 =	smul.u32 $0x2710, s0  }
0x8: {  	_ =	strace $0x80000050;
	s0 =	ssub.s32 $0x2, s0;
	s1 =	smul.u32 $0x500, s1  }
0x9: {  	s29 =	sshrl.u32 s0, $0x1;
	s7 =	sshrl.u32 s7, $0x2;
	s6 =	sadd.s32 s4, s6  }
0xa: {  	s4 =	sadd.s32 $0x21000, s5;
	s0 =	ssub.s32 s0, s29;
	s1 =	sadd.s32 s1, s5  }
0xb: {  	s6 =	sshll.u32 s6, $0x3;
	s11 =	smax.u32 s0, $0x1;
	s30 =	sadd.s32 $0xCA00, s1  }
0xc: {  	s5 =	sadd.s32 s6, s5;
	s31 =	sadd.s32 $0x2A00, s1;
	[dreg:$0x3] =	wrdreg s30  }
0xd: {  	s6 =	sadd.s32 s7, s2;
	s8 =	sadd.s32 $0x16A00, s1;
	[dreg:$0x4] =	wrdreg s31  }
0xe: {  	s9 =	sadd.s32 $0x8000, s6;
	s10 =	sadd.s32 $0x35A00, s5;
	s12 =	sadd.s32 $0x2000, s6  }
0xf: {  	s13 =	sadd.s32 $0x4000, s6;
	s14 =	sadd.s32 $0x6000, s6;
	s15 =	sadd.s32 $0x34A00, s5  }
0x10: {  	v0 =	vimm.f32 $0.0e+00;
	s16 =	sadd.s32 $0x34E00, s5;
	s17 =	sadd.s32 $0x35200, s5;
	s18 =	sadd.s32 $0x35600, s5  }
.LBB2_1:
0x11: {  	s0 =	rddreg [dreg:$0x3]  }
0x12: {  	[tilespmem:s3], [sflag:$0x3] =	stream.linear.gather [hbm4b:s0+s3], $0x2800, $0x38;
	[tilespmem:$0x15440] =	vst v63  }
0x13: {  	_ =	swait.ge [sflag:s19], $0x2800  }
0x14: {  	[sflag:s19] =	ssyncset.done $0x0  }
0x15: {  	s1 =	simm.s32 $0x2800;
	s31 =	rddreg [dreg:$0x4];
	[sflag:s19] =	ssyncadd.s32 $0xFFFFD800  }
0x16: {  	[tilespmem:s1], [sflag:$0x3] =	stream.linear.gather [hbm4b:s31+s3], $0x2800, $0x38;
	[tilespmem:$0x15440] =	vst v63  }
0x17: {  	_ =	swait.ge [sflag:s19], $0x2800  }
0x18: {  	[sflag:s19] =	ssyncset.done $0x0  }
0x19: {  	[sflag:s19] =	ssyncadd.s32 $0xFFFFD800  }
0x1a: {  	[tilespmem:s21], [sflag:$0x3] =	stream.linear.gather [hbm4b:s8+s3], $0x2800, $0x38;
	[tilespmem:$0x15440] =	vst v63  }
0x1b: {  	_ =	swait.ge [sflag:s19], $0x2800  }
0x1c: {  	[sflag:s19] =	ssyncset.done $0x0  }
0x1d: {  	s0 =	simm.s32 $0x0;
	s1 =	simm.s32 $0x100;
	[sflag:s19] =	ssyncadd.s32 $0xFFFFD800  }
.LBB2_2:
0x1e: {  	p0 =	sne.s32 s1, $0x7F00;
	[tilespmem:s0+$0x7830] =	vst v0;
	s5 =	smov.u32 s1;
	s1 =	sadd.s32 $0x100, s1  }
.Ltmp0:
0x1f: {  	[tilespmem:s0+$0x7820] =	vst v0;
	(pc) =	sbr.rel @p0 .LBB2_2-.Ltmp0, $3  }
0x20: {  	[tilespmem:s0+$0x7800] =	vst v0  }
0x21: {  	[tilespmem:s0+$0x7810] =	vst v0;
	_ =	sdelay $0x1  }
0x22: {  	s0 =	sshra.s32 s5, $0x2  }
0x23: {  	[tilespmem:s0+$0x7830] =	vst v0  }
0x24: {  	[tilespmem:s0+$0x7820] =	vst v0  }
0x25: {  	[tilespmem:s0+$0x7800] =	vst v0  }
0x26: {  	[tilespmem:s0+$0x7810] =	vst v0  }
0x27: {  	[spmem:s6] =	stream.linear.scatter [tilespmem:s22], [sflag:$0x3], $0x2000, $0x38;
	[tilespmem:$0x15440] =	vst v63  }
0x28: {  	_ =	swait.ge [sflag:s19], $0x2000  }
0x29: {  	[sflag:s19] =	ssyncset.done $0x0  }
0x2a: {  	[sflag:s19] =	ssyncadd.s32 $0xFFFFE000  }
0x2b: {  	[spmem:s12] =	stream.linear.scatter [tilespmem:s22], [sflag:$0x3], $0x2000, $0x38;
	[tilespmem:$0x15440] =	vst v63  }
0x2c: {  	_ =	swait.ge [sflag:s19], $0x2000  }
0x2d: {  	[sflag:s19] =	ssyncset.done $0x0  }
0x2e: {  	[sflag:s19] =	ssyncadd.s32 $0xFFFFE000  }
0x2f: {  	[spmem:s13] =	stream.linear.scatter [tilespmem:s22], [sflag:$0x3], $0x2000, $0x38;
	[tilespmem:$0x15440] =	vst v63  }
0x30: {  	_ =	swait.ge [sflag:s19], $0x2000  }
0x31: {  	[sflag:s19] =	ssyncset.done $0x0  }
0x32: {  	[sflag:s19] =	ssyncadd.s32 $0xFFFFE000  }
0x33: {  	[spmem:s14] =	stream.linear.scatter [tilespmem:s22], [sflag:$0x3], $0x2000, $0x38;
	[tilespmem:$0x15440] =	vst v63  }
0x34: {  	_ =	swait.ge [sflag:s19], $0x2000  }
0x35: {  	[sflag:s19] =	ssyncset.done $0x0  }
0x36: {  	[sflag:s19] =	ssyncadd.s32 $0xFFFFE000  }
0x37: {  	[spmem:s9] =	stream.linear.scatter [tilespmem:s22], [sflag:$0x3], $0x1C40, $0x38;
	[tilespmem:$0x15440] =	vst v63  }
0x38: {  	_ =	swait.ge [sflag:s19], $0x1C40  }
0x39: {  	[sflag:s19] =	ssyncset.done $0x0  }
0x3a: {  	s29 =	simm.s32 $0x80;
	[sflag:s19] =	ssyncadd.s32 $0xFFFFE3C0  }
0x3b: {  	s30 =	simm.s32 $0x0;
	s31 =	simm.s32 $0x0;
	[bflag:$0x0] =	sbarrier.arrive $0xFFFF  }
0x3c: {  	[tilespmem:s22], [sflag:$0x1] =	stream.indirect.gather [hbm4b:s4+s29], $0x40, s30, s29, $0xb8;
	[tilespmem:$0x15440] =	vst v63  }
.LBB2_4:
0x3d: {  	s0 =	sshll.u32 s31, $0x8  }
0x3e: {  	s20 =	sadd.s32 $0x0, s30;
	s1 =	sor.u32 $0x80, s0  }
0x3f: {  	[tilespmem:s24], [sflag:$0x2] =	stream.indirect.gather [hbm4b:s4+s23], $0x40, s1, s23, $0xb8;
	[tilespmem:$0x15440] =	vst v63  }
0x40: {  	v1 =	vmov s20;
	_ =	swait.ge [sflag:s25], $0x2000  }
0x41: {  	[sflag:s25] =	ssyncset.done $0x0  }
0x42: {  	s0 =	simm.s32 $0x7820;
	[sflag:s25] =	ssyncadd.s32 $0xFFFFE000  }
0x43: {  	v3 =	vld [tilespmem:s0+$0xFFFFFFF0]  }
0x44: {  	v4 =	vld [tilespmem:s0+$0x10]  }
0x45: {  	v6 =	vld.idx.msk [tilespmem:v1+s21+$0x0], $0xffff  }
0x46: {  	v1 =	vld [tilespmem:s0+$0xFFFFFFE0]  }
0x47: {  	v7 =	vld [tilespmem:s0+$0x0];
	_ =	sdelay $0x3  }
0x48: {  	s5 =	sadd.s32 $0x1, s30;
	v2 =	vmul.f32 v1, v6;
	v5 =	vmul.f32 v4, v6  }
0x49: {  	s20 =	simm.s32 $0x2;
	v1 =	vmov s5;
	v4 =	vmul.f32 v3, v6;
	v3 =	vmul.f32 v7, v6;
	s5 =	simm.s32 $0x7820  }
.LBB2_5:
0x4a: {  	p0 =	sne.s32 s20, $0x7F  }
0x4b: {  	[tilespmem:s0+$0x10] =	vst v5;
	s5 =	sadd.s32 $0x40, s5;
	s7 =	smov.u32 s20;
	s20 =	sadd.s32 $0x1, s20  }
0x4c: {  	[tilespmem:s0+$0xFFFFFFE0] =	vst v2  }
0x4d: {  	v6 =	vld [tilespmem:s5+$0xFFFFFFF0];
	[tilespmem:s0+$0xFFFFFFF0] =	vst v4  }
0x4e: {  	v4 =	vld [tilespmem:s5+$0x10];
	[tilespmem:s0+$0x0] =	vst v3;
	s0 =	smov.u32 s5  }
0x4f: {  	v3 =	vld.idx.msk [tilespmem:v1+s21+$0x0], $0xffff  }
0x50: {  	v1 =	vld [tilespmem:s5+$0xFFFFFFE0]  }
0x51: {  	v7 =	vld [tilespmem:s5+$0x0]  }
.Ltmp1:
0x52: {  	(pc) =	sbr.rel @p0 .LBB2_5-.Ltmp1, $3  }
0x53: {  	_ =	sdelay $0x1  }
0x54: {  	s7 =	sadd.s32 s7, s30;
	v5 =	vmul.f32 v4, v3;
	v2 =	vmul.f32 v1, v3  }
0x55: {  	v4 =	vmul.f32 v6, v3;
	v1 =	vmov s7;
	v3 =	vmul.f32 v7, v3  }
0x56: {  	[tilespmem:s0+$0x10] =	vst v5  }
0x57: {  	s5 =	sadd.s32 $0x40, s5;
	[tilespmem:s0+$0xFFFFFFE0] =	vst v2  }
0x58: {  	v2 =	vld [tilespmem:s5+$0xFFFFFFF0];
	[tilespmem:s0+$0xFFFFFFF0] =	vst v4  }
0x59: {  	v4 =	vld [tilespmem:s5+$0x10];
	[tilespmem:s0+$0x0] =	vst v3  }
0x5a: {  	v1 =	vld.idx.msk [tilespmem:v1+s21+$0x0], $0xffff  }
0x5b: {  	v3 =	vld [tilespmem:s5+$0xFFFFFFE0];
	_ =	sdelay $0x1  }
0x5c: {  	v5 =	vld [tilespmem:s5+$0x0];
	_ =	sdelay $0x1  }
0x5d: {  	v4 =	vmul.f32 v4, v1  }
0x5e: {  	v3 =	vmul.f32 v3, v1  }
0x5f: {  	v2 =	vmul.f32 v2, v1;
	[tilespmem:s5+$0x10] =	vst v4  }
0x60: {  	s0 =	sshll.u32 s31, $0xA;
	v1 =	vmul.f32 v5, v1;
	[tilespmem:s5+$0xFFFFFFE0] =	vst v3  }
0x61: {  	s7 =	sshrl.u32 s0, $0x2;
	[tilespmem:s5+$0xFFFFFFF0] =	vst v2  }
0x62: {  	p0 =	seq.s32 s31, $0x27;
	s20 =	sadd.s32 $0x2800, s7;
	[tilespmem:s5+$0x0] =	vst v1  }
0x63: {  	[spmem:s2] =	stream.indirect.scatter.add.f32 [tilespmem:s22], [sflag:$0x3], $0x40, s20, s23, $0xb8;
	[tilespmem:$0x15440] =	vst v63  }
0x64: {  	s0 =	sshrl.u32 @!p0 s0, $0x2;
	_ =	swait.ge [sflag:s19], $0x2000  }
0x65: {  	s0 =	sadd.s32 @!p0 $0x100, s0;
	[sflag:s19] =	ssyncset.done $0x0  }
0x66: {  	s7 =	simm.s32 @!p0 $0x7800;
	s5 =	simm.s32 @!p0 $0x80;
	[sflag:s19] =	ssyncadd.s32 $0xFFFFE000  }
0x67: {  	[tilespmem:s7], [sflag:$0x1] =	stream.indirect.gather @!p0 [hbm4b:s4+s5], $0x40, s0, s5, $0xb8;
	[tilespmem:$0x15440] =	vst v63  }
0x68: {  	s5 =	sadd.s32 $0x0, s29  }
0x69: {  	_ =	swait.ge [sflag:s26], $0x2000;
	v1 =	vmov s5  }
0x6a: {  	[sflag:s26] =	ssyncset.done $0x0  }
0x6b: {  	s0 =	simm.s32 $0x9820;
	[sflag:s26] =	ssyncadd.s32 $0xFFFFE000  }
0x6c: {  	v3 =	vld [tilespmem:s0+$0xFFFFFFF0]  }
0x6d: {  	v4 =	vld [tilespmem:s0+$0x10]  }
0x6e: {  	v6 =	vld.idx.msk [tilespmem:v1+s21+$0x0], $0xffff  }
0x6f: {  	v1 =	vld [tilespmem:s0+$0xFFFFFFE0]  }
0x70: {  	v7 =	vld [tilespmem:s0+$0x0];
	_ =	sdelay $0x3  }
0x71: {  	s7 =	sadd.s32 $0x1, s29;
	v2 =	vmul.f32 v1, v6;
	v5 =	vmul.f32 v4, v6  }
0x72: {  	s20 =	simm.s32 $0x2;
	s5 =	simm.s32 $0x9820;
	v1 =	vmov s7;
	v4 =	vmul.f32 v3, v6;
	v3 =	vmul.f32 v7, v6  }
.LBB2_7:
0x73: {  	p0 =	sne.s32 s20, $0x7F  }
0x74: {  	[tilespmem:s0+$0x10] =	vst v5;
	s5 =	sadd.s32 $0x40, s5;
	s7 =	smov.u32 s20;
	s20 =	sadd.s32 $0x1, s20  }
0x75: {  	[tilespmem:s0+$0xFFFFFFE0] =	vst v2  }
0x76: {  	v6 =	vld [tilespmem:s5+$0xFFFFFFF0];
	[tilespmem:s0+$0xFFFFFFF0] =	vst v4  }
0x77: {  	v4 =	vld [tilespmem:s5+$0x10];
	[tilespmem:s0+$0x0] =	vst v3;
	s0 =	smov.u32 s5  }
0x78: {  	v3 =	vld.idx.msk [tilespmem:v1+s21+$0x0], $0xffff  }
0x79: {  	v1 =	vld [tilespmem:s5+$0xFFFFFFE0]  }
0x7a: {  	v7 =	vld [tilespmem:s5+$0x0]  }
.Ltmp2:
0x7b: {  	(pc) =	sbr.rel @p0 .LBB2_7-.Ltmp2, $3  }
0x7c: {  	_ =	sdelay $0x1  }
0x7d: {  	s7 =	sadd.s32 s7, s29;
	v5 =	vmul.f32 v4, v3;
	v2 =	vmul.f32 v1, v3  }
0x7e: {  	v4 =	vmul.f32 v6, v3;
	v1 =	vmov s7;
	v3 =	vmul.f32 v7, v3  }
0x7f: {  	[tilespmem:s0+$0x10] =	vst v5  }
0x80: {  	s5 =	sadd.s32 $0x40, s5;
	[tilespmem:s0+$0xFFFFFFE0] =	vst v2  }
0x81: {  	v2 =	vld [tilespmem:s5+$0xFFFFFFF0];
	[tilespmem:s0+$0xFFFFFFF0] =	vst v4  }
0x82: {  	v4 =	vld [tilespmem:s5+$0x10];
	[tilespmem:s0+$0x0] =	vst v3  }
0x83: {  	v1 =	vld.idx.msk [tilespmem:v1+s21+$0x0], $0xffff  }
0x84: {  	v3 =	vld [tilespmem:s5+$0xFFFFFFE0];
	_ =	sdelay $0x1  }
0x85: {  	v5 =	vld [tilespmem:s5+$0x0];
	_ =	sdelay $0x1  }
0x86: {  	v4 =	vmul.f32 v4, v1  }
0x87: {  	v3 =	vmul.f32 v3, v1  }
0x88: {  	v2 =	vmul.f32 v2, v1;
	[tilespmem:s5+$0x10] =	vst v4  }
0x89: {  	s31 =	sadd.s32 $0x1, s31;
	v1 =	vmul.f32 v5, v1;
	[tilespmem:s5+$0xFFFFFFE0] =	vst v3  }
0x8a: {  	p0 =	sne.s32 s31, $0x28;
	[tilespmem:s5+$0xFFFFFFF0] =	vst v2  }
.Ltmp3:
0x8b: {  	s20 =	sadd.s32 $0x2800, s1;
	[tilespmem:s5+$0x0] =	vst v1;
	(pc) =	sbr.rel @p0 .LBB2_4-.Ltmp3, $4  }
0x8c: {  	[spmem:s2] =	stream.indirect.scatter.add.f32 [tilespmem:s24], [sflag:$0x3], $0x40, s20, s23, $0xb8;
	[tilespmem:$0x15440] =	vst v63  }
0x8d: {  	_ =	swait.ge [sflag:s19], $0x2000  }
0x8e: {  	[sflag:s19] =	ssyncset.done $0x0  }
0x8f: {  	s30 =	sadd.s32 $0x100, s30;
	s29 =	sadd.s32 $0x100, s29;
	[sflag:s19] =	ssyncadd.s32 $0xFFFFE000  }
0x90: {  	[bflag:$0x0] =	sbarrier.arrive $0xFFFF  }
0x91: {  	[tilespmem:s22], [sflag:$0x3] =	stream.linear.gather [spmem:s6], $0x2000, $0x38;
	[tilespmem:$0x15440] =	vst v63  }
0x92: {  	_ =	swait.ge [sflag:s19], $0x2000  }
0x93: {  	[sflag:s19] =	ssyncset.done $0x0  }
0x94: {  	[sflag:s19] =	ssyncadd.s32 $0xFFFFE000  }
0x95: {  	[hbm4b:s15+s3] =	stream.linear.scatter [tilespmem:s22], [sflag:$0x3], $0x2000, $0x38;
	[tilespmem:$0x15440] =	vst v63  }
0x96: {  	_ =	swait.ge [sflag:s19], $0x2000  }
0x97: {  	[sflag:s19] =	ssyncset.done $0x0  }
0x98: {  	[sflag:s19] =	ssyncadd.s32 $0xFFFFE000  }
0x99: {  	[tilespmem:s22], [sflag:$0x3] =	stream.linear.gather [spmem:s12], $0x2000, $0x38;
	[tilespmem:$0x15440] =	vst v63  }
0x9a: {  	_ =	swait.ge [sflag:s19], $0x2000  }
0x9b: {  	[sflag:s19] =	ssyncset.done $0x0  }
0x9c: {  	[sflag:s19] =	ssyncadd.s32 $0xFFFFE000  }
0x9d: {  	[hbm4b:s16+s3] =	stream.linear.scatter [tilespmem:s22], [sflag:$0x3], $0x2000, $0x38;
	[tilespmem:$0x15440] =	vst v63  }
0x9e: {  	_ =	swait.ge [sflag:s19], $0x2000  }
0x9f: {  	[sflag:s19] =	ssyncset.done $0x0  }
0xa0: {  	[sflag:s19] =	ssyncadd.s32 $0xFFFFE000  }
0xa1: {  	[tilespmem:s22], [sflag:$0x3] =	stream.linear.gather [spmem:s13], $0x2000, $0x38;
	[tilespmem:$0x15440] =	vst v63  }
0xa2: {  	_ =	swait.ge [sflag:s19], $0x2000  }
0xa3: {  	[sflag:s19] =	ssyncset.done $0x0  }
0xa4: {  	[sflag:s19] =	ssyncadd.s32 $0xFFFFE000  }
0xa5: {  	[hbm4b:s17+s3] =	stream.linear.scatter [tilespmem:s22], [sflag:$0x3], $0x2000, $0x38;
	[tilespmem:$0x15440] =	vst v63  }
0xa6: {  	_ =	swait.ge [sflag:s19], $0x2000  }
0xa7: {  	[sflag:s19] =	ssyncset.done $0x0  }
0xa8: {  	[sflag:s19] =	ssyncadd.s32 $0xFFFFE000  }
0xa9: {  	[tilespmem:s22], [sflag:$0x3] =	stream.linear.gather [spmem:s14], $0x2000, $0x38;
	[tilespmem:$0x15440] =	vst v63  }
0xaa: {  	_ =	swait.ge [sflag:s19], $0x2000  }
0xab: {  	[sflag:s19] =	ssyncset.done $0x0  }
0xac: {  	[sflag:s19] =	ssyncadd.s32 $0xFFFFE000  }
0xad: {  	[hbm4b:s18+s3] =	stream.linear.scatter [tilespmem:s22], [sflag:$0x3], $0x2000, $0x38;
	[tilespmem:$0x15440] =	vst v63  }
0xae: {  	_ =	swait.ge [sflag:s19], $0x2000  }
0xaf: {  	[sflag:s19] =	ssyncset.done $0x0  }
0xb0: {  	[sflag:s19] =	ssyncadd.s32 $0xFFFFE000  }
0xb1: {  	[tilespmem:s22], [sflag:$0x3] =	stream.linear.gather [spmem:s9], $0x1C40, $0x38;
	[tilespmem:$0x15440] =	vst v63  }
0xb2: {  	s28 =	sadd.s32 $0x1, s28;
	_ =	swait.ge [sflag:s19], $0x1C40  }
0xb3: {  	p0 =	sne.s32 s28, s11;
	[sflag:s19] =	ssyncset.done $0x0  }
.Ltmp4:
0xb4: {  	[sflag:s19] =	ssyncadd.s32 $0xFFFFE3C0;
	(pc) =	sbr.rel @p0 .LBB2_1-.Ltmp4, $4  }
0xb5: {  	[hbm4b:s10+s3] =	stream.linear.scatter [tilespmem:s22], [sflag:$0x3], $0x1C40, $0x38;
	[tilespmem:$0x15440] =	vst v63  }
0xb6: {  	_ =	swait.ge [sflag:s19], $0x1C40  }
0xb7: {  	[sflag:s19] =	ssyncset.done $0x0  }
0xb8: {  	[sflag:s19] =	ssyncadd.s32 $0xFFFFE3C0  }
0xb9: {  	_ =	sfence.sel $0x180000  }
0xba: {  	[bflag:$0x0] =	sbarrier.arrive $0xFFFF  }
0xbb: {  	_ =	strace $0x90000050  }
0xbc: {  	s0 =	stileid.u32;
	[bflag:$0x2] =	sbarrier.arrive $0xFFFF  }
0xbd: {  	p0 =	sne.s32 s0, $0x0;
	s0 =	rddreg [dreg:$0x2]  }
0xbe: {  	s0 =	sadd.s32 @!p0 $0x100000, s0  }
0xbf: {  	[sflag:s0] =	ssyncadd.tile.s32 @!p0 $0x1;
	_ =	shalt  }
.Lfunc_end2:
_tile_overlayer_lowered:
.L_overlay_start_2:
0xc0: {  	(tag) =	ssettag $0x2  }
0xc1: {  	s0 =	rddreg [dreg:$0x0];
	s2 =	stileid.u32  }
0xc2: {  	s1 =	rddreg [dreg:$0x1];
	p0 =	sne.s32 s2, $0x0  }
0xc3: {  	s3 =	rddreg [dreg:$0x2];
	[bflag:$0x3] =	sbarrier.arrive $0xFFFF;
	s2 =	simm.s32 @!p0 $0x1C03  }
0xc4: {  	[timem:s3], [sflag:s2] =	dma.local @!p0 [hbm:s0], s1  }
0xc5: {  	s0 =	simm.s32 @!p0 $0x3  }
0xc6: {  	_ =	swait.ge @!p0 [sflag:s0], s1  }
0xc7: {  	s1 =	ssub.s32 @!p0 $0x0, s1;
	[sflag:s0] =	ssyncset.done @!p0 $0x0  }
0xc8: {  	[sflag:s0] =	ssyncadd.s32 @!p0 s1  }
0xc9: {  	[bflag:$0x3] =	sbarrier.arrive $0xFFFF  }
0xca: {  	_ =	shalt  }

// kernel: kernel.25.cloned.1.call-start
scs
__scs_entry_jumppad:
0x0: {  	(pc) =	sbr.rel $0x88, $3  }
0x1: {  	(tag) =	ssettag $0x0;
	lr =	simm.s32 $0x1  }
0x2: {  	[smem:$0x3F90] =	sst lr;
	_ =	strace $0xD0000000  }
0x3: {  	_ = 	snop  }
0x4: {  	_ = 	snop  }
0x5: {  	_ = 	snop  }
0x6: {  	_ = 	snop  }
0x7: {  	_ = 	snop  }
__scs_overlays_trampoline_lowered:
0x8: {  	[smem:$0x3F9F] =	sst s0  }
0x9: {  	[smem:$0x3FA0] =	sst s1  }
0xa: {  	[smem:$0x3FA1] =	sst s2  }
0xb: {  	[smem:$0x3FA2] =	sst s3  }
0xc: {  	[smem:$0x3FA3] =	sst s4  }
0xd: {  	[smem:$0x3FA4] =	sst s5  }
0xe: {  	[smem:$0x3FA5] =	sst s6  }
0xf: {  	[smem:$0x3FA6] =	sst s7  }
0x10: {  	[smem:$0x3FA7] =	sst s8  }
0x11: {  	[smem:$0x3FA8] =	sst s9;
	s0 =	simm.s32 @!p0 $0x0  }
0x12: {  	s1 =	sld [smem:$0x3F8E];
	s0 =	simm.s32 @p0 $0x1  }
0x13: {  	[smem:$0x3FA9] =	sst s0;
	s0 =	simm.s32 @!p1 $0x0  }
0x14: {  	s2 =	sld [smem:$0x3F8D];
	s0 =	simm.s32 @p1 $0x1  }
0x15: {  	[smem:$0x3FAA] =	sst s0;
	s0 =	simm.s32 @!p2 $0x0  }
0x16: {  	s3 =	sld [smem:$0x3FDB];
	s0 =	simm.s32 @p2 $0x1  }
0x17: {  	s4 =	simm.s32 $0x1BF5;
	[smem:$0x3FAC] =	sst s0  }
0x18: {  	s0 =	sld [smem:$0x3F8F];
	_ =	swait.ge [sflag:s4], $0x0  }
0x19: {  	s7 =	sld [smem:$0x3F90]  }
0x1a: {  	s8 =	sadd.s32 $0xFFFFE003, lr  }
0x1b: {  	s9 =	sadd.s32 $0xFFFFFEF7, lr;
	s5 =	simm.s32 $0xFFFFFFFF;
	p2 =	slt.u32 s8, $0xFFFFF086  }
0x1c: {  	p1 =	slt.u32 s9, $0xF7A;
	s5 =	simm.s32 @!p2 $0x0  }
0x1d: {  	s5 =	simm.s32 @p1 $0x1;
	p0 =	seq.s32 s7, s2  }
0x1e: {  	s7 =	smul.u32 @!p0 $0xF7A, s2;
	p2 =	seq.s32 @!p0 s5, $0x0  }
0x1f: {  	s9 =	smul.u32 $0xF7A, s1;
	s8 =	simm.s32 @!p0 $0x1BF5;
	p2 =	por !p2, p0  }
0x20: {  	[sflag:s8] =	ssyncset.s32 @!p0 $0xFFFFF086;
	s6 =	sadd.s32 @!p0 s3, s7;
	s7 =	simm.s32 @!p0 $0x108  }
0x21: {  	s3 =	sadd.s32 s3, s9;
	s6 =	sadd.s32 @!p0 $0x88, s6;
	s7 =	simm.s32 @p2 $0x1082  }
0x22: {  	[simem:s7], [sflag:s8] =	dma.local @!p0 [hbm:s6], $0xF7A  }
0x23: {  	s9 =	sor.u32 $0xD0000000, s2;
	s6 =	simm.s32 $0x108;
	_ =	swait.ge @!p0 [sflag:s8], $0x0  }
0x24: {  	s3 =	sadd.s32 $0x88, s3;
	s6 =	simm.s32 @!p1 $0x1082;
	[sflag:s4] =	ssyncset.s32 $0xFFFFF086  }
0x25: {  	[simem:s6], [sflag:s4] =	dma.local [hbm:s3], $0xF7A  }
0x26: {  	[smem:$0x3F90] =	sst s1;
	(tag) =	ssettag s2;
	_ =	strace s9  }
0x27: {  	s1 =	sld [smem:$0x3FA0]  }
0x28: {  	s2 =	sld [smem:$0x3FA1]  }
0x29: {  	s4 =	sld [smem:$0x3FA3]  }
0x2a: {  	p0 =	seq.s32 s5, $0x0;
	s5 =	sld [smem:$0x3FA4]  }
0x2b: {  	s6 =	sld [smem:$0x3FA5]  }
0x2c: {  	s7 =	sld [smem:$0x3FA6]  }
0x2d: {  	s3 =	simm.s32 $0x108;
	s8 =	sld [smem:$0x3FA7]  }
0x2e: {  	s3 =	simm.s32 @!p0 $0x1082;
	s9 =	sld [smem:$0x3FA8]  }
0x2f: {  	lr =	sadd.s32 s0, s3;
	s0 =	sld [smem:$0x3F9F]  }
0x30: {  	s3 =	sld [smem:$0x3FA2]  }
0x31: {  	[smem:$0x3FAB] =	sst s10  }
0x32: {  	s10 =	sld [smem:$0x3FA9];
	_ =	sdelay $0x3  }
0x33: {  	p0 =	seq.s32 s10, $0x1;
	s10 =	sld [smem:$0x3FAB];
	_ =	sdelay $0x3  }
0x34: {  	[smem:$0x3FAB] =	sst s10  }
0x35: {  	s10 =	sld [smem:$0x3FAA];
	_ =	sdelay $0x3  }
0x36: {  	p1 =	seq.s32 s10, $0x1;
	s10 =	sld [smem:$0x3FAB];
	_ =	sdelay $0x3  }
0x37: {  	[smem:$0x3FAB] =	sst s10  }
0x38: {  	s10 =	sld [smem:$0x3FAC]  }
0x39: {  	_ = 	snop;
	(pc) =	sbr.ind lr, $3  }
0x3a: {  	_ = 	snop  }
0x3b: {  	_ = 	snop  }
0x3c: {  	p2 =	seq.s32 s10, $0x1;
	s10 =	sld [smem:$0x3FAB]  }
0x3d: {  	_ =	shalt  }
0x3e: {  	_ =	shalt  }
0x3f: {  	_ =	shalt  }
0x40: {  	_ =	shalt  }
0x41: {  	_ =	shalt  }
0x42: {  	_ =	shalt  }
0x43: {  	_ =	shalt  }
0x44: {  	_ =	shalt  }
0x45: {  	_ =	shalt  }
0x46: {  	_ =	shalt  }
0x47: {  	_ =	shalt  }
0x48: {  	_ =	shalt  }
0x49: {  	_ =	shalt  }
0x4a: {  	_ =	shalt  }
0x4b: {  	_ =	shalt  }
0x4c: {  	_ =	shalt  }
0x4d: {  	_ =	shalt  }
0x4e: {  	_ =	shalt  }
0x4f: {  	_ =	shalt  }
0x50: {  	_ =	shalt  }
0x51: {  	_ =	shalt  }
0x52: {  	_ =	shalt  }
0x53: {  	_ =	shalt  }
0x54: {  	_ =	shalt  }
0x55: {  	_ =	shalt  }
0x56: {  	_ =	shalt  }
0x57: {  	_ =	shalt  }
0x58: {  	_ =	shalt  }
0x59: {  	_ =	shalt  }
0x5a: {  	_ =	shalt  }
0x5b: {  	_ =	shalt  }
0x5c: {  	_ =	shalt  }
0x5d: {  	_ =	shalt  }
0x5e: {  	_ =	shalt  }
0x5f: {  	_ =	shalt  }
0x60: {  	_ =	shalt  }
0x61: {  	_ =	shalt  }
0x62: {  	_ =	shalt  }
0x63: {  	_ =	shalt  }
0x64: {  	_ =	shalt  }
0x65: {  	_ =	shalt  }
0x66: {  	_ =	shalt  }
0x67: {  	_ =	shalt  }
0x68: {  	_ =	shalt  }
0x69: {  	_ =	shalt  }
0x6a: {  	_ =	shalt  }
0x6b: {  	_ =	shalt  }
0x6c: {  	_ =	shalt  }
0x6d: {  	_ =	shalt  }
0x6e: {  	_ =	shalt  }
0x6f: {  	_ =	shalt  }
0x70: {  	_ =	shalt  }
0x71: {  	_ =	shalt  }
0x72: {  	_ =	shalt  }
0x73: {  	_ =	shalt  }
0x74: {  	_ =	shalt  }
0x75: {  	_ =	shalt  }
0x76: {  	_ =	shalt  }
0x77: {  	_ =	shalt  }
0x78: {  	_ =	shalt  }
0x79: {  	_ =	shalt  }
0x7a: {  	_ =	shalt  }
0x7b: {  	_ =	shalt  }
0x7c: {  	_ =	shalt  }
0x7d: {  	_ =	shalt  }
0x7e: {  	_ =	shalt  }
0x7f: {  	_ =	shalt  }
0x80: {  	_ =	shalt  }
0x81: {  	_ =	shalt  }
0x82: {  	_ =	shalt  }
0x83: {  	_ =	shalt  }
0x84: {  	_ =	shalt  }
0x85: {  	_ =	shalt  }
0x86: {  	_ =	shalt  }
0x87: {  	_ =	shalt  }
.Lfunc_end0:
.L_simem_size_0:
called_computation.4_lowered:
.L_overlay_start_0:
0x88: {  	s2 =	sld [smem:$0x3FD9]  }
0x89: {  	s3 =	sld [smem:$0x3FFE];
	_ =	sdelay $0x1  }
0x8a: {  	s1 =	srdreg.scid  }
0x8b: {  	s0 =	sand.u32 $0x1, s1  }
0x8c: {  	s16 =	sshll.u32 s0, $0xA;
	s2 =	sadd.s32 s3, s2  }
0x8d: {  	s2 =	sadd.s32 s2, s16  }
0x8e: {  	[smem:$0x3FB7] =	sst s2  }
0x8f: {  	_ = 	snop  }
0x90: {  	(tm) =	ssettm $0x1  }
0x91: {  	s17 =	sld [smem:$0x3FFB];
	_ =	sdelay $0x3  }
0x92: {  	_ =	strace s17  }
0x93: {  	s2 =	sld [smem:$0x3FFC];
	_ =	sdelay $0x3  }
0x94: {  	_ =	strace s2  }
0x95: {  	s2 =	sld [smem:$0x3FFD];
	_ =	sdelay $0x3  }
0x96: {  	_ =	strace s2  }
0x97: {  	_ =	strace $0x8FFFFFFF  }
0x98: {  	s18 =	sld [smem:$0x3FDB];
	_ =	sdelay $0x1  }
0x99: {  	s19 =	simm.s32 $_scs_section_size  }
0x9a: {  	s4 =	simm.s32 $_size__tile_overlayer_lowered;
	s5 =	simm.s32 $_tile_overlayer_lowered  }
0x9b: {  	s22 =	simm.s32 $0x1BFF;
	s21 =	sshll.u32 s5, $0x1;
	s2 =	sadd.s32 s19, s18  }
0x9c: {  	s6 =	simm.s32 $0x0;
	s20 =	sshll.u32 s4, $0x1;
	s4 =	sadd.s32 s21, s2  }
0x9d: {  	[timem:s6], [sflag:s22] =	dma.local [hbm:s4], s20  }
0x9e: {  	_ =	swait.ge [sflag:s22], s20  }
0x9f: {  	s3 =	ssub.s32 $0x0, s20;
	[sflag:s22] =	ssyncset.done $0x0  }
0xa0: {  	[sflag:s22] =	ssyncadd.s32 s3;
	_ =	sdelay $0x1  }
0xa1: {  	s23 =	simm.s32 $0x1B8B  }
0xa2: {  	_ =	swait.ge [sflag:s23], $0x1  }
0xa3: {  	[sflag:s23] =	ssyncset.done $0x0  }
0xa4: {  	s25 =	simm.s32 $0x1B8E;
	s24 =	sld [smem:$0x3FFE];
	[sflag:s23] =	ssyncadd.s32 $0xFFFFFFFF  }
0xa5: {  	s26 =	simm.s32 $execute0_lowered;
	[smem:$0x3FD2] =	sst s25  }
0xa6: {  	s4 =	sshll.u32 s26, $0x1;
	_ =	strace $0x80000052;
	[dreg:$0x1] =	wrdreg $0xFFFFFFFF  }
0xa7: {  	s28 =	simm.s32 $_size_execute0_lowered;
	s2 =	sadd.s32 s2, s4;
	[dreg:$0x0] =	wrdreg $0x0  }
0xa8: {  	s4 =	sshll.u32 s28, $0x1;
	[dreg:$0x2] =	wrdreg s2  }
0xa9: {  	[dreg:$0x3] =	wrdreg s4  }
0xaa: {  	[dreg:$0x4] =	wrdreg $0xC0  }
0xab: {  	_ =	task [dreg:s6], $0x5FFFF  }
0xac: {  	[dreg:$0x1] =	wrdreg $0xFFFFFFFF  }
0xad: {  	[dreg:$0x0] =	wrdreg $0x60  }
0xae: {  	[dreg:$0x2] =	wrdreg s24  }
0xaf: {  	[dreg:$0x3] =	wrdreg $0x9  }
0xb0: {  	_ =	task.clear_ibuf [dreg:s6], $0x4FFFF;
	_ =	strace $0x90000052  }
0xb1: {  	s29 =	simm.s32 $0x9;
	_ =	strace $0x80000054  }
0xb2: {  	_ =	swait.ge [sflag:s29], $0x1  }
0xb3: {  	[sflag:s29] =	ssyncadd.s32 $0xFFFFFFFF  }
0xb4: {  	_ =	strace $0x90000054  }
0xb5: {  	_ =	sfence  }
0xb6: {  	s30 =	sld [smem:$0x0];
	_ =	sdelay $0x2  }
0xb7: {  	s31 =	sshll.u32 s1, $0xD;
	s1 =	sshrl.u32 s1, $0x2  }
0xb8: {  	s3 =	sand.u32 $0x4000, s31;
	s1 =	sadd.s32 s1, s30  }
0xb9: {  	s0 =	sor.u32 s3, s0;
	s1 =	sshll.u32 s1, $0x11  }
0xba: {  	s0 =	sor.u32 s1, s0  }
0xbb: {  	s0 =	sadd.s32 $0x8F2B, s0  }
0xbc: {  	[sflag:s0] =	ssyncadd.remote.s32 $0x1  }
0xbd: {  	_ =	sfence.sel $0xFFFF  }
0xbe: {  	[dreg:$0x0] =	wrdreg $0xFFFFFFFF;
	(pc) =	sbr.abs _section_cstart, $3  }
0xbf: {  	[dreg:$0x1] =	wrdreg $0xFFFFFFFF  }
0xc0: {  	_ =	task.clear_ibuf [dreg:s6], $0x2FFFF;
	_ =	strace $0x9FFFFFFF  }
0xc1: {  	(tm) =	ssettm $0x7FFFFFFF  }
tec
execute0_lowered:
.L_overlay_start_1:
0x0: {  	(tag) =	ssettag $0x1  }
0x1: {  	s1 =	srdreg.scid;
	s0 =	stileid.u32  }
0x2: {  	s5 =	rddreg [dreg:$0x0];
	s2 =	simm.s32 $0x0;
	s11 =	simm.s32 $0x5  }
0x3: {  	s12 =	simm.s32 $0x2800;
	s13 =	simm.s32 $0x80;
	s14 =	simm.s32 $0x5000  }
0x4: {  	s15 =	simm.s32 $0x7000;
	s16 =	simm.s32 $0x9000;
	s17 =	simm.s32 $0xB000  }
0x5: {  	s18 =	simm.s32 $0x1;
	s19 =	simm.s32 $0x2;
	s20 =	simm.s32 $0x3  }
0x6: {  	s21 =	simm.s32 $0x4;
	s4 =	sand.u32 $0x1, s1;
	s3 =	sshll.u32 s0, $0x1  }
0x7: {  	s22 =	simm.s32 $0x0;
	s9 =	sor.u32 s4, s3;
	s6 =	ssub.s32 $0x2, s4  }
0x8: {  	s1 =	rddreg [dreg:$0x1];
	s3 =	smul.u32 $0x500, s9;
	s7 =	sshrl.u32 s6, $0x1  }
0x9: {  	[smem:$0x7FF] =	sst s2;
	s10 =	ssub.s32 s6, s7;
	s7 =	smul.u32 $0x2800, s9  }
0xa: {  	_ =	strace $0x80000053;
	s4 =	sadd.s32 $0x16A00, s5;
	s9 =	smul.u32 $0xA0000, s9  }
0xb: {  	s8 =	sadd.s32 s3, s5;
	s3 =	sadd.s32 $0x2A400, s5;
	s5 =	sadd.s32 $0x3DE00, s5  }
0xc: {  	s10 =	smax.u32 s10, $0x1;
	s6 =	sadd.s32 $0xCA00, s8;
	s8 =	sadd.s32 $0x2A00, s8  }
.LBB2_1:
0xd: {  	[tilespmem:s2], [sflag:$0x5] =	stream.linear.gather [hbm4b:s6+s2], $0x2800, $0x38;
	[tilespmem:$0xD000] =	vst v63  }
0xe: {  	_ =	swait.ge [sflag:s11], $0x2800  }
0xf: {  	[sflag:s11] =	ssyncset.done $0x0  }
0x10: {  	[sflag:s11] =	ssyncadd.s32 $0xFFFFD800  }
0x11: {  	[tilespmem:s12], [sflag:$0x5] =	stream.linear.gather [hbm4b:s8+s2], $0x2800, $0x38;
	[tilespmem:$0xD000] =	vst v63  }
0x12: {  	_ =	swait.ge [sflag:s11], $0x2800  }
0x13: {  	[sflag:s11] =	ssyncset.done $0x0  }
0x14: {  	[sflag:s11] =	ssyncadd.s32 $0xFFFFD800  }
0x15: {  	[tilespmem:s14], [sflag:$0x1] =	stream.indirect.gather [hbm4b:s3+s13], $0x40, s2, s13, $0xb8;
	[tilespmem:$0xD000] =	vst v63  }
0x16: {  	s23 =	simm.s32 $0x0  }
0x17: {  	[tilespmem:s15], [sflag:$0x2] =	stream.indirect.gather [hbm4b:s4+s13], $0x40, s12, s13, $0xb8;
	[tilespmem:$0xD000] =	vst v63  }
.LBB2_2:
0x18: {  	s25 =	sshll.u32 s23, $0x8  }
0x19: {  	s24 =	sor.u32 $0x80, s25  }
0x1a: {  	[tilespmem:s16], [sflag:$0x3] =	stream.indirect.gather [hbm4b:s3+s13], $0x40, s24, s13, $0xb8;
	[tilespmem:$0xD000] =	vst v63  }
0x1b: {  	s26 =	sadd.s32 $0x2880, s25  }
0x1c: {  	[tilespmem:s17], [sflag:$0x4] =	stream.indirect.gather [hbm4b:s4+s13], $0x40, s26, s13, $0xb8;
	[tilespmem:$0xD000] =	vst v63  }
0x1d: {  	_ =	swait.ge [sflag:s18], $0x2000  }
0x1e: {  	[sflag:s18] =	ssyncset.done $0x0  }
0x1f: {  	[sflag:s18] =	ssyncadd.s32 $0xFFFFE000  }
0x20: {  	_ =	swait.ge [sflag:s19], $0x2000  }
0x21: {  	[sflag:s19] =	ssyncset.done $0x0  }
0x22: {  	s26 =	simm.s32 $0x0;
	[sflag:s19] =	ssyncadd.s32 $0xFFFFE000  }
0x23: {  	v5 =	vld [tilespmem:s26+$0x7000]  }
0x24: {  	v6 =	vld [tilespmem:s26+$0x7010]  }
0x25: {  	v1 =	vld [tilespmem:s26+$0x7020]  }
0x26: {  	v0 =	vld [tilespmem:s26+$0x7030]  }
0x27: {  	v2 =	vld [tilespmem:s26+$0x5000]  }
0x28: {  	v4 =	vld [tilespmem:s26+$0x5010]  }
0x29: {  	s28 =	simm.s32 $0x100;
	v3 =	vld [tilespmem:s26+$0x5020]  }
.LBB2_3:
0x2a: {  	s29 =	sshra.s32 s28, $0x2;
	p0 =	sne.s32 s28, $0x7F00;
	v7 =	vld [tilespmem:s26+$0x5030];
	v8 =	vmov v1  }
0x2b: {  	v9 =	vld [tilespmem:s29+$0x7000];
	v10 =	vmov v0  }
0x2c: {  	v11 =	vld [tilespmem:s29+$0x7010];
	v2 =	vadd.f32 v5, v2  }
.Ltmp0:
0x2d: {  	v1 =	vld [tilespmem:s29+$0x7020];
	v4 =	vadd.f32 v6, v4;
	(pc) =	sbr.rel @p0 .LBB2_3-.Ltmp0, $4  }
0x2e: {  	v0 =	vld [tilespmem:s29+$0x7030];
	[tilespmem:s26+$0x5000] =	vst v2;
	v3 =	vadd.f32 v8, v3  }
0x2f: {  	v2 =	vld [tilespmem:s29+$0x5000];
	[tilespmem:s26+$0x5010] =	vst v4;
	v7 =	vadd.f32 v10, v7  }
0x30: {  	v4 =	vld [tilespmem:s29+$0x5010];
	[tilespmem:s26+$0x5020] =	vst v3;
	v5 =	vmov v9  }
0x31: {  	s28 =	sadd.s32 $0x100, s28;
	v3 =	vld [tilespmem:s29+$0x5020];
	[tilespmem:s26+$0x5030] =	vst v7;
	v6 =	vmov v11;
	s26 =	smov.u32 s29  }
0x32: {  	v7 =	vld [tilespmem:s26+$0x5030];
	_ =	sdelay $0x1  }
0x33: {  	v2 =	vadd.f32 v5, v2  }
0x34: {  	v4 =	vadd.f32 v6, v4  }
0x35: {  	s28 =	sshll.u32 s23, $0xE;
	[tilespmem:s26+$0x5000] =	vst v2;
	v1 =	vadd.f32 v1, v3  }
0x36: {  	s28 =	sadd.s32 s9, s28;
	[tilespmem:s26+$0x5010] =	vst v4;
	v0 =	vadd.f32 v0, v7  }
0x37: {  	s28 =	sshrl.u32 s28, $0x3;
	[tilespmem:s26+$0x5020] =	vst v1  }
0x38: {  	s31 =	sadd.s32 s5, s28;
	[tilespmem:s26+$0x5030] =	vst v0  }
0x39: {  	[hbm4b:s31+s2] =	stream.linear.scatter [tilespmem:s14], [sflag:$0x5], $0x2000, $0x38;
	[tilespmem:$0xD000] =	vst v63  }
0x3a: {  	p0 =	seq.s32 s23, $0x27;
	_ =	swait.ge [sflag:s11], $0x2000  }
0x3b: {  	s29 =	simm.s32 @!p0 $0x5000;
	[sflag:s11] =	ssyncset.done $0x0  }
0x3c: {  	s28 =	simm.s32 @!p0 $0x80;
	s26 =	sadd.s32 @!p0 $0x100, s25;
	[sflag:s11] =	ssyncadd.s32 $0xFFFFE000  }
0x3d: {  	[tilespmem:s29], [sflag:$0x1] =	stream.indirect.gather @!p0 [hbm4b:s3+s28], $0x40, s26, s28, $0xb8;
	[tilespmem:$0xD000] =	vst v63  }
0x3e: {  	s25 =	sadd.s32 @!p0 $0x2900, s25;
	s26 =	simm.s32 @!p0 $0x7000  }
0x3f: {  	[tilespmem:s26], [sflag:$0x2] =	stream.indirect.gather @!p0 [hbm4b:s4+s28], $0x40, s25, s28, $0xb8;
	[tilespmem:$0xD000] =	vst v63  }
0x40: {  	_ =	swait.ge [sflag:s20], $0x2000  }
0x41: {  	[sflag:s20] =	ssyncset.done $0x0  }
0x42: {  	[sflag:s20] =	ssyncadd.s32 $0xFFFFE000  }
0x43: {  	_ =	swait.ge [sflag:s21], $0x2000  }
0x44: {  	[sflag:s21] =	ssyncset.done $0x0  }
0x45: {  	s25 =	simm.s32 $0x0;
	[sflag:s21] =	ssyncadd.s32 $0xFFFFE000  }
0x46: {  	v5 =	vld [tilespmem:s25+$0xB000]  }
0x47: {  	v6 =	vld [tilespmem:s25+$0xB010]  }
0x48: {  	v1 =	vld [tilespmem:s25+$0xB020]  }
0x49: {  	v0 =	vld [tilespmem:s25+$0xB030]  }
0x4a: {  	v2 =	vld [tilespmem:s25+$0x9000]  }
0x4b: {  	v4 =	vld [tilespmem:s25+$0x9010]  }
0x4c: {  	s26 =	simm.s32 $0x100;
	v3 =	vld [tilespmem:s25+$0x9020]  }
.LBB2_5:
0x4d: {  	s28 =	sshra.s32 s26, $0x2;
	p0 =	sne.s32 s26, $0x7F00;
	v7 =	vld [tilespmem:s25+$0x9030];
	v8 =	vmov v1  }
0x4e: {  	v9 =	vld [tilespmem:s28+$0xB000];
	v10 =	vmov v0  }
0x4f: {  	v11 =	vld [tilespmem:s28+$0xB010];
	v2 =	vadd.f32 v5, v2  }
.Ltmp1:
0x50: {  	v1 =	vld [tilespmem:s28+$0xB020];
	v4 =	vadd.f32 v6, v4;
	(pc) =	sbr.rel @p0 .LBB2_5-.Ltmp1, $4  }
0x51: {  	v0 =	vld [tilespmem:s28+$0xB030];
	[tilespmem:s25+$0x9000] =	vst v2;
	v3 =	vadd.f32 v8, v3  }
0x52: {  	v2 =	vld [tilespmem:s28+$0x9000];
	[tilespmem:s25+$0x9010] =	vst v4;
	v7 =	vadd.f32 v10, v7  }
0x53: {  	v4 =	vld [tilespmem:s28+$0x9010];
	[tilespmem:s25+$0x9020] =	vst v3;
	v5 =	vmov v9  }
0x54: {  	s26 =	sadd.s32 $0x100, s26;
	v3 =	vld [tilespmem:s28+$0x9020];
	[tilespmem:s25+$0x9030] =	vst v7;
	v6 =	vmov v11;
	s25 =	smov.u32 s28  }
0x55: {  	v7 =	vld [tilespmem:s25+$0x9030];
	_ =	sdelay $0x1  }
0x56: {  	v2 =	vadd.f32 v5, v2  }
0x57: {  	v4 =	vadd.f32 v6, v4  }
0x58: {  	s24 =	sadd.s32 s7, s24;
	[tilespmem:s25+$0x9000] =	vst v2;
	v1 =	vadd.f32 v1, v3  }
0x59: {  	s23 =	sadd.s32 $0x1, s23;
	s24 =	sshll.u32 s24, $0x3;
	[tilespmem:s25+$0x9010] =	vst v4;
	v0 =	vadd.f32 v0, v7  }
0x5a: {  	p0 =	sne.s32 s23, $0x28;
	s24 =	sand.u32 $0x1FFFFC00, s24;
	[tilespmem:s25+$0x9020] =	vst v1  }
.Ltmp2:
0x5b: {  	s24 =	sadd.s32 s5, s24;
	[tilespmem:s25+$0x9030] =	vst v0;
	(pc) =	sbr.rel @p0 .LBB2_2-.Ltmp2, $4  }
0x5c: {  	[hbm4b:s24+s2] =	stream.linear.scatter [tilespmem:s16], [sflag:$0x5], $0x2000, $0x38;
	[tilespmem:$0xD000] =	vst v63  }
0x5d: {  	_ =	swait.ge [sflag:s11], $0x2000  }
0x5e: {  	[sflag:s11] =	ssyncset.done $0x0  }
0x5f: {  	[sflag:s11] =	ssyncadd.s32 $0xFFFFE000  }
0x60: {  	s22 =	sadd.s32 $0x1, s22  }
0x61: {  	p0 =	sne.s32 s22, s10  }
.Ltmp3:
0x62: {  	_ = 	snop;
	(pc) =	sbr.rel @p0 .LBB2_1-.Ltmp3, $1  }
0x63: {  	_ =	sdelay $0x3  }
0x64: {  	_ =	sfence.sel $0x180000  }
0x65: {  	[bflag:$0x0] =	sbarrier.arrive $0xFFFF  }
0x66: {  	p0 =	sne.s32 s0, $0x0;
	_ =	strace $0x90000053  }
0x67: {  	s0 =	sadd.s32 @!p0 $0x100000, s1;
	[bflag:$0x2] =	sbarrier.arrive $0xFFFF  }
0x68: {  	[sflag:s0] =	ssyncadd.tile.s32 @!p0 $0x1;
	_ =	shalt  }
.Lfunc_end2:
_tile_overlayer_lowered:
.L_overlay_start_2:
0x69: {  	(tag) =	ssettag $0x2  }
0x6a: {  	s0 =	rddreg [dreg:$0x0];
	s2 =	stileid.u32  }
0x6b: {  	s1 =	rddreg [dreg:$0x1];
	p0 =	sne.s32 s2, $0x0  }
0x6c: {  	s3 =	rddreg [dreg:$0x2];
	[bflag:$0x3] =	sbarrier.arrive $0xFFFF;
	s2 =	simm.s32 @!p0 $0x1C05  }
0x6d: {  	[timem:s3], [sflag:s2] =	dma.local @!p0 [hbm:s0], s1  }
0x6e: {  	s0 =	simm.s32 @!p0 $0x5  }
0x6f: {  	_ =	swait.ge @!p0 [sflag:s0], s1  }
0x70: {  	s1 =	ssub.s32 @!p0 $0x0, s1;
	[sflag:s0] =	ssyncset.done @!p0 $0x0  }
0x71: {  	[sflag:s0] =	ssyncadd.s32 @!p0 s1  }
0x72: {  	[bflag:$0x3] =	sbarrier.arrive $0xFFFF  }
0x73: {  	_ =	shalt  }

</sc_bundles>
